<compile_context>
chip_gen: v7x
topology: tpu7x:2x2x1
jax: 0.10.2.dev20260603
libtpu: 0.0.44.dev20260713+nightly
codegen_flags: <defaults>
</compile_context>

<pallas_src>
import jax
import jax.numpy as jnp
from jax import lax
from jax.experimental import pallas as pl
from jax.experimental.pallas import tpu as pltpu
from jax.experimental.pallas import tpu_sc as plsc

N = 10000
E = 320000
D = 128
H = 16

EBLK = 6400
NEB = E // EBLK

SC_NC = 2
SC_NS = 16
SC_NW = SC_NC * SC_NS
GCHUNK = 400
EPW = E // SC_NW
NSTEP = EPW // GCHUNK
GC2 = 200
NSTEP2 = EPW // GC2


def _sc_mesh():
    return plsc.VectorSubcoreMesh(core_axis_name="c", subcore_axis_name="s")


_SC_CP = pltpu.CompilerParams(needs_layout_passes=False)


def _gather2_body(qtab_hbm, xtab_hbm, src_hbm, dst_hbm, qs_hbm, xd_hbm,
                  sidx_v, didx_v, qrows_v, xrows_v, sem_g, sem_w):
    wid = lax.axis_index("s") * SC_NC + lax.axis_index("c")
    base0 = wid * EPW

    pltpu.sync_copy(src_hbm.at[pl.ds(base0, EPW)], sidx_v)
    pltpu.sync_copy(dst_hbm.at[pl.ds(base0, EPW)], didx_v)

    def start_gather(c, b):
        off = c * GC2
        pltpu.async_copy(qtab_hbm.at[sidx_v.at[pl.ds(off, GC2)]],
                         qrows_v.at[b], sem_g.at[b])
        pltpu.async_copy(xtab_hbm.at[didx_v.at[pl.ds(off, GC2)]],
                         xrows_v.at[b], sem_g.at[b])

    def wait_gather(b):
        pltpu.make_async_copy(qtab_hbm.at[sidx_v.at[pl.ds(0, GC2)]],
                              qrows_v.at[b], sem_g.at[b]).wait()
        pltpu.make_async_copy(xtab_hbm.at[didx_v.at[pl.ds(0, GC2)]],
                              xrows_v.at[b], sem_g.at[b]).wait()

    def start_write(c, b):
        base = base0 + c * GC2
        pltpu.async_copy(qrows_v.at[b], qs_hbm.at[pl.ds(base, GC2)],
                         sem_w.at[b])
        pltpu.async_copy(xrows_v.at[b], xd_hbm.at[pl.ds(base, GC2)],
                         sem_w.at[b])

    def wait_write(b):
        pltpu.make_async_copy(qrows_v.at[b],
                              qs_hbm.at[pl.ds(base0, GC2)],
                              sem_w.at[b]).wait()
        pltpu.make_async_copy(xrows_v.at[b],
                              xd_hbm.at[pl.ds(base0, GC2)],
                              sem_w.at[b]).wait()

    @pl.loop(0, NSTEP2, step=2)
    def _(c):
        for b in range(2):
            cc = c + b

            @pl.when(cc >= 2)
            def _():
                wait_write(b)

            start_gather(cc, b)

            @pl.when(cc >= 1)
            def _():
                wait_gather(1 - b)
                start_write(cc - 1, 1 - b)

    last = NSTEP2 - 1
    lb = last % 2
    wait_gather(lb)
    start_write(last, lb)
    wait_write(1 - lb)
    wait_write(lb)


def _sc_gather2(qtab, xtab, src, dst):
    f = pl.kernel(
        _gather2_body,
        out_type=[
            jax.ShapeDtypeStruct((E, D), jnp.float32),
            jax.ShapeDtypeStruct((E, D), jnp.float32),
        ],
        mesh=_sc_mesh(),
        scratch_types=[
            pltpu.VMEM((EPW,), jnp.int32),
            pltpu.VMEM((EPW,), jnp.int32),
            pltpu.VMEM((2, GC2, D), jnp.float32),
            pltpu.VMEM((2, GC2, D), jnp.float32),
            pltpu.SemaphoreType.DMA((2,)),
            pltpu.SemaphoreType.DMA((2,)),
        ],
    )
    return f(qtab, xtab, src, dst)


NPAD = 10240
EPT = E // SC_NS
NROW = NPAD // SC_NS


def _softmax_body(attn_hbm, src_hbm, alpha_hbm,
                  m_v, s_v, attn_v, idx_v, ex_v, tmp_v, acc_v,
                  stage_sh, final_sh):
    cid = lax.axis_index("c")
    tid = lax.axis_index("s")
    ebase = tid * EPT
    rbase = tid * NROW

    @pl.when(cid == 0)
    def _():
        @pl.loop(0, NPAD, step=16)
        def _(i):
            m_v[pl.ds(i, 16)] = jnp.full((16,), -3e38, jnp.float32)

        pltpu.sync_copy(attn_hbm.at[pl.ds(ebase, EPT)], attn_v)
        pltpu.sync_copy(src_hbm.at[pl.ds(ebase, EPT)], idx_v)

        @pl.loop(0, EPT, step=16)
        def _(i):
            iv = idx_v[pl.ds(i, 16)]
            av = attn_v[pl.ds(i, 16)]
            mg = plsc.load_gather(m_v, [iv])
            plsc.store_scatter(m_v, [iv], jnp.maximum(mg, av))

        pltpu.sync_copy(m_v, stage_sh.at[tid])

    plsc.subcore_barrier()

    @pl.when(cid == 0)
    def _():
        pltpu.sync_copy(stage_sh.at[0, pl.ds(rbase, NROW)], acc_v)

        @pl.loop(1, SC_NS)
        def _(j):
            pltpu.sync_copy(stage_sh.at[j, pl.ds(rbase, NROW)], tmp_v)

            @pl.loop(0, NROW, step=16)
            def _(i):
                acc_v[pl.ds(i, 16)] = jnp.maximum(acc_v[pl.ds(i, 16)],
                                                  tmp_v[pl.ds(i, 16)])

        pltpu.sync_copy(acc_v, final_sh.at[pl.ds(rbase, NROW)])

    plsc.subcore_barrier()

    @pl.when(cid == 0)
    def _():
        pltpu.sync_copy(final_sh, m_v)

        @pl.loop(0, NPAD, step=16)
        def _(i):
            s_v[pl.ds(i, 16)] = jnp.zeros((16,), jnp.float32)

        @pl.loop(0, EPT, step=16)
        def _(i):
            iv = idx_v[pl.ds(i, 16)]
            av = attn_v[pl.ds(i, 16)]
            mg = plsc.load_gather(m_v, [iv])
            ex = jnp.exp(av - mg)
            ex_v[pl.ds(i, 16)] = ex
            plsc.addupdate_scatter(s_v, [iv], ex)

        pltpu.sync_copy(s_v, stage_sh.at[tid])

    plsc.subcore_barrier()

    @pl.when(cid == 0)
    def _():
        pltpu.sync_copy(stage_sh.at[0, pl.ds(rbase, NROW)], acc_v)

        @pl.loop(1, SC_NS)
        def _(j):
            pltpu.sync_copy(stage_sh.at[j, pl.ds(rbase, NROW)], tmp_v)

            @pl.loop(0, NROW, step=16)
            def _(i):
                acc_v[pl.ds(i, 16)] = acc_v[pl.ds(i, 16)] + tmp_v[pl.ds(i, 16)]

        @pl.loop(0, NROW, step=16)
        def _(i):
            acc_v[pl.ds(i, 16)] = 1.0 / (acc_v[pl.ds(i, 16)] + 1e-16)

        pltpu.sync_copy(acc_v, final_sh.at[pl.ds(rbase, NROW)])

    plsc.subcore_barrier()

    @pl.when(cid == 0)
    def _():
        pltpu.sync_copy(final_sh, m_v)

        @pl.loop(0, EPT, step=16)
        def _(i):
            iv = idx_v[pl.ds(i, 16)]
            rg = plsc.load_gather(m_v, [iv])
            ex_v[pl.ds(i, 16)] = ex_v[pl.ds(i, 16)] * rg

        pltpu.sync_copy(ex_v, alpha_hbm.at[pl.ds(ebase, EPT)])


def _sc_softmax(attn, src):
    f = pl.kernel(
        _softmax_body,
        out_type=jax.ShapeDtypeStruct((E,), jnp.float32),
        mesh=_sc_mesh(),
        scratch_types=[
            pltpu.VMEM((NPAD,), jnp.float32),
            pltpu.VMEM((NPAD,), jnp.float32),
            pltpu.VMEM((EPT,), jnp.float32),
            pltpu.VMEM((EPT,), jnp.int32),
            pltpu.VMEM((EPT,), jnp.float32),
            pltpu.VMEM((NROW,), jnp.float32),
            pltpu.VMEM((NROW,), jnp.float32),
            pltpu.VMEM_SHARED((SC_NS, NPAD), jnp.float32),
            pltpu.VMEM_SHARED((NPAD,), jnp.float32),
        ],
        compiler_params=_SC_CP,
    )
    return f(attn, src)


NH = N // SC_NC
NACC = NH + 8
EPT_S = E // SC_NS
NSTEP_S = EPT_S // GCHUNK
WCH = 80
NW_SUB = GCHUNK // WCH


def _scatter_body(va_hbm, src_hbm, zeros_hbm, out_hbm,
                  idx_v, idx2_v, rows_v, acc_sh):
    cid = lax.axis_index("c")
    tid = lax.axis_index("s")
    base0 = tid * EPT_S
    noff = cid * NH

    @pl.when(tid == 0)
    def _():
        pltpu.sync_copy(zeros_hbm, acc_sh)

    plsc.subcore_barrier()

    @pl.loop(0, NSTEP_S)
    def _(c):
        base = base0 + c * GCHUNK
        pltpu.sync_copy(src_hbm.at[pl.ds(base, GCHUNK)], idx_v)
        pltpu.sync_copy(va_hbm.at[pl.ds(base, GCHUNK)], rows_v)

        for j in range(NW_SUB):
            for k in range(0, WCH, 16):
                t = idx_v[pl.ds(j * WCH + k, 16)] - noff
                oob = (t < 0) | (t >= NH)
                idx2_v[j, pl.ds(k, 16)] = jnp.where(oob, NH, t)

        for j in range(NW_SUB):
            pltpu.sync_copy(rows_v.at[pl.ds(j * WCH, WCH)],
                            acc_sh.at[idx2_v.at[j]], add=True)

    plsc.subcore_barrier()

    @pl.when(tid < 5)
    def _():
        pltpu.sync_copy(acc_sh.at[pl.ds(tid * 1000, 1000)],
                        out_hbm.at[cid, pl.ds(tid * 1000, 1000)])


def _sc_scatter(va, src, zeros_nd):
    f = pl.kernel(
        _scatter_body,
        out_type=jax.ShapeDtypeStruct((SC_NC, NH, D), jnp.float32),
        mesh=_sc_mesh(),
        scratch_types=[
            pltpu.VMEM((GCHUNK,), jnp.int32),
            pltpu.VMEM((NW_SUB, WCH), jnp.int32),
            pltpu.VMEM((GCHUNK, D), jnp.float32),
            pltpu.VMEM_SHARED((NACC, D), jnp.float32),
        ],
        compiler_params=_SC_CP,
    )
    return f(va, src, zeros_nd)




def _qproj_body(atom_ref, wq_ref, q_ref):
    q_ref[...] = jnp.dot(atom_ref[...], wq_ref[...],
                         preferred_element_type=jnp.float32)


def _edge_attn_body(qs_ref, xd_ref, ef_ref, sh_ref,
                    wk1_ref, bk1_ref, wk2_ref, bk2_ref, attn_ref):
    ef = ef_ref[...]
    kh = jnp.maximum(jnp.dot(ef, wk1_ref[...],
                             preferred_element_type=jnp.float32)
                     + bk1_ref[...], 0.0)
    kw = jnp.dot(kh, wk2_ref[...],
                 preferred_element_type=jnp.float32) + bk2_ref[...]
    attn_ref[...] = jnp.sum(qs_ref[...] * xd_ref[...] * kw,
                            axis=1, keepdims=True) * sh_ref[...]


def _edge_va_body(xd_ref, ef_ref, sh_ref, al_ref,
                  wv1_ref, bv1_ref, wv2_ref, bv2_ref, va_ref):
    ef = ef_ref[...]
    vh = jnp.maximum(jnp.dot(ef, wv1_ref[...],
                             preferred_element_type=jnp.float32)
                     + bv1_ref[...], 0.0)
    vw = jnp.dot(vh, wv2_ref[...],
                 preferred_element_type=jnp.float32) + bv2_ref[...]
    va_ref[...] = xd_ref[...] * (sh_ref[...] * al_ref[...]) * vw


def _node_update_body(atom_ref, ulo_ref, uhi_ref, gamma_ref, beta_ref, we_ref,
                      x_ref, sa_ref):
    x = atom_ref[...] + jnp.concatenate([ulo_ref[...], uhi_ref[...]], axis=0)
    mu = jnp.mean(x, axis=0, keepdims=True)
    xc = x - mu
    var = jnp.mean(xc * xc, axis=0, keepdims=True)
    xn = xc * jax.lax.rsqrt(var + 1e-5) * gamma_ref[...] + beta_ref[...]
    x_ref[...] = xn
    sa = jnp.dot(xn, we_ref[...], preferred_element_type=jnp.float32)
    sa_ref[...] = jnp.concatenate(
        [sa, jnp.zeros((sa.shape[0], D - H), jnp.float32)], axis=1)


def _edge_update_body(sd_ref, ss_ref, ef_ref,
                      we1a_ref, we1b_ref, we1c_ref, be1_ref,
                      we2_ref, be2_ref, we3_ref, be3_ref,
                      lng_ref, lnb_ref, e_ref):
    ef = ef_ref[...]
    h = (jnp.dot(sd_ref[:, 0:H], we1a_ref[...], preferred_element_type=jnp.float32)
         + jnp.dot(ss_ref[:, 0:H], we1b_ref[...], preferred_element_type=jnp.float32)
         + jnp.dot(ef, we1c_ref[...], preferred_element_type=jnp.float32)
         + be1_ref[...])
    h = jnp.maximum(h, 0.0)
    h = jnp.maximum(jnp.dot(h, we2_ref[...],
                            preferred_element_type=jnp.float32)
                    + be2_ref[...], 0.0)
    h = jnp.dot(h, we3_ref[...], preferred_element_type=jnp.float32) + be3_ref[...]
    e = ef + h
    mu = jnp.mean(e, axis=1, keepdims=True)
    ec = e - mu
    var = jnp.mean(ec * ec, axis=1, keepdims=True)
    e_ref[...] = ec * jax.lax.rsqrt(var + 1e-5) * lng_ref[...] + lnb_ref[...]


def _full_spec(shape):
    return pl.BlockSpec(shape, lambda *_: tuple(0 for _ in shape))


def kernel(atom_features, edge_features, edge_sh, edge_index,
           W_q, Wk1, bk1, Wk2, bk2, Wv1, bv1, Wv2, bv2,
           bn_gamma, bn_beta, W_e, We1, be1, We2, be2, We3, be3,
           ln_gamma, ln_beta):
    dst = edge_index[0]
    src = edge_index[1]

    qfull = pl.pallas_call(
        _qproj_body,
        out_shape=jax.ShapeDtypeStruct((N, D), jnp.float32),
    )(atom_features, W_q)

    qs, xd = _sc_gather2(qfull, atom_features, src, dst)

    eb = lambda i: (i, 0)
    attn2 = pl.pallas_call(
        _edge_attn_body,
        grid=(NEB,),
        in_specs=[
            pl.BlockSpec((EBLK, D), eb),
            pl.BlockSpec((EBLK, D), eb),
            pl.BlockSpec((EBLK, H), eb),
            pl.BlockSpec((EBLK, 1), eb),
            _full_spec((H, H)), _full_spec((1, H)),
            _full_spec((H, D)), _full_spec((1, D)),
        ],
        out_specs=pl.BlockSpec((EBLK, 1), eb),
        out_shape=jax.ShapeDtypeStruct((E, 1), jnp.float32),
    )(qs, xd, edge_features, edge_sh,
      Wk1, bk1.reshape(1, H), Wk2, bk2.reshape(1, D))
    attn = attn2[:, 0]

    alpha = _sc_softmax(attn, src)

    va = pl.pallas_call(
        _edge_va_body,
        grid=(NEB,),
        in_specs=[
            pl.BlockSpec((EBLK, D), eb),
            pl.BlockSpec((EBLK, H), eb),
            pl.BlockSpec((EBLK, 1), eb),
            pl.BlockSpec((EBLK, 1), eb),
            _full_spec((H, H)), _full_spec((1, H)),
            _full_spec((H, D)), _full_spec((1, D)),
        ],
        out_specs=pl.BlockSpec((EBLK, D), eb),
        out_shape=jax.ShapeDtypeStruct((E, D), jnp.float32),
    )(xd, edge_features, edge_sh, alpha.reshape(E, 1),
      Wv1, bv1.reshape(1, H), Wv2, bv2.reshape(1, D))

    zeros_nd = jnp.zeros((NACC, D), jnp.float32)
    updp = _sc_scatter(va, src, zeros_nd)
    upd_a, upd_b = updp[0], updp[1]

    x, sa = pl.pallas_call(
        _node_update_body,
        out_shape=[
            jax.ShapeDtypeStruct((N, D), jnp.float32),
            jax.ShapeDtypeStruct((N, D), jnp.float32),
        ],
    )(atom_features, upd_a, upd_b,
      bn_gamma.reshape(1, D), bn_beta.reshape(1, D), W_e)

    ss, sd = _sc_gather2(sa, sa, src, dst)

    e = pl.pallas_call(
        _edge_update_body,
        grid=(NEB,),
        in_specs=[
            pl.BlockSpec((EBLK, D), eb),
            pl.BlockSpec((EBLK, D), eb),
            pl.BlockSpec((EBLK, H), eb),
            _full_spec((H, H)), _full_spec((H, H)), _full_spec((H, H)),
            _full_spec((1, H)),
            _full_spec((H, H)), _full_spec((1, H)),
            _full_spec((H, H)), _full_spec((1, H)),
            _full_spec((1, H)), _full_spec((1, H)),
        ],
        out_specs=pl.BlockSpec((EBLK, H), eb),
        out_shape=jax.ShapeDtypeStruct((E, H), jnp.float32),
    )(sd, ss, edge_features,
      We1[0:H], We1[H:2 * H], We1[2 * H:3 * H], be1.reshape(1, H),
      We2, be2.reshape(1, H), We3, be3.reshape(1, H),
      ln_gamma.reshape(1, H), ln_beta.reshape(1, H))

    return (x, e)

# --- scband reference (transcript-rebuilt; emitter-appended) ---
"""Pipeline reference for scband-se3-attention-31963146617216 (READ-ONLY COPY).

The authoritative reference and input builder live on the scoring server;
editing this copy changes nothing except your own understanding.
"""

import jax, jax.numpy as jnp
import numpy as np

N = 10000
E = 320000
D = 128
H = 16

def setup_inputs(seed: int = 0) -> dict:
    key = jax.random.key(seed)
    ks = jax.random.split(key, 16)
    sd = 1.0 / np.sqrt(D)
    sh = 1.0 / np.sqrt(H)
    inp = {}
    inp["atom_features"] = jax.random.normal(ks[0], (N, D), jnp.float32)
    inp["edge_features"] = jax.random.normal(ks[1], (E, H), jnp.float32)
    inp["edge_sh"] = jax.random.normal(ks[2], (E, 1), jnp.float32)
    inp["edge_index"] = jax.random.randint(ks[3], (2, E), 0, N, jnp.int32)
    inp["W_q"] = jax.random.normal(ks[4], (D, D), jnp.float32) * sd
    inp["Wk1"] = jax.random.normal(ks[5], (H, H), jnp.float32) * sh
    inp["bk1"] = jnp.zeros((H,), jnp.float32)
    inp["Wk2"] = jax.random.normal(ks[6], (H, D), jnp.float32) * sh
    inp["bk2"] = jnp.zeros((D,), jnp.float32)
    inp["Wv1"] = jax.random.normal(ks[7], (H, H), jnp.float32) * sh
    inp["bv1"] = jnp.zeros((H,), jnp.float32)
    inp["Wv2"] = jax.random.normal(ks[8], (H, D), jnp.float32) * sh
    inp["bv2"] = jnp.zeros((D,), jnp.float32)
    inp["bn_gamma"] = jnp.ones((D,), jnp.float32)
    inp["bn_beta"] = jnp.zeros((D,), jnp.float32)
    inp["W_e"] = jax.random.normal(ks[9], (D, H), jnp.float32) * sd
    inp["We1"] = jax.random.normal(ks[10], (3 * H, H), jnp.float32) * (1.0 / np.sqrt(3 * H))
    inp["be1"] = jnp.zeros((H,), jnp.float32)
    inp["We2"] = jax.random.normal(ks[11], (H, H), jnp.float32) * sh
    inp["be2"] = jnp.zeros((H,), jnp.float32)
    inp["We3"] = jax.random.normal(ks[12], (H, H), jnp.float32) * sh
    inp["be3"] = jnp.zeros((H,), jnp.float32)
    inp["ln_gamma"] = jnp.ones((H,), jnp.float32)
    inp["ln_beta"] = jnp.zeros((H,), jnp.float32)
    return inp

def reference(atom_features, edge_features, edge_sh, edge_index, W_q, Wk1, bk1, Wk2, bk2, Wv1, bv1, Wv2, bv2, bn_gamma, bn_beta, W_e, We1, be1, We2, be2, We3, be3, ln_gamma, ln_beta):
    dst = edge_index[0]
    src = edge_index[1]
    # q_lin (o3.Linear on scalar irreps == linear, no bias), gathered at src
    q = (atom_features @ W_q)[src]
    # k_fc / v_fc produce per-edge tensor-product weights
    kw = jax.nn.relu(edge_features @ Wk1 + bk1) @ Wk2 + bk2
    vw = jax.nn.relu(edge_features @ Wv1 + bv1) @ Wv2 + bv2
    # FasterTensorProduct on 0e x 0e -> 0e with per-edge weights: elementwise product
    x_dst = atom_features[dst]
    k = x_dst * edge_sh * kw
    v = x_dst * edge_sh * vw
    attn = jnp.sum(q * k, axis=-1)
    # segment softmax over src (pygu.softmax)
    m = jax.ops.segment_max(attn, src, num_segments=N)
    m = jnp.where(jnp.isfinite(m), m, 0.0)
    ex = jnp.exp(attn - m[src])
    s = jax.ops.segment_sum(ex, src, num_segments=N)
    alpha = ex / (s[src] + 1e-16)
    # scatter-add of weighted values (pygu.scatter)
    upd = jax.ops.segment_sum(v * alpha[:, None], src, num_segments=N)
    x = atom_features + upd
    # BatchNorm over nodes (training-mode stats), scalar irreps
    mu = jnp.mean(x, axis=0)
    var = jnp.var(x, axis=0)
    x = (x - mu) / jnp.sqrt(var + 1e-5) * bn_gamma + bn_beta
    # EdgeUpdate
    sa = x @ W_e
    e_in = jnp.concatenate([sa[dst], sa[src], edge_features], axis=-1)
    h = jax.nn.relu(e_in @ We1 + be1)
    h = jax.nn.relu(h @ We2 + be2)
    h = h @ We3 + be3
    e = edge_features + h
    mu_e = jnp.mean(e, axis=-1, keepdims=True)
    var_e = jnp.var(e, axis=-1, keepdims=True)
    e = (e - mu_e) / jnp.sqrt(var_e + 1e-5) * ln_gamma + ln_beta
    return (x, e)

if __name__ == "__main__":
    import jax
    _d = setup_inputs()
    print(jax.jit(kernel)(*tuple(_d.values())))

</pallas_src>

<mosaic_0001>
#map = affine_map<(d0, d1) -> (0)>
module attributes {stable_mosaic.version = 14 : i64} {
  func.func @_softmax_body(%arg0: i32, %arg1: i32, %arg2: memref<320000xf32, #tpu.memory_space<hbm>>, %arg3: memref<320000xi32, #tpu.memory_space<hbm>>, %arg4: memref<320000xf32, #tpu.memory_space<hbm>>, %arg5: memref<10240xf32, #tpu.memory_space<vmem>>, %arg6: memref<10240xf32, #tpu.memory_space<vmem>>, %arg7: memref<20000xf32, #tpu.memory_space<vmem>>, %arg8: memref<20000xi32, #tpu.memory_space<vmem>>, %arg9: memref<20000xf32, #tpu.memory_space<vmem>>, %arg10: memref<640xf32, #tpu.memory_space<vmem>>, %arg11: memref<640xf32, #tpu.memory_space<vmem>>, %arg12: memref<16x10240xf32, #tpu.memory_space<vmem_shared>>, %arg13: memref<10240xf32, #tpu.memory_space<vmem_shared>>) attributes {dimension_semantics = [#tpu.dimension_semantics<core_parallel>, #tpu.dimension_semantics<subcore_parallel>], iteration_bounds = array<i64: 2, 16>, scalar_prefetch = 0 : i64, scratch_operands = 9 : i64, tpu.core_type = #tpu.core_type<sc_vector_subcore>, window_params = [{transform_indices = #map}, {transform_indices = #map}, {transform_indices = #map}]} {
    %mul3A = arith.constant 20000 : i32
    %mul3A_0 = arith.muli %arg1, %mul3A : i32
    %mul3A_1 = arith.constant 640 : i32
    %mul3A_2 = arith.muli %arg1, %mul3A_1 : i32
    %eq3A = arith.constant 0 : i32
    %eq3A_3 = arith.cmpi eq, %arg0, %eq3A : i32
    %convert_element_type3A = arith.extui %eq3A_3 : i1 to i32
    %cond3A = arith.constant 0 : i32
    %cond3A_4 = arith.cmpi ne, %convert_element_type3A, %cond3A : i32
    scf.if %cond3A_4 {
      %scan3A = arith.constant 0 : i32
      %scan3A_28 = arith.constant 640 : i32
      %scan3A_29 = arith.addi %scan3A, %scan3A_28 : i32
      %scan3A_30 = arith.constant 1 : i32
      scf.for %scan3A_37 = %scan3A to %scan3A_29 step %scan3A_30  : i32 {
        %mul3A_38 = arith.constant 16 : i32
        %mul3A_39 = arith.muli %scan3A_37, %mul3A_38 : i32
        %add3A = arith.constant 0 : i32
        %add3A_40 = arith.addi %add3A, %mul3A_39 : i32
        %broadcast_in_dim3A = arith.constant -3.000000e+38 : f32
        %broadcast_in_dim3A_41 = vector.broadcast %broadcast_in_dim3A : f32 to vector<16xf32>
        %swap3A = arith.index_cast %add3A_40 : i32 to index
        %swap3A_42 = tpu.vector_load %arg5[%swap3A] {strides = array<i32>} : memref<10240xf32, #tpu.memory_space<vmem>>, vector<16xf32>,
        tpu.vector_store %arg5[%swap3A], %broadcast_in_dim3A_41 {strides = array<i32>} : memref<10240xf32, #tpu.memory_space<vmem>>, vector<16xf32>,
      }
      %scan3A_31 = arith.constant 640 : i32
      "tpu.region"() ({
        %run_scoped3A = tpu.sem_alloc : memref<!tpu.dma_semaphore, #tpu.memory_space<semaphore_mem>>
        %dma_start3A = tpu.memref_slice %arg2[%mul3A_0] : memref<320000xf32, #tpu.memory_space<hbm>> -> memref<20000xf32, #tpu.memory_space<hbm>>
        %dma_start3A_37 = tpu.memref_slice %arg2[%mul3A_0] : memref<320000xf32, #tpu.memory_space<hbm>> -> memref<20000xf32, #tpu.memory_space<hbm>>
        tpu.enqueue_dma source(%dma_start3A_37 : memref<20000xf32, #tpu.memory_space<hbm>>) target(%arg7 : memref<20000xf32, #tpu.memory_space<vmem>>) target_semaphore(%run_scoped3A : memref<!tpu.dma_semaphore, #tpu.memory_space<semaphore_mem>>)
        %dma_wait3A = tpu.memref_slice %arg2[%mul3A_0] : memref<320000xf32, #tpu.memory_space<hbm>> -> memref<20000xf32, #tpu.memory_space<hbm>>
        %dma_wait3A_38 = tpu.memref_slice %arg2[%mul3A_0] : memref<320000xf32, #tpu.memory_space<hbm>> -> memref<20000xf32, #tpu.memory_space<hbm>>
        tpu.wait_dma2 semaphore(%run_scoped3A : memref<!tpu.dma_semaphore, #tpu.memory_space<semaphore_mem>>) src(%dma_wait3A_38 : memref<20000xf32, #tpu.memory_space<hbm>>) dst(%arg7 : memref<20000xf32, #tpu.memory_space<vmem>>)
        tpu.yield
      }) : () -> ()
      "tpu.region"() ({
        %run_scoped3A = tpu.sem_alloc : memref<!tpu.dma_semaphore, #tpu.memory_space<semaphore_mem>>
        %dma_start3A = tpu.memref_slice %arg3[%mul3A_0] : memref<320000xi32, #tpu.memory_space<hbm>> -> memref<20000xi32, #tpu.memory_space<hbm>>
        %dma_start3A_37 = tpu.memref_slice %arg3[%mul3A_0] : memref<320000xi32, #tpu.memory_space<hbm>> -> memref<20000xi32, #tpu.memory_space<hbm>>
        tpu.enqueue_dma source(%dma_start3A_37 : memref<20000xi32, #tpu.memory_space<hbm>>) target(%arg8 : memref<20000xi32, #tpu.memory_space<vmem>>) target_semaphore(%run_scoped3A : memref<!tpu.dma_semaphore, #tpu.memory_space<semaphore_mem>>)
        %dma_wait3A = tpu.memref_slice %arg3[%mul3A_0] : memref<320000xi32, #tpu.memory_space<hbm>> -> memref<20000xi32, #tpu.memory_space<hbm>>
        %dma_wait3A_38 = tpu.memref_slice %arg3[%mul3A_0] : memref<320000xi32, #tpu.memory_space<hbm>> -> memref<20000xi32, #tpu.memory_space<hbm>>
        tpu.wait_dma2 semaphore(%run_scoped3A : memref<!tpu.dma_semaphore, #tpu.memory_space<semaphore_mem>>) src(%dma_wait3A_38 : memref<20000xi32, #tpu.memory_space<hbm>>) dst(%arg8 : memref<20000xi32, #tpu.memory_space<vmem>>)
        tpu.yield
      }) : () -> ()
      %scan3A_32 = arith.constant 0 : i32
      %scan3A_33 = arith.constant 1250 : i32
      %scan3A_34 = arith.addi %scan3A_32, %scan3A_33 : i32
      %scan3A_35 = arith.constant 1 : i32
      scf.for %scan3A_37 = %scan3A_32 to %scan3A_34 step %scan3A_35  : i32 {
        %mul3A_38 = arith.constant 16 : i32
        %mul3A_39 = arith.muli %scan3A_37, %mul3A_38 : i32
        %add3A = arith.constant 0 : i32
        %add3A_40 = arith.addi %add3A, %mul3A_39 : i32
        %get3A = arith.index_cast %add3A_40 : i32 to index
        %get3A_41 = tpu.vector_load %arg8[%get3A] {strides = array<i32>} : memref<20000xi32, #tpu.memory_space<vmem>>, vector<16xi32>,
        %get3A_42 = arith.index_cast %add3A_40 : i32 to index
        %get3A_43 = tpu.vector_load %arg7[%get3A_42] {strides = array<i32>} : memref<20000xf32, #tpu.memory_space<vmem>>, vector<16xf32>,
        %gather3A = tpu.vector_load_idx %arg5[%get3A_41] : memref<10240xf32, #tpu.memory_space<vmem>>[vector<16xi32>], vector<16xf32>,
        %max3A = arith.maximumf %gather3A, %get3A_43 : vector<16xf32>
        tpu.vector_store_idx %arg5[%get3A_41], %max3A : memref<10240xf32, #tpu.memory_space<vmem>>[vector<16xi32>], vector<16xf32>,
      }
      %scan3A_36 = arith.constant 1250 : i32
      "tpu.region"() ({
        %run_scoped3A = tpu.sem_alloc : memref<!tpu.dma_semaphore, #tpu.memory_space<semaphore_mem>>
        %dma_start3A = arith.constant 0 : i32
        %dma_start3A_37 = tpu.memref_slice %arg12[%arg1, %dma_start3A] : memref<16x10240xf32, #tpu.memory_space<vmem_shared>> -> memref<1x10240xf32, #tpu.memory_space<vmem_shared>>
        %dma_start3A_38 = tpu.memref_squeeze %dma_start3A_37 : memref<1x10240xf32, #tpu.memory_space<vmem_shared>> -> memref<10240xf32, #tpu.memory_space<vmem_shared>>
        %dma_start3A_39 = arith.constant 0 : i32
        %dma_start3A_40 = tpu.memref_slice %arg12[%arg1, %dma_start3A_39] : memref<16x10240xf32, #tpu.memory_space<vmem_shared>> -> memref<1x10240xf32, #tpu.memory_space<vmem_shared>>
        %dma_start3A_41 = tpu.memref_squeeze %dma_start3A_40 : memref<1x10240xf32, #tpu.memory_space<vmem_shared>> -> memref<10240xf32, #tpu.memory_space<vmem_shared>>
        tpu.enqueue_dma source(%arg5 : memref<10240xf32, #tpu.memory_space<vmem>>) target(%dma_start3A_41 : memref<10240xf32, #tpu.memory_space<vmem_shared>>) target_semaphore(%run_scoped3A : memref<!tpu.dma_semaphore, #tpu.memory_space<semaphore_mem>>)
        %dma_wait3A = arith.constant 0 : i32
        %dma_wait3A_42 = tpu.memref_slice %arg12[%arg1, %dma_wait3A] : memref<16x10240xf32, #tpu.memory_space<vmem_shared>> -> memref<1x10240xf32, #tpu.memory_space<vmem_shared>>
        %dma_wait3A_43 = tpu.memref_squeeze %dma_wait3A_42 : memref<1x10240xf32, #tpu.memory_space<vmem_shared>> -> memref<10240xf32, #tpu.memory_space<vmem_shared>>
        %dma_wait3A_44 = arith.constant 0 : i32
        %dma_wait3A_45 = tpu.memref_slice %arg12[%arg1, %dma_wait3A_44] : memref<16x10240xf32, #tpu.memory_space<vmem_shared>> -> memref<1x10240xf32, #tpu.memory_space<vmem_shared>>
        %dma_wait3A_46 = tpu.memref_squeeze %dma_wait3A_45 : memref<1x10240xf32, #tpu.memory_space<vmem_shared>> -> memref<10240xf32, #tpu.memory_space<vmem_shared>>
        tpu.wait_dma2 semaphore(%run_scoped3A : memref<!tpu.dma_semaphore, #tpu.memory_space<semaphore_mem>>) src(%arg5 : memref<10240xf32, #tpu.memory_space<vmem>>) dst(%dma_wait3A_46 : memref<10240xf32, #tpu.memory_space<vmem_shared>>)
        tpu.yield
      }) : () -> ()
    } else {
    }
    %barrier3A = arith.constant 0 : index
    tpu.barrier barrier_id(%barrier3A)
    %eq3A_5 = arith.constant 0 : i32
    %eq3A_6 = arith.cmpi eq, %arg0, %eq3A_5 : i32
    %convert_element_type3A_7 = arith.extui %eq3A_6 : i1 to i32
    %cond3A_8 = arith.constant 0 : i32
    %cond3A_9 = arith.cmpi ne, %convert_element_type3A_7, %cond3A_8 : i32
    scf.if %cond3A_9 {
      %run_scoped3A = arith.constant 0 : i32
      "tpu.region"() ({
        %run_scoped3A_32 = tpu.sem_alloc : memref<!tpu.dma_semaphore, #tpu.memory_space<semaphore_mem>>
        %dma_start3A = tpu.memref_slice %arg12[%run_scoped3A, %mul3A_2] : memref<16x10240xf32, #tpu.memory_space<vmem_shared>> -> memref<1x640xf32, #tpu.memory_space<vmem_shared>>
        %dma_start3A_33 = tpu.memref_squeeze %dma_start3A : memref<1x640xf32, #tpu.memory_space<vmem_shared>> -> memref<640xf32, #tpu.memory_space<vmem_shared>>
        %dma_start3A_34 = tpu.memref_slice %arg12[%run_scoped3A, %mul3A_2] : memref<16x10240xf32, #tpu.memory_space<vmem_shared>> -> memref<1x640xf32, #tpu.memory_space<vmem_shared>>
        %dma_start3A_35 = tpu.memref_squeeze %dma_start3A_34 : memref<1x640xf32, #tpu.memory_space<vmem_shared>> -> memref<640xf32, #tpu.memory_space<vmem_shared>>
        tpu.enqueue_dma source(%dma_start3A_35 : memref<640xf32, #tpu.memory_space<vmem_shared>>) target(%arg11 : memref<640xf32, #tpu.memory_space<vmem>>) target_semaphore(%run_scoped3A_32 : memref<!tpu.dma_semaphore, #tpu.memory_space<semaphore_mem>>)
        %dma_wait3A = tpu.memref_slice %arg12[%run_scoped3A, %mul3A_2] : memref<16x10240xf32, #tpu.memory_space<vmem_shared>> -> memref<1x640xf32, #tpu.memory_space<vmem_shared>>
        %dma_wait3A_36 = tpu.memref_squeeze %dma_wait3A : memref<1x640xf32, #tpu.memory_space<vmem_shared>> -> memref<640xf32, #tpu.memory_space<vmem_shared>>
        %dma_wait3A_37 = tpu.memref_slice %arg12[%run_scoped3A, %mul3A_2] : memref<16x10240xf32, #tpu.memory_space<vmem_shared>> -> memref<1x640xf32, #tpu.memory_space<vmem_shared>>
        %dma_wait3A_38 = tpu.memref_squeeze %dma_wait3A_37 : memref<1x640xf32, #tpu.memory_space<vmem_shared>> -> memref<640xf32, #tpu.memory_space<vmem_shared>>
        tpu.wait_dma2 semaphore(%run_scoped3A_32 : memref<!tpu.dma_semaphore, #tpu.memory_space<semaphore_mem>>) src(%dma_wait3A_38 : memref<640xf32, #tpu.memory_space<vmem_shared>>) dst(%arg11 : memref<640xf32, #tpu.memory_space<vmem>>)
        tpu.yield
      }) : () -> ()
      %scan3A = arith.constant 0 : i32
      %scan3A_28 = arith.constant 15 : i32
      %scan3A_29 = arith.addi %scan3A, %scan3A_28 : i32
      %scan3A_30 = arith.constant 1 : i32
      scf.for %scan3A_32 = %scan3A to %scan3A_29 step %scan3A_30  : i32 {
        %mul3A_33 = arith.constant 1 : i32
        %mul3A_34 = arith.muli %scan3A_32, %mul3A_33 : i32
        %add3A = arith.constant 1 : i32
        %add3A_35 = arith.addi %add3A, %mul3A_34 : i32
        "tpu.region"() ({
          %run_scoped3A_41 = tpu.sem_alloc : memref<!tpu.dma_semaphore, #tpu.memory_space<semaphore_mem>>
          %dma_start3A = tpu.memref_slice %arg12[%add3A_35, %mul3A_2] : memref<16x10240xf32, #tpu.memory_space<vmem_shared>> -> memref<1x640xf32, #tpu.memory_space<vmem_shared>>
          %dma_start3A_42 = tpu.memref_squeeze %dma_start3A : memref<1x640xf32, #tpu.memory_space<vmem_shared>> -> memref<640xf32, #tpu.memory_space<vmem_shared>>
          %dma_start3A_43 = tpu.memref_slice %arg12[%add3A_35, %mul3A_2] : memref<16x10240xf32, #tpu.memory_space<vmem_shared>> -> memref<1x640xf32, #tpu.memory_space<vmem_shared>>
          %dma_start3A_44 = tpu.memref_squeeze %dma_start3A_43 : memref<1x640xf32, #tpu.memory_space<vmem_shared>> -> memref<640xf32, #tpu.memory_space<vmem_shared>>
          tpu.enqueue_dma source(%dma_start3A_44 : memref<640xf32, #tpu.memory_space<vmem_shared>>) target(%arg10 : memref<640xf32, #tpu.memory_space<vmem>>) target_semaphore(%run_scoped3A_41 : memref<!tpu.dma_semaphore, #tpu.memory_space<semaphore_mem>>)
          %dma_wait3A = tpu.memref_slice %arg12[%add3A_35, %mul3A_2] : memref<16x10240xf32, #tpu.memory_space<vmem_shared>> -> memref<1x640xf32, #tpu.memory_space<vmem_shared>>
          %dma_wait3A_45 = tpu.memref_squeeze %dma_wait3A : memref<1x640xf32, #tpu.memory_space<vmem_shared>> -> memref<640xf32, #tpu.memory_space<vmem_shared>>
          %dma_wait3A_46 = tpu.memref_slice %arg12[%add3A_35, %mul3A_2] : memref<16x10240xf32, #tpu.memory_space<vmem_shared>> -> memref<1x640xf32, #tpu.memory_space<vmem_shared>>
          %dma_wait3A_47 = tpu.memref_squeeze %dma_wait3A_46 : memref<1x640xf32, #tpu.memory_space<vmem_shared>> -> memref<640xf32, #tpu.memory_space<vmem_shared>>
          tpu.wait_dma2 semaphore(%run_scoped3A_41 : memref<!tpu.dma_semaphore, #tpu.memory_space<semaphore_mem>>) src(%dma_wait3A_47 : memref<640xf32, #tpu.memory_space<vmem_shared>>) dst(%arg10 : memref<640xf32, #tpu.memory_space<vmem>>)
          tpu.yield
        }) : () -> ()
        %scan3A_36 = arith.constant 0 : i32
        %scan3A_37 = arith.constant 40 : i32
        %scan3A_38 = arith.addi %scan3A_36, %scan3A_37 : i32
        %scan3A_39 = arith.constant 1 : i32
        scf.for %scan3A_41 = %scan3A_36 to %scan3A_38 step %scan3A_39  : i32 {
          %mul3A_42 = arith.constant 16 : i32
          %mul3A_43 = arith.muli %scan3A_41, %mul3A_42 : i32
          %add3A_44 = arith.constant 0 : i32
          %add3A_45 = arith.addi %add3A_44, %mul3A_43 : i32
          %get3A = arith.index_cast %add3A_45 : i32 to index
          %get3A_46 = tpu.vector_load %arg11[%get3A] {strides = array<i32>} : memref<640xf32, #tpu.memory_space<vmem>>, vector<16xf32>,
          %get3A_47 = arith.index_cast %add3A_45 : i32 to index
          %get3A_48 = tpu.vector_load %arg10[%get3A_47] {strides = array<i32>} : memref<640xf32, #tpu.memory_space<vmem>>, vector<16xf32>,
          %max3A = arith.maximumf %get3A_46, %get3A_48 : vector<16xf32>
          %swap3A = arith.index_cast %add3A_45 : i32 to index
          %swap3A_49 = tpu.vector_load %arg11[%swap3A] {strides = array<i32>} : memref<640xf32, #tpu.memory_space<vmem>>, vector<16xf32>,
          tpu.vector_store %arg11[%swap3A], %max3A {strides = array<i32>} : memref<640xf32, #tpu.memory_space<vmem>>, vector<16xf32>,
        }
        %scan3A_40 = arith.constant 40 : i32
      }
      %scan3A_31 = arith.constant 15 : i32
      "tpu.region"() ({
        %run_scoped3A_32 = tpu.sem_alloc : memref<!tpu.dma_semaphore, #tpu.memory_space<semaphore_mem>>
        %dma_start3A = tpu.memref_slice %arg13[%mul3A_2] : memref<10240xf32, #tpu.memory_space<vmem_shared>> -> memref<640xf32, #tpu.memory_space<vmem_shared>>
        %dma_start3A_33 = tpu.memref_slice %arg13[%mul3A_2] : memref<10240xf32, #tpu.memory_space<vmem_shared>> -> memref<640xf32, #tpu.memory_space<vmem_shared>>
        tpu.enqueue_dma source(%arg11 : memref<640xf32, #tpu.memory_space<vmem>>) target(%dma_start3A_33 : memref<640xf32, #tpu.memory_space<vmem_shared>>) target_semaphore(%run_scoped3A_32 : memref<!tpu.dma_semaphore, #tpu.memory_space<semaphore_mem>>)
        %dma_wait3A = tpu.memref_slice %arg13[%mul3A_2] : memref<10240xf32, #tpu.memory_space<vmem_shared>> -> memref<640xf32, #tpu.memory_space<vmem_shared>>
        %dma_wait3A_34 = tpu.memref_slice %arg13[%mul3A_2] : memref<10240xf32, #tpu.memory_space<vmem_shared>> -> memref<640xf32, #tpu.memory_space<vmem_shared>>
        tpu.wait_dma2 semaphore(%run_scoped3A_32 : memref<!tpu.dma_semaphore, #tpu.memory_space<semaphore_mem>>) src(%arg11 : memref<640xf32, #tpu.memory_space<vmem>>) dst(%dma_wait3A_34 : memref<640xf32, #tpu.memory_space<vmem_shared>>)
        tpu.yield
      }) : () -> ()
    } else {
    }
    %barrier3A_10 = arith.constant 0 : index
    tpu.barrier barrier_id(%barrier3A_10)
    %eq3A_11 = arith.constant 0 : i32
    %eq3A_12 = arith.cmpi eq, %arg0, %eq3A_11 : i32
    %convert_element_type3A_13 = arith.extui %eq3A_12 : i1 to i32
    %cond3A_14 = arith.constant 0 : i32
    %cond3A_15 = arith.cmpi ne, %convert_element_type3A_13, %cond3A_14 : i32
    scf.if %cond3A_15 {
      "tpu.region"() ({
        %run_scoped3A = tpu.sem_alloc : memref<!tpu.dma_semaphore, #tpu.memory_space<semaphore_mem>>
        tpu.enqueue_dma source(%arg13 : memref<10240xf32, #tpu.memory_space<vmem_shared>>) target(%arg5 : memref<10240xf32, #tpu.memory_space<vmem>>) target_semaphore(%run_scoped3A : memref<!tpu.dma_semaphore, #tpu.memory_space<semaphore_mem>>)
        tpu.wait_dma2 semaphore(%run_scoped3A : memref<!tpu.dma_semaphore, #tpu.memory_space<semaphore_mem>>) src(%arg13 : memref<10240xf32, #tpu.memory_space<vmem_shared>>) dst(%arg5 : memref<10240xf32, #tpu.memory_space<vmem>>)
        tpu.yield
      }) : () -> ()
      %scan3A = arith.constant 0 : i32
      %scan3A_28 = arith.constant 640 : i32
      %scan3A_29 = arith.addi %scan3A, %scan3A_28 : i32
      %scan3A_30 = arith.constant 1 : i32
      scf.for %scan3A_37 = %scan3A to %scan3A_29 step %scan3A_30  : i32 {
        %mul3A_38 = arith.constant 16 : i32
        %mul3A_39 = arith.muli %scan3A_37, %mul3A_38 : i32
        %add3A = arith.constant 0 : i32
        %add3A_40 = arith.addi %add3A, %mul3A_39 : i32
        %broadcast_in_dim3A = arith.constant 0.000000e+00 : f32
        %broadcast_in_dim3A_41 = vector.broadcast %broadcast_in_dim3A : f32 to vector<16xf32>
        %swap3A = arith.index_cast %add3A_40 : i32 to index
        %swap3A_42 = tpu.vector_load %arg6[%swap3A] {strides = array<i32>} : memref<10240xf32, #tpu.memory_space<vmem>>, vector<16xf32>,
        tpu.vector_store %arg6[%swap3A], %broadcast_in_dim3A_41 {strides = array<i32>} : memref<10240xf32, #tpu.memory_space<vmem>>, vector<16xf32>,
      }
      %scan3A_31 = arith.constant 640 : i32
      %scan3A_32 = arith.constant 0 : i32
      %scan3A_33 = arith.constant 1250 : i32
      %scan3A_34 = arith.addi %scan3A_32, %scan3A_33 : i32
      %scan3A_35 = arith.constant 1 : i32
      scf.for %scan3A_37 = %scan3A_32 to %scan3A_34 step %scan3A_35  : i32 {
        %mul3A_38 = arith.constant 16 : i32
        %mul3A_39 = arith.muli %scan3A_37, %mul3A_38 : i32
        %add3A = arith.constant 0 : i32
        %add3A_40 = arith.addi %add3A, %mul3A_39 : i32
        %get3A = arith.index_cast %add3A_40 : i32 to index
        %get3A_41 = tpu.vector_load %arg8[%get3A] {strides = array<i32>} : memref<20000xi32, #tpu.memory_space<vmem>>, vector<16xi32>,
        %get3A_42 = arith.index_cast %add3A_40 : i32 to index
        %get3A_43 = tpu.vector_load %arg7[%get3A_42] {strides = array<i32>} : memref<20000xf32, #tpu.memory_space<vmem>>, vector<16xf32>,
        %gather3A = tpu.vector_load_idx %arg5[%get3A_41] : memref<10240xf32, #tpu.memory_space<vmem>>[vector<16xi32>], vector<16xf32>,
        %sub3A = arith.subf %get3A_43, %gather3A : vector<16xf32>
        %exp3A = math.exp %sub3A : vector<16xf32>
        %swap3A = arith.index_cast %add3A_40 : i32 to index
        %swap3A_44 = tpu.vector_load %arg9[%swap3A] {strides = array<i32>} : memref<20000xf32, #tpu.memory_space<vmem>>, vector<16xf32>,
        tpu.vector_store %arg9[%swap3A], %exp3A {strides = array<i32>} : memref<20000xf32, #tpu.memory_space<vmem>>, vector<16xf32>,
        tpu.vector_store_idx %arg6[%get3A_41], %exp3A {add = true} : memref<10240xf32, #tpu.memory_space<vmem>>[vector<16xi32>], vector<16xf32>,
      }
      %scan3A_36 = arith.constant 1250 : i32
      "tpu.region"() ({
        %run_scoped3A = tpu.sem_alloc : memref<!tpu.dma_semaphore, #tpu.memory_space<semaphore_mem>>
        %dma_start3A = arith.constant 0 : i32
        %dma_start3A_37 = tpu.memref_slice %arg12[%arg1, %dma_start3A] : memref<16x10240xf32, #tpu.memory_space<vmem_shared>> -> memref<1x10240xf32, #tpu.memory_space<vmem_shared>>
        %dma_start3A_38 = tpu.memref_squeeze %dma_start3A_37 : memref<1x10240xf32, #tpu.memory_space<vmem_shared>> -> memref<10240xf32, #tpu.memory_space<vmem_shared>>
        %dma_start3A_39 = arith.constant 0 : i32
        %dma_start3A_40 = tpu.memref_slice %arg12[%arg1, %dma_start3A_39] : memref<16x10240xf32, #tpu.memory_space<vmem_shared>> -> memref<1x10240xf32, #tpu.memory_space<vmem_shared>>
        %dma_start3A_41 = tpu.memref_squeeze %dma_start3A_40 : memref<1x10240xf32, #tpu.memory_space<vmem_shared>> -> memref<10240xf32, #tpu.memory_space<vmem_shared>>
        tpu.enqueue_dma source(%arg6 : memref<10240xf32, #tpu.memory_space<vmem>>) target(%dma_start3A_41 : memref<10240xf32, #tpu.memory_space<vmem_shared>>) target_semaphore(%run_scoped3A : memref<!tpu.dma_semaphore, #tpu.memory_space<semaphore_mem>>)
        %dma_wait3A = arith.constant 0 : i32
        %dma_wait3A_42 = tpu.memref_slice %arg12[%arg1, %dma_wait3A] : memref<16x10240xf32, #tpu.memory_space<vmem_shared>> -> memref<1x10240xf32, #tpu.memory_space<vmem_shared>>
        %dma_wait3A_43 = tpu.memref_squeeze %dma_wait3A_42 : memref<1x10240xf32, #tpu.memory_space<vmem_shared>> -> memref<10240xf32, #tpu.memory_space<vmem_shared>>
        %dma_wait3A_44 = arith.constant 0 : i32
        %dma_wait3A_45 = tpu.memref_slice %arg12[%arg1, %dma_wait3A_44] : memref<16x10240xf32, #tpu.memory_space<vmem_shared>> -> memref<1x10240xf32, #tpu.memory_space<vmem_shared>>
        %dma_wait3A_46 = tpu.memref_squeeze %dma_wait3A_45 : memref<1x10240xf32, #tpu.memory_space<vmem_shared>> -> memref<10240xf32, #tpu.memory_space<vmem_shared>>
        tpu.wait_dma2 semaphore(%run_scoped3A : memref<!tpu.dma_semaphore, #tpu.memory_space<semaphore_mem>>) src(%arg6 : memref<10240xf32, #tpu.memory_space<vmem>>) dst(%dma_wait3A_46 : memref<10240xf32, #tpu.memory_space<vmem_shared>>)
        tpu.yield
      }) : () -> ()
    } else {
    }
    %barrier3A_16 = arith.constant 0 : index
    tpu.barrier barrier_id(%barrier3A_16)
    %eq3A_17 = arith.constant 0 : i32
    %eq3A_18 = arith.cmpi eq, %arg0, %eq3A_17 : i32
    %convert_element_type3A_19 = arith.extui %eq3A_18 : i1 to i32
    %cond3A_20 = arith.constant 0 : i32
    %cond3A_21 = arith.cmpi ne, %convert_element_type3A_19, %cond3A_20 : i32
    scf.if %cond3A_21 {
      %run_scoped3A = arith.constant 0 : i32
      "tpu.region"() ({
        %run_scoped3A_37 = tpu.sem_alloc : memref<!tpu.dma_semaphore, #tpu.memory_space<semaphore_mem>>
        %dma_start3A = tpu.memref_slice %arg12[%run_scoped3A, %mul3A_2] : memref<16x10240xf32, #tpu.memory_space<vmem_shared>> -> memref<1x640xf32, #tpu.memory_space<vmem_shared>>
        %dma_start3A_38 = tpu.memref_squeeze %dma_start3A : memref<1x640xf32, #tpu.memory_space<vmem_shared>> -> memref<640xf32, #tpu.memory_space<vmem_shared>>
        %dma_start3A_39 = tpu.memref_slice %arg12[%run_scoped3A, %mul3A_2] : memref<16x10240xf32, #tpu.memory_space<vmem_shared>> -> memref<1x640xf32, #tpu.memory_space<vmem_shared>>
        %dma_start3A_40 = tpu.memref_squeeze %dma_start3A_39 : memref<1x640xf32, #tpu.memory_space<vmem_shared>> -> memref<640xf32, #tpu.memory_space<vmem_shared>>
        tpu.enqueue_dma source(%dma_start3A_40 : memref<640xf32, #tpu.memory_space<vmem_shared>>) target(%arg11 : memref<640xf32, #tpu.memory_space<vmem>>) target_semaphore(%run_scoped3A_37 : memref<!tpu.dma_semaphore, #tpu.memory_space<semaphore_mem>>)
        %dma_wait3A = tpu.memref_slice %arg12[%run_scoped3A, %mul3A_2] : memref<16x10240xf32, #tpu.memory_space<vmem_shared>> -> memref<1x640xf32, #tpu.memory_space<vmem_shared>>
        %dma_wait3A_41 = tpu.memref_squeeze %dma_wait3A : memref<1x640xf32, #tpu.memory_space<vmem_shared>> -> memref<640xf32, #tpu.memory_space<vmem_shared>>
        %dma_wait3A_42 = tpu.memref_slice %arg12[%run_scoped3A, %mul3A_2] : memref<16x10240xf32, #tpu.memory_space<vmem_shared>> -> memref<1x640xf32, #tpu.memory_space<vmem_shared>>
        %dma_wait3A_43 = tpu.memref_squeeze %dma_wait3A_42 : memref<1x640xf32, #tpu.memory_space<vmem_shared>> -> memref<640xf32, #tpu.memory_space<vmem_shared>>
        tpu.wait_dma2 semaphore(%run_scoped3A_37 : memref<!tpu.dma_semaphore, #tpu.memory_space<semaphore_mem>>) src(%dma_wait3A_43 : memref<640xf32, #tpu.memory_space<vmem_shared>>) dst(%arg11 : memref<640xf32, #tpu.memory_space<vmem>>)
        tpu.yield
      }) : () -> ()
      %scan3A = arith.constant 0 : i32
      %scan3A_28 = arith.constant 15 : i32
      %scan3A_29 = arith.addi %scan3A, %scan3A_28 : i32
      %scan3A_30 = arith.constant 1 : i32
      scf.for %scan3A_37 = %scan3A to %scan3A_29 step %scan3A_30  : i32 {
        %mul3A_38 = arith.constant 1 : i32
        %mul3A_39 = arith.muli %scan3A_37, %mul3A_38 : i32
        %add3A = arith.constant 1 : i32
        %add3A_40 = arith.addi %add3A, %mul3A_39 : i32
        "tpu.region"() ({
          %run_scoped3A_46 = tpu.sem_alloc : memref<!tpu.dma_semaphore, #tpu.memory_space<semaphore_mem>>
          %dma_start3A = tpu.memref_slice %arg12[%add3A_40, %mul3A_2] : memref<16x10240xf32, #tpu.memory_space<vmem_shared>> -> memref<1x640xf32, #tpu.memory_space<vmem_shared>>
          %dma_start3A_47 = tpu.memref_squeeze %dma_start3A : memref<1x640xf32, #tpu.memory_space<vmem_shared>> -> memref<640xf32, #tpu.memory_space<vmem_shared>>
          %dma_start3A_48 = tpu.memref_slice %arg12[%add3A_40, %mul3A_2] : memref<16x10240xf32, #tpu.memory_space<vmem_shared>> -> memref<1x640xf32, #tpu.memory_space<vmem_shared>>
          %dma_start3A_49 = tpu.memref_squeeze %dma_start3A_48 : memref<1x640xf32, #tpu.memory_space<vmem_shared>> -> memref<640xf32, #tpu.memory_space<vmem_shared>>
          tpu.enqueue_dma source(%dma_start3A_49 : memref<640xf32, #tpu.memory_space<vmem_shared>>) target(%arg10 : memref<640xf32, #tpu.memory_space<vmem>>) target_semaphore(%run_scoped3A_46 : memref<!tpu.dma_semaphore, #tpu.memory_space<semaphore_mem>>)
          %dma_wait3A = tpu.memref_slice %arg12[%add3A_40, %mul3A_2] : memref<16x10240xf32, #tpu.memory_space<vmem_shared>> -> memref<1x640xf32, #tpu.memory_space<vmem_shared>>
          %dma_wait3A_50 = tpu.memref_squeeze %dma_wait3A : memref<1x640xf32, #tpu.memory_space<vmem_shared>> -> memref<640xf32, #tpu.memory_space<vmem_shared>>
          %dma_wait3A_51 = tpu.memref_slice %arg12[%add3A_40, %mul3A_2] : memref<16x10240xf32, #tpu.memory_space<vmem_shared>> -> memref<1x640xf32, #tpu.memory_space<vmem_shared>>
          %dma_wait3A_52 = tpu.memref_squeeze %dma_wait3A_51 : memref<1x640xf32, #tpu.memory_space<vmem_shared>> -> memref<640xf32, #tpu.memory_space<vmem_shared>>
          tpu.wait_dma2 semaphore(%run_scoped3A_46 : memref<!tpu.dma_semaphore, #tpu.memory_space<semaphore_mem>>) src(%dma_wait3A_52 : memref<640xf32, #tpu.memory_space<vmem_shared>>) dst(%arg10 : memref<640xf32, #tpu.memory_space<vmem>>)
          tpu.yield
        }) : () -> ()
        %scan3A_41 = arith.constant 0 : i32
        %scan3A_42 = arith.constant 40 : i32
        %scan3A_43 = arith.addi %scan3A_41, %scan3A_42 : i32
        %scan3A_44 = arith.constant 1 : i32
        scf.for %scan3A_46 = %scan3A_41 to %scan3A_43 step %scan3A_44  : i32 {
          %mul3A_47 = arith.constant 16 : i32
          %mul3A_48 = arith.muli %scan3A_46, %mul3A_47 : i32
          %add3A_49 = arith.constant 0 : i32
          %add3A_50 = arith.addi %add3A_49, %mul3A_48 : i32
          %get3A = arith.index_cast %add3A_50 : i32 to index
          %get3A_51 = tpu.vector_load %arg11[%get3A] {strides = array<i32>} : memref<640xf32, #tpu.memory_space<vmem>>, vector<16xf32>,
          %get3A_52 = arith.index_cast %add3A_50 : i32 to index
          %get3A_53 = tpu.vector_load %arg10[%get3A_52] {strides = array<i32>} : memref<640xf32, #tpu.memory_space<vmem>>, vector<16xf32>,
          %add3A_54 = arith.addf %get3A_51, %get3A_53 : vector<16xf32>
          %swap3A = arith.index_cast %add3A_50 : i32 to index
          %swap3A_55 = tpu.vector_load %arg11[%swap3A] {strides = array<i32>} : memref<640xf32, #tpu.memory_space<vmem>>, vector<16xf32>,
          tpu.vector_store %arg11[%swap3A], %add3A_54 {strides = array<i32>} : memref<640xf32, #tpu.memory_space<vmem>>, vector<16xf32>,
        }
        %scan3A_45 = arith.constant 40 : i32
      }
      %scan3A_31 = arith.constant 15 : i32
      %scan3A_32 = arith.constant 0 : i32
      %scan3A_33 = arith.constant 40 : i32
      %scan3A_34 = arith.addi %scan3A_32, %scan3A_33 : i32
      %scan3A_35 = arith.constant 1 : i32
      scf.for %scan3A_37 = %scan3A_32 to %scan3A_34 step %scan3A_35  : i32 {
        %mul3A_38 = arith.constant 16 : i32
        %mul3A_39 = arith.muli %scan3A_37, %mul3A_38 : i32
        %add3A = arith.constant 0 : i32
        %add3A_40 = arith.addi %add3A, %mul3A_39 : i32
        %get3A = arith.index_cast %add3A_40 : i32 to index
        %get3A_41 = tpu.vector_load %arg11[%get3A] {strides = array<i32>} : memref<640xf32, #tpu.memory_space<vmem>>, vector<16xf32>,
        %add3A_42 = arith.constant 1.000000e-16 : f32
        %add3A_43 = vector.broadcast %add3A_42 : f32 to vector<16xf32>
        %add3A_44 = arith.addf %get3A_41, %add3A_43 : vector<16xf32>
        %div3A = arith.constant 1.000000e+00 : f32
        %div3A_45 = vector.broadcast %div3A : f32 to vector<16xf32>
        %div3A_46 = arith.divf %div3A_45, %add3A_44 : vector<16xf32>
        %swap3A = arith.index_cast %add3A_40 : i32 to index
        %swap3A_47 = tpu.vector_load %arg11[%swap3A] {strides = array<i32>} : memref<640xf32, #tpu.memory_space<vmem>>, vector<16xf32>,
        tpu.vector_store %arg11[%swap3A], %div3A_46 {strides = array<i32>} : memref<640xf32, #tpu.memory_space<vmem>>, vector<16xf32>,
      }
      %scan3A_36 = arith.constant 40 : i32
      "tpu.region"() ({
        %run_scoped3A_37 = tpu.sem_alloc : memref<!tpu.dma_semaphore, #tpu.memory_space<semaphore_mem>>
        %dma_start3A = tpu.memref_slice %arg13[%mul3A_2] : memref<10240xf32, #tpu.memory_space<vmem_shared>> -> memref<640xf32, #tpu.memory_space<vmem_shared>>
        %dma_start3A_38 = tpu.memref_slice %arg13[%mul3A_2] : memref<10240xf32, #tpu.memory_space<vmem_shared>> -> memref<640xf32, #tpu.memory_space<vmem_shared>>
        tpu.enqueue_dma source(%arg11 : memref<640xf32, #tpu.memory_space<vmem>>) target(%dma_start3A_38 : memref<640xf32, #tpu.memory_space<vmem_shared>>) target_semaphore(%run_scoped3A_37 : memref<!tpu.dma_semaphore, #tpu.memory_space<semaphore_mem>>)
        %dma_wait3A = tpu.memref_slice %arg13[%mul3A_2] : memref<10240xf32, #tpu.memory_space<vmem_shared>> -> memref<640xf32, #tpu.memory_space<vmem_shared>>
        %dma_wait3A_39 = tpu.memref_slice %arg13[%mul3A_2] : memref<10240xf32, #tpu.memory_space<vmem_shared>> -> memref<640xf32, #tpu.memory_space<vmem_shared>>
        tpu.wait_dma2 semaphore(%run_scoped3A_37 : memref<!tpu.dma_semaphore, #tpu.memory_space<semaphore_mem>>) src(%arg11 : memref<640xf32, #tpu.memory_space<vmem>>) dst(%dma_wait3A_39 : memref<640xf32, #tpu.memory_space<vmem_shared>>)
        tpu.yield
      }) : () -> ()
    } else {
    }
    %barrier3A_22 = arith.constant 0 : index
    tpu.barrier barrier_id(%barrier3A_22)
    %eq3A_23 = arith.constant 0 : i32
    %eq3A_24 = arith.cmpi eq, %arg0, %eq3A_23 : i32
    %convert_element_type3A_25 = arith.extui %eq3A_24 : i1 to i32
    %cond3A_26 = arith.constant 0 : i32
    %cond3A_27 = arith.cmpi ne, %convert_element_type3A_25, %cond3A_26 : i32
    scf.if %cond3A_27 {
      "tpu.region"() ({
        %run_scoped3A = tpu.sem_alloc : memref<!tpu.dma_semaphore, #tpu.memory_space<semaphore_mem>>
        tpu.enqueue_dma source(%arg13 : memref<10240xf32, #tpu.memory_space<vmem_shared>>) target(%arg5 : memref<10240xf32, #tpu.memory_space<vmem>>) target_semaphore(%run_scoped3A : memref<!tpu.dma_semaphore, #tpu.memory_space<semaphore_mem>>)
        tpu.wait_dma2 semaphore(%run_scoped3A : memref<!tpu.dma_semaphore, #tpu.memory_space<semaphore_mem>>) src(%arg13 : memref<10240xf32, #tpu.memory_space<vmem_shared>>) dst(%arg5 : memref<10240xf32, #tpu.memory_space<vmem>>)
        tpu.yield
      }) : () -> ()
      %scan3A = arith.constant 0 : i32
      %scan3A_28 = arith.constant 1250 : i32
      %scan3A_29 = arith.addi %scan3A, %scan3A_28 : i32
      %scan3A_30 = arith.constant 1 : i32
      scf.for %scan3A_32 = %scan3A to %scan3A_29 step %scan3A_30  : i32 {
        %mul3A_33 = arith.constant 16 : i32
        %mul3A_34 = arith.muli %scan3A_32, %mul3A_33 : i32
        %add3A = arith.constant 0 : i32
        %add3A_35 = arith.addi %add3A, %mul3A_34 : i32
        %get3A = arith.index_cast %add3A_35 : i32 to index
        %get3A_36 = tpu.vector_load %arg8[%get3A] {strides = array<i32>} : memref<20000xi32, #tpu.memory_space<vmem>>, vector<16xi32>,
        %gather3A = tpu.vector_load_idx %arg5[%get3A_36] : memref<10240xf32, #tpu.memory_space<vmem>>[vector<16xi32>], vector<16xf32>,
        %get3A_37 = arith.index_cast %add3A_35 : i32 to index
        %get3A_38 = tpu.vector_load %arg9[%get3A_37] {strides = array<i32>} : memref<20000xf32, #tpu.memory_space<vmem>>, vector<16xf32>,
        %mul3A_39 = arith.mulf %get3A_38, %gather3A : vector<16xf32>
        %swap3A = arith.index_cast %add3A_35 : i32 to index
        %swap3A_40 = tpu.vector_load %arg9[%swap3A] {strides = array<i32>} : memref<20000xf32, #tpu.memory_space<vmem>>, vector<16xf32>,
        tpu.vector_store %arg9[%swap3A], %mul3A_39 {strides = array<i32>} : memref<20000xf32, #tpu.memory_space<vmem>>, vector<16xf32>,
      }
      %scan3A_31 = arith.constant 1250 : i32
      "tpu.region"() ({
        %run_scoped3A = tpu.sem_alloc : memref<!tpu.dma_semaphore, #tpu.memory_space<semaphore_mem>>
        %dma_start3A = tpu.memref_slice %arg4[%mul3A_0] : memref<320000xf32, #tpu.memory_space<hbm>> -> memref<20000xf32, #tpu.memory_space<hbm>>
        %dma_start3A_32 = tpu.memref_slice %arg4[%mul3A_0] : memref<320000xf32, #tpu.memory_space<hbm>> -> memref<20000xf32, #tpu.memory_space<hbm>>
        tpu.enqueue_dma source(%arg9 : memref<20000xf32, #tpu.memory_space<vmem>>) target(%dma_start3A_32 : memref<20000xf32, #tpu.memory_space<hbm>>) target_semaphore(%run_scoped3A : memref<!tpu.dma_semaphore, #tpu.memory_space<semaphore_mem>>)
        %dma_wait3A = tpu.memref_slice %arg4[%mul3A_0] : memref<320000xf32, #tpu.memory_space<hbm>> -> memref<20000xf32, #tpu.memory_space<hbm>>
        %dma_wait3A_33 = tpu.memref_slice %arg4[%mul3A_0] : memref<320000xf32, #tpu.memory_space<hbm>> -> memref<20000xf32, #tpu.memory_space<hbm>>
        tpu.wait_dma2 semaphore(%run_scoped3A : memref<!tpu.dma_semaphore, #tpu.memory_space<semaphore_mem>>) src(%arg9 : memref<20000xf32, #tpu.memory_space<vmem>>) dst(%dma_wait3A_33 : memref<20000xf32, #tpu.memory_space<hbm>>)
        tpu.yield
      }) : () -> ()
    } else {
    }
    return
  }
}

#map = affine_map<(d0, d1) -> (0, 0)>
#map1 = affine_map<(d0, d1) -> (0)>
module attributes {stable_mosaic.version = 14 : i64} {
  func.func @_gather2_body(%arg0: i32, %arg1: i32, %arg2: memref<10000x128xf32, #tpu.memory_space<hbm>>, %arg3: memref<10000x128xf32, #tpu.memory_space<hbm>>, %arg4: memref<320000xi32, #tpu.memory_space<hbm>>, %arg5: memref<320000xi32, #tpu.memory_space<hbm>>, %arg6: memref<320000x128xf32, #tpu.memory_space<hbm>>, %arg7: memref<320000x128xf32, #tpu.memory_space<hbm>>, %arg8: memref<10000xi32, #tpu.memory_space<vmem>>, %arg9: memref<10000xi32, #tpu.memory_space<vmem>>, %arg10: memref<2x200x128xf32, #tpu.memory_space<vmem>>, %arg11: memref<2x200x128xf32, #tpu.memory_space<vmem>>, %arg12: memref<2x!tpu.dma_semaphore, #tpu.memory_space<semaphore_mem>>, %arg13: memref<2x!tpu.dma_semaphore, #tpu.memory_space<semaphore_mem>>) attributes {dimension_semantics = [#tpu.dimension_semantics<core_parallel>, #tpu.dimension_semantics<subcore_parallel>], iteration_bounds = array<i64: 2, 16>, scalar_prefetch = 0 : i64, scratch_operands = 6 : i64, tpu.core_type = #tpu.core_type<sc_vector_subcore>, window_params = [{transform_indices = #map}, {transform_indices = #map}, {transform_indices = #map1}, {transform_indices = #map1}, {transform_indices = #map}, {transform_indices = #map}]} {
    %mul3A = arith.constant 2 : i32
    %mul3A_0 = arith.muli %arg1, %mul3A : i32
    %add3A = arith.addi %mul3A_0, %arg0 : i32
    %mul3A_1 = arith.constant 10000 : i32
    %mul3A_2 = arith.muli %add3A, %mul3A_1 : i32
    "tpu.region"() ({
      %run_scoped3A = tpu.sem_alloc : memref<!tpu.dma_semaphore, #tpu.memory_space<semaphore_mem>>
      %dma_start3A_129 = tpu.memref_slice %arg4[%mul3A_2] : memref<320000xi32, #tpu.memory_space<hbm>> -> memref<10000xi32, #tpu.memory_space<hbm>>
      %dma_start3A_130 = tpu.memref_slice %arg4[%mul3A_2] : memref<320000xi32, #tpu.memory_space<hbm>> -> memref<10000xi32, #tpu.memory_space<hbm>>
      tpu.enqueue_dma source(%dma_start3A_130 : memref<10000xi32, #tpu.memory_space<hbm>>) target(%arg8 : memref<10000xi32, #tpu.memory_space<vmem>>) target_semaphore(%run_scoped3A : memref<!tpu.dma_semaphore, #tpu.memory_space<semaphore_mem>>)
      %dma_wait3A_131 = tpu.memref_slice %arg4[%mul3A_2] : memref<320000xi32, #tpu.memory_space<hbm>> -> memref<10000xi32, #tpu.memory_space<hbm>>
      %dma_wait3A_132 = tpu.memref_slice %arg4[%mul3A_2] : memref<320000xi32, #tpu.memory_space<hbm>> -> memref<10000xi32, #tpu.memory_space<hbm>>
      tpu.wait_dma2 semaphore(%run_scoped3A : memref<!tpu.dma_semaphore, #tpu.memory_space<semaphore_mem>>) src(%dma_wait3A_132 : memref<10000xi32, #tpu.memory_space<hbm>>) dst(%arg8 : memref<10000xi32, #tpu.memory_space<vmem>>)
      tpu.yield
    }) : () -> ()
    "tpu.region"() ({
      %run_scoped3A = tpu.sem_alloc : memref<!tpu.dma_semaphore, #tpu.memory_space<semaphore_mem>>
      %dma_start3A_129 = tpu.memref_slice %arg5[%mul3A_2] : memref<320000xi32, #tpu.memory_space<hbm>> -> memref<10000xi32, #tpu.memory_space<hbm>>
      %dma_start3A_130 = tpu.memref_slice %arg5[%mul3A_2] : memref<320000xi32, #tpu.memory_space<hbm>> -> memref<10000xi32, #tpu.memory_space<hbm>>
      tpu.enqueue_dma source(%dma_start3A_130 : memref<10000xi32, #tpu.memory_space<hbm>>) target(%arg9 : memref<10000xi32, #tpu.memory_space<vmem>>) target_semaphore(%run_scoped3A : memref<!tpu.dma_semaphore, #tpu.memory_space<semaphore_mem>>)
      %dma_wait3A_131 = tpu.memref_slice %arg5[%mul3A_2] : memref<320000xi32, #tpu.memory_space<hbm>> -> memref<10000xi32, #tpu.memory_space<hbm>>
      %dma_wait3A_132 = tpu.memref_slice %arg5[%mul3A_2] : memref<320000xi32, #tpu.memory_space<hbm>> -> memref<10000xi32, #tpu.memory_space<hbm>>
      tpu.wait_dma2 semaphore(%run_scoped3A : memref<!tpu.dma_semaphore, #tpu.memory_space<semaphore_mem>>) src(%dma_wait3A_132 : memref<10000xi32, #tpu.memory_space<hbm>>) dst(%arg9 : memref<10000xi32, #tpu.memory_space<vmem>>)
      tpu.yield
    }) : () -> ()
    %scan3A = arith.constant 0 : i32
    %scan3A_3 = arith.constant 25 : i32
    %scan3A_4 = arith.addi %scan3A, %scan3A_3 : i32
    %scan3A_5 = arith.constant 1 : i32
    scf.for %scan3A_129 = %scan3A to %scan3A_4 step %scan3A_5  : i32 {
      %mul3A_130 = arith.constant 2 : i32
      %mul3A_131 = arith.muli %scan3A_129, %mul3A_130 : i32
      %add3A_132 = arith.constant 0 : i32
      %add3A_133 = arith.addi %add3A_132, %mul3A_131 : i32
      %add3A_134 = arith.constant 0 : i32
      %add3A_135 = arith.addi %add3A_133, %add3A_134 : i32
      %ge3A = arith.constant 2 : i32
      %ge3A_136 = arith.cmpi sge, %add3A_135, %ge3A : i32
      %convert_element_type3A = arith.extui %ge3A_136 : i1 to i32
      %cond3A = arith.constant 0 : i32
      %cond3A_137 = arith.cmpi ne, %convert_element_type3A, %cond3A : i32
      scf.if %cond3A_137 {
        %dma_wait3A_207 = arith.constant 0 : i32
        %dma_wait3A_208 = arith.constant 0 : i32
        %dma_wait3A_209 = arith.constant 0 : i32
        %dma_wait3A_210 = arith.constant 0 : i32
        %dma_wait3A_211 = tpu.memref_slice %arg10[%dma_wait3A_207, %dma_wait3A_209, %dma_wait3A_210] : memref<2x200x128xf32, #tpu.memory_space<vmem>> -> memref<1x200x128xf32, #tpu.memory_space<vmem>>
        %dma_wait3A_212 = tpu.memref_squeeze %dma_wait3A_211 : memref<1x200x128xf32, #tpu.memory_space<vmem>> -> memref<200x128xf32, #tpu.memory_space<vmem>>
        %dma_wait3A_213 = arith.constant 0 : i32
        %dma_wait3A_214 = tpu.memref_slice %arg6[%mul3A_2, %dma_wait3A_213] : memref<320000x128xf32, #tpu.memory_space<hbm>> -> memref<200x128xf32, #tpu.memory_space<hbm>>
        %dma_wait3A_215 = tpu.memref_slice %arg13[%dma_wait3A_208] : memref<2x!tpu.dma_semaphore, #tpu.memory_space<semaphore_mem>> -> memref<1x!tpu.dma_semaphore, #tpu.memory_space<semaphore_mem>>
        %dma_wait3A_216 = tpu.memref_squeeze %dma_wait3A_215 : memref<1x!tpu.dma_semaphore, #tpu.memory_space<semaphore_mem>> -> memref<!tpu.dma_semaphore, #tpu.memory_space<semaphore_mem>>
        %dma_wait3A_217 = arith.constant 0 : i32
        %dma_wait3A_218 = tpu.memref_slice %arg6[%mul3A_2, %dma_wait3A_217] : memref<320000x128xf32, #tpu.memory_space<hbm>> -> memref<200x128xf32, #tpu.memory_space<hbm>>
        %dma_wait3A_219 = arith.constant 0 : i32
        %dma_wait3A_220 = arith.constant 0 : i32
        %dma_wait3A_221 = tpu.memref_slice %arg10[%dma_wait3A_207, %dma_wait3A_219, %dma_wait3A_220] : memref<2x200x128xf32, #tpu.memory_space<vmem>> -> memref<1x200x128xf32, #tpu.memory_space<vmem>>
        %dma_wait3A_222 = tpu.memref_squeeze %dma_wait3A_221 : memref<1x200x128xf32, #tpu.memory_space<vmem>> -> memref<200x128xf32, #tpu.memory_space<vmem>>
        tpu.wait_dma2 semaphore(%dma_wait3A_216 : memref<!tpu.dma_semaphore, #tpu.memory_space<semaphore_mem>>) src(%dma_wait3A_222 : memref<200x128xf32, #tpu.memory_space<vmem>>) dst(%dma_wait3A_218 : memref<200x128xf32, #tpu.memory_space<hbm>>)
        %dma_wait3A_223 = arith.constant 0 : i32
        %dma_wait3A_224 = arith.constant 0 : i32
        %dma_wait3A_225 = arith.constant 0 : i32
        %dma_wait3A_226 = arith.constant 0 : i32
        %dma_wait3A_227 = tpu.memref_slice %arg11[%dma_wait3A_223, %dma_wait3A_225, %dma_wait3A_226] : memref<2x200x128xf32, #tpu.memory_space<vmem>> -> memref<1x200x128xf32, #tpu.memory_space<vmem>>
        %dma_wait3A_228 = tpu.memref_squeeze %dma_wait3A_227 : memref<1x200x128xf32, #tpu.memory_space<vmem>> -> memref<200x128xf32, #tpu.memory_space<vmem>>
        %dma_wait3A_229 = arith.constant 0 : i32
        %dma_wait3A_230 = tpu.memref_slice %arg7[%mul3A_2, %dma_wait3A_229] : memref<320000x128xf32, #tpu.memory_space<hbm>> -> memref<200x128xf32, #tpu.memory_space<hbm>>
        %dma_wait3A_231 = tpu.memref_slice %arg13[%dma_wait3A_224] : memref<2x!tpu.dma_semaphore, #tpu.memory_space<semaphore_mem>> -> memref<1x!tpu.dma_semaphore, #tpu.memory_space<semaphore_mem>>
        %dma_wait3A_232 = tpu.memref_squeeze %dma_wait3A_231 : memref<1x!tpu.dma_semaphore, #tpu.memory_space<semaphore_mem>> -> memref<!tpu.dma_semaphore, #tpu.memory_space<semaphore_mem>>
        %dma_wait3A_233 = arith.constant 0 : i32
        %dma_wait3A_234 = tpu.memref_slice %arg7[%mul3A_2, %dma_wait3A_233] : memref<320000x128xf32, #tpu.memory_space<hbm>> -> memref<200x128xf32, #tpu.memory_space<hbm>>
        %dma_wait3A_235 = arith.constant 0 : i32
        %dma_wait3A_236 = arith.constant 0 : i32
        %dma_wait3A_237 = tpu.memref_slice %arg11[%dma_wait3A_223, %dma_wait3A_235, %dma_wait3A_236] : memref<2x200x128xf32, #tpu.memory_space<vmem>> -> memref<1x200x128xf32, #tpu.memory_space<vmem>>
        %dma_wait3A_238 = tpu.memref_squeeze %dma_wait3A_237 : memref<1x200x128xf32, #tpu.memory_space<vmem>> -> memref<200x128xf32, #tpu.memory_space<vmem>>
        tpu.wait_dma2 semaphore(%dma_wait3A_232 : memref<!tpu.dma_semaphore, #tpu.memory_space<semaphore_mem>>) src(%dma_wait3A_238 : memref<200x128xf32, #tpu.memory_space<vmem>>) dst(%dma_wait3A_234 : memref<200x128xf32, #tpu.memory_space<hbm>>)
      } else {
      }
      %mul3A_138 = arith.constant 200 : i32
      %mul3A_139 = arith.muli %add3A_135, %mul3A_138 : i32
      %dma_start3A_140 = arith.constant 0 : i32
      %dma_start3A_141 = arith.constant 0 : i32
      %dma_start3A_142 = arith.constant 0 : i32
      %dma_start3A_143 = arith.constant 0 : i32
      %dma_start3A_144 = tpu.memref_slice %arg10[%dma_start3A_140, %dma_start3A_142, %dma_start3A_143] : memref<2x200x128xf32, #tpu.memory_space<vmem>> -> memref<1x200x128xf32, #tpu.memory_space<vmem>>
      %dma_start3A_145 = tpu.memref_squeeze %dma_start3A_144 : memref<1x200x128xf32, #tpu.memory_space<vmem>> -> memref<200x128xf32, #tpu.memory_space<vmem>>
      %dma_start3A_146 = tpu.memref_slice %arg8[%mul3A_139] : memref<10000xi32, #tpu.memory_space<vmem>> -> memref<200xi32, #tpu.memory_space<vmem>>
      %dma_start3A_147 = arith.constant 0 : i32
      %dma_start3A_148 = arith.constant 0 : i32
      %dma_start3A_149 = tpu.memref_slice %arg2[%dma_start3A_147, %dma_start3A_148] : memref<10000x128xf32, #tpu.memory_space<hbm>> -> memref<10000x128xf32, #tpu.memory_space<hbm>>
      %dma_start3A_150 = tpu.memref_slice %arg12[%dma_start3A_141] : memref<2x!tpu.dma_semaphore, #tpu.memory_space<semaphore_mem>> -> memref<1x!tpu.dma_semaphore, #tpu.memory_space<semaphore_mem>>
      %dma_start3A_151 = tpu.memref_squeeze %dma_start3A_150 : memref<1x!tpu.dma_semaphore, #tpu.memory_space<semaphore_mem>> -> memref<!tpu.dma_semaphore, #tpu.memory_space<semaphore_mem>>
      tpu.enqueue_indirect_dma source(%dma_start3A_149 : memref<10000x128xf32, #tpu.memory_space<hbm>>) target(%dma_start3A_145 : memref<200x128xf32, #tpu.memory_space<vmem>>) offsets(%dma_start3A_146 : memref<200xi32, #tpu.memory_space<vmem>>) semaphore(%dma_start3A_151 : memref<!tpu.dma_semaphore, #tpu.memory_space<semaphore_mem>>)
      %dma_start3A_152 = arith.constant 0 : i32
      %dma_start3A_153 = arith.constant 0 : i32
      %dma_start3A_154 = arith.constant 0 : i32
      %dma_start3A_155 = arith.constant 0 : i32
      %dma_start3A_156 = tpu.memref_slice %arg11[%dma_start3A_152, %dma_start3A_154, %dma_start3A_155] : memref<2x200x128xf32, #tpu.memory_space<vmem>> -> memref<1x200x128xf32, #tpu.memory_space<vmem>>
      %dma_start3A_157 = tpu.memref_squeeze %dma_start3A_156 : memref<1x200x128xf32, #tpu.memory_space<vmem>> -> memref<200x128xf32, #tpu.memory_space<vmem>>
      %dma_start3A_158 = tpu.memref_slice %arg9[%mul3A_139] : memref<10000xi32, #tpu.memory_space<vmem>> -> memref<200xi32, #tpu.memory_space<vmem>>
      %dma_start3A_159 = arith.constant 0 : i32
      %dma_start3A_160 = arith.constant 0 : i32
      %dma_start3A_161 = tpu.memref_slice %arg3[%dma_start3A_159, %dma_start3A_160] : memref<10000x128xf32, #tpu.memory_space<hbm>> -> memref<10000x128xf32, #tpu.memory_space<hbm>>
      %dma_start3A_162 = tpu.memref_slice %arg12[%dma_start3A_153] : memref<2x!tpu.dma_semaphore, #tpu.memory_space<semaphore_mem>> -> memref<1x!tpu.dma_semaphore, #tpu.memory_space<semaphore_mem>>
      %dma_start3A_163 = tpu.memref_squeeze %dma_start3A_162 : memref<1x!tpu.dma_semaphore, #tpu.memory_space<semaphore_mem>> -> memref<!tpu.dma_semaphore, #tpu.memory_space<semaphore_mem>>
      tpu.enqueue_indirect_dma source(%dma_start3A_161 : memref<10000x128xf32, #tpu.memory_space<hbm>>) target(%dma_start3A_157 : memref<200x128xf32, #tpu.memory_space<vmem>>) offsets(%dma_start3A_158 : memref<200xi32, #tpu.memory_space<vmem>>) semaphore(%dma_start3A_163 : memref<!tpu.dma_semaphore, #tpu.memory_space<semaphore_mem>>)
      %ge3A_164 = arith.constant 1 : i32
      %ge3A_165 = arith.cmpi sge, %add3A_135, %ge3A_164 : i32
      %convert_element_type3A_166 = arith.extui %ge3A_165 : i1 to i32
      %cond3A_167 = arith.constant 0 : i32
      %cond3A_168 = arith.cmpi ne, %convert_element_type3A_166, %cond3A_167 : i32
      scf.if %cond3A_168 {
        %dma_wait3A_207 = arith.constant 1 : i32
        %dma_wait3A_208 = arith.constant 1 : i32
        %dma_wait3A_209 = arith.constant 0 : i32
        %dma_wait3A_210 = arith.constant 0 : i32
        %dma_wait3A_211 = tpu.memref_slice %arg10[%dma_wait3A_207, %dma_wait3A_209, %dma_wait3A_210] : memref<2x200x128xf32, #tpu.memory_space<vmem>> -> memref<1x200x128xf32, #tpu.memory_space<vmem>>
        %dma_wait3A_212 = tpu.memref_squeeze %dma_wait3A_211 : memref<1x200x128xf32, #tpu.memory_space<vmem>> -> memref<200x128xf32, #tpu.memory_space<vmem>>
        %dma_wait3A_213 = arith.constant 0 : i32
        %dma_wait3A_214 = tpu.memref_slice %arg8[%dma_wait3A_213] : memref<10000xi32, #tpu.memory_space<vmem>> -> memref<200xi32, #tpu.memory_space<vmem>>
        %dma_wait3A_215 = arith.constant 0 : i32
        %dma_wait3A_216 = arith.constant 0 : i32
        %dma_wait3A_217 = tpu.memref_slice %arg2[%dma_wait3A_215, %dma_wait3A_216] : memref<10000x128xf32, #tpu.memory_space<hbm>> -> memref<10000x128xf32, #tpu.memory_space<hbm>>
        %dma_wait3A_218 = tpu.memref_slice %arg12[%dma_wait3A_208] : memref<2x!tpu.dma_semaphore, #tpu.memory_space<semaphore_mem>> -> memref<1x!tpu.dma_semaphore, #tpu.memory_space<semaphore_mem>>
        %dma_wait3A_219 = tpu.memref_squeeze %dma_wait3A_218 : memref<1x!tpu.dma_semaphore, #tpu.memory_space<semaphore_mem>> -> memref<!tpu.dma_semaphore, #tpu.memory_space<semaphore_mem>>
        tpu.wait_indirect_dma semaphore(%dma_wait3A_219 : memref<!tpu.dma_semaphore, #tpu.memory_space<semaphore_mem>>) src(%dma_wait3A_217 : memref<10000x128xf32, #tpu.memory_space<hbm>>) dst(%dma_wait3A_212 : memref<200x128xf32, #tpu.memory_space<vmem>>)
        %dma_wait3A_220 = arith.constant 1 : i32
        %dma_wait3A_221 = arith.constant 1 : i32
        %dma_wait3A_222 = arith.constant 0 : i32
        %dma_wait3A_223 = arith.constant 0 : i32
        %dma_wait3A_224 = tpu.memref_slice %arg11[%dma_wait3A_220, %dma_wait3A_222, %dma_wait3A_223] : memref<2x200x128xf32, #tpu.memory_space<vmem>> -> memref<1x200x128xf32, #tpu.memory_space<vmem>>
        %dma_wait3A_225 = tpu.memref_squeeze %dma_wait3A_224 : memref<1x200x128xf32, #tpu.memory_space<vmem>> -> memref<200x128xf32, #tpu.memory_space<vmem>>
        %dma_wait3A_226 = arith.constant 0 : i32
        %dma_wait3A_227 = tpu.memref_slice %arg9[%dma_wait3A_226] : memref<10000xi32, #tpu.memory_space<vmem>> -> memref<200xi32, #tpu.memory_space<vmem>>
        %dma_wait3A_228 = arith.constant 0 : i32
        %dma_wait3A_229 = arith.constant 0 : i32
        %dma_wait3A_230 = tpu.memref_slice %arg3[%dma_wait3A_228, %dma_wait3A_229] : memref<10000x128xf32, #tpu.memory_space<hbm>> -> memref<10000x128xf32, #tpu.memory_space<hbm>>
        %dma_wait3A_231 = tpu.memref_slice %arg12[%dma_wait3A_221] : memref<2x!tpu.dma_semaphore, #tpu.memory_space<semaphore_mem>> -> memref<1x!tpu.dma_semaphore, #tpu.memory_space<semaphore_mem>>
        %dma_wait3A_232 = tpu.memref_squeeze %dma_wait3A_231 : memref<1x!tpu.dma_semaphore, #tpu.memory_space<semaphore_mem>> -> memref<!tpu.dma_semaphore, #tpu.memory_space<semaphore_mem>>
        tpu.wait_indirect_dma semaphore(%dma_wait3A_232 : memref<!tpu.dma_semaphore, #tpu.memory_space<semaphore_mem>>) src(%dma_wait3A_230 : memref<10000x128xf32, #tpu.memory_space<hbm>>) dst(%dma_wait3A_225 : memref<200x128xf32, #tpu.memory_space<vmem>>)
        %sub3A = arith.constant 1 : i32
        %sub3A_233 = arith.subi %add3A_135, %sub3A : i32
        %mul3A_234 = arith.constant 200 : i32
        %mul3A_235 = arith.muli %sub3A_233, %mul3A_234 : i32
        %add3A_236 = arith.addi %mul3A_2, %mul3A_235 : i32
        %dma_start3A_237 = arith.constant 1 : i32
        %dma_start3A_238 = arith.constant 1 : i32
        %dma_start3A_239 = arith.constant 0 : i32
        %dma_start3A_240 = arith.constant 0 : i32
        %dma_start3A_241 = tpu.memref_slice %arg10[%dma_start3A_237, %dma_start3A_239, %dma_start3A_240] : memref<2x200x128xf32, #tpu.memory_space<vmem>> -> memref<1x200x128xf32, #tpu.memory_space<vmem>>
        %dma_start3A_242 = tpu.memref_squeeze %dma_start3A_241 : memref<1x200x128xf32, #tpu.memory_space<vmem>> -> memref<200x128xf32, #tpu.memory_space<vmem>>
        %dma_start3A_243 = arith.constant 0 : i32
        %dma_start3A_244 = tpu.memref_slice %arg6[%add3A_236, %dma_start3A_243] : memref<320000x128xf32, #tpu.memory_space<hbm>> -> memref<200x128xf32, #tpu.memory_space<hbm>>
        %dma_start3A_245 = tpu.memref_slice %arg13[%dma_start3A_238] : memref<2x!tpu.dma_semaphore, #tpu.memory_space<semaphore_mem>> -> memref<1x!tpu.dma_semaphore, #tpu.memory_space<semaphore_mem>>
        %dma_start3A_246 = tpu.memref_squeeze %dma_start3A_245 : memref<1x!tpu.dma_semaphore, #tpu.memory_space<semaphore_mem>> -> memref<!tpu.dma_semaphore, #tpu.memory_space<semaphore_mem>>
        %dma_start3A_247 = arith.constant 0 : i32
        %dma_start3A_248 = tpu.memref_slice %arg6[%add3A_236, %dma_start3A_247] : memref<320000x128xf32, #tpu.memory_space<hbm>> -> memref<200x128xf32, #tpu.memory_space<hbm>>
        %dma_start3A_249 = arith.constant 0 : i32
        %dma_start3A_250 = arith.constant 0 : i32
        %dma_start3A_251 = tpu.memref_slice %arg10[%dma_start3A_237, %dma_start3A_249, %dma_start3A_250] : memref<2x200x128xf32, #tpu.memory_space<vmem>> -> memref<1x200x128xf32, #tpu.memory_space<vmem>>
        %dma_start3A_252 = tpu.memref_squeeze %dma_start3A_251 : memref<1x200x128xf32, #tpu.memory_space<vmem>> -> memref<200x128xf32, #tpu.memory_space<vmem>>
        tpu.enqueue_dma source(%dma_start3A_252 : memref<200x128xf32, #tpu.memory_space<vmem>>) target(%dma_start3A_248 : memref<200x128xf32, #tpu.memory_space<hbm>>) target_semaphore(%dma_start3A_246 : memref<!tpu.dma_semaphore, #tpu.memory_space<semaphore_mem>>)
        %dma_start3A_253 = arith.constant 1 : i32
        %dma_start3A_254 = arith.constant 1 : i32
        %dma_start3A_255 = arith.constant 0 : i32
        %dma_start3A_256 = arith.constant 0 : i32
        %dma_start3A_257 = tpu.memref_slice %arg11[%dma_start3A_253, %dma_start3A_255, %dma_start3A_256] : memref<2x200x128xf32, #tpu.memory_space<vmem>> -> memref<1x200x128xf32, #tpu.memory_space<vmem>>
        %dma_start3A_258 = tpu.memref_squeeze %dma_start3A_257 : memref<1x200x128xf32, #tpu.memory_space<vmem>> -> memref<200x128xf32, #tpu.memory_space<vmem>>
        %dma_start3A_259 = arith.constant 0 : i32
        %dma_start3A_260 = tpu.memref_slice %arg7[%add3A_236, %dma_start3A_259] : memref<320000x128xf32, #tpu.memory_space<hbm>> -> memref<200x128xf32, #tpu.memory_space<hbm>>
        %dma_start3A_261 = tpu.memref_slice %arg13[%dma_start3A_254] : memref<2x!tpu.dma_semaphore, #tpu.memory_space<semaphore_mem>> -> memref<1x!tpu.dma_semaphore, #tpu.memory_space<semaphore_mem>>
        %dma_start3A_262 = tpu.memref_squeeze %dma_start3A_261 : memref<1x!tpu.dma_semaphore, #tpu.memory_space<semaphore_mem>> -> memref<!tpu.dma_semaphore, #tpu.memory_space<semaphore_mem>>
        %dma_start3A_263 = arith.constant 0 : i32
        %dma_start3A_264 = tpu.memref_slice %arg7[%add3A_236, %dma_start3A_263] : memref<320000x128xf32, #tpu.memory_space<hbm>> -> memref<200x128xf32, #tpu.memory_space<hbm>>
        %dma_start3A_265 = arith.constant 0 : i32
        %dma_start3A_266 = arith.constant 0 : i32
        %dma_start3A_267 = tpu.memref_slice %arg11[%dma_start3A_253, %dma_start3A_265, %dma_start3A_266] : memref<2x200x128xf32, #tpu.memory_space<vmem>> -> memref<1x200x128xf32, #tpu.memory_space<vmem>>
        %dma_start3A_268 = tpu.memref_squeeze %dma_start3A_267 : memref<1x200x128xf32, #tpu.memory_space<vmem>> -> memref<200x128xf32, #tpu.memory_space<vmem>>
        tpu.enqueue_dma source(%dma_start3A_268 : memref<200x128xf32, #tpu.memory_space<vmem>>) target(%dma_start3A_264 : memref<200x128xf32, #tpu.memory_space<hbm>>) target_semaphore(%dma_start3A_262 : memref<!tpu.dma_semaphore, #tpu.memory_space<semaphore_mem>>)
      } else {
      }
      %add3A_169 = arith.constant 1 : i32
      %add3A_170 = arith.addi %add3A_133, %add3A_169 : i32
      %ge3A_171 = arith.constant 2 : i32
      %ge3A_172 = arith.cmpi sge, %add3A_170, %ge3A_171 : i32
      %convert_element_type3A_173 = arith.extui %ge3A_172 : i1 to i32
      %cond3A_174 = arith.constant 0 : i32
      %cond3A_175 = arith.cmpi ne, %convert_element_type3A_173, %cond3A_174 : i32
      scf.if %cond3A_175 {
        %dma_wait3A_207 = arith.constant 1 : i32
        %dma_wait3A_208 = arith.constant 1 : i32
        %dma_wait3A_209 = arith.constant 0 : i32
        %dma_wait3A_210 = arith.constant 0 : i32
        %dma_wait3A_211 = tpu.memref_slice %arg10[%dma_wait3A_207, %dma_wait3A_209, %dma_wait3A_210] : memref<2x200x128xf32, #tpu.memory_space<vmem>> -> memref<1x200x128xf32, #tpu.memory_space<vmem>>
        %dma_wait3A_212 = tpu.memref_squeeze %dma_wait3A_211 : memref<1x200x128xf32, #tpu.memory_space<vmem>> -> memref<200x128xf32, #tpu.memory_space<vmem>>
        %dma_wait3A_213 = arith.constant 0 : i32
        %dma_wait3A_214 = tpu.memref_slice %arg6[%mul3A_2, %dma_wait3A_213] : memref<320000x128xf32, #tpu.memory_space<hbm>> -> memref<200x128xf32, #tpu.memory_space<hbm>>
        %dma_wait3A_215 = tpu.memref_slice %arg13[%dma_wait3A_208] : memref<2x!tpu.dma_semaphore, #tpu.memory_space<semaphore_mem>> -> memref<1x!tpu.dma_semaphore, #tpu.memory_space<semaphore_mem>>
        %dma_wait3A_216 = tpu.memref_squeeze %dma_wait3A_215 : memref<1x!tpu.dma_semaphore, #tpu.memory_space<semaphore_mem>> -> memref<!tpu.dma_semaphore, #tpu.memory_space<semaphore_mem>>
        %dma_wait3A_217 = arith.constant 0 : i32
        %dma_wait3A_218 = tpu.memref_slice %arg6[%mul3A_2, %dma_wait3A_217] : memref<320000x128xf32, #tpu.memory_space<hbm>> -> memref<200x128xf32, #tpu.memory_space<hbm>>
        %dma_wait3A_219 = arith.constant 0 : i32
        %dma_wait3A_220 = arith.constant 0 : i32
        %dma_wait3A_221 = tpu.memref_slice %arg10[%dma_wait3A_207, %dma_wait3A_219, %dma_wait3A_220] : memref<2x200x128xf32, #tpu.memory_space<vmem>> -> memref<1x200x128xf32, #tpu.memory_space<vmem>>
        %dma_wait3A_222 = tpu.memref_squeeze %dma_wait3A_221 : memref<1x200x128xf32, #tpu.memory_space<vmem>> -> memref<200x128xf32, #tpu.memory_space<vmem>>
        tpu.wait_dma2 semaphore(%dma_wait3A_216 : memref<!tpu.dma_semaphore, #tpu.memory_space<semaphore_mem>>) src(%dma_wait3A_222 : memref<200x128xf32, #tpu.memory_space<vmem>>) dst(%dma_wait3A_218 : memref<200x128xf32, #tpu.memory_space<hbm>>)
        %dma_wait3A_223 = arith.constant 1 : i32
        %dma_wait3A_224 = arith.constant 1 : i32
        %dma_wait3A_225 = arith.constant 0 : i32
        %dma_wait3A_226 = arith.constant 0 : i32
        %dma_wait3A_227 = tpu.memref_slice %arg11[%dma_wait3A_223, %dma_wait3A_225, %dma_wait3A_226] : memref<2x200x128xf32, #tpu.memory_space<vmem>> -> memref<1x200x128xf32, #tpu.memory_space<vmem>>
        %dma_wait3A_228 = tpu.memref_squeeze %dma_wait3A_227 : memref<1x200x128xf32, #tpu.memory_space<vmem>> -> memref<200x128xf32, #tpu.memory_space<vmem>>
        %dma_wait3A_229 = arith.constant 0 : i32
        %dma_wait3A_230 = tpu.memref_slice %arg7[%mul3A_2, %dma_wait3A_229] : memref<320000x128xf32, #tpu.memory_space<hbm>> -> memref<200x128xf32, #tpu.memory_space<hbm>>
        %dma_wait3A_231 = tpu.memref_slice %arg13[%dma_wait3A_224] : memref<2x!tpu.dma_semaphore, #tpu.memory_space<semaphore_mem>> -> memref<1x!tpu.dma_semaphore, #tpu.memory_space<semaphore_mem>>
        %dma_wait3A_232 = tpu.memref_squeeze %dma_wait3A_231 : memref<1x!tpu.dma_semaphore, #tpu.memory_space<semaphore_mem>> -> memref<!tpu.dma_semaphore, #tpu.memory_space<semaphore_mem>>
        %dma_wait3A_233 = arith.constant 0 : i32
        %dma_wait3A_234 = tpu.memref_slice %arg7[%mul3A_2, %dma_wait3A_233] : memref<320000x128xf32, #tpu.memory_space<hbm>> -> memref<200x128xf32, #tpu.memory_space<hbm>>
        %dma_wait3A_235 = arith.constant 0 : i32
        %dma_wait3A_236 = arith.constant 0 : i32
        %dma_wait3A_237 = tpu.memref_slice %arg11[%dma_wait3A_223, %dma_wait3A_235, %dma_wait3A_236] : memref<2x200x128xf32, #tpu.memory_space<vmem>> -> memref<1x200x128xf32, #tpu.memory_space<vmem>>
        %dma_wait3A_238 = tpu.memref_squeeze %dma_wait3A_237 : memref<1x200x128xf32, #tpu.memory_space<vmem>> -> memref<200x128xf32, #tpu.memory_space<vmem>>
        tpu.wait_dma2 semaphore(%dma_wait3A_232 : memref<!tpu.dma_semaphore, #tpu.memory_space<semaphore_mem>>) src(%dma_wait3A_238 : memref<200x128xf32, #tpu.memory_space<vmem>>) dst(%dma_wait3A_234 : memref<200x128xf32, #tpu.memory_space<hbm>>)
      } else {
      }
      %mul3A_176 = arith.constant 200 : i32
      %mul3A_177 = arith.muli %add3A_170, %mul3A_176 : i32
      %dma_start3A_178 = arith.constant 1 : i32
      %dma_start3A_179 = arith.constant 1 : i32
      %dma_start3A_180 = arith.constant 0 : i32
      %dma_start3A_181 = arith.constant 0 : i32
      %dma_start3A_182 = tpu.memref_slice %arg10[%dma_start3A_178, %dma_start3A_180, %dma_start3A_181] : memref<2x200x128xf32, #tpu.memory_space<vmem>> -> memref<1x200x128xf32, #tpu.memory_space<vmem>>
      %dma_start3A_183 = tpu.memref_squeeze %dma_start3A_182 : memref<1x200x128xf32, #tpu.memory_space<vmem>> -> memref<200x128xf32, #tpu.memory_space<vmem>>
      %dma_start3A_184 = tpu.memref_slice %arg8[%mul3A_177] : memref<10000xi32, #tpu.memory_space<vmem>> -> memref<200xi32, #tpu.memory_space<vmem>>
      %dma_start3A_185 = arith.constant 0 : i32
      %dma_start3A_186 = arith.constant 0 : i32
      %dma_start3A_187 = tpu.memref_slice %arg2[%dma_start3A_185, %dma_start3A_186] : memref<10000x128xf32, #tpu.memory_space<hbm>> -> memref<10000x128xf32, #tpu.memory_space<hbm>>
      %dma_start3A_188 = tpu.memref_slice %arg12[%dma_start3A_179] : memref<2x!tpu.dma_semaphore, #tpu.memory_space<semaphore_mem>> -> memref<1x!tpu.dma_semaphore, #tpu.memory_space<semaphore_mem>>
      %dma_start3A_189 = tpu.memref_squeeze %dma_start3A_188 : memref<1x!tpu.dma_semaphore, #tpu.memory_space<semaphore_mem>> -> memref<!tpu.dma_semaphore, #tpu.memory_space<semaphore_mem>>
      tpu.enqueue_indirect_dma source(%dma_start3A_187 : memref<10000x128xf32, #tpu.memory_space<hbm>>) target(%dma_start3A_183 : memref<200x128xf32, #tpu.memory_space<vmem>>) offsets(%dma_start3A_184 : memref<200xi32, #tpu.memory_space<vmem>>) semaphore(%dma_start3A_189 : memref<!tpu.dma_semaphore, #tpu.memory_space<semaphore_mem>>)
      %dma_start3A_190 = arith.constant 1 : i32
      %dma_start3A_191 = arith.constant 1 : i32
      %dma_start3A_192 = arith.constant 0 : i32
      %dma_start3A_193 = arith.constant 0 : i32
      %dma_start3A_194 = tpu.memref_slice %arg11[%dma_start3A_190, %dma_start3A_192, %dma_start3A_193] : memref<2x200x128xf32, #tpu.memory_space<vmem>> -> memref<1x200x128xf32, #tpu.memory_space<vmem>>
      %dma_start3A_195 = tpu.memref_squeeze %dma_start3A_194 : memref<1x200x128xf32, #tpu.memory_space<vmem>> -> memref<200x128xf32, #tpu.memory_space<vmem>>
      %dma_start3A_196 = tpu.memref_slice %arg9[%mul3A_177] : memref<10000xi32, #tpu.memory_space<vmem>> -> memref<200xi32, #tpu.memory_space<vmem>>
      %dma_start3A_197 = arith.constant 0 : i32
      %dma_start3A_198 = arith.constant 0 : i32
      %dma_start3A_199 = tpu.memref_slice %arg3[%dma_start3A_197, %dma_start3A_198] : memref<10000x128xf32, #tpu.memory_space<hbm>> -> memref<10000x128xf32, #tpu.memory_space<hbm>>
      %dma_start3A_200 = tpu.memref_slice %arg12[%dma_start3A_191] : memref<2x!tpu.dma_semaphore, #tpu.memory_space<semaphore_mem>> -> memref<1x!tpu.dma_semaphore, #tpu.memory_space<semaphore_mem>>
      %dma_start3A_201 = tpu.memref_squeeze %dma_start3A_200 : memref<1x!tpu.dma_semaphore, #tpu.memory_space<semaphore_mem>> -> memref<!tpu.dma_semaphore, #tpu.memory_space<semaphore_mem>>
      tpu.enqueue_indirect_dma source(%dma_start3A_199 : memref<10000x128xf32, #tpu.memory_space<hbm>>) target(%dma_start3A_195 : memref<200x128xf32, #tpu.memory_space<vmem>>) offsets(%dma_start3A_196 : memref<200xi32, #tpu.memory_space<vmem>>) semaphore(%dma_start3A_201 : memref<!tpu.dma_semaphore, #tpu.memory_space<semaphore_mem>>)
      %ge3A_202 = arith.constant 1 : i32
      %ge3A_203 = arith.cmpi sge, %add3A_170, %ge3A_202 : i32
      %convert_element_type3A_204 = arith.extui %ge3A_203 : i1 to i32
      %cond3A_205 = arith.constant 0 : i32
      %cond3A_206 = arith.cmpi ne, %convert_element_type3A_204, %cond3A_205 : i32
      scf.if %cond3A_206 {
        %dma_wait3A_207 = arith.constant 0 : i32
        %dma_wait3A_208 = arith.constant 0 : i32
        %dma_wait3A_209 = arith.constant 0 : i32
        %dma_wait3A_210 = arith.constant 0 : i32
        %dma_wait3A_211 = tpu.memref_slice %arg10[%dma_wait3A_207, %dma_wait3A_209, %dma_wait3A_210] : memref<2x200x128xf32, #tpu.memory_space<vmem>> -> memref<1x200x128xf32, #tpu.memory_space<vmem>>
        %dma_wait3A_212 = tpu.memref_squeeze %dma_wait3A_211 : memref<1x200x128xf32, #tpu.memory_space<vmem>> -> memref<200x128xf32, #tpu.memory_space<vmem>>
        %dma_wait3A_213 = arith.constant 0 : i32
        %dma_wait3A_214 = tpu.memref_slice %arg8[%dma_wait3A_213] : memref<10000xi32, #tpu.memory_space<vmem>> -> memref<200xi32, #tpu.memory_space<vmem>>
        %dma_wait3A_215 = arith.constant 0 : i32
        %dma_wait3A_216 = arith.constant 0 : i32
        %dma_wait3A_217 = tpu.memref_slice %arg2[%dma_wait3A_215, %dma_wait3A_216] : memref<10000x128xf32, #tpu.memory_space<hbm>> -> memref<10000x128xf32, #tpu.memory_space<hbm>>
        %dma_wait3A_218 = tpu.memref_slice %arg12[%dma_wait3A_208] : memref<2x!tpu.dma_semaphore, #tpu.memory_space<semaphore_mem>> -> memref<1x!tpu.dma_semaphore, #tpu.memory_space<semaphore_mem>>
        %dma_wait3A_219 = tpu.memref_squeeze %dma_wait3A_218 : memref<1x!tpu.dma_semaphore, #tpu.memory_space<semaphore_mem>> -> memref<!tpu.dma_semaphore, #tpu.memory_space<semaphore_mem>>
        tpu.wait_indirect_dma semaphore(%dma_wait3A_219 : memref<!tpu.dma_semaphore, #tpu.memory_space<semaphore_mem>>) src(%dma_wait3A_217 : memref<10000x128xf32, #tpu.memory_space<hbm>>) dst(%dma_wait3A_212 : memref<200x128xf32, #tpu.memory_space<vmem>>)
        %dma_wait3A_220 = arith.constant 0 : i32
        %dma_wait3A_221 = arith.constant 0 : i32
        %dma_wait3A_222 = arith.constant 0 : i32
        %dma_wait3A_223 = arith.constant 0 : i32
        %dma_wait3A_224 = tpu.memref_slice %arg11[%dma_wait3A_220, %dma_wait3A_222, %dma_wait3A_223] : memref<2x200x128xf32, #tpu.memory_space<vmem>> -> memref<1x200x128xf32, #tpu.memory_space<vmem>>
        %dma_wait3A_225 = tpu.memref_squeeze %dma_wait3A_224 : memref<1x200x128xf32, #tpu.memory_space<vmem>> -> memref<200x128xf32, #tpu.memory_space<vmem>>
        %dma_wait3A_226 = arith.constant 0 : i32
        %dma_wait3A_227 = tpu.memref_slice %arg9[%dma_wait3A_226] : memref<10000xi32, #tpu.memory_space<vmem>> -> memref<200xi32, #tpu.memory_space<vmem>>
        %dma_wait3A_228 = arith.constant 0 : i32
        %dma_wait3A_229 = arith.constant 0 : i32
        %dma_wait3A_230 = tpu.memref_slice %arg3[%dma_wait3A_228, %dma_wait3A_229] : memref<10000x128xf32, #tpu.memory_space<hbm>> -> memref<10000x128xf32, #tpu.memory_space<hbm>>
        %dma_wait3A_231 = tpu.memref_slice %arg12[%dma_wait3A_221] : memref<2x!tpu.dma_semaphore, #tpu.memory_space<semaphore_mem>> -> memref<1x!tpu.dma_semaphore, #tpu.memory_space<semaphore_mem>>
        %dma_wait3A_232 = tpu.memref_squeeze %dma_wait3A_231 : memref<1x!tpu.dma_semaphore, #tpu.memory_space<semaphore_mem>> -> memref<!tpu.dma_semaphore, #tpu.memory_space<semaphore_mem>>
        tpu.wait_indirect_dma semaphore(%dma_wait3A_232 : memref<!tpu.dma_semaphore, #tpu.memory_space<semaphore_mem>>) src(%dma_wait3A_230 : memref<10000x128xf32, #tpu.memory_space<hbm>>) dst(%dma_wait3A_225 : memref<200x128xf32, #tpu.memory_space<vmem>>)
        %sub3A = arith.constant 1 : i32
        %sub3A_233 = arith.subi %add3A_170, %sub3A : i32
        %mul3A_234 = arith.constant 200 : i32
        %mul3A_235 = arith.muli %sub3A_233, %mul3A_234 : i32
        %add3A_236 = arith.addi %mul3A_2, %mul3A_235 : i32
        %dma_start3A_237 = arith.constant 0 : i32
        %dma_start3A_238 = arith.constant 0 : i32
        %dma_start3A_239 = arith.constant 0 : i32
        %dma_start3A_240 = arith.constant 0 : i32
        %dma_start3A_241 = tpu.memref_slice %arg10[%dma_start3A_237, %dma_start3A_239, %dma_start3A_240] : memref<2x200x128xf32, #tpu.memory_space<vmem>> -> memref<1x200x128xf32, #tpu.memory_space<vmem>>
        %dma_start3A_242 = tpu.memref_squeeze %dma_start3A_241 : memref<1x200x128xf32, #tpu.memory_space<vmem>> -> memref<200x128xf32, #tpu.memory_space<vmem>>
        %dma_start3A_243 = arith.constant 0 : i32
        %dma_start3A_244 = tpu.memref_slice %arg6[%add3A_236, %dma_start3A_243] : memref<320000x128xf32, #tpu.memory_space<hbm>> -> memref<200x128xf32, #tpu.memory_space<hbm>>
        %dma_start3A_245 = tpu.memref_slice %arg13[%dma_start3A_238] : memref<2x!tpu.dma_semaphore, #tpu.memory_space<semaphore_mem>> -> memref<1x!tpu.dma_semaphore, #tpu.memory_space<semaphore_mem>>
        %dma_start3A_246 = tpu.memref_squeeze %dma_start3A_245 : memref<1x!tpu.dma_semaphore, #tpu.memory_space<semaphore_mem>> -> memref<!tpu.dma_semaphore, #tpu.memory_space<semaphore_mem>>
        %dma_start3A_247 = arith.constant 0 : i32
        %dma_start3A_248 = tpu.memref_slice %arg6[%add3A_236, %dma_start3A_247] : memref<320000x128xf32, #tpu.memory_space<hbm>> -> memref<200x128xf32, #tpu.memory_space<hbm>>
        %dma_start3A_249 = arith.constant 0 : i32
        %dma_start3A_250 = arith.constant 0 : i32
        %dma_start3A_251 = tpu.memref_slice %arg10[%dma_start3A_237, %dma_start3A_249, %dma_start3A_250] : memref<2x200x128xf32, #tpu.memory_space<vmem>> -> memref<1x200x128xf32, #tpu.memory_space<vmem>>
        %dma_start3A_252 = tpu.memref_squeeze %dma_start3A_251 : memref<1x200x128xf32, #tpu.memory_space<vmem>> -> memref<200x128xf32, #tpu.memory_space<vmem>>
        tpu.enqueue_dma source(%dma_start3A_252 : memref<200x128xf32, #tpu.memory_space<vmem>>) target(%dma_start3A_248 : memref<200x128xf32, #tpu.memory_space<hbm>>) target_semaphore(%dma_start3A_246 : memref<!tpu.dma_semaphore, #tpu.memory_space<semaphore_mem>>)
        %dma_start3A_253 = arith.constant 0 : i32
        %dma_start3A_254 = arith.constant 0 : i32
        %dma_start3A_255 = arith.constant 0 : i32
        %dma_start3A_256 = arith.constant 0 : i32
        %dma_start3A_257 = tpu.memref_slice %arg11[%dma_start3A_253, %dma_start3A_255, %dma_start3A_256] : memref<2x200x128xf32, #tpu.memory_space<vmem>> -> memref<1x200x128xf32, #tpu.memory_space<vmem>>
        %dma_start3A_258 = tpu.memref_squeeze %dma_start3A_257 : memref<1x200x128xf32, #tpu.memory_space<vmem>> -> memref<200x128xf32, #tpu.memory_space<vmem>>
        %dma_start3A_259 = arith.constant 0 : i32
        %dma_start3A_260 = tpu.memref_slice %arg7[%add3A_236, %dma_start3A_259] : memref<320000x128xf32, #tpu.memory_space<hbm>> -> memref<200x128xf32, #tpu.memory_space<hbm>>
        %dma_start3A_261 = tpu.memref_slice %arg13[%dma_start3A_254] : memref<2x!tpu.dma_semaphore, #tpu.memory_space<semaphore_mem>> -> memref<1x!tpu.dma_semaphore, #tpu.memory_space<semaphore_mem>>
        %dma_start3A_262 = tpu.memref_squeeze %dma_start3A_261 : memref<1x!tpu.dma_semaphore, #tpu.memory_space<semaphore_mem>> -> memref<!tpu.dma_semaphore, #tpu.memory_space<semaphore_mem>>
        %dma_start3A_263 = arith.constant 0 : i32
        %dma_start3A_264 = tpu.memref_slice %arg7[%add3A_236, %dma_start3A_263] : memref<320000x128xf32, #tpu.memory_space<hbm>> -> memref<200x128xf32, #tpu.memory_space<hbm>>
        %dma_start3A_265 = arith.constant 0 : i32
        %dma_start3A_266 = arith.constant 0 : i32
        %dma_start3A_267 = tpu.memref_slice %arg11[%dma_start3A_253, %dma_start3A_265, %dma_start3A_266] : memref<2x200x128xf32, #tpu.memory_space<vmem>> -> memref<1x200x128xf32, #tpu.memory_space<vmem>>
        %dma_start3A_268 = tpu.memref_squeeze %dma_start3A_267 : memref<1x200x128xf32, #tpu.memory_space<vmem>> -> memref<200x128xf32, #tpu.memory_space<vmem>>
        tpu.enqueue_dma source(%dma_start3A_268 : memref<200x128xf32, #tpu.memory_space<vmem>>) target(%dma_start3A_264 : memref<200x128xf32, #tpu.memory_space<hbm>>) target_semaphore(%dma_start3A_262 : memref<!tpu.dma_semaphore, #tpu.memory_space<semaphore_mem>>)
      } else {
      }
    }
    %scan3A_6 = arith.constant 25 : i32
    %dma_wait3A = arith.constant 1 : i32
    %dma_wait3A_7 = arith.constant 1 : i32
    %dma_wait3A_8 = arith.constant 0 : i32
    %dma_wait3A_9 = arith.constant 0 : i32
    %dma_wait3A_10 = tpu.memref_slice %arg10[%dma_wait3A, %dma_wait3A_8, %dma_wait3A_9] : memref<2x200x128xf32, #tpu.memory_space<vmem>> -> memref<1x200x128xf32, #tpu.memory_space<vmem>>
    %dma_wait3A_11 = tpu.memref_squeeze %dma_wait3A_10 : memref<1x200x128xf32, #tpu.memory_space<vmem>> -> memref<200x128xf32, #tpu.memory_space<vmem>>
    %dma_wait3A_12 = arith.constant 0 : i32
    %dma_wait3A_13 = tpu.memref_slice %arg8[%dma_wait3A_12] : memref<10000xi32, #tpu.memory_space<vmem>> -> memref<200xi32, #tpu.memory_space<vmem>>
    %dma_wait3A_14 = arith.constant 0 : i32
    %dma_wait3A_15 = arith.constant 0 : i32
    %dma_wait3A_16 = tpu.memref_slice %arg2[%dma_wait3A_14, %dma_wait3A_15] : memref<10000x128xf32, #tpu.memory_space<hbm>> -> memref<10000x128xf32, #tpu.memory_space<hbm>>
    %dma_wait3A_17 = tpu.memref_slice %arg12[%dma_wait3A_7] : memref<2x!tpu.dma_semaphore, #tpu.memory_space<semaphore_mem>> -> memref<1x!tpu.dma_semaphore, #tpu.memory_space<semaphore_mem>>
    %dma_wait3A_18 = tpu.memref_squeeze %dma_wait3A_17 : memref<1x!tpu.dma_semaphore, #tpu.memory_space<semaphore_mem>> -> memref<!tpu.dma_semaphore, #tpu.memory_space<semaphore_mem>>
    tpu.wait_indirect_dma semaphore(%dma_wait3A_18 : memref<!tpu.dma_semaphore, #tpu.memory_space<semaphore_mem>>) src(%dma_wait3A_16 : memref<10000x128xf32, #tpu.memory_space<hbm>>) dst(%dma_wait3A_11 : memref<200x128xf32, #tpu.memory_space<vmem>>)
    %dma_wait3A_19 = arith.constant 1 : i32
    %dma_wait3A_20 = arith.constant 1 : i32
    %dma_wait3A_21 = arith.constant 0 : i32
    %dma_wait3A_22 = arith.constant 0 : i32
    %dma_wait3A_23 = tpu.memref_slice %arg11[%dma_wait3A_19, %dma_wait3A_21, %dma_wait3A_22] : memref<2x200x128xf32, #tpu.memory_space<vmem>> -> memref<1x200x128xf32, #tpu.memory_space<vmem>>
    %dma_wait3A_24 = tpu.memref_squeeze %dma_wait3A_23 : memref<1x200x128xf32, #tpu.memory_space<vmem>> -> memref<200x128xf32, #tpu.memory_space<vmem>>
    %dma_wait3A_25 = arith.constant 0 : i32
    %dma_wait3A_26 = tpu.memref_slice %arg9[%dma_wait3A_25] : memref<10000xi32, #tpu.memory_space<vmem>> -> memref<200xi32, #tpu.memory_space<vmem>>
    %dma_wait3A_27 = arith.constant 0 : i32
    %dma_wait3A_28 = arith.constant 0 : i32
    %dma_wait3A_29 = tpu.memref_slice %arg3[%dma_wait3A_27, %dma_wait3A_28] : memref<10000x128xf32, #tpu.memory_space<hbm>> -> memref<10000x128xf32, #tpu.memory_space<hbm>>
    %dma_wait3A_30 = tpu.memref_slice %arg12[%dma_wait3A_20] : memref<2x!tpu.dma_semaphore, #tpu.memory_space<semaphore_mem>> -> memref<1x!tpu.dma_semaphore, #tpu.memory_space<semaphore_mem>>
    %dma_wait3A_31 = tpu.memref_squeeze %dma_wait3A_30 : memref<1x!tpu.dma_semaphore, #tpu.memory_space<semaphore_mem>> -> memref<!tpu.dma_semaphore, #tpu.memory_space<semaphore_mem>>
    tpu.wait_indirect_dma semaphore(%dma_wait3A_31 : memref<!tpu.dma_semaphore, #tpu.memory_space<semaphore_mem>>) src(%dma_wait3A_29 : memref<10000x128xf32, #tpu.memory_space<hbm>>) dst(%dma_wait3A_24 : memref<200x128xf32, #tpu.memory_space<vmem>>)
    %add3A_32 = arith.constant 9800 : i32
    %add3A_33 = arith.addi %mul3A_2, %add3A_32 : i32
    %dma_start3A = arith.constant 1 : i32
    %dma_start3A_34 = arith.constant 1 : i32
    %dma_start3A_35 = arith.constant 0 : i32
    %dma_start3A_36 = arith.constant 0 : i32
    %dma_start3A_37 = tpu.memref_slice %arg10[%dma_start3A, %dma_start3A_35, %dma_start3A_36] : memref<2x200x128xf32, #tpu.memory_space<vmem>> -> memref<1x200x128xf32, #tpu.memory_space<vmem>>
    %dma_start3A_38 = tpu.memref_squeeze %dma_start3A_37 : memref<1x200x128xf32, #tpu.memory_space<vmem>> -> memref<200x128xf32, #tpu.memory_space<vmem>>
    %dma_start3A_39 = arith.constant 0 : i32
    %dma_start3A_40 = tpu.memref_slice %arg6[%add3A_33, %dma_start3A_39] : memref<320000x128xf32, #tpu.memory_space<hbm>> -> memref<200x128xf32, #tpu.memory_space<hbm>>
    %dma_start3A_41 = tpu.memref_slice %arg13[%dma_start3A_34] : memref<2x!tpu.dma_semaphore, #tpu.memory_space<semaphore_mem>> -> memref<1x!tpu.dma_semaphore, #tpu.memory_space<semaphore_mem>>
    %dma_start3A_42 = tpu.memref_squeeze %dma_start3A_41 : memref<1x!tpu.dma_semaphore, #tpu.memory_space<semaphore_mem>> -> memref<!tpu.dma_semaphore, #tpu.memory_space<semaphore_mem>>
    %dma_start3A_43 = arith.constant 0 : i32
    %dma_start3A_44 = tpu.memref_slice %arg6[%add3A_33, %dma_start3A_43] : memref<320000x128xf32, #tpu.memory_space<hbm>> -> memref<200x128xf32, #tpu.memory_space<hbm>>
    %dma_start3A_45 = arith.constant 0 : i32
    %dma_start3A_46 = arith.constant 0 : i32
    %dma_start3A_47 = tpu.memref_slice %arg10[%dma_start3A, %dma_start3A_45, %dma_start3A_46] : memref<2x200x128xf32, #tpu.memory_space<vmem>> -> memref<1x200x128xf32, #tpu.memory_space<vmem>>
    %dma_start3A_48 = tpu.memref_squeeze %dma_start3A_47 : memref<1x200x128xf32, #tpu.memory_space<vmem>> -> memref<200x128xf32, #tpu.memory_space<vmem>>
    tpu.enqueue_dma source(%dma_start3A_48 : memref<200x128xf32, #tpu.memory_space<vmem>>) target(%dma_start3A_44 : memref<200x128xf32, #tpu.memory_space<hbm>>) target_semaphore(%dma_start3A_42 : memref<!tpu.dma_semaphore, #tpu.memory_space<semaphore_mem>>)
    %dma_start3A_49 = arith.constant 1 : i32
    %dma_start3A_50 = arith.constant 1 : i32
    %dma_start3A_51 = arith.constant 0 : i32
    %dma_start3A_52 = arith.constant 0 : i32
    %dma_start3A_53 = tpu.memref_slice %arg11[%dma_start3A_49, %dma_start3A_51, %dma_start3A_52] : memref<2x200x128xf32, #tpu.memory_space<vmem>> -> memref<1x200x128xf32, #tpu.memory_space<vmem>>
    %dma_start3A_54 = tpu.memref_squeeze %dma_start3A_53 : memref<1x200x128xf32, #tpu.memory_space<vmem>> -> memref<200x128xf32, #tpu.memory_space<vmem>>
    %dma_start3A_55 = arith.constant 0 : i32
    %dma_start3A_56 = tpu.memref_slice %arg7[%add3A_33, %dma_start3A_55] : memref<320000x128xf32, #tpu.memory_space<hbm>> -> memref<200x128xf32, #tpu.memory_space<hbm>>
    %dma_start3A_57 = tpu.memref_slice %arg13[%dma_start3A_50] : memref<2x!tpu.dma_semaphore, #tpu.memory_space<semaphore_mem>> -> memref<1x!tpu.dma_semaphore, #tpu.memory_space<semaphore_mem>>
    %dma_start3A_58 = tpu.memref_squeeze %dma_start3A_57 : memref<1x!tpu.dma_semaphore, #tpu.memory_space<semaphore_mem>> -> memref<!tpu.dma_semaphore, #tpu.memory_space<semaphore_mem>>
    %dma_start3A_59 = arith.constant 0 : i32
    %dma_start3A_60 = tpu.memref_slice %arg7[%add3A_33, %dma_start3A_59] : memref<320000x128xf32, #tpu.memory_space<hbm>> -> memref<200x128xf32, #tpu.memory_space<hbm>>
    %dma_start3A_61 = arith.constant 0 : i32
    %dma_start3A_62 = arith.constant 0 : i32
    %dma_start3A_63 = tpu.memref_slice %arg11[%dma_start3A_49, %dma_start3A_61, %dma_start3A_62] : memref<2x200x128xf32, #tpu.memory_space<vmem>> -> memref<1x200x128xf32, #tpu.memory_space<vmem>>
    %dma_start3A_64 = tpu.memref_squeeze %dma_start3A_63 : memref<1x200x128xf32, #tpu.memory_space<vmem>> -> memref<200x128xf32, #tpu.memory_space<vmem>>
    tpu.enqueue_dma source(%dma_start3A_64 : memref<200x128xf32, #tpu.memory_space<vmem>>) target(%dma_start3A_60 : memref<200x128xf32, #tpu.memory_space<hbm>>) target_semaphore(%dma_start3A_58 : memref<!tpu.dma_semaphore, #tpu.memory_space<semaphore_mem>>)
    %dma_wait3A_65 = arith.constant 0 : i32
    %dma_wait3A_66 = arith.constant 0 : i32
    %dma_wait3A_67 = arith.constant 0 : i32
    %dma_wait3A_68 = arith.constant 0 : i32
    %dma_wait3A_69 = tpu.memref_slice %arg10[%dma_wait3A_65, %dma_wait3A_67, %dma_wait3A_68] : memref<2x200x128xf32, #tpu.memory_space<vmem>> -> memref<1x200x128xf32, #tpu.memory_space<vmem>>
    %dma_wait3A_70 = tpu.memref_squeeze %dma_wait3A_69 : memref<1x200x128xf32, #tpu.memory_space<vmem>> -> memref<200x128xf32, #tpu.memory_space<vmem>>
    %dma_wait3A_71 = arith.constant 0 : i32
    %dma_wait3A_72 = tpu.memref_slice %arg6[%mul3A_2, %dma_wait3A_71] : memref<320000x128xf32, #tpu.memory_space<hbm>> -> memref<200x128xf32, #tpu.memory_space<hbm>>
    %dma_wait3A_73 = tpu.memref_slice %arg13[%dma_wait3A_66] : memref<2x!tpu.dma_semaphore, #tpu.memory_space<semaphore_mem>> -> memref<1x!tpu.dma_semaphore, #tpu.memory_space<semaphore_mem>>
    %dma_wait3A_74 = tpu.memref_squeeze %dma_wait3A_73 : memref<1x!tpu.dma_semaphore, #tpu.memory_space<semaphore_mem>> -> memref<!tpu.dma_semaphore, #tpu.memory_space<semaphore_mem>>
    %dma_wait3A_75 = arith.constant 0 : i32
    %dma_wait3A_76 = tpu.memref_slice %arg6[%mul3A_2, %dma_wait3A_75] : memref<320000x128xf32, #tpu.memory_space<hbm>> -> memref<200x128xf32, #tpu.memory_space<hbm>>
    %dma_wait3A_77 = arith.constant 0 : i32
    %dma_wait3A_78 = arith.constant 0 : i32
    %dma_wait3A_79 = tpu.memref_slice %arg10[%dma_wait3A_65, %dma_wait3A_77, %dma_wait3A_78] : memref<2x200x128xf32, #tpu.memory_space<vmem>> -> memref<1x200x128xf32, #tpu.memory_space<vmem>>
    %dma_wait3A_80 = tpu.memref_squeeze %dma_wait3A_79 : memref<1x200x128xf32, #tpu.memory_space<vmem>> -> memref<200x128xf32, #tpu.memory_space<vmem>>
    tpu.wait_dma2 semaphore(%dma_wait3A_74 : memref<!tpu.dma_semaphore, #tpu.memory_space<semaphore_mem>>) src(%dma_wait3A_80 : memref<200x128xf32, #tpu.memory_space<vmem>>) dst(%dma_wait3A_76 : memref<200x128xf32, #tpu.memory_space<hbm>>)
    %dma_wait3A_81 = arith.constant 0 : i32
    %dma_wait3A_82 = arith.constant 0 : i32
    %dma_wait3A_83 = arith.constant 0 : i32
    %dma_wait3A_84 = arith.constant 0 : i32
    %dma_wait3A_85 = tpu.memref_slice %arg11[%dma_wait3A_81, %dma_wait3A_83, %dma_wait3A_84] : memref<2x200x128xf32, #tpu.memory_space<vmem>> -> memref<1x200x128xf32, #tpu.memory_space<vmem>>
    %dma_wait3A_86 = tpu.memref_squeeze %dma_wait3A_85 : memref<1x200x128xf32, #tpu.memory_space<vmem>> -> memref<200x128xf32, #tpu.memory_space<vmem>>
    %dma_wait3A_87 = arith.constant 0 : i32
    %dma_wait3A_88 = tpu.memref_slice %arg7[%mul3A_2, %dma_wait3A_87] : memref<320000x128xf32, #tpu.memory_space<hbm>> -> memref<200x128xf32, #tpu.memory_space<hbm>>
    %dma_wait3A_89 = tpu.memref_slice %arg13[%dma_wait3A_82] : memref<2x!tpu.dma_semaphore, #tpu.memory_space<semaphore_mem>> -> memref<1x!tpu.dma_semaphore, #tpu.memory_space<semaphore_mem>>
    %dma_wait3A_90 = tpu.memref_squeeze %dma_wait3A_89 : memref<1x!tpu.dma_semaphore, #tpu.memory_space<semaphore_mem>> -> memref<!tpu.dma_semaphore, #tpu.memory_space<semaphore_mem>>
    %dma_wait3A_91 = arith.constant 0 : i32
    %dma_wait3A_92 = tpu.memref_slice %arg7[%mul3A_2, %dma_wait3A_91] : memref<320000x128xf32, #tpu.memory_space<hbm>> -> memref<200x128xf32, #tpu.memory_space<hbm>>
    %dma_wait3A_93 = arith.constant 0 : i32
    %dma_wait3A_94 = arith.constant 0 : i32
    %dma_wait3A_95 = tpu.memref_slice %arg11[%dma_wait3A_81, %dma_wait3A_93, %dma_wait3A_94] : memref<2x200x128xf32, #tpu.memory_space<vmem>> -> memref<1x200x128xf32, #tpu.memory_space<vmem>>
    %dma_wait3A_96 = tpu.memref_squeeze %dma_wait3A_95 : memref<1x200x128xf32, #tpu.memory_space<vmem>> -> memref<200x128xf32, #tpu.memory_space<vmem>>
    tpu.wait_dma2 semaphore(%dma_wait3A_90 : memref<!tpu.dma_semaphore, #tpu.memory_space<semaphore_mem>>) src(%dma_wait3A_96 : memref<200x128xf32, #tpu.memory_space<vmem>>) dst(%dma_wait3A_92 : memref<200x128xf32, #tpu.memory_space<hbm>>)
    %dma_wait3A_97 = arith.constant 1 : i32
    %dma_wait3A_98 = arith.constant 1 : i32
    %dma_wait3A_99 = arith.constant 0 : i32
    %dma_wait3A_100 = arith.constant 0 : i32
    %dma_wait3A_101 = tpu.memref_slice %arg10[%dma_wait3A_97, %dma_wait3A_99, %dma_wait3A_100] : memref<2x200x128xf32, #tpu.memory_space<vmem>> -> memref<1x200x128xf32, #tpu.memory_space<vmem>>
    %dma_wait3A_102 = tpu.memref_squeeze %dma_wait3A_101 : memref<1x200x128xf32, #tpu.memory_space<vmem>> -> memref<200x128xf32, #tpu.memory_space<vmem>>
    %dma_wait3A_103 = arith.constant 0 : i32
    %dma_wait3A_104 = tpu.memref_slice %arg6[%mul3A_2, %dma_wait3A_103] : memref<320000x128xf32, #tpu.memory_space<hbm>> -> memref<200x128xf32, #tpu.memory_space<hbm>>
    %dma_wait3A_105 = tpu.memref_slice %arg13[%dma_wait3A_98] : memref<2x!tpu.dma_semaphore, #tpu.memory_space<semaphore_mem>> -> memref<1x!tpu.dma_semaphore, #tpu.memory_space<semaphore_mem>>
    %dma_wait3A_106 = tpu.memref_squeeze %dma_wait3A_105 : memref<1x!tpu.dma_semaphore, #tpu.memory_space<semaphore_mem>> -> memref<!tpu.dma_semaphore, #tpu.memory_space<semaphore_mem>>
    %dma_wait3A_107 = arith.constant 0 : i32
    %dma_wait3A_108 = tpu.memref_slice %arg6[%mul3A_2, %dma_wait3A_107] : memref<320000x128xf32, #tpu.memory_space<hbm>> -> memref<200x128xf32, #tpu.memory_space<hbm>>
    %dma_wait3A_109 = arith.constant 0 : i32
    %dma_wait3A_110 = arith.constant 0 : i32
    %dma_wait3A_111 = tpu.memref_slice %arg10[%dma_wait3A_97, %dma_wait3A_109, %dma_wait3A_110] : memref<2x200x128xf32, #tpu.memory_space<vmem>> -> memref<1x200x128xf32, #tpu.memory_space<vmem>>
    %dma_wait3A_112 = tpu.memref_squeeze %dma_wait3A_111 : memref<1x200x128xf32, #tpu.memory_space<vmem>> -> memref<200x128xf32, #tpu.memory_space<vmem>>
    tpu.wait_dma2 semaphore(%dma_wait3A_106 : memref<!tpu.dma_semaphore, #tpu.memory_space<semaphore_mem>>) src(%dma_wait3A_112 : memref<200x128xf32, #tpu.memory_space<vmem>>) dst(%dma_wait3A_108 : memref<200x128xf32, #tpu.memory_space<hbm>>)
    %dma_wait3A_113 = arith.constant 1 : i32
    %dma_wait3A_114 = arith.constant 1 : i32
    %dma_wait3A_115 = arith.constant 0 : i32
    %dma_wait3A_116 = arith.constant 0 : i32
    %dma_wait3A_117 = tpu.memref_slice %arg11[%dma_wait3A_113, %dma_wait3A_115, %dma_wait3A_116] : memref<2x200x128xf32, #tpu.memory_space<vmem>> -> memref<1x200x128xf32, #tpu.memory_space<vmem>>
    %dma_wait3A_118 = tpu.memref_squeeze %dma_wait3A_117 : memref<1x200x128xf32, #tpu.memory_space<vmem>> -> memref<200x128xf32, #tpu.memory_space<vmem>>
    %dma_wait3A_119 = arith.constant 0 : i32
    %dma_wait3A_120 = tpu.memref_slice %arg7[%mul3A_2, %dma_wait3A_119] : memref<320000x128xf32, #tpu.memory_space<hbm>> -> memref<200x128xf32, #tpu.memory_space<hbm>>
    %dma_wait3A_121 = tpu.memref_slice %arg13[%dma_wait3A_114] : memref<2x!tpu.dma_semaphore, #tpu.memory_space<semaphore_mem>> -> memref<1x!tpu.dma_semaphore, #tpu.memory_space<semaphore_mem>>
    %dma_wait3A_122 = tpu.memref_squeeze %dma_wait3A_121 : memref<1x!tpu.dma_semaphore, #tpu.memory_space<semaphore_mem>> -> memref<!tpu.dma_semaphore, #tpu.memory_space<semaphore_mem>>
    %dma_wait3A_123 = arith.constant 0 : i32
    %dma_wait3A_124 = tpu.memref_slice %arg7[%mul3A_2, %dma_wait3A_123] : memref<320000x128xf32, #tpu.memory_space<hbm>> -> memref<200x128xf32, #tpu.memory_space<hbm>>
    %dma_wait3A_125 = arith.constant 0 : i32
    %dma_wait3A_126 = arith.constant 0 : i32
    %dma_wait3A_127 = tpu.memref_slice %arg11[%dma_wait3A_113, %dma_wait3A_125, %dma_wait3A_126] : memref<2x200x128xf32, #tpu.memory_space<vmem>> -> memref<1x200x128xf32, #tpu.memory_space<vmem>>
    %dma_wait3A_128 = tpu.memref_squeeze %dma_wait3A_127 : memref<1x200x128xf32, #tpu.memory_space<vmem>> -> memref<200x128xf32, #tpu.memory_space<vmem>>
    tpu.wait_dma2 semaphore(%dma_wait3A_122 : memref<!tpu.dma_semaphore, #tpu.memory_space<semaphore_mem>>) src(%dma_wait3A_128 : memref<200x128xf32, #tpu.memory_space<vmem>>) dst(%dma_wait3A_124 : memref<200x128xf32, #tpu.memory_space<hbm>>)
    return
  }
}

#map = affine_map<(d0, d1) -> (0, 0)>
#map1 = affine_map<(d0, d1) -> (0)>
#map2 = affine_map<(d0, d1) -> (0, 0, 0)>
module attributes {stable_mosaic.version = 14 : i64} {
  func.func @_scatter_body(%arg0: i32, %arg1: i32, %arg2: memref<320000x128xf32, #tpu.memory_space<hbm>>, %arg3: memref<320000xi32, #tpu.memory_space<hbm>>, %arg4: memref<5008x128xf32, #tpu.memory_space<hbm>>, %arg5: memref<2x5000x128xf32, #tpu.memory_space<hbm>>, %arg6: memref<400xi32, #tpu.memory_space<vmem>>, %arg7: memref<5x80xi32, #tpu.memory_space<vmem>>, %arg8: memref<400x128xf32, #tpu.memory_space<vmem>>, %arg9: memref<5008x128xf32, #tpu.memory_space<vmem_shared>>) attributes {dimension_semantics = [#tpu.dimension_semantics<core_parallel>, #tpu.dimension_semantics<subcore_parallel>], iteration_bounds = array<i64: 2, 16>, scalar_prefetch = 0 : i64, scratch_operands = 4 : i64, tpu.core_type = #tpu.core_type<sc_vector_subcore>, window_params = [{transform_indices = #map}, {transform_indices = #map1}, {transform_indices = #map}, {transform_indices = #map2}]} {
    %mul3A = arith.constant 20000 : i32
    %mul3A_0 = arith.muli %arg1, %mul3A : i32
    %mul3A_1 = arith.constant 5000 : i32
    %mul3A_2 = arith.muli %arg0, %mul3A_1 : i32
    %eq3A = arith.constant 0 : i32
    %eq3A_3 = arith.cmpi eq, %arg1, %eq3A : i32
    %convert_element_type3A = arith.extui %eq3A_3 : i1 to i32
    %cond3A = arith.constant 0 : i32
    %cond3A_4 = arith.cmpi ne, %convert_element_type3A, %cond3A : i32
    scf.if %cond3A_4 {
      "tpu.region"() ({
        %run_scoped3A = tpu.sem_alloc : memref<!tpu.dma_semaphore, #tpu.memory_space<semaphore_mem>>
        tpu.enqueue_dma source(%arg4 : memref<5008x128xf32, #tpu.memory_space<hbm>>) target(%arg9 : memref<5008x128xf32, #tpu.memory_space<vmem_shared>>) target_semaphore(%run_scoped3A : memref<!tpu.dma_semaphore, #tpu.memory_space<semaphore_mem>>)
        tpu.wait_dma2 semaphore(%run_scoped3A : memref<!tpu.dma_semaphore, #tpu.memory_space<semaphore_mem>>) src(%arg4 : memref<5008x128xf32, #tpu.memory_space<hbm>>) dst(%arg9 : memref<5008x128xf32, #tpu.memory_space<vmem_shared>>)
        tpu.yield
      }) : () -> ()
    } else {
    }
    %barrier3A = arith.constant 0 : index
    tpu.barrier barrier_id(%barrier3A)
    %scan3A = arith.constant 0 : i32
    %scan3A_5 = arith.constant 50 : i32
    %scan3A_6 = arith.addi %scan3A, %scan3A_5 : i32
    %scan3A_7 = arith.constant 1 : i32
    scf.for %scan3A_14 = %scan3A to %scan3A_6 step %scan3A_7  : i32 {
      %mul3A_15 = arith.constant 1 : i32
      %mul3A_16 = arith.muli %scan3A_14, %mul3A_15 : i32
      %add3A = arith.constant 0 : i32
      %add3A_17 = arith.addi %add3A, %mul3A_16 : i32
      %mul3A_18 = arith.constant 400 : i32
      %mul3A_19 = arith.muli %add3A_17, %mul3A_18 : i32
      %add3A_20 = arith.addi %mul3A_0, %mul3A_19 : i32
      "tpu.region"() ({
        %run_scoped3A_467 = tpu.sem_alloc : memref<!tpu.dma_semaphore, #tpu.memory_space<semaphore_mem>>
        %dma_start3A = tpu.memref_slice %arg3[%add3A_20] : memref<320000xi32, #tpu.memory_space<hbm>> -> memref<400xi32, #tpu.memory_space<hbm>>
        %dma_start3A_468 = tpu.memref_slice %arg3[%add3A_20] : memref<320000xi32, #tpu.memory_space<hbm>> -> memref<400xi32, #tpu.memory_space<hbm>>
        tpu.enqueue_dma source(%dma_start3A_468 : memref<400xi32, #tpu.memory_space<hbm>>) target(%arg6 : memref<400xi32, #tpu.memory_space<vmem>>) target_semaphore(%run_scoped3A_467 : memref<!tpu.dma_semaphore, #tpu.memory_space<semaphore_mem>>)
        %dma_wait3A = tpu.memref_slice %arg3[%add3A_20] : memref<320000xi32, #tpu.memory_space<hbm>> -> memref<400xi32, #tpu.memory_space<hbm>>
        %dma_wait3A_469 = tpu.memref_slice %arg3[%add3A_20] : memref<320000xi32, #tpu.memory_space<hbm>> -> memref<400xi32, #tpu.memory_space<hbm>>
        tpu.wait_dma2 semaphore(%run_scoped3A_467 : memref<!tpu.dma_semaphore, #tpu.memory_space<semaphore_mem>>) src(%dma_wait3A_469 : memref<400xi32, #tpu.memory_space<hbm>>) dst(%arg6 : memref<400xi32, #tpu.memory_space<vmem>>)
        tpu.yield
      }) : () -> ()
      "tpu.region"() ({
        %run_scoped3A_467 = tpu.sem_alloc : memref<!tpu.dma_semaphore, #tpu.memory_space<semaphore_mem>>
        %dma_start3A = arith.constant 0 : i32
        %dma_start3A_468 = tpu.memref_slice %arg2[%add3A_20, %dma_start3A] : memref<320000x128xf32, #tpu.memory_space<hbm>> -> memref<400x128xf32, #tpu.memory_space<hbm>>
        %dma_start3A_469 = arith.constant 0 : i32
        %dma_start3A_470 = tpu.memref_slice %arg2[%add3A_20, %dma_start3A_469] : memref<320000x128xf32, #tpu.memory_space<hbm>> -> memref<400x128xf32, #tpu.memory_space<hbm>>
        tpu.enqueue_dma source(%dma_start3A_470 : memref<400x128xf32, #tpu.memory_space<hbm>>) target(%arg8 : memref<400x128xf32, #tpu.memory_space<vmem>>) target_semaphore(%run_scoped3A_467 : memref<!tpu.dma_semaphore, #tpu.memory_space<semaphore_mem>>)
        %dma_wait3A = arith.constant 0 : i32
        %dma_wait3A_471 = tpu.memref_slice %arg2[%add3A_20, %dma_wait3A] : memref<320000x128xf32, #tpu.memory_space<hbm>> -> memref<400x128xf32, #tpu.memory_space<hbm>>
        %dma_wait3A_472 = arith.constant 0 : i32
        %dma_wait3A_473 = tpu.memref_slice %arg2[%add3A_20, %dma_wait3A_472] : memref<320000x128xf32, #tpu.memory_space<hbm>> -> memref<400x128xf32, #tpu.memory_space<hbm>>
        tpu.wait_dma2 semaphore(%run_scoped3A_467 : memref<!tpu.dma_semaphore, #tpu.memory_space<semaphore_mem>>) src(%dma_wait3A_473 : memref<400x128xf32, #tpu.memory_space<hbm>>) dst(%arg8 : memref<400x128xf32, #tpu.memory_space<vmem>>)
        tpu.yield
      }) : () -> ()
      %get3A = arith.constant 0 : index
      %get3A_21 = tpu.vector_load %arg6[%get3A] {strides = array<i32>} : memref<400xi32, #tpu.memory_space<vmem>>, vector<16xi32>,
      %sub3A = vector.broadcast %mul3A_2 : i32 to vector<16xi32>
      %sub3A_22 = arith.subi %get3A_21, %sub3A : vector<16xi32>
      %lt3A_23 = arith.constant 0 : i32
      %lt3A_24 = vector.broadcast %lt3A_23 : i32 to vector<16xi32>
      %lt3A_25 = arith.cmpi slt, %sub3A_22, %lt3A_24 : vector<16xi32>
      %ge3A = arith.constant 5000 : i32
      %ge3A_26 = vector.broadcast %ge3A : i32 to vector<16xi32>
      %ge3A_27 = arith.cmpi sge, %sub3A_22, %ge3A_26 : vector<16xi32>
      %or3A = arith.ori %lt3A_25, %ge3A_27 : vector<16xi1>
      %jit3A = arith.constant 5000 : i32
      %broadcast_in_dim3A = vector.broadcast %jit3A : i32 to vector<16xi32>
      %select_n3A = arith.select %or3A, %broadcast_in_dim3A, %sub3A_22 : vector<16xi1>, vector<16xi32>
      %swap3A = arith.constant 0 : i32
      %swap3A_28 = arith.index_cast %swap3A : i32 to index
      %swap3A_29 = arith.constant 0 : index
      %swap3A_30 = tpu.vector_load %arg7[%swap3A_28, %swap3A_29] {strides = array<i32>} : memref<5x80xi32, #tpu.memory_space<vmem>>, vector<16xi32>,
      tpu.vector_store %arg7[%swap3A_28, %swap3A_29], %select_n3A {strides = array<i32>} : memref<5x80xi32, #tpu.memory_space<vmem>>, vector<16xi32>,
      %get3A_31 = arith.constant 16 : index
      %get3A_32 = tpu.vector_load %arg6[%get3A_31] {strides = array<i32>} : memref<400xi32, #tpu.memory_space<vmem>>, vector<16xi32>,
      %sub3A_33 = vector.broadcast %mul3A_2 : i32 to vector<16xi32>
      %sub3A_34 = arith.subi %get3A_32, %sub3A_33 : vector<16xi32>
      %lt3A_35 = arith.constant 0 : i32
      %lt3A_36 = vector.broadcast %lt3A_35 : i32 to vector<16xi32>
      %lt3A_37 = arith.cmpi slt, %sub3A_34, %lt3A_36 : vector<16xi32>
      %ge3A_38 = arith.constant 5000 : i32
      %ge3A_39 = vector.broadcast %ge3A_38 : i32 to vector<16xi32>
      %ge3A_40 = arith.cmpi sge, %sub3A_34, %ge3A_39 : vector<16xi32>
      %or3A_41 = arith.ori %lt3A_37, %ge3A_40 : vector<16xi1>
      %jit3A_42 = arith.constant 5000 : i32
      %broadcast_in_dim3A_43 = vector.broadcast %jit3A_42 : i32 to vector<16xi32>
      %select_n3A_44 = arith.select %or3A_41, %broadcast_in_dim3A_43, %sub3A_34 : vector<16xi1>, vector<16xi32>
      %swap3A_45 = arith.constant 0 : i32
      %swap3A_46 = arith.index_cast %swap3A_45 : i32 to index
      %swap3A_47 = arith.constant 16 : index
      %swap3A_48 = tpu.vector_load %arg7[%swap3A_46, %swap3A_47] {strides = array<i32>} : memref<5x80xi32, #tpu.memory_space<vmem>>, vector<16xi32>,
      tpu.vector_store %arg7[%swap3A_46, %swap3A_47], %select_n3A_44 {strides = array<i32>} : memref<5x80xi32, #tpu.memory_space<vmem>>, vector<16xi32>,
      %get3A_49 = arith.constant 32 : index
      %get3A_50 = tpu.vector_load %arg6[%get3A_49] {strides = array<i32>} : memref<400xi32, #tpu.memory_space<vmem>>, vector<16xi32>,
      %sub3A_51 = vector.broadcast %mul3A_2 : i32 to vector<16xi32>
      %sub3A_52 = arith.subi %get3A_50, %sub3A_51 : vector<16xi32>
      %lt3A_53 = arith.constant 0 : i32
      %lt3A_54 = vector.broadcast %lt3A_53 : i32 to vector<16xi32>
      %lt3A_55 = arith.cmpi slt, %sub3A_52, %lt3A_54 : vector<16xi32>
      %ge3A_56 = arith.constant 5000 : i32
      %ge3A_57 = vector.broadcast %ge3A_56 : i32 to vector<16xi32>
      %ge3A_58 = arith.cmpi sge, %sub3A_52, %ge3A_57 : vector<16xi32>
      %or3A_59 = arith.ori %lt3A_55, %ge3A_58 : vector<16xi1>
      %jit3A_60 = arith.constant 5000 : i32
      %broadcast_in_dim3A_61 = vector.broadcast %jit3A_60 : i32 to vector<16xi32>
      %select_n3A_62 = arith.select %or3A_59, %broadcast_in_dim3A_61, %sub3A_52 : vector<16xi1>, vector<16xi32>
      %swap3A_63 = arith.constant 0 : i32
      %swap3A_64 = arith.index_cast %swap3A_63 : i32 to index
      %swap3A_65 = arith.constant 32 : index
      %swap3A_66 = tpu.vector_load %arg7[%swap3A_64, %swap3A_65] {strides = array<i32>} : memref<5x80xi32, #tpu.memory_space<vmem>>, vector<16xi32>,
      tpu.vector_store %arg7[%swap3A_64, %swap3A_65], %select_n3A_62 {strides = array<i32>} : memref<5x80xi32, #tpu.memory_space<vmem>>, vector<16xi32>,
      %get3A_67 = arith.constant 48 : index
      %get3A_68 = tpu.vector_load %arg6[%get3A_67] {strides = array<i32>} : memref<400xi32, #tpu.memory_space<vmem>>, vector<16xi32>,
      %sub3A_69 = vector.broadcast %mul3A_2 : i32 to vector<16xi32>
      %sub3A_70 = arith.subi %get3A_68, %sub3A_69 : vector<16xi32>
      %lt3A_71 = arith.constant 0 : i32
      %lt3A_72 = vector.broadcast %lt3A_71 : i32 to vector<16xi32>
      %lt3A_73 = arith.cmpi slt, %sub3A_70, %lt3A_72 : vector<16xi32>
      %ge3A_74 = arith.constant 5000 : i32
      %ge3A_75 = vector.broadcast %ge3A_74 : i32 to vector<16xi32>
      %ge3A_76 = arith.cmpi sge, %sub3A_70, %ge3A_75 : vector<16xi32>
      %or3A_77 = arith.ori %lt3A_73, %ge3A_76 : vector<16xi1>
      %jit3A_78 = arith.constant 5000 : i32
      %broadcast_in_dim3A_79 = vector.broadcast %jit3A_78 : i32 to vector<16xi32>
      %select_n3A_80 = arith.select %or3A_77, %broadcast_in_dim3A_79, %sub3A_70 : vector<16xi1>, vector<16xi32>
      %swap3A_81 = arith.constant 0 : i32
      %swap3A_82 = arith.index_cast %swap3A_81 : i32 to index
      %swap3A_83 = arith.constant 48 : index
      %swap3A_84 = tpu.vector_load %arg7[%swap3A_82, %swap3A_83] {strides = array<i32>} : memref<5x80xi32, #tpu.memory_space<vmem>>, vector<16xi32>,
      tpu.vector_store %arg7[%swap3A_82, %swap3A_83], %select_n3A_80 {strides = array<i32>} : memref<5x80xi32, #tpu.memory_space<vmem>>, vector<16xi32>,
      %get3A_85 = arith.constant 64 : index
      %get3A_86 = tpu.vector_load %arg6[%get3A_85] {strides = array<i32>} : memref<400xi32, #tpu.memory_space<vmem>>, vector<16xi32>,
      %sub3A_87 = vector.broadcast %mul3A_2 : i32 to vector<16xi32>
      %sub3A_88 = arith.subi %get3A_86, %sub3A_87 : vector<16xi32>
      %lt3A_89 = arith.constant 0 : i32
      %lt3A_90 = vector.broadcast %lt3A_89 : i32 to vector<16xi32>
      %lt3A_91 = arith.cmpi slt, %sub3A_88, %lt3A_90 : vector<16xi32>
      %ge3A_92 = arith.constant 5000 : i32
      %ge3A_93 = vector.broadcast %ge3A_92 : i32 to vector<16xi32>
      %ge3A_94 = arith.cmpi sge, %sub3A_88, %ge3A_93 : vector<16xi32>
      %or3A_95 = arith.ori %lt3A_91, %ge3A_94 : vector<16xi1>
      %jit3A_96 = arith.constant 5000 : i32
      %broadcast_in_dim3A_97 = vector.broadcast %jit3A_96 : i32 to vector<16xi32>
      %select_n3A_98 = arith.select %or3A_95, %broadcast_in_dim3A_97, %sub3A_88 : vector<16xi1>, vector<16xi32>
      %swap3A_99 = arith.constant 0 : i32
      %swap3A_100 = arith.index_cast %swap3A_99 : i32 to index
      %swap3A_101 = arith.constant 64 : index
      %swap3A_102 = tpu.vector_load %arg7[%swap3A_100, %swap3A_101] {strides = array<i32>} : memref<5x80xi32, #tpu.memory_space<vmem>>, vector<16xi32>,
      tpu.vector_store %arg7[%swap3A_100, %swap3A_101], %select_n3A_98 {strides = array<i32>} : memref<5x80xi32, #tpu.memory_space<vmem>>, vector<16xi32>,
      %get3A_103 = arith.constant 80 : index
      %get3A_104 = tpu.vector_load %arg6[%get3A_103] {strides = array<i32>} : memref<400xi32, #tpu.memory_space<vmem>>, vector<16xi32>,
      %sub3A_105 = vector.broadcast %mul3A_2 : i32 to vector<16xi32>
      %sub3A_106 = arith.subi %get3A_104, %sub3A_105 : vector<16xi32>
      %lt3A_107 = arith.constant 0 : i32
      %lt3A_108 = vector.broadcast %lt3A_107 : i32 to vector<16xi32>
      %lt3A_109 = arith.cmpi slt, %sub3A_106, %lt3A_108 : vector<16xi32>
      %ge3A_110 = arith.constant 5000 : i32
      %ge3A_111 = vector.broadcast %ge3A_110 : i32 to vector<16xi32>
      %ge3A_112 = arith.cmpi sge, %sub3A_106, %ge3A_111 : vector<16xi32>
      %or3A_113 = arith.ori %lt3A_109, %ge3A_112 : vector<16xi1>
      %jit3A_114 = arith.constant 5000 : i32
      %broadcast_in_dim3A_115 = vector.broadcast %jit3A_114 : i32 to vector<16xi32>
      %select_n3A_116 = arith.select %or3A_113, %broadcast_in_dim3A_115, %sub3A_106 : vector<16xi1>, vector<16xi32>
      %swap3A_117 = arith.constant 1 : i32
      %swap3A_118 = arith.index_cast %swap3A_117 : i32 to index
      %swap3A_119 = arith.constant 0 : index
      %swap3A_120 = tpu.vector_load %arg7[%swap3A_118, %swap3A_119] {strides = array<i32>} : memref<5x80xi32, #tpu.memory_space<vmem>>, vector<16xi32>,
      tpu.vector_store %arg7[%swap3A_118, %swap3A_119], %select_n3A_116 {strides = array<i32>} : memref<5x80xi32, #tpu.memory_space<vmem>>, vector<16xi32>,
      %get3A_121 = arith.constant 96 : index
      %get3A_122 = tpu.vector_load %arg6[%get3A_121] {strides = array<i32>} : memref<400xi32, #tpu.memory_space<vmem>>, vector<16xi32>,
      %sub3A_123 = vector.broadcast %mul3A_2 : i32 to vector<16xi32>
      %sub3A_124 = arith.subi %get3A_122, %sub3A_123 : vector<16xi32>
      %lt3A_125 = arith.constant 0 : i32
      %lt3A_126 = vector.broadcast %lt3A_125 : i32 to vector<16xi32>
      %lt3A_127 = arith.cmpi slt, %sub3A_124, %lt3A_126 : vector<16xi32>
      %ge3A_128 = arith.constant 5000 : i32
      %ge3A_129 = vector.broadcast %ge3A_128 : i32 to vector<16xi32>
      %ge3A_130 = arith.cmpi sge, %sub3A_124, %ge3A_129 : vector<16xi32>
      %or3A_131 = arith.ori %lt3A_127, %ge3A_130 : vector<16xi1>
      %jit3A_132 = arith.constant 5000 : i32
      %broadcast_in_dim3A_133 = vector.broadcast %jit3A_132 : i32 to vector<16xi32>
      %select_n3A_134 = arith.select %or3A_131, %broadcast_in_dim3A_133, %sub3A_124 : vector<16xi1>, vector<16xi32>
      %swap3A_135 = arith.constant 1 : i32
      %swap3A_136 = arith.index_cast %swap3A_135 : i32 to index
      %swap3A_137 = arith.constant 16 : index
      %swap3A_138 = tpu.vector_load %arg7[%swap3A_136, %swap3A_137] {strides = array<i32>} : memref<5x80xi32, #tpu.memory_space<vmem>>, vector<16xi32>,
      tpu.vector_store %arg7[%swap3A_136, %swap3A_137], %select_n3A_134 {strides = array<i32>} : memref<5x80xi32, #tpu.memory_space<vmem>>, vector<16xi32>,
      %get3A_139 = arith.constant 112 : index
      %get3A_140 = tpu.vector_load %arg6[%get3A_139] {strides = array<i32>} : memref<400xi32, #tpu.memory_space<vmem>>, vector<16xi32>,
      %sub3A_141 = vector.broadcast %mul3A_2 : i32 to vector<16xi32>
      %sub3A_142 = arith.subi %get3A_140, %sub3A_141 : vector<16xi32>
      %lt3A_143 = arith.constant 0 : i32
      %lt3A_144 = vector.broadcast %lt3A_143 : i32 to vector<16xi32>
      %lt3A_145 = arith.cmpi slt, %sub3A_142, %lt3A_144 : vector<16xi32>
      %ge3A_146 = arith.constant 5000 : i32
      %ge3A_147 = vector.broadcast %ge3A_146 : i32 to vector<16xi32>
      %ge3A_148 = arith.cmpi sge, %sub3A_142, %ge3A_147 : vector<16xi32>
      %or3A_149 = arith.ori %lt3A_145, %ge3A_148 : vector<16xi1>
      %jit3A_150 = arith.constant 5000 : i32
      %broadcast_in_dim3A_151 = vector.broadcast %jit3A_150 : i32 to vector<16xi32>
      %select_n3A_152 = arith.select %or3A_149, %broadcast_in_dim3A_151, %sub3A_142 : vector<16xi1>, vector<16xi32>
      %swap3A_153 = arith.constant 1 : i32
      %swap3A_154 = arith.index_cast %swap3A_153 : i32 to index
      %swap3A_155 = arith.constant 32 : index
      %swap3A_156 = tpu.vector_load %arg7[%swap3A_154, %swap3A_155] {strides = array<i32>} : memref<5x80xi32, #tpu.memory_space<vmem>>, vector<16xi32>,
      tpu.vector_store %arg7[%swap3A_154, %swap3A_155], %select_n3A_152 {strides = array<i32>} : memref<5x80xi32, #tpu.memory_space<vmem>>, vector<16xi32>,
      %get3A_157 = arith.constant 128 : index
      %get3A_158 = tpu.vector_load %arg6[%get3A_157] {strides = array<i32>} : memref<400xi32, #tpu.memory_space<vmem>>, vector<16xi32>,
      %sub3A_159 = vector.broadcast %mul3A_2 : i32 to vector<16xi32>
      %sub3A_160 = arith.subi %get3A_158, %sub3A_159 : vector<16xi32>
      %lt3A_161 = arith.constant 0 : i32
      %lt3A_162 = vector.broadcast %lt3A_161 : i32 to vector<16xi32>
      %lt3A_163 = arith.cmpi slt, %sub3A_160, %lt3A_162 : vector<16xi32>
      %ge3A_164 = arith.constant 5000 : i32
      %ge3A_165 = vector.broadcast %ge3A_164 : i32 to vector<16xi32>
      %ge3A_166 = arith.cmpi sge, %sub3A_160, %ge3A_165 : vector<16xi32>
      %or3A_167 = arith.ori %lt3A_163, %ge3A_166 : vector<16xi1>
      %jit3A_168 = arith.constant 5000 : i32
      %broadcast_in_dim3A_169 = vector.broadcast %jit3A_168 : i32 to vector<16xi32>
      %select_n3A_170 = arith.select %or3A_167, %broadcast_in_dim3A_169, %sub3A_160 : vector<16xi1>, vector<16xi32>
      %swap3A_171 = arith.constant 1 : i32
      %swap3A_172 = arith.index_cast %swap3A_171 : i32 to index
      %swap3A_173 = arith.constant 48 : index
      %swap3A_174 = tpu.vector_load %arg7[%swap3A_172, %swap3A_173] {strides = array<i32>} : memref<5x80xi32, #tpu.memory_space<vmem>>, vector<16xi32>,
      tpu.vector_store %arg7[%swap3A_172, %swap3A_173], %select_n3A_170 {strides = array<i32>} : memref<5x80xi32, #tpu.memory_space<vmem>>, vector<16xi32>,
      %get3A_175 = arith.constant 144 : index
      %get3A_176 = tpu.vector_load %arg6[%get3A_175] {strides = array<i32>} : memref<400xi32, #tpu.memory_space<vmem>>, vector<16xi32>,
      %sub3A_177 = vector.broadcast %mul3A_2 : i32 to vector<16xi32>
      %sub3A_178 = arith.subi %get3A_176, %sub3A_177 : vector<16xi32>
      %lt3A_179 = arith.constant 0 : i32
      %lt3A_180 = vector.broadcast %lt3A_179 : i32 to vector<16xi32>
      %lt3A_181 = arith.cmpi slt, %sub3A_178, %lt3A_180 : vector<16xi32>
      %ge3A_182 = arith.constant 5000 : i32
      %ge3A_183 = vector.broadcast %ge3A_182 : i32 to vector<16xi32>
      %ge3A_184 = arith.cmpi sge, %sub3A_178, %ge3A_183 : vector<16xi32>
      %or3A_185 = arith.ori %lt3A_181, %ge3A_184 : vector<16xi1>
      %jit3A_186 = arith.constant 5000 : i32
      %broadcast_in_dim3A_187 = vector.broadcast %jit3A_186 : i32 to vector<16xi32>
      %select_n3A_188 = arith.select %or3A_185, %broadcast_in_dim3A_187, %sub3A_178 : vector<16xi1>, vector<16xi32>
      %swap3A_189 = arith.constant 1 : i32
      %swap3A_190 = arith.index_cast %swap3A_189 : i32 to index
      %swap3A_191 = arith.constant 64 : index
      %swap3A_192 = tpu.vector_load %arg7[%swap3A_190, %swap3A_191] {strides = array<i32>} : memref<5x80xi32, #tpu.memory_space<vmem>>, vector<16xi32>,
      tpu.vector_store %arg7[%swap3A_190, %swap3A_191], %select_n3A_188 {strides = array<i32>} : memref<5x80xi32, #tpu.memory_space<vmem>>, vector<16xi32>,
      %get3A_193 = arith.constant 160 : index
      %get3A_194 = tpu.vector_load %arg6[%get3A_193] {strides = array<i32>} : memref<400xi32, #tpu.memory_space<vmem>>, vector<16xi32>,
      %sub3A_195 = vector.broadcast %mul3A_2 : i32 to vector<16xi32>
      %sub3A_196 = arith.subi %get3A_194, %sub3A_195 : vector<16xi32>
      %lt3A_197 = arith.constant 0 : i32
      %lt3A_198 = vector.broadcast %lt3A_197 : i32 to vector<16xi32>
      %lt3A_199 = arith.cmpi slt, %sub3A_196, %lt3A_198 : vector<16xi32>
      %ge3A_200 = arith.constant 5000 : i32
      %ge3A_201 = vector.broadcast %ge3A_200 : i32 to vector<16xi32>
      %ge3A_202 = arith.cmpi sge, %sub3A_196, %ge3A_201 : vector<16xi32>
      %or3A_203 = arith.ori %lt3A_199, %ge3A_202 : vector<16xi1>
      %jit3A_204 = arith.constant 5000 : i32
      %broadcast_in_dim3A_205 = vector.broadcast %jit3A_204 : i32 to vector<16xi32>
      %select_n3A_206 = arith.select %or3A_203, %broadcast_in_dim3A_205, %sub3A_196 : vector<16xi1>, vector<16xi32>
      %swap3A_207 = arith.constant 2 : i32
      %swap3A_208 = arith.index_cast %swap3A_207 : i32 to index
      %swap3A_209 = arith.constant 0 : index
      %swap3A_210 = tpu.vector_load %arg7[%swap3A_208, %swap3A_209] {strides = array<i32>} : memref<5x80xi32, #tpu.memory_space<vmem>>, vector<16xi32>,
      tpu.vector_store %arg7[%swap3A_208, %swap3A_209], %select_n3A_206 {strides = array<i32>} : memref<5x80xi32, #tpu.memory_space<vmem>>, vector<16xi32>,
      %get3A_211 = arith.constant 176 : index
      %get3A_212 = tpu.vector_load %arg6[%get3A_211] {strides = array<i32>} : memref<400xi32, #tpu.memory_space<vmem>>, vector<16xi32>,
      %sub3A_213 = vector.broadcast %mul3A_2 : i32 to vector<16xi32>
      %sub3A_214 = arith.subi %get3A_212, %sub3A_213 : vector<16xi32>
      %lt3A_215 = arith.constant 0 : i32
      %lt3A_216 = vector.broadcast %lt3A_215 : i32 to vector<16xi32>
      %lt3A_217 = arith.cmpi slt, %sub3A_214, %lt3A_216 : vector<16xi32>
      %ge3A_218 = arith.constant 5000 : i32
      %ge3A_219 = vector.broadcast %ge3A_218 : i32 to vector<16xi32>
      %ge3A_220 = arith.cmpi sge, %sub3A_214, %ge3A_219 : vector<16xi32>
      %or3A_221 = arith.ori %lt3A_217, %ge3A_220 : vector<16xi1>
      %jit3A_222 = arith.constant 5000 : i32
      %broadcast_in_dim3A_223 = vector.broadcast %jit3A_222 : i32 to vector<16xi32>
      %select_n3A_224 = arith.select %or3A_221, %broadcast_in_dim3A_223, %sub3A_214 : vector<16xi1>, vector<16xi32>
      %swap3A_225 = arith.constant 2 : i32
      %swap3A_226 = arith.index_cast %swap3A_225 : i32 to index
      %swap3A_227 = arith.constant 16 : index
      %swap3A_228 = tpu.vector_load %arg7[%swap3A_226, %swap3A_227] {strides = array<i32>} : memref<5x80xi32, #tpu.memory_space<vmem>>, vector<16xi32>,
      tpu.vector_store %arg7[%swap3A_226, %swap3A_227], %select_n3A_224 {strides = array<i32>} : memref<5x80xi32, #tpu.memory_space<vmem>>, vector<16xi32>,
      %get3A_229 = arith.constant 192 : index
      %get3A_230 = tpu.vector_load %arg6[%get3A_229] {strides = array<i32>} : memref<400xi32, #tpu.memory_space<vmem>>, vector<16xi32>,
      %sub3A_231 = vector.broadcast %mul3A_2 : i32 to vector<16xi32>
      %sub3A_232 = arith.subi %get3A_230, %sub3A_231 : vector<16xi32>
      %lt3A_233 = arith.constant 0 : i32
      %lt3A_234 = vector.broadcast %lt3A_233 : i32 to vector<16xi32>
      %lt3A_235 = arith.cmpi slt, %sub3A_232, %lt3A_234 : vector<16xi32>
      %ge3A_236 = arith.constant 5000 : i32
      %ge3A_237 = vector.broadcast %ge3A_236 : i32 to vector<16xi32>
      %ge3A_238 = arith.cmpi sge, %sub3A_232, %ge3A_237 : vector<16xi32>
      %or3A_239 = arith.ori %lt3A_235, %ge3A_238 : vector<16xi1>
      %jit3A_240 = arith.constant 5000 : i32
      %broadcast_in_dim3A_241 = vector.broadcast %jit3A_240 : i32 to vector<16xi32>
      %select_n3A_242 = arith.select %or3A_239, %broadcast_in_dim3A_241, %sub3A_232 : vector<16xi1>, vector<16xi32>
      %swap3A_243 = arith.constant 2 : i32
      %swap3A_244 = arith.index_cast %swap3A_243 : i32 to index
      %swap3A_245 = arith.constant 32 : index
      %swap3A_246 = tpu.vector_load %arg7[%swap3A_244, %swap3A_245] {strides = array<i32>} : memref<5x80xi32, #tpu.memory_space<vmem>>, vector<16xi32>,
      tpu.vector_store %arg7[%swap3A_244, %swap3A_245], %select_n3A_242 {strides = array<i32>} : memref<5x80xi32, #tpu.memory_space<vmem>>, vector<16xi32>,
      %get3A_247 = arith.constant 208 : index
      %get3A_248 = tpu.vector_load %arg6[%get3A_247] {strides = array<i32>} : memref<400xi32, #tpu.memory_space<vmem>>, vector<16xi32>,
      %sub3A_249 = vector.broadcast %mul3A_2 : i32 to vector<16xi32>
      %sub3A_250 = arith.subi %get3A_248, %sub3A_249 : vector<16xi32>
      %lt3A_251 = arith.constant 0 : i32
      %lt3A_252 = vector.broadcast %lt3A_251 : i32 to vector<16xi32>
      %lt3A_253 = arith.cmpi slt, %sub3A_250, %lt3A_252 : vector<16xi32>
      %ge3A_254 = arith.constant 5000 : i32
      %ge3A_255 = vector.broadcast %ge3A_254 : i32 to vector<16xi32>
      %ge3A_256 = arith.cmpi sge, %sub3A_250, %ge3A_255 : vector<16xi32>
      %or3A_257 = arith.ori %lt3A_253, %ge3A_256 : vector<16xi1>
      %jit3A_258 = arith.constant 5000 : i32
      %broadcast_in_dim3A_259 = vector.broadcast %jit3A_258 : i32 to vector<16xi32>
      %select_n3A_260 = arith.select %or3A_257, %broadcast_in_dim3A_259, %sub3A_250 : vector<16xi1>, vector<16xi32>
      %swap3A_261 = arith.constant 2 : i32
      %swap3A_262 = arith.index_cast %swap3A_261 : i32 to index
      %swap3A_263 = arith.constant 48 : index
      %swap3A_264 = tpu.vector_load %arg7[%swap3A_262, %swap3A_263] {strides = array<i32>} : memref<5x80xi32, #tpu.memory_space<vmem>>, vector<16xi32>,
      tpu.vector_store %arg7[%swap3A_262, %swap3A_263], %select_n3A_260 {strides = array<i32>} : memref<5x80xi32, #tpu.memory_space<vmem>>, vector<16xi32>,
      %get3A_265 = arith.constant 224 : index
      %get3A_266 = tpu.vector_load %arg6[%get3A_265] {strides = array<i32>} : memref<400xi32, #tpu.memory_space<vmem>>, vector<16xi32>,
      %sub3A_267 = vector.broadcast %mul3A_2 : i32 to vector<16xi32>
      %sub3A_268 = arith.subi %get3A_266, %sub3A_267 : vector<16xi32>
      %lt3A_269 = arith.constant 0 : i32
      %lt3A_270 = vector.broadcast %lt3A_269 : i32 to vector<16xi32>
      %lt3A_271 = arith.cmpi slt, %sub3A_268, %lt3A_270 : vector<16xi32>
      %ge3A_272 = arith.constant 5000 : i32
      %ge3A_273 = vector.broadcast %ge3A_272 : i32 to vector<16xi32>
      %ge3A_274 = arith.cmpi sge, %sub3A_268, %ge3A_273 : vector<16xi32>
      %or3A_275 = arith.ori %lt3A_271, %ge3A_274 : vector<16xi1>
      %jit3A_276 = arith.constant 5000 : i32
      %broadcast_in_dim3A_277 = vector.broadcast %jit3A_276 : i32 to vector<16xi32>
      %select_n3A_278 = arith.select %or3A_275, %broadcast_in_dim3A_277, %sub3A_268 : vector<16xi1>, vector<16xi32>
      %swap3A_279 = arith.constant 2 : i32
      %swap3A_280 = arith.index_cast %swap3A_279 : i32 to index
      %swap3A_281 = arith.constant 64 : index
      %swap3A_282 = tpu.vector_load %arg7[%swap3A_280, %swap3A_281] {strides = array<i32>} : memref<5x80xi32, #tpu.memory_space<vmem>>, vector<16xi32>,
      tpu.vector_store %arg7[%swap3A_280, %swap3A_281], %select_n3A_278 {strides = array<i32>} : memref<5x80xi32, #tpu.memory_space<vmem>>, vector<16xi32>,
      %get3A_283 = arith.constant 240 : index
      %get3A_284 = tpu.vector_load %arg6[%get3A_283] {strides = array<i32>} : memref<400xi32, #tpu.memory_space<vmem>>, vector<16xi32>,
      %sub3A_285 = vector.broadcast %mul3A_2 : i32 to vector<16xi32>
      %sub3A_286 = arith.subi %get3A_284, %sub3A_285 : vector<16xi32>
      %lt3A_287 = arith.constant 0 : i32
      %lt3A_288 = vector.broadcast %lt3A_287 : i32 to vector<16xi32>
      %lt3A_289 = arith.cmpi slt, %sub3A_286, %lt3A_288 : vector<16xi32>
      %ge3A_290 = arith.constant 5000 : i32
      %ge3A_291 = vector.broadcast %ge3A_290 : i32 to vector<16xi32>
      %ge3A_292 = arith.cmpi sge, %sub3A_286, %ge3A_291 : vector<16xi32>
      %or3A_293 = arith.ori %lt3A_289, %ge3A_292 : vector<16xi1>
      %jit3A_294 = arith.constant 5000 : i32
      %broadcast_in_dim3A_295 = vector.broadcast %jit3A_294 : i32 to vector<16xi32>
      %select_n3A_296 = arith.select %or3A_293, %broadcast_in_dim3A_295, %sub3A_286 : vector<16xi1>, vector<16xi32>
      %swap3A_297 = arith.constant 3 : i32
      %swap3A_298 = arith.index_cast %swap3A_297 : i32 to index
      %swap3A_299 = arith.constant 0 : index
      %swap3A_300 = tpu.vector_load %arg7[%swap3A_298, %swap3A_299] {strides = array<i32>} : memref<5x80xi32, #tpu.memory_space<vmem>>, vector<16xi32>,
      tpu.vector_store %arg7[%swap3A_298, %swap3A_299], %select_n3A_296 {strides = array<i32>} : memref<5x80xi32, #tpu.memory_space<vmem>>, vector<16xi32>,
      %get3A_301 = arith.constant 256 : index
      %get3A_302 = tpu.vector_load %arg6[%get3A_301] {strides = array<i32>} : memref<400xi32, #tpu.memory_space<vmem>>, vector<16xi32>,
      %sub3A_303 = vector.broadcast %mul3A_2 : i32 to vector<16xi32>
      %sub3A_304 = arith.subi %get3A_302, %sub3A_303 : vector<16xi32>
      %lt3A_305 = arith.constant 0 : i32
      %lt3A_306 = vector.broadcast %lt3A_305 : i32 to vector<16xi32>
      %lt3A_307 = arith.cmpi slt, %sub3A_304, %lt3A_306 : vector<16xi32>
      %ge3A_308 = arith.constant 5000 : i32
      %ge3A_309 = vector.broadcast %ge3A_308 : i32 to vector<16xi32>
      %ge3A_310 = arith.cmpi sge, %sub3A_304, %ge3A_309 : vector<16xi32>
      %or3A_311 = arith.ori %lt3A_307, %ge3A_310 : vector<16xi1>
      %jit3A_312 = arith.constant 5000 : i32
      %broadcast_in_dim3A_313 = vector.broadcast %jit3A_312 : i32 to vector<16xi32>
      %select_n3A_314 = arith.select %or3A_311, %broadcast_in_dim3A_313, %sub3A_304 : vector<16xi1>, vector<16xi32>
      %swap3A_315 = arith.constant 3 : i32
      %swap3A_316 = arith.index_cast %swap3A_315 : i32 to index
      %swap3A_317 = arith.constant 16 : index
      %swap3A_318 = tpu.vector_load %arg7[%swap3A_316, %swap3A_317] {strides = array<i32>} : memref<5x80xi32, #tpu.memory_space<vmem>>, vector<16xi32>,
      tpu.vector_store %arg7[%swap3A_316, %swap3A_317], %select_n3A_314 {strides = array<i32>} : memref<5x80xi32, #tpu.memory_space<vmem>>, vector<16xi32>,
      %get3A_319 = arith.constant 272 : index
      %get3A_320 = tpu.vector_load %arg6[%get3A_319] {strides = array<i32>} : memref<400xi32, #tpu.memory_space<vmem>>, vector<16xi32>,
      %sub3A_321 = vector.broadcast %mul3A_2 : i32 to vector<16xi32>
      %sub3A_322 = arith.subi %get3A_320, %sub3A_321 : vector<16xi32>
      %lt3A_323 = arith.constant 0 : i32
      %lt3A_324 = vector.broadcast %lt3A_323 : i32 to vector<16xi32>
      %lt3A_325 = arith.cmpi slt, %sub3A_322, %lt3A_324 : vector<16xi32>
      %ge3A_326 = arith.constant 5000 : i32
      %ge3A_327 = vector.broadcast %ge3A_326 : i32 to vector<16xi32>
      %ge3A_328 = arith.cmpi sge, %sub3A_322, %ge3A_327 : vector<16xi32>
      %or3A_329 = arith.ori %lt3A_325, %ge3A_328 : vector<16xi1>
      %jit3A_330 = arith.constant 5000 : i32
      %broadcast_in_dim3A_331 = vector.broadcast %jit3A_330 : i32 to vector<16xi32>
      %select_n3A_332 = arith.select %or3A_329, %broadcast_in_dim3A_331, %sub3A_322 : vector<16xi1>, vector<16xi32>
      %swap3A_333 = arith.constant 3 : i32
      %swap3A_334 = arith.index_cast %swap3A_333 : i32 to index
      %swap3A_335 = arith.constant 32 : index
      %swap3A_336 = tpu.vector_load %arg7[%swap3A_334, %swap3A_335] {strides = array<i32>} : memref<5x80xi32, #tpu.memory_space<vmem>>, vector<16xi32>,
      tpu.vector_store %arg7[%swap3A_334, %swap3A_335], %select_n3A_332 {strides = array<i32>} : memref<5x80xi32, #tpu.memory_space<vmem>>, vector<16xi32>,
      %get3A_337 = arith.constant 288 : index
      %get3A_338 = tpu.vector_load %arg6[%get3A_337] {strides = array<i32>} : memref<400xi32, #tpu.memory_space<vmem>>, vector<16xi32>,
      %sub3A_339 = vector.broadcast %mul3A_2 : i32 to vector<16xi32>
      %sub3A_340 = arith.subi %get3A_338, %sub3A_339 : vector<16xi32>
      %lt3A_341 = arith.constant 0 : i32
      %lt3A_342 = vector.broadcast %lt3A_341 : i32 to vector<16xi32>
      %lt3A_343 = arith.cmpi slt, %sub3A_340, %lt3A_342 : vector<16xi32>
      %ge3A_344 = arith.constant 5000 : i32
      %ge3A_345 = vector.broadcast %ge3A_344 : i32 to vector<16xi32>
      %ge3A_346 = arith.cmpi sge, %sub3A_340, %ge3A_345 : vector<16xi32>
      %or3A_347 = arith.ori %lt3A_343, %ge3A_346 : vector<16xi1>
      %jit3A_348 = arith.constant 5000 : i32
      %broadcast_in_dim3A_349 = vector.broadcast %jit3A_348 : i32 to vector<16xi32>
      %select_n3A_350 = arith.select %or3A_347, %broadcast_in_dim3A_349, %sub3A_340 : vector<16xi1>, vector<16xi32>
      %swap3A_351 = arith.constant 3 : i32
      %swap3A_352 = arith.index_cast %swap3A_351 : i32 to index
      %swap3A_353 = arith.constant 48 : index
      %swap3A_354 = tpu.vector_load %arg7[%swap3A_352, %swap3A_353] {strides = array<i32>} : memref<5x80xi32, #tpu.memory_space<vmem>>, vector<16xi32>,
      tpu.vector_store %arg7[%swap3A_352, %swap3A_353], %select_n3A_350 {strides = array<i32>} : memref<5x80xi32, #tpu.memory_space<vmem>>, vector<16xi32>,
      %get3A_355 = arith.constant 304 : index
      %get3A_356 = tpu.vector_load %arg6[%get3A_355] {strides = array<i32>} : memref<400xi32, #tpu.memory_space<vmem>>, vector<16xi32>,
      %sub3A_357 = vector.broadcast %mul3A_2 : i32 to vector<16xi32>
      %sub3A_358 = arith.subi %get3A_356, %sub3A_357 : vector<16xi32>
      %lt3A_359 = arith.constant 0 : i32
      %lt3A_360 = vector.broadcast %lt3A_359 : i32 to vector<16xi32>
      %lt3A_361 = arith.cmpi slt, %sub3A_358, %lt3A_360 : vector<16xi32>
      %ge3A_362 = arith.constant 5000 : i32
      %ge3A_363 = vector.broadcast %ge3A_362 : i32 to vector<16xi32>
      %ge3A_364 = arith.cmpi sge, %sub3A_358, %ge3A_363 : vector<16xi32>
      %or3A_365 = arith.ori %lt3A_361, %ge3A_364 : vector<16xi1>
      %jit3A_366 = arith.constant 5000 : i32
      %broadcast_in_dim3A_367 = vector.broadcast %jit3A_366 : i32 to vector<16xi32>
      %select_n3A_368 = arith.select %or3A_365, %broadcast_in_dim3A_367, %sub3A_358 : vector<16xi1>, vector<16xi32>
      %swap3A_369 = arith.constant 3 : i32
      %swap3A_370 = arith.index_cast %swap3A_369 : i32 to index
      %swap3A_371 = arith.constant 64 : index
      %swap3A_372 = tpu.vector_load %arg7[%swap3A_370, %swap3A_371] {strides = array<i32>} : memref<5x80xi32, #tpu.memory_space<vmem>>, vector<16xi32>,
      tpu.vector_store %arg7[%swap3A_370, %swap3A_371], %select_n3A_368 {strides = array<i32>} : memref<5x80xi32, #tpu.memory_space<vmem>>, vector<16xi32>,
      %get3A_373 = arith.constant 320 : index
      %get3A_374 = tpu.vector_load %arg6[%get3A_373] {strides = array<i32>} : memref<400xi32, #tpu.memory_space<vmem>>, vector<16xi32>,
      %sub3A_375 = vector.broadcast %mul3A_2 : i32 to vector<16xi32>
      %sub3A_376 = arith.subi %get3A_374, %sub3A_375 : vector<16xi32>
      %lt3A_377 = arith.constant 0 : i32
      %lt3A_378 = vector.broadcast %lt3A_377 : i32 to vector<16xi32>
      %lt3A_379 = arith.cmpi slt, %sub3A_376, %lt3A_378 : vector<16xi32>
      %ge3A_380 = arith.constant 5000 : i32
      %ge3A_381 = vector.broadcast %ge3A_380 : i32 to vector<16xi32>
      %ge3A_382 = arith.cmpi sge, %sub3A_376, %ge3A_381 : vector<16xi32>
      %or3A_383 = arith.ori %lt3A_379, %ge3A_382 : vector<16xi1>
      %jit3A_384 = arith.constant 5000 : i32
      %broadcast_in_dim3A_385 = vector.broadcast %jit3A_384 : i32 to vector<16xi32>
      %select_n3A_386 = arith.select %or3A_383, %broadcast_in_dim3A_385, %sub3A_376 : vector<16xi1>, vector<16xi32>
      %swap3A_387 = arith.constant 4 : i32
      %swap3A_388 = arith.index_cast %swap3A_387 : i32 to index
      %swap3A_389 = arith.constant 0 : index
      %swap3A_390 = tpu.vector_load %arg7[%swap3A_388, %swap3A_389] {strides = array<i32>} : memref<5x80xi32, #tpu.memory_space<vmem>>, vector<16xi32>,
      tpu.vector_store %arg7[%swap3A_388, %swap3A_389], %select_n3A_386 {strides = array<i32>} : memref<5x80xi32, #tpu.memory_space<vmem>>, vector<16xi32>,
      %get3A_391 = arith.constant 336 : index
      %get3A_392 = tpu.vector_load %arg6[%get3A_391] {strides = array<i32>} : memref<400xi32, #tpu.memory_space<vmem>>, vector<16xi32>,
      %sub3A_393 = vector.broadcast %mul3A_2 : i32 to vector<16xi32>
      %sub3A_394 = arith.subi %get3A_392, %sub3A_393 : vector<16xi32>
      %lt3A_395 = arith.constant 0 : i32
      %lt3A_396 = vector.broadcast %lt3A_395 : i32 to vector<16xi32>
      %lt3A_397 = arith.cmpi slt, %sub3A_394, %lt3A_396 : vector<16xi32>
      %ge3A_398 = arith.constant 5000 : i32
      %ge3A_399 = vector.broadcast %ge3A_398 : i32 to vector<16xi32>
      %ge3A_400 = arith.cmpi sge, %sub3A_394, %ge3A_399 : vector<16xi32>
      %or3A_401 = arith.ori %lt3A_397, %ge3A_400 : vector<16xi1>
      %jit3A_402 = arith.constant 5000 : i32
      %broadcast_in_dim3A_403 = vector.broadcast %jit3A_402 : i32 to vector<16xi32>
      %select_n3A_404 = arith.select %or3A_401, %broadcast_in_dim3A_403, %sub3A_394 : vector<16xi1>, vector<16xi32>
      %swap3A_405 = arith.constant 4 : i32
      %swap3A_406 = arith.index_cast %swap3A_405 : i32 to index
      %swap3A_407 = arith.constant 16 : index
      %swap3A_408 = tpu.vector_load %arg7[%swap3A_406, %swap3A_407] {strides = array<i32>} : memref<5x80xi32, #tpu.memory_space<vmem>>, vector<16xi32>,
      tpu.vector_store %arg7[%swap3A_406, %swap3A_407], %select_n3A_404 {strides = array<i32>} : memref<5x80xi32, #tpu.memory_space<vmem>>, vector<16xi32>,
      %get3A_409 = arith.constant 352 : index
      %get3A_410 = tpu.vector_load %arg6[%get3A_409] {strides = array<i32>} : memref<400xi32, #tpu.memory_space<vmem>>, vector<16xi32>,
      %sub3A_411 = vector.broadcast %mul3A_2 : i32 to vector<16xi32>
      %sub3A_412 = arith.subi %get3A_410, %sub3A_411 : vector<16xi32>
      %lt3A_413 = arith.constant 0 : i32
      %lt3A_414 = vector.broadcast %lt3A_413 : i32 to vector<16xi32>
      %lt3A_415 = arith.cmpi slt, %sub3A_412, %lt3A_414 : vector<16xi32>
      %ge3A_416 = arith.constant 5000 : i32
      %ge3A_417 = vector.broadcast %ge3A_416 : i32 to vector<16xi32>
      %ge3A_418 = arith.cmpi sge, %sub3A_412, %ge3A_417 : vector<16xi32>
      %or3A_419 = arith.ori %lt3A_415, %ge3A_418 : vector<16xi1>
      %jit3A_420 = arith.constant 5000 : i32
      %broadcast_in_dim3A_421 = vector.broadcast %jit3A_420 : i32 to vector<16xi32>
      %select_n3A_422 = arith.select %or3A_419, %broadcast_in_dim3A_421, %sub3A_412 : vector<16xi1>, vector<16xi32>
      %swap3A_423 = arith.constant 4 : i32
      %swap3A_424 = arith.index_cast %swap3A_423 : i32 to index
      %swap3A_425 = arith.constant 32 : index
      %swap3A_426 = tpu.vector_load %arg7[%swap3A_424, %swap3A_425] {strides = array<i32>} : memref<5x80xi32, #tpu.memory_space<vmem>>, vector<16xi32>,
      tpu.vector_store %arg7[%swap3A_424, %swap3A_425], %select_n3A_422 {strides = array<i32>} : memref<5x80xi32, #tpu.memory_space<vmem>>, vector<16xi32>,
      %get3A_427 = arith.constant 368 : index
      %get3A_428 = tpu.vector_load %arg6[%get3A_427] {strides = array<i32>} : memref<400xi32, #tpu.memory_space<vmem>>, vector<16xi32>,
      %sub3A_429 = vector.broadcast %mul3A_2 : i32 to vector<16xi32>
      %sub3A_430 = arith.subi %get3A_428, %sub3A_429 : vector<16xi32>
      %lt3A_431 = arith.constant 0 : i32
      %lt3A_432 = vector.broadcast %lt3A_431 : i32 to vector<16xi32>
      %lt3A_433 = arith.cmpi slt, %sub3A_430, %lt3A_432 : vector<16xi32>
      %ge3A_434 = arith.constant 5000 : i32
      %ge3A_435 = vector.broadcast %ge3A_434 : i32 to vector<16xi32>
      %ge3A_436 = arith.cmpi sge, %sub3A_430, %ge3A_435 : vector<16xi32>
      %or3A_437 = arith.ori %lt3A_433, %ge3A_436 : vector<16xi1>
      %jit3A_438 = arith.constant 5000 : i32
      %broadcast_in_dim3A_439 = vector.broadcast %jit3A_438 : i32 to vector<16xi32>
      %select_n3A_440 = arith.select %or3A_437, %broadcast_in_dim3A_439, %sub3A_430 : vector<16xi1>, vector<16xi32>
      %swap3A_441 = arith.constant 4 : i32
      %swap3A_442 = arith.index_cast %swap3A_441 : i32 to index
      %swap3A_443 = arith.constant 48 : index
      %swap3A_444 = tpu.vector_load %arg7[%swap3A_442, %swap3A_443] {strides = array<i32>} : memref<5x80xi32, #tpu.memory_space<vmem>>, vector<16xi32>,
      tpu.vector_store %arg7[%swap3A_442, %swap3A_443], %select_n3A_440 {strides = array<i32>} : memref<5x80xi32, #tpu.memory_space<vmem>>, vector<16xi32>,
      %get3A_445 = arith.constant 384 : index
      %get3A_446 = tpu.vector_load %arg6[%get3A_445] {strides = array<i32>} : memref<400xi32, #tpu.memory_space<vmem>>, vector<16xi32>,
      %sub3A_447 = vector.broadcast %mul3A_2 : i32 to vector<16xi32>
      %sub3A_448 = arith.subi %get3A_446, %sub3A_447 : vector<16xi32>
      %lt3A_449 = arith.constant 0 : i32
      %lt3A_450 = vector.broadcast %lt3A_449 : i32 to vector<16xi32>
      %lt3A_451 = arith.cmpi slt, %sub3A_448, %lt3A_450 : vector<16xi32>
      %ge3A_452 = arith.constant 5000 : i32
      %ge3A_453 = vector.broadcast %ge3A_452 : i32 to vector<16xi32>
      %ge3A_454 = arith.cmpi sge, %sub3A_448, %ge3A_453 : vector<16xi32>
      %or3A_455 = arith.ori %lt3A_451, %ge3A_454 : vector<16xi1>
      %jit3A_456 = arith.constant 5000 : i32
      %broadcast_in_dim3A_457 = vector.broadcast %jit3A_456 : i32 to vector<16xi32>
      %select_n3A_458 = arith.select %or3A_455, %broadcast_in_dim3A_457, %sub3A_448 : vector<16xi1>, vector<16xi32>
      %swap3A_459 = arith.constant 4 : i32
      %swap3A_460 = arith.index_cast %swap3A_459 : i32 to index
      %swap3A_461 = arith.constant 64 : index
      %swap3A_462 = tpu.vector_load %arg7[%swap3A_460, %swap3A_461] {strides = array<i32>} : memref<5x80xi32, #tpu.memory_space<vmem>>, vector<16xi32>,
      tpu.vector_store %arg7[%swap3A_460, %swap3A_461], %select_n3A_458 {strides = array<i32>} : memref<5x80xi32, #tpu.memory_space<vmem>>, vector<16xi32>,
      %run_scoped3A = arith.constant 0 : i32
      "tpu.region"() ({
        %run_scoped3A_467 = tpu.sem_alloc : memref<!tpu.dma_semaphore, #tpu.memory_space<semaphore_mem>>
        %dma_start3A = arith.constant 0 : i32
        %dma_start3A_468 = arith.constant 0 : i32
        %dma_start3A_469 = tpu.memref_slice %arg8[%dma_start3A, %dma_start3A_468] : memref<400x128xf32, #tpu.memory_space<vmem>> -> memref<80x128xf32, #tpu.memory_space<vmem>>
        %dma_start3A_470 = arith.constant 0 : i32
        %dma_start3A_471 = tpu.memref_slice %arg7[%run_scoped3A, %dma_start3A_470] : memref<5x80xi32, #tpu.memory_space<vmem>> -> memref<1x80xi32, #tpu.memory_space<vmem>>
        %dma_start3A_472 = tpu.memref_squeeze %dma_start3A_471 : memref<1x80xi32, #tpu.memory_space<vmem>> -> memref<80xi32, #tpu.memory_space<vmem>>
        %dma_start3A_473 = arith.constant 0 : i32
        %dma_start3A_474 = arith.constant 0 : i32
        %dma_start3A_475 = tpu.memref_slice %arg9[%dma_start3A_473, %dma_start3A_474] : memref<5008x128xf32, #tpu.memory_space<vmem_shared>> -> memref<5008x128xf32, #tpu.memory_space<vmem_shared>>
        tpu.enqueue_indirect_dma source(%dma_start3A_469 : memref<80x128xf32, #tpu.memory_space<vmem>>) target(%dma_start3A_475 : memref<5008x128xf32, #tpu.memory_space<vmem_shared>>) offsets(%dma_start3A_472 : memref<80xi32, #tpu.memory_space<vmem>>) semaphore(%run_scoped3A_467 : memref<!tpu.dma_semaphore, #tpu.memory_space<semaphore_mem>>) {add = true}
        %dma_wait3A = arith.constant 0 : i32
        %dma_wait3A_476 = arith.constant 0 : i32
        %dma_wait3A_477 = tpu.memref_slice %arg8[%dma_wait3A, %dma_wait3A_476] : memref<400x128xf32, #tpu.memory_space<vmem>> -> memref<80x128xf32, #tpu.memory_space<vmem>>
        %dma_wait3A_478 = arith.constant 0 : i32
        %dma_wait3A_479 = tpu.memref_slice %arg7[%run_scoped3A, %dma_wait3A_478] : memref<5x80xi32, #tpu.memory_space<vmem>> -> memref<1x80xi32, #tpu.memory_space<vmem>>
        %dma_wait3A_480 = tpu.memref_squeeze %dma_wait3A_479 : memref<1x80xi32, #tpu.memory_space<vmem>> -> memref<80xi32, #tpu.memory_space<vmem>>
        %dma_wait3A_481 = arith.constant 0 : i32
        %dma_wait3A_482 = arith.constant 0 : i32
        %dma_wait3A_483 = tpu.memref_slice %arg9[%dma_wait3A_481, %dma_wait3A_482] : memref<5008x128xf32, #tpu.memory_space<vmem_shared>> -> memref<5008x128xf32, #tpu.memory_space<vmem_shared>>
        tpu.wait_indirect_dma semaphore(%run_scoped3A_467 : memref<!tpu.dma_semaphore, #tpu.memory_space<semaphore_mem>>) src(%dma_wait3A_477 : memref<80x128xf32, #tpu.memory_space<vmem>>) dst(%dma_wait3A_483 : memref<5008x128xf32, #tpu.memory_space<vmem_shared>>)
        tpu.yield
      }) : () -> ()
      %run_scoped3A_463 = arith.constant 1 : i32
      "tpu.region"() ({
        %run_scoped3A_467 = tpu.sem_alloc : memref<!tpu.dma_semaphore, #tpu.memory_space<semaphore_mem>>
        %dma_start3A = arith.constant 80 : i32
        %dma_start3A_468 = arith.constant 0 : i32
        %dma_start3A_469 = tpu.memref_slice %arg8[%dma_start3A, %dma_start3A_468] : memref<400x128xf32, #tpu.memory_space<vmem>> -> memref<80x128xf32, #tpu.memory_space<vmem>>
        %dma_start3A_470 = arith.constant 0 : i32
        %dma_start3A_471 = tpu.memref_slice %arg7[%run_scoped3A_463, %dma_start3A_470] : memref<5x80xi32, #tpu.memory_space<vmem>> -> memref<1x80xi32, #tpu.memory_space<vmem>>
        %dma_start3A_472 = tpu.memref_squeeze %dma_start3A_471 : memref<1x80xi32, #tpu.memory_space<vmem>> -> memref<80xi32, #tpu.memory_space<vmem>>
        %dma_start3A_473 = arith.constant 0 : i32
        %dma_start3A_474 = arith.constant 0 : i32
        %dma_start3A_475 = tpu.memref_slice %arg9[%dma_start3A_473, %dma_start3A_474] : memref<5008x128xf32, #tpu.memory_space<vmem_shared>> -> memref<5008x128xf32, #tpu.memory_space<vmem_shared>>
        tpu.enqueue_indirect_dma source(%dma_start3A_469 : memref<80x128xf32, #tpu.memory_space<vmem>>) target(%dma_start3A_475 : memref<5008x128xf32, #tpu.memory_space<vmem_shared>>) offsets(%dma_start3A_472 : memref<80xi32, #tpu.memory_space<vmem>>) semaphore(%run_scoped3A_467 : memref<!tpu.dma_semaphore, #tpu.memory_space<semaphore_mem>>) {add = true}
        %dma_wait3A = arith.constant 80 : i32
        %dma_wait3A_476 = arith.constant 0 : i32
        %dma_wait3A_477 = tpu.memref_slice %arg8[%dma_wait3A, %dma_wait3A_476] : memref<400x128xf32, #tpu.memory_space<vmem>> -> memref<80x128xf32, #tpu.memory_space<vmem>>
        %dma_wait3A_478 = arith.constant 0 : i32
        %dma_wait3A_479 = tpu.memref_slice %arg7[%run_scoped3A_463, %dma_wait3A_478] : memref<5x80xi32, #tpu.memory_space<vmem>> -> memref<1x80xi32, #tpu.memory_space<vmem>>
        %dma_wait3A_480 = tpu.memref_squeeze %dma_wait3A_479 : memref<1x80xi32, #tpu.memory_space<vmem>> -> memref<80xi32, #tpu.memory_space<vmem>>
        %dma_wait3A_481 = arith.constant 0 : i32
        %dma_wait3A_482 = arith.constant 0 : i32
        %dma_wait3A_483 = tpu.memref_slice %arg9[%dma_wait3A_481, %dma_wait3A_482] : memref<5008x128xf32, #tpu.memory_space<vmem_shared>> -> memref<5008x128xf32, #tpu.memory_space<vmem_shared>>
        tpu.wait_indirect_dma semaphore(%run_scoped3A_467 : memref<!tpu.dma_semaphore, #tpu.memory_space<semaphore_mem>>) src(%dma_wait3A_477 : memref<80x128xf32, #tpu.memory_space<vmem>>) dst(%dma_wait3A_483 : memref<5008x128xf32, #tpu.memory_space<vmem_shared>>)
        tpu.yield
      }) : () -> ()
      %run_scoped3A_464 = arith.constant 2 : i32
      "tpu.region"() ({
        %run_scoped3A_467 = tpu.sem_alloc : memref<!tpu.dma_semaphore, #tpu.memory_space<semaphore_mem>>
        %dma_start3A = arith.constant 160 : i32
        %dma_start3A_468 = arith.constant 0 : i32
        %dma_start3A_469 = tpu.memref_slice %arg8[%dma_start3A, %dma_start3A_468] : memref<400x128xf32, #tpu.memory_space<vmem>> -> memref<80x128xf32, #tpu.memory_space<vmem>>
        %dma_start3A_470 = arith.constant 0 : i32
        %dma_start3A_471 = tpu.memref_slice %arg7[%run_scoped3A_464, %dma_start3A_470] : memref<5x80xi32, #tpu.memory_space<vmem>> -> memref<1x80xi32, #tpu.memory_space<vmem>>
        %dma_start3A_472 = tpu.memref_squeeze %dma_start3A_471 : memref<1x80xi32, #tpu.memory_space<vmem>> -> memref<80xi32, #tpu.memory_space<vmem>>
        %dma_start3A_473 = arith.constant 0 : i32
        %dma_start3A_474 = arith.constant 0 : i32
        %dma_start3A_475 = tpu.memref_slice %arg9[%dma_start3A_473, %dma_start3A_474] : memref<5008x128xf32, #tpu.memory_space<vmem_shared>> -> memref<5008x128xf32, #tpu.memory_space<vmem_shared>>
        tpu.enqueue_indirect_dma source(%dma_start3A_469 : memref<80x128xf32, #tpu.memory_space<vmem>>) target(%dma_start3A_475 : memref<5008x128xf32, #tpu.memory_space<vmem_shared>>) offsets(%dma_start3A_472 : memref<80xi32, #tpu.memory_space<vmem>>) semaphore(%run_scoped3A_467 : memref<!tpu.dma_semaphore, #tpu.memory_space<semaphore_mem>>) {add = true}
        %dma_wait3A = arith.constant 160 : i32
        %dma_wait3A_476 = arith.constant 0 : i32
        %dma_wait3A_477 = tpu.memref_slice %arg8[%dma_wait3A, %dma_wait3A_476] : memref<400x128xf32, #tpu.memory_space<vmem>> -> memref<80x128xf32, #tpu.memory_space<vmem>>
        %dma_wait3A_478 = arith.constant 0 : i32
        %dma_wait3A_479 = tpu.memref_slice %arg7[%run_scoped3A_464, %dma_wait3A_478] : memref<5x80xi32, #tpu.memory_space<vmem>> -> memref<1x80xi32, #tpu.memory_space<vmem>>
        %dma_wait3A_480 = tpu.memref_squeeze %dma_wait3A_479 : memref<1x80xi32, #tpu.memory_space<vmem>> -> memref<80xi32, #tpu.memory_space<vmem>>
        %dma_wait3A_481 = arith.constant 0 : i32
        %dma_wait3A_482 = arith.constant 0 : i32
        %dma_wait3A_483 = tpu.memref_slice %arg9[%dma_wait3A_481, %dma_wait3A_482] : memref<5008x128xf32, #tpu.memory_space<vmem_shared>> -> memref<5008x128xf32, #tpu.memory_space<vmem_shared>>
        tpu.wait_indirect_dma semaphore(%run_scoped3A_467 : memref<!tpu.dma_semaphore, #tpu.memory_space<semaphore_mem>>) src(%dma_wait3A_477 : memref<80x128xf32, #tpu.memory_space<vmem>>) dst(%dma_wait3A_483 : memref<5008x128xf32, #tpu.memory_space<vmem_shared>>)
        tpu.yield
      }) : () -> ()
      %run_scoped3A_465 = arith.constant 3 : i32
      "tpu.region"() ({
        %run_scoped3A_467 = tpu.sem_alloc : memref<!tpu.dma_semaphore, #tpu.memory_space<semaphore_mem>>
        %dma_start3A = arith.constant 240 : i32
        %dma_start3A_468 = arith.constant 0 : i32
        %dma_start3A_469 = tpu.memref_slice %arg8[%dma_start3A, %dma_start3A_468] : memref<400x128xf32, #tpu.memory_space<vmem>> -> memref<80x128xf32, #tpu.memory_space<vmem>>
        %dma_start3A_470 = arith.constant 0 : i32
        %dma_start3A_471 = tpu.memref_slice %arg7[%run_scoped3A_465, %dma_start3A_470] : memref<5x80xi32, #tpu.memory_space<vmem>> -> memref<1x80xi32, #tpu.memory_space<vmem>>
        %dma_start3A_472 = tpu.memref_squeeze %dma_start3A_471 : memref<1x80xi32, #tpu.memory_space<vmem>> -> memref<80xi32, #tpu.memory_space<vmem>>
        %dma_start3A_473 = arith.constant 0 : i32
        %dma_start3A_474 = arith.constant 0 : i32
        %dma_start3A_475 = tpu.memref_slice %arg9[%dma_start3A_473, %dma_start3A_474] : memref<5008x128xf32, #tpu.memory_space<vmem_shared>> -> memref<5008x128xf32, #tpu.memory_space<vmem_shared>>
        tpu.enqueue_indirect_dma source(%dma_start3A_469 : memref<80x128xf32, #tpu.memory_space<vmem>>) target(%dma_start3A_475 : memref<5008x128xf32, #tpu.memory_space<vmem_shared>>) offsets(%dma_start3A_472 : memref<80xi32, #tpu.memory_space<vmem>>) semaphore(%run_scoped3A_467 : memref<!tpu.dma_semaphore, #tpu.memory_space<semaphore_mem>>) {add = true}
        %dma_wait3A = arith.constant 240 : i32
        %dma_wait3A_476 = arith.constant 0 : i32
        %dma_wait3A_477 = tpu.memref_slice %arg8[%dma_wait3A, %dma_wait3A_476] : memref<400x128xf32, #tpu.memory_space<vmem>> -> memref<80x128xf32, #tpu.memory_space<vmem>>
        %dma_wait3A_478 = arith.constant 0 : i32
        %dma_wait3A_479 = tpu.memref_slice %arg7[%run_scoped3A_465, %dma_wait3A_478] : memref<5x80xi32, #tpu.memory_space<vmem>> -> memref<1x80xi32, #tpu.memory_space<vmem>>
        %dma_wait3A_480 = tpu.memref_squeeze %dma_wait3A_479 : memref<1x80xi32, #tpu.memory_space<vmem>> -> memref<80xi32, #tpu.memory_space<vmem>>
        %dma_wait3A_481 = arith.constant 0 : i32
        %dma_wait3A_482 = arith.constant 0 : i32
        %dma_wait3A_483 = tpu.memref_slice %arg9[%dma_wait3A_481, %dma_wait3A_482] : memref<5008x128xf32, #tpu.memory_space<vmem_shared>> -> memref<5008x128xf32, #tpu.memory_space<vmem_shared>>
        tpu.wait_indirect_dma semaphore(%run_scoped3A_467 : memref<!tpu.dma_semaphore, #tpu.memory_space<semaphore_mem>>) src(%dma_wait3A_477 : memref<80x128xf32, #tpu.memory_space<vmem>>) dst(%dma_wait3A_483 : memref<5008x128xf32, #tpu.memory_space<vmem_shared>>)
        tpu.yield
      }) : () -> ()
      %run_scoped3A_466 = arith.constant 4 : i32
      "tpu.region"() ({
        %run_scoped3A_467 = tpu.sem_alloc : memref<!tpu.dma_semaphore, #tpu.memory_space<semaphore_mem>>
        %dma_start3A = arith.constant 320 : i32
        %dma_start3A_468 = arith.constant 0 : i32
        %dma_start3A_469 = tpu.memref_slice %arg8[%dma_start3A, %dma_start3A_468] : memref<400x128xf32, #tpu.memory_space<vmem>> -> memref<80x128xf32, #tpu.memory_space<vmem>>
        %dma_start3A_470 = arith.constant 0 : i32
        %dma_start3A_471 = tpu.memref_slice %arg7[%run_scoped3A_466, %dma_start3A_470] : memref<5x80xi32, #tpu.memory_space<vmem>> -> memref<1x80xi32, #tpu.memory_space<vmem>>
        %dma_start3A_472 = tpu.memref_squeeze %dma_start3A_471 : memref<1x80xi32, #tpu.memory_space<vmem>> -> memref<80xi32, #tpu.memory_space<vmem>>
        %dma_start3A_473 = arith.constant 0 : i32
        %dma_start3A_474 = arith.constant 0 : i32
        %dma_start3A_475 = tpu.memref_slice %arg9[%dma_start3A_473, %dma_start3A_474] : memref<5008x128xf32, #tpu.memory_space<vmem_shared>> -> memref<5008x128xf32, #tpu.memory_space<vmem_shared>>
        tpu.enqueue_indirect_dma source(%dma_start3A_469 : memref<80x128xf32, #tpu.memory_space<vmem>>) target(%dma_start3A_475 : memref<5008x128xf32, #tpu.memory_space<vmem_shared>>) offsets(%dma_start3A_472 : memref<80xi32, #tpu.memory_space<vmem>>) semaphore(%run_scoped3A_467 : memref<!tpu.dma_semaphore, #tpu.memory_space<semaphore_mem>>) {add = true}
        %dma_wait3A = arith.constant 320 : i32
        %dma_wait3A_476 = arith.constant 0 : i32
        %dma_wait3A_477 = tpu.memref_slice %arg8[%dma_wait3A, %dma_wait3A_476] : memref<400x128xf32, #tpu.memory_space<vmem>> -> memref<80x128xf32, #tpu.memory_space<vmem>>
        %dma_wait3A_478 = arith.constant 0 : i32
        %dma_wait3A_479 = tpu.memref_slice %arg7[%run_scoped3A_466, %dma_wait3A_478] : memref<5x80xi32, #tpu.memory_space<vmem>> -> memref<1x80xi32, #tpu.memory_space<vmem>>
        %dma_wait3A_480 = tpu.memref_squeeze %dma_wait3A_479 : memref<1x80xi32, #tpu.memory_space<vmem>> -> memref<80xi32, #tpu.memory_space<vmem>>
        %dma_wait3A_481 = arith.constant 0 : i32
        %dma_wait3A_482 = arith.constant 0 : i32
        %dma_wait3A_483 = tpu.memref_slice %arg9[%dma_wait3A_481, %dma_wait3A_482] : memref<5008x128xf32, #tpu.memory_space<vmem_shared>> -> memref<5008x128xf32, #tpu.memory_space<vmem_shared>>
        tpu.wait_indirect_dma semaphore(%run_scoped3A_467 : memref<!tpu.dma_semaphore, #tpu.memory_space<semaphore_mem>>) src(%dma_wait3A_477 : memref<80x128xf32, #tpu.memory_space<vmem>>) dst(%dma_wait3A_483 : memref<5008x128xf32, #tpu.memory_space<vmem_shared>>)
        tpu.yield
      }) : () -> ()
    }
    %scan3A_8 = arith.constant 50 : i32
    %barrier3A_9 = arith.constant 0 : index
    tpu.barrier barrier_id(%barrier3A_9)
    %lt3A = arith.constant 5 : i32
    %lt3A_10 = arith.cmpi slt, %arg1, %lt3A : i32
    %convert_element_type3A_11 = arith.extui %lt3A_10 : i1 to i32
    %cond3A_12 = arith.constant 0 : i32
    %cond3A_13 = arith.cmpi ne, %convert_element_type3A_11, %cond3A_12 : i32
    scf.if %cond3A_13 {
      %mul3A_14 = arith.constant 1000 : i32
      %mul3A_15 = arith.muli %arg1, %mul3A_14 : i32
      %mul3A_16 = arith.constant 1000 : i32
      %mul3A_17 = arith.muli %arg1, %mul3A_16 : i32
      "tpu.region"() ({
        %run_scoped3A = tpu.sem_alloc : memref<!tpu.dma_semaphore, #tpu.memory_space<semaphore_mem>>
        %dma_start3A = arith.constant 0 : i32
        %dma_start3A_18 = tpu.memref_slice %arg5[%arg0, %mul3A_17, %dma_start3A] : memref<2x5000x128xf32, #tpu.memory_space<hbm>> -> memref<1x1000x128xf32, #tpu.memory_space<hbm>>
        %dma_start3A_19 = tpu.memref_squeeze %dma_start3A_18 : memref<1x1000x128xf32, #tpu.memory_space<hbm>> -> memref<1000x128xf32, #tpu.memory_space<hbm>>
        %dma_start3A_20 = arith.constant 0 : i32
        %dma_start3A_21 = tpu.memref_slice %arg9[%mul3A_15, %dma_start3A_20] : memref<5008x128xf32, #tpu.memory_space<vmem_shared>> -> memref<1000x128xf32, #tpu.memory_space<vmem_shared>>
        tpu.enqueue_dma source(%dma_start3A_21 : memref<1000x128xf32, #tpu.memory_space<vmem_shared>>) target(%dma_start3A_19 : memref<1000x128xf32, #tpu.memory_space<hbm>>) target_semaphore(%run_scoped3A : memref<!tpu.dma_semaphore, #tpu.memory_space<semaphore_mem>>)
        %dma_wait3A = arith.constant 0 : i32
        %dma_wait3A_22 = tpu.memref_slice %arg5[%arg0, %mul3A_17, %dma_wait3A] : memref<2x5000x128xf32, #tpu.memory_space<hbm>> -> memref<1x1000x128xf32, #tpu.memory_space<hbm>>
        %dma_wait3A_23 = tpu.memref_squeeze %dma_wait3A_22 : memref<1x1000x128xf32, #tpu.memory_space<hbm>> -> memref<1000x128xf32, #tpu.memory_space<hbm>>
        %dma_wait3A_24 = arith.constant 0 : i32
        %dma_wait3A_25 = tpu.memref_slice %arg9[%mul3A_15, %dma_wait3A_24] : memref<5008x128xf32, #tpu.memory_space<vmem_shared>> -> memref<1000x128xf32, #tpu.memory_space<vmem_shared>>
        tpu.wait_dma2 semaphore(%run_scoped3A : memref<!tpu.dma_semaphore, #tpu.memory_space<semaphore_mem>>) src(%dma_wait3A_25 : memref<1000x128xf32, #tpu.memory_space<vmem_shared>>) dst(%dma_wait3A_23 : memref<1000x128xf32, #tpu.memory_space<hbm>>)
        tpu.yield
      }) : () -> ()
    } else {
    }
    return
  }
}

#map = affine_map<(d0, d1) -> (0, 0)>
#map1 = affine_map<(d0, d1) -> (0)>
module attributes {stable_mosaic.version = 14 : i64} {
  func.func @_gather2_body(%arg0: i32, %arg1: i32, %arg2: memref<10000x128xf32, #tpu.memory_space<hbm>>, %arg3: memref<10000x128xf32, #tpu.memory_space<hbm>>, %arg4: memref<320000xi32, #tpu.memory_space<hbm>>, %arg5: memref<320000xi32, #tpu.memory_space<hbm>>, %arg6: memref<320000x128xf32, #tpu.memory_space<hbm>>, %arg7: memref<320000x128xf32, #tpu.memory_space<hbm>>, %arg8: memref<10000xi32, #tpu.memory_space<vmem>>, %arg9: memref<10000xi32, #tpu.memory_space<vmem>>, %arg10: memref<2x200x128xf32, #tpu.memory_space<vmem>>, %arg11: memref<2x200x128xf32, #tpu.memory_space<vmem>>, %arg12: memref<2x!tpu.dma_semaphore, #tpu.memory_space<semaphore_mem>>, %arg13: memref<2x!tpu.dma_semaphore, #tpu.memory_space<semaphore_mem>>) attributes {dimension_semantics = [#tpu.dimension_semantics<core_parallel>, #tpu.dimension_semantics<subcore_parallel>], iteration_bounds = array<i64: 2, 16>, scalar_prefetch = 0 : i64, scratch_operands = 6 : i64, tpu.core_type = #tpu.core_type<sc_vector_subcore>, window_params = [{transform_indices = #map}, {transform_indices = #map}, {transform_indices = #map1}, {transform_indices = #map1}, {transform_indices = #map}, {transform_indices = #map}]} {
    %mul3A = arith.constant 2 : i32
    %mul3A_0 = arith.muli %arg1, %mul3A : i32
    %add3A = arith.addi %mul3A_0, %arg0 : i32
    %mul3A_1 = arith.constant 10000 : i32
    %mul3A_2 = arith.muli %add3A, %mul3A_1 : i32
    "tpu.region"() ({
      %run_scoped3A = tpu.sem_alloc : memref<!tpu.dma_semaphore, #tpu.memory_space<semaphore_mem>>
      %dma_start3A_129 = tpu.memref_slice %arg4[%mul3A_2] : memref<320000xi32, #tpu.memory_space<hbm>> -> memref<10000xi32, #tpu.memory_space<hbm>>
      %dma_start3A_130 = tpu.memref_slice %arg4[%mul3A_2] : memref<320000xi32, #tpu.memory_space<hbm>> -> memref<10000xi32, #tpu.memory_space<hbm>>
      tpu.enqueue_dma source(%dma_start3A_130 : memref<10000xi32, #tpu.memory_space<hbm>>) target(%arg8 : memref<10000xi32, #tpu.memory_space<vmem>>) target_semaphore(%run_scoped3A : memref<!tpu.dma_semaphore, #tpu.memory_space<semaphore_mem>>)
      %dma_wait3A_131 = tpu.memref_slice %arg4[%mul3A_2] : memref<320000xi32, #tpu.memory_space<hbm>> -> memref<10000xi32, #tpu.memory_space<hbm>>
      %dma_wait3A_132 = tpu.memref_slice %arg4[%mul3A_2] : memref<320000xi32, #tpu.memory_space<hbm>> -> memref<10000xi32, #tpu.memory_space<hbm>>
      tpu.wait_dma2 semaphore(%run_scoped3A : memref<!tpu.dma_semaphore, #tpu.memory_space<semaphore_mem>>) src(%dma_wait3A_132 : memref<10000xi32, #tpu.memory_space<hbm>>) dst(%arg8 : memref<10000xi32, #tpu.memory_space<vmem>>)
      tpu.yield
    }) : () -> ()
    "tpu.region"() ({
      %run_scoped3A = tpu.sem_alloc : memref<!tpu.dma_semaphore, #tpu.memory_space<semaphore_mem>>
      %dma_start3A_129 = tpu.memref_slice %arg5[%mul3A_2] : memref<320000xi32, #tpu.memory_space<hbm>> -> memref<10000xi32, #tpu.memory_space<hbm>>
      %dma_start3A_130 = tpu.memref_slice %arg5[%mul3A_2] : memref<320000xi32, #tpu.memory_space<hbm>> -> memref<10000xi32, #tpu.memory_space<hbm>>
      tpu.enqueue_dma source(%dma_start3A_130 : memref<10000xi32, #tpu.memory_space<hbm>>) target(%arg9 : memref<10000xi32, #tpu.memory_space<vmem>>) target_semaphore(%run_scoped3A : memref<!tpu.dma_semaphore, #tpu.memory_space<semaphore_mem>>)
      %dma_wait3A_131 = tpu.memref_slice %arg5[%mul3A_2] : memref<320000xi32, #tpu.memory_space<hbm>> -> memref<10000xi32, #tpu.memory_space<hbm>>
      %dma_wait3A_132 = tpu.memref_slice %arg5[%mul3A_2] : memref<320000xi32, #tpu.memory_space<hbm>> -> memref<10000xi32, #tpu.memory_space<hbm>>
      tpu.wait_dma2 semaphore(%run_scoped3A : memref<!tpu.dma_semaphore, #tpu.memory_space<semaphore_mem>>) src(%dma_wait3A_132 : memref<10000xi32, #tpu.memory_space<hbm>>) dst(%arg9 : memref<10000xi32, #tpu.memory_space<vmem>>)
      tpu.yield
    }) : () -> ()
    %scan3A = arith.constant 0 : i32
    %scan3A_3 = arith.constant 25 : i32
    %scan3A_4 = arith.addi %scan3A, %scan3A_3 : i32
    %scan3A_5 = arith.constant 1 : i32
    scf.for %scan3A_129 = %scan3A to %scan3A_4 step %scan3A_5  : i32 {
      %mul3A_130 = arith.constant 2 : i32
      %mul3A_131 = arith.muli %scan3A_129, %mul3A_130 : i32
      %add3A_132 = arith.constant 0 : i32
      %add3A_133 = arith.addi %add3A_132, %mul3A_131 : i32
      %add3A_134 = arith.constant 0 : i32
      %add3A_135 = arith.addi %add3A_133, %add3A_134 : i32
      %ge3A = arith.constant 2 : i32
      %ge3A_136 = arith.cmpi sge, %add3A_135, %ge3A : i32
      %convert_element_type3A = arith.extui %ge3A_136 : i1 to i32
      %cond3A = arith.constant 0 : i32
      %cond3A_137 = arith.cmpi ne, %convert_element_type3A, %cond3A : i32
      scf.if %cond3A_137 {
        %dma_wait3A_207 = arith.constant 0 : i32
        %dma_wait3A_208 = arith.constant 0 : i32
        %dma_wait3A_209 = arith.constant 0 : i32
        %dma_wait3A_210 = arith.constant 0 : i32
        %dma_wait3A_211 = tpu.memref_slice %arg10[%dma_wait3A_207, %dma_wait3A_209, %dma_wait3A_210] : memref<2x200x128xf32, #tpu.memory_space<vmem>> -> memref<1x200x128xf32, #tpu.memory_space<vmem>>
        %dma_wait3A_212 = tpu.memref_squeeze %dma_wait3A_211 : memref<1x200x128xf32, #tpu.memory_space<vmem>> -> memref<200x128xf32, #tpu.memory_space<vmem>>
        %dma_wait3A_213 = arith.constant 0 : i32
        %dma_wait3A_214 = tpu.memref_slice %arg6[%mul3A_2, %dma_wait3A_213] : memref<320000x128xf32, #tpu.memory_space<hbm>> -> memref<200x128xf32, #tpu.memory_space<hbm>>
        %dma_wait3A_215 = tpu.memref_slice %arg13[%dma_wait3A_208] : memref<2x!tpu.dma_semaphore, #tpu.memory_space<semaphore_mem>> -> memref<1x!tpu.dma_semaphore, #tpu.memory_space<semaphore_mem>>
        %dma_wait3A_216 = tpu.memref_squeeze %dma_wait3A_215 : memref<1x!tpu.dma_semaphore, #tpu.memory_space<semaphore_mem>> -> memref<!tpu.dma_semaphore, #tpu.memory_space<semaphore_mem>>
        %dma_wait3A_217 = arith.constant 0 : i32
        %dma_wait3A_218 = tpu.memref_slice %arg6[%mul3A_2, %dma_wait3A_217] : memref<320000x128xf32, #tpu.memory_space<hbm>> -> memref<200x128xf32, #tpu.memory_space<hbm>>
        %dma_wait3A_219 = arith.constant 0 : i32
        %dma_wait3A_220 = arith.constant 0 : i32
        %dma_wait3A_221 = tpu.memref_slice %arg10[%dma_wait3A_207, %dma_wait3A_219, %dma_wait3A_220] : memref<2x200x128xf32, #tpu.memory_space<vmem>> -> memref<1x200x128xf32, #tpu.memory_space<vmem>>
        %dma_wait3A_222 = tpu.memref_squeeze %dma_wait3A_221 : memref<1x200x128xf32, #tpu.memory_space<vmem>> -> memref<200x128xf32, #tpu.memory_space<vmem>>
        tpu.wait_dma2 semaphore(%dma_wait3A_216 : memref<!tpu.dma_semaphore, #tpu.memory_space<semaphore_mem>>) src(%dma_wait3A_222 : memref<200x128xf32, #tpu.memory_space<vmem>>) dst(%dma_wait3A_218 : memref<200x128xf32, #tpu.memory_space<hbm>>)
        %dma_wait3A_223 = arith.constant 0 : i32
        %dma_wait3A_224 = arith.constant 0 : i32
        %dma_wait3A_225 = arith.constant 0 : i32
        %dma_wait3A_226 = arith.constant 0 : i32
        %dma_wait3A_227 = tpu.memref_slice %arg11[%dma_wait3A_223, %dma_wait3A_225, %dma_wait3A_226] : memref<2x200x128xf32, #tpu.memory_space<vmem>> -> memref<1x200x128xf32, #tpu.memory_space<vmem>>
        %dma_wait3A_228 = tpu.memref_squeeze %dma_wait3A_227 : memref<1x200x128xf32, #tpu.memory_space<vmem>> -> memref<200x128xf32, #tpu.memory_space<vmem>>
        %dma_wait3A_229 = arith.constant 0 : i32
        %dma_wait3A_230 = tpu.memref_slice %arg7[%mul3A_2, %dma_wait3A_229] : memref<320000x128xf32, #tpu.memory_space<hbm>> -> memref<200x128xf32, #tpu.memory_space<hbm>>
        %dma_wait3A_231 = tpu.memref_slice %arg13[%dma_wait3A_224] : memref<2x!tpu.dma_semaphore, #tpu.memory_space<semaphore_mem>> -> memref<1x!tpu.dma_semaphore, #tpu.memory_space<semaphore_mem>>
        %dma_wait3A_232 = tpu.memref_squeeze %dma_wait3A_231 : memref<1x!tpu.dma_semaphore, #tpu.memory_space<semaphore_mem>> -> memref<!tpu.dma_semaphore, #tpu.memory_space<semaphore_mem>>
        %dma_wait3A_233 = arith.constant 0 : i32
        %dma_wait3A_234 = tpu.memref_slice %arg7[%mul3A_2, %dma_wait3A_233] : memref<320000x128xf32, #tpu.memory_space<hbm>> -> memref<200x128xf32, #tpu.memory_space<hbm>>
        %dma_wait3A_235 = arith.constant 0 : i32
        %dma_wait3A_236 = arith.constant 0 : i32
        %dma_wait3A_237 = tpu.memref_slice %arg11[%dma_wait3A_223, %dma_wait3A_235, %dma_wait3A_236] : memref<2x200x128xf32, #tpu.memory_space<vmem>> -> memref<1x200x128xf32, #tpu.memory_space<vmem>>
        %dma_wait3A_238 = tpu.memref_squeeze %dma_wait3A_237 : memref<1x200x128xf32, #tpu.memory_space<vmem>> -> memref<200x128xf32, #tpu.memory_space<vmem>>
        tpu.wait_dma2 semaphore(%dma_wait3A_232 : memref<!tpu.dma_semaphore, #tpu.memory_space<semaphore_mem>>) src(%dma_wait3A_238 : memref<200x128xf32, #tpu.memory_space<vmem>>) dst(%dma_wait3A_234 : memref<200x128xf32, #tpu.memory_space<hbm>>)
      } else {
      }
      %mul3A_138 = arith.constant 200 : i32
      %mul3A_139 = arith.muli %add3A_135, %mul3A_138 : i32
      %dma_start3A_140 = arith.constant 0 : i32
      %dma_start3A_141 = arith.constant 0 : i32
      %dma_start3A_142 = arith.constant 0 : i32
      %dma_start3A_143 = arith.constant 0 : i32
      %dma_start3A_144 = tpu.memref_slice %arg10[%dma_start3A_140, %dma_start3A_142, %dma_start3A_143] : memref<2x200x128xf32, #tpu.memory_space<vmem>> -> memref<1x200x128xf32, #tpu.memory_space<vmem>>
      %dma_start3A_145 = tpu.memref_squeeze %dma_start3A_144 : memref<1x200x128xf32, #tpu.memory_space<vmem>> -> memref<200x128xf32, #tpu.memory_space<vmem>>
      %dma_start3A_146 = tpu.memref_slice %arg8[%mul3A_139] : memref<10000xi32, #tpu.memory_space<vmem>> -> memref<200xi32, #tpu.memory_space<vmem>>
      %dma_start3A_147 = arith.constant 0 : i32
      %dma_start3A_148 = arith.constant 0 : i32
      %dma_start3A_149 = tpu.memref_slice %arg2[%dma_start3A_147, %dma_start3A_148] : memref<10000x128xf32, #tpu.memory_space<hbm>> -> memref<10000x128xf32, #tpu.memory_space<hbm>>
      %dma_start3A_150 = tpu.memref_slice %arg12[%dma_start3A_141] : memref<2x!tpu.dma_semaphore, #tpu.memory_space<semaphore_mem>> -> memref<1x!tpu.dma_semaphore, #tpu.memory_space<semaphore_mem>>
      %dma_start3A_151 = tpu.memref_squeeze %dma_start3A_150 : memref<1x!tpu.dma_semaphore, #tpu.memory_space<semaphore_mem>> -> memref<!tpu.dma_semaphore, #tpu.memory_space<semaphore_mem>>
      tpu.enqueue_indirect_dma source(%dma_start3A_149 : memref<10000x128xf32, #tpu.memory_space<hbm>>) target(%dma_start3A_145 : memref<200x128xf32, #tpu.memory_space<vmem>>) offsets(%dma_start3A_146 : memref<200xi32, #tpu.memory_space<vmem>>) semaphore(%dma_start3A_151 : memref<!tpu.dma_semaphore, #tpu.memory_space<semaphore_mem>>)
      %dma_start3A_152 = arith.constant 0 : i32
      %dma_start3A_153 = arith.constant 0 : i32
      %dma_start3A_154 = arith.constant 0 : i32
      %dma_start3A_155 = arith.constant 0 : i32
      %dma_start3A_156 = tpu.memref_slice %arg11[%dma_start3A_152, %dma_start3A_154, %dma_start3A_155] : memref<2x200x128xf32, #tpu.memory_space<vmem>> -> memref<1x200x128xf32, #tpu.memory_space<vmem>>
      %dma_start3A_157 = tpu.memref_squeeze %dma_start3A_156 : memref<1x200x128xf32, #tpu.memory_space<vmem>> -> memref<200x128xf32, #tpu.memory_space<vmem>>
      %dma_start3A_158 = tpu.memref_slice %arg9[%mul3A_139] : memref<10000xi32, #tpu.memory_space<vmem>> -> memref<200xi32, #tpu.memory_space<vmem>>
      %dma_start3A_159 = arith.constant 0 : i32
      %dma_start3A_160 = arith.constant 0 : i32
      %dma_start3A_161 = tpu.memref_slice %arg3[%dma_start3A_159, %dma_start3A_160] : memref<10000x128xf32, #tpu.memory_space<hbm>> -> memref<10000x128xf32, #tpu.memory_space<hbm>>
      %dma_start3A_162 = tpu.memref_slice %arg12[%dma_start3A_153] : memref<2x!tpu.dma_semaphore, #tpu.memory_space<semaphore_mem>> -> memref<1x!tpu.dma_semaphore, #tpu.memory_space<semaphore_mem>>
      %dma_start3A_163 = tpu.memref_squeeze %dma_start3A_162 : memref<1x!tpu.dma_semaphore, #tpu.memory_space<semaphore_mem>> -> memref<!tpu.dma_semaphore, #tpu.memory_space<semaphore_mem>>
      tpu.enqueue_indirect_dma source(%dma_start3A_161 : memref<10000x128xf32, #tpu.memory_space<hbm>>) target(%dma_start3A_157 : memref<200x128xf32, #tpu.memory_space<vmem>>) offsets(%dma_start3A_158 : memref<200xi32, #tpu.memory_space<vmem>>) semaphore(%dma_start3A_163 : memref<!tpu.dma_semaphore, #tpu.memory_space<semaphore_mem>>)
      %ge3A_164 = arith.constant 1 : i32
      %ge3A_165 = arith.cmpi sge, %add3A_135, %ge3A_164 : i32
      %convert_element_type3A_166 = arith.extui %ge3A_165 : i1 to i32
      %cond3A_167 = arith.constant 0 : i32
      %cond3A_168 = arith.cmpi ne, %convert_element_type3A_166, %cond3A_167 : i32
      scf.if %cond3A_168 {
        %dma_wait3A_207 = arith.constant 1 : i32
        %dma_wait3A_208 = arith.constant 1 : i32
        %dma_wait3A_209 = arith.constant 0 : i32
        %dma_wait3A_210 = arith.constant 0 : i32
        %dma_wait3A_211 = tpu.memref_slice %arg10[%dma_wait3A_207, %dma_wait3A_209, %dma_wait3A_210] : memref<2x200x128xf32, #tpu.memory_space<vmem>> -> memref<1x200x128xf32, #tpu.memory_space<vmem>>
        %dma_wait3A_212 = tpu.memref_squeeze %dma_wait3A_211 : memref<1x200x128xf32, #tpu.memory_space<vmem>> -> memref<200x128xf32, #tpu.memory_space<vmem>>
        %dma_wait3A_213 = arith.constant 0 : i32
        %dma_wait3A_214 = tpu.memref_slice %arg8[%dma_wait3A_213] : memref<10000xi32, #tpu.memory_space<vmem>> -> memref<200xi32, #tpu.memory_space<vmem>>
        %dma_wait3A_215 = arith.constant 0 : i32
        %dma_wait3A_216 = arith.constant 0 : i32
        %dma_wait3A_217 = tpu.memref_slice %arg2[%dma_wait3A_215, %dma_wait3A_216] : memref<10000x128xf32, #tpu.memory_space<hbm>> -> memref<10000x128xf32, #tpu.memory_space<hbm>>
        %dma_wait3A_218 = tpu.memref_slice %arg12[%dma_wait3A_208] : memref<2x!tpu.dma_semaphore, #tpu.memory_space<semaphore_mem>> -> memref<1x!tpu.dma_semaphore, #tpu.memory_space<semaphore_mem>>
        %dma_wait3A_219 = tpu.memref_squeeze %dma_wait3A_218 : memref<1x!tpu.dma_semaphore, #tpu.memory_space<semaphore_mem>> -> memref<!tpu.dma_semaphore, #tpu.memory_space<semaphore_mem>>
        tpu.wait_indirect_dma semaphore(%dma_wait3A_219 : memref<!tpu.dma_semaphore, #tpu.memory_space<semaphore_mem>>) src(%dma_wait3A_217 : memref<10000x128xf32, #tpu.memory_space<hbm>>) dst(%dma_wait3A_212 : memref<200x128xf32, #tpu.memory_space<vmem>>)
        %dma_wait3A_220 = arith.constant 1 : i32
        %dma_wait3A_221 = arith.constant 1 : i32
        %dma_wait3A_222 = arith.constant 0 : i32
        %dma_wait3A_223 = arith.constant 0 : i32
        %dma_wait3A_224 = tpu.memref_slice %arg11[%dma_wait3A_220, %dma_wait3A_222, %dma_wait3A_223] : memref<2x200x128xf32, #tpu.memory_space<vmem>> -> memref<1x200x128xf32, #tpu.memory_space<vmem>>
        %dma_wait3A_225 = tpu.memref_squeeze %dma_wait3A_224 : memref<1x200x128xf32, #tpu.memory_space<vmem>> -> memref<200x128xf32, #tpu.memory_space<vmem>>
        %dma_wait3A_226 = arith.constant 0 : i32
        %dma_wait3A_227 = tpu.memref_slice %arg9[%dma_wait3A_226] : memref<10000xi32, #tpu.memory_space<vmem>> -> memref<200xi32, #tpu.memory_space<vmem>>
        %dma_wait3A_228 = arith.constant 0 : i32
        %dma_wait3A_229 = arith.constant 0 : i32
        %dma_wait3A_230 = tpu.memref_slice %arg3[%dma_wait3A_228, %dma_wait3A_229] : memref<10000x128xf32, #tpu.memory_space<hbm>> -> memref<10000x128xf32, #tpu.memory_space<hbm>>
        %dma_wait3A_231 = tpu.memref_slice %arg12[%dma_wait3A_221] : memref<2x!tpu.dma_semaphore, #tpu.memory_space<semaphore_mem>> -> memref<1x!tpu.dma_semaphore, #tpu.memory_space<semaphore_mem>>
        %dma_wait3A_232 = tpu.memref_squeeze %dma_wait3A_231 : memref<1x!tpu.dma_semaphore, #tpu.memory_space<semaphore_mem>> -> memref<!tpu.dma_semaphore, #tpu.memory_space<semaphore_mem>>
        tpu.wait_indirect_dma semaphore(%dma_wait3A_232 : memref<!tpu.dma_semaphore, #tpu.memory_space<semaphore_mem>>) src(%dma_wait3A_230 : memref<10000x128xf32, #tpu.memory_space<hbm>>) dst(%dma_wait3A_225 : memref<200x128xf32, #tpu.memory_space<vmem>>)
        %sub3A = arith.constant 1 : i32
        %sub3A_233 = arith.subi %add3A_135, %sub3A : i32
        %mul3A_234 = arith.constant 200 : i32
        %mul3A_235 = arith.muli %sub3A_233, %mul3A_234 : i32
        %add3A_236 = arith.addi %mul3A_2, %mul3A_235 : i32
        %dma_start3A_237 = arith.constant 1 : i32
        %dma_start3A_238 = arith.constant 1 : i32
        %dma_start3A_239 = arith.constant 0 : i32
        %dma_start3A_240 = arith.constant 0 : i32
        %dma_start3A_241 = tpu.memref_slice %arg10[%dma_start3A_237, %dma_start3A_239, %dma_start3A_240] : memref<2x200x128xf32, #tpu.memory_space<vmem>> -> memref<1x200x128xf32, #tpu.memory_space<vmem>>
        %dma_start3A_242 = tpu.memref_squeeze %dma_start3A_241 : memref<1x200x128xf32, #tpu.memory_space<vmem>> -> memref<200x128xf32, #tpu.memory_space<vmem>>
        %dma_start3A_243 = arith.constant 0 : i32
        %dma_start3A_244 = tpu.memref_slice %arg6[%add3A_236, %dma_start3A_243] : memref<320000x128xf32, #tpu.memory_space<hbm>> -> memref<200x128xf32, #tpu.memory_space<hbm>>
        %dma_start3A_245 = tpu.memref_slice %arg13[%dma_start3A_238] : memref<2x!tpu.dma_semaphore, #tpu.memory_space<semaphore_mem>> -> memref<1x!tpu.dma_semaphore, #tpu.memory_space<semaphore_mem>>
        %dma_start3A_246 = tpu.memref_squeeze %dma_start3A_245 : memref<1x!tpu.dma_semaphore, #tpu.memory_space<semaphore_mem>> -> memref<!tpu.dma_semaphore, #tpu.memory_space<semaphore_mem>>
        %dma_start3A_247 = arith.constant 0 : i32
        %dma_start3A_248 = tpu.memref_slice %arg6[%add3A_236, %dma_start3A_247] : memref<320000x128xf32, #tpu.memory_space<hbm>> -> memref<200x128xf32, #tpu.memory_space<hbm>>
        %dma_start3A_249 = arith.constant 0 : i32
        %dma_start3A_250 = arith.constant 0 : i32
        %dma_start3A_251 = tpu.memref_slice %arg10[%dma_start3A_237, %dma_start3A_249, %dma_start3A_250] : memref<2x200x128xf32, #tpu.memory_space<vmem>> -> memref<1x200x128xf32, #tpu.memory_space<vmem>>
        %dma_start3A_252 = tpu.memref_squeeze %dma_start3A_251 : memref<1x200x128xf32, #tpu.memory_space<vmem>> -> memref<200x128xf32, #tpu.memory_space<vmem>>
        tpu.enqueue_dma source(%dma_start3A_252 : memref<200x128xf32, #tpu.memory_space<vmem>>) target(%dma_start3A_248 : memref<200x128xf32, #tpu.memory_space<hbm>>) target_semaphore(%dma_start3A_246 : memref<!tpu.dma_semaphore, #tpu.memory_space<semaphore_mem>>)
        %dma_start3A_253 = arith.constant 1 : i32
        %dma_start3A_254 = arith.constant 1 : i32
        %dma_start3A_255 = arith.constant 0 : i32
        %dma_start3A_256 = arith.constant 0 : i32
        %dma_start3A_257 = tpu.memref_slice %arg11[%dma_start3A_253, %dma_start3A_255, %dma_start3A_256] : memref<2x200x128xf32, #tpu.memory_space<vmem>> -> memref<1x200x128xf32, #tpu.memory_space<vmem>>
        %dma_start3A_258 = tpu.memref_squeeze %dma_start3A_257 : memref<1x200x128xf32, #tpu.memory_space<vmem>> -> memref<200x128xf32, #tpu.memory_space<vmem>>
        %dma_start3A_259 = arith.constant 0 : i32
        %dma_start3A_260 = tpu.memref_slice %arg7[%add3A_236, %dma_start3A_259] : memref<320000x128xf32, #tpu.memory_space<hbm>> -> memref<200x128xf32, #tpu.memory_space<hbm>>
        %dma_start3A_261 = tpu.memref_slice %arg13[%dma_start3A_254] : memref<2x!tpu.dma_semaphore, #tpu.memory_space<semaphore_mem>> -> memref<1x!tpu.dma_semaphore, #tpu.memory_space<semaphore_mem>>
        %dma_start3A_262 = tpu.memref_squeeze %dma_start3A_261 : memref<1x!tpu.dma_semaphore, #tpu.memory_space<semaphore_mem>> -> memref<!tpu.dma_semaphore, #tpu.memory_space<semaphore_mem>>
        %dma_start3A_263 = arith.constant 0 : i32
        %dma_start3A_264 = tpu.memref_slice %arg7[%add3A_236, %dma_start3A_263] : memref<320000x128xf32, #tpu.memory_space<hbm>> -> memref<200x128xf32, #tpu.memory_space<hbm>>
        %dma_start3A_265 = arith.constant 0 : i32
        %dma_start3A_266 = arith.constant 0 : i32
        %dma_start3A_267 = tpu.memref_slice %arg11[%dma_start3A_253, %dma_start3A_265, %dma_start3A_266] : memref<2x200x128xf32, #tpu.memory_space<vmem>> -> memref<1x200x128xf32, #tpu.memory_space<vmem>>
        %dma_start3A_268 = tpu.memref_squeeze %dma_start3A_267 : memref<1x200x128xf32, #tpu.memory_space<vmem>> -> memref<200x128xf32, #tpu.memory_space<vmem>>
        tpu.enqueue_dma source(%dma_start3A_268 : memref<200x128xf32, #tpu.memory_space<vmem>>) target(%dma_start3A_264 : memref<200x128xf32, #tpu.memory_space<hbm>>) target_semaphore(%dma_start3A_262 : memref<!tpu.dma_semaphore, #tpu.memory_space<semaphore_mem>>)
      } else {
      }
      %add3A_169 = arith.constant 1 : i32
      %add3A_170 = arith.addi %add3A_133, %add3A_169 : i32
      %ge3A_171 = arith.constant 2 : i32
      %ge3A_172 = arith.cmpi sge, %add3A_170, %ge3A_171 : i32
      %convert_element_type3A_173 = arith.extui %ge3A_172 : i1 to i32
      %cond3A_174 = arith.constant 0 : i32
      %cond3A_175 = arith.cmpi ne, %convert_element_type3A_173, %cond3A_174 : i32
      scf.if %cond3A_175 {
        %dma_wait3A_207 = arith.constant 1 : i32
        %dma_wait3A_208 = arith.constant 1 : i32
        %dma_wait3A_209 = arith.constant 0 : i32
        %dma_wait3A_210 = arith.constant 0 : i32
        %dma_wait3A_211 = tpu.memref_slice %arg10[%dma_wait3A_207, %dma_wait3A_209, %dma_wait3A_210] : memref<2x200x128xf32, #tpu.memory_space<vmem>> -> memref<1x200x128xf32, #tpu.memory_space<vmem>>
        %dma_wait3A_212 = tpu.memref_squeeze %dma_wait3A_211 : memref<1x200x128xf32, #tpu.memory_space<vmem>> -> memref<200x128xf32, #tpu.memory_space<vmem>>
        %dma_wait3A_213 = arith.constant 0 : i32
        %dma_wait3A_214 = tpu.memref_slice %arg6[%mul3A_2, %dma_wait3A_213] : memref<320000x128xf32, #tpu.memory_space<hbm>> -> memref<200x128xf32, #tpu.memory_space<hbm>>
        %dma_wait3A_215 = tpu.memref_slice %arg13[%dma_wait3A_208] : memref<2x!tpu.dma_semaphore, #tpu.memory_space<semaphore_mem>> -> memref<1x!tpu.dma_semaphore, #tpu.memory_space<semaphore_mem>>
        %dma_wait3A_216 = tpu.memref_squeeze %dma_wait3A_215 : memref<1x!tpu.dma_semaphore, #tpu.memory_space<semaphore_mem>> -> memref<!tpu.dma_semaphore, #tpu.memory_space<semaphore_mem>>
        %dma_wait3A_217 = arith.constant 0 : i32
        %dma_wait3A_218 = tpu.memref_slice %arg6[%mul3A_2, %dma_wait3A_217] : memref<320000x128xf32, #tpu.memory_space<hbm>> -> memref<200x128xf32, #tpu.memory_space<hbm>>
        %dma_wait3A_219 = arith.constant 0 : i32
        %dma_wait3A_220 = arith.constant 0 : i32
        %dma_wait3A_221 = tpu.memref_slice %arg10[%dma_wait3A_207, %dma_wait3A_219, %dma_wait3A_220] : memref<2x200x128xf32, #tpu.memory_space<vmem>> -> memref<1x200x128xf32, #tpu.memory_space<vmem>>
        %dma_wait3A_222 = tpu.memref_squeeze %dma_wait3A_221 : memref<1x200x128xf32, #tpu.memory_space<vmem>> -> memref<200x128xf32, #tpu.memory_space<vmem>>
        tpu.wait_dma2 semaphore(%dma_wait3A_216 : memref<!tpu.dma_semaphore, #tpu.memory_space<semaphore_mem>>) src(%dma_wait3A_222 : memref<200x128xf32, #tpu.memory_space<vmem>>) dst(%dma_wait3A_218 : memref<200x128xf32, #tpu.memory_space<hbm>>)
        %dma_wait3A_223 = arith.constant 1 : i32
        %dma_wait3A_224 = arith.constant 1 : i32
        %dma_wait3A_225 = arith.constant 0 : i32
        %dma_wait3A_226 = arith.constant 0 : i32
        %dma_wait3A_227 = tpu.memref_slice %arg11[%dma_wait3A_223, %dma_wait3A_225, %dma_wait3A_226] : memref<2x200x128xf32, #tpu.memory_space<vmem>> -> memref<1x200x128xf32, #tpu.memory_space<vmem>>
        %dma_wait3A_228 = tpu.memref_squeeze %dma_wait3A_227 : memref<1x200x128xf32, #tpu.memory_space<vmem>> -> memref<200x128xf32, #tpu.memory_space<vmem>>
        %dma_wait3A_229 = arith.constant 0 : i32
        %dma_wait3A_230 = tpu.memref_slice %arg7[%mul3A_2, %dma_wait3A_229] : memref<320000x128xf32, #tpu.memory_space<hbm>> -> memref<200x128xf32, #tpu.memory_space<hbm>>
        %dma_wait3A_231 = tpu.memref_slice %arg13[%dma_wait3A_224] : memref<2x!tpu.dma_semaphore, #tpu.memory_space<semaphore_mem>> -> memref<1x!tpu.dma_semaphore, #tpu.memory_space<semaphore_mem>>
        %dma_wait3A_232 = tpu.memref_squeeze %dma_wait3A_231 : memref<1x!tpu.dma_semaphore, #tpu.memory_space<semaphore_mem>> -> memref<!tpu.dma_semaphore, #tpu.memory_space<semaphore_mem>>
        %dma_wait3A_233 = arith.constant 0 : i32
        %dma_wait3A_234 = tpu.memref_slice %arg7[%mul3A_2, %dma_wait3A_233] : memref<320000x128xf32, #tpu.memory_space<hbm>> -> memref<200x128xf32, #tpu.memory_space<hbm>>
        %dma_wait3A_235 = arith.constant 0 : i32
        %dma_wait3A_236 = arith.constant 0 : i32
        %dma_wait3A_237 = tpu.memref_slice %arg11[%dma_wait3A_223, %dma_wait3A_235, %dma_wait3A_236] : memref<2x200x128xf32, #tpu.memory_space<vmem>> -> memref<1x200x128xf32, #tpu.memory_space<vmem>>
        %dma_wait3A_238 = tpu.memref_squeeze %dma_wait3A_237 : memref<1x200x128xf32, #tpu.memory_space<vmem>> -> memref<200x128xf32, #tpu.memory_space<vmem>>
        tpu.wait_dma2 semaphore(%dma_wait3A_232 : memref<!tpu.dma_semaphore, #tpu.memory_space<semaphore_mem>>) src(%dma_wait3A_238 : memref<200x128xf32, #tpu.memory_space<vmem>>) dst(%dma_wait3A_234 : memref<200x128xf32, #tpu.memory_space<hbm>>)
      } else {
      }
      %mul3A_176 = arith.constant 200 : i32
      %mul3A_177 = arith.muli %add3A_170, %mul3A_176 : i32
      %dma_start3A_178 = arith.constant 1 : i32
      %dma_start3A_179 = arith.constant 1 : i32
      %dma_start3A_180 = arith.constant 0 : i32
      %dma_start3A_181 = arith.constant 0 : i32
      %dma_start3A_182 = tpu.memref_slice %arg10[%dma_start3A_178, %dma_start3A_180, %dma_start3A_181] : memref<2x200x128xf32, #tpu.memory_space<vmem>> -> memref<1x200x128xf32, #tpu.memory_space<vmem>>
      %dma_start3A_183 = tpu.memref_squeeze %dma_start3A_182 : memref<1x200x128xf32, #tpu.memory_space<vmem>> -> memref<200x128xf32, #tpu.memory_space<vmem>>
      %dma_start3A_184 = tpu.memref_slice %arg8[%mul3A_177] : memref<10000xi32, #tpu.memory_space<vmem>> -> memref<200xi32, #tpu.memory_space<vmem>>
      %dma_start3A_185 = arith.constant 0 : i32
      %dma_start3A_186 = arith.constant 0 : i32
      %dma_start3A_187 = tpu.memref_slice %arg2[%dma_start3A_185, %dma_start3A_186] : memref<10000x128xf32, #tpu.memory_space<hbm>> -> memref<10000x128xf32, #tpu.memory_space<hbm>>
      %dma_start3A_188 = tpu.memref_slice %arg12[%dma_start3A_179] : memref<2x!tpu.dma_semaphore, #tpu.memory_space<semaphore_mem>> -> memref<1x!tpu.dma_semaphore, #tpu.memory_space<semaphore_mem>>
      %dma_start3A_189 = tpu.memref_squeeze %dma_start3A_188 : memref<1x!tpu.dma_semaphore, #tpu.memory_space<semaphore_mem>> -> memref<!tpu.dma_semaphore, #tpu.memory_space<semaphore_mem>>
      tpu.enqueue_indirect_dma source(%dma_start3A_187 : memref<10000x128xf32, #tpu.memory_space<hbm>>) target(%dma_start3A_183 : memref<200x128xf32, #tpu.memory_space<vmem>>) offsets(%dma_start3A_184 : memref<200xi32, #tpu.memory_space<vmem>>) semaphore(%dma_start3A_189 : memref<!tpu.dma_semaphore, #tpu.memory_space<semaphore_mem>>)
      %dma_start3A_190 = arith.constant 1 : i32
      %dma_start3A_191 = arith.constant 1 : i32
      %dma_start3A_192 = arith.constant 0 : i32
      %dma_start3A_193 = arith.constant 0 : i32
      %dma_start3A_194 = tpu.memref_slice %arg11[%dma_start3A_190, %dma_start3A_192, %dma_start3A_193] : memref<2x200x128xf32, #tpu.memory_space<vmem>> -> memref<1x200x128xf32, #tpu.memory_space<vmem>>
      %dma_start3A_195 = tpu.memref_squeeze %dma_start3A_194 : memref<1x200x128xf32, #tpu.memory_space<vmem>> -> memref<200x128xf32, #tpu.memory_space<vmem>>
      %dma_start3A_196 = tpu.memref_slice %arg9[%mul3A_177] : memref<10000xi32, #tpu.memory_space<vmem>> -> memref<200xi32, #tpu.memory_space<vmem>>
      %dma_start3A_197 = arith.constant 0 : i32
      %dma_start3A_198 = arith.constant 0 : i32
      %dma_start3A_199 = tpu.memref_slice %arg3[%dma_start3A_197, %dma_start3A_198] : memref<10000x128xf32, #tpu.memory_space<hbm>> -> memref<10000x128xf32, #tpu.memory_space<hbm>>
      %dma_start3A_200 = tpu.memref_slice %arg12[%dma_start3A_191] : memref<2x!tpu.dma_semaphore, #tpu.memory_space<semaphore_mem>> -> memref<1x!tpu.dma_semaphore, #tpu.memory_space<semaphore_mem>>
      %dma_start3A_201 = tpu.memref_squeeze %dma_start3A_200 : memref<1x!tpu.dma_semaphore, #tpu.memory_space<semaphore_mem>> -> memref<!tpu.dma_semaphore, #tpu.memory_space<semaphore_mem>>
      tpu.enqueue_indirect_dma source(%dma_start3A_199 : memref<10000x128xf32, #tpu.memory_space<hbm>>) target(%dma_start3A_195 : memref<200x128xf32, #tpu.memory_space<vmem>>) offsets(%dma_start3A_196 : memref<200xi32, #tpu.memory_space<vmem>>) semaphore(%dma_start3A_201 : memref<!tpu.dma_semaphore, #tpu.memory_space<semaphore_mem>>)
      %ge3A_202 = arith.constant 1 : i32
      %ge3A_203 = arith.cmpi sge, %add3A_170, %ge3A_202 : i32
      %convert_element_type3A_204 = arith.extui %ge3A_203 : i1 to i32
      %cond3A_205 = arith.constant 0 : i32
      %cond3A_206 = arith.cmpi ne, %convert_element_type3A_204, %cond3A_205 : i32
      scf.if %cond3A_206 {
        %dma_wait3A_207 = arith.constant 0 : i32
        %dma_wait3A_208 = arith.constant 0 : i32
        %dma_wait3A_209 = arith.constant 0 : i32
        %dma_wait3A_210 = arith.constant 0 : i32
        %dma_wait3A_211 = tpu.memref_slice %arg10[%dma_wait3A_207, %dma_wait3A_209, %dma_wait3A_210] : memref<2x200x128xf32, #tpu.memory_space<vmem>> -> memref<1x200x128xf32, #tpu.memory_space<vmem>>
        %dma_wait3A_212 = tpu.memref_squeeze %dma_wait3A_211 : memref<1x200x128xf32, #tpu.memory_space<vmem>> -> memref<200x128xf32, #tpu.memory_space<vmem>>
        %dma_wait3A_213 = arith.constant 0 : i32
        %dma_wait3A_214 = tpu.memref_slice %arg8[%dma_wait3A_213] : memref<10000xi32, #tpu.memory_space<vmem>> -> memref<200xi32, #tpu.memory_space<vmem>>
        %dma_wait3A_215 = arith.constant 0 : i32
        %dma_wait3A_216 = arith.constant 0 : i32
        %dma_wait3A_217 = tpu.memref_slice %arg2[%dma_wait3A_215, %dma_wait3A_216] : memref<10000x128xf32, #tpu.memory_space<hbm>> -> memref<10000x128xf32, #tpu.memory_space<hbm>>
        %dma_wait3A_218 = tpu.memref_slice %arg12[%dma_wait3A_208] : memref<2x!tpu.dma_semaphore, #tpu.memory_space<semaphore_mem>> -> memref<1x!tpu.dma_semaphore, #tpu.memory_space<semaphore_mem>>
        %dma_wait3A_219 = tpu.memref_squeeze %dma_wait3A_218 : memref<1x!tpu.dma_semaphore, #tpu.memory_space<semaphore_mem>> -> memref<!tpu.dma_semaphore, #tpu.memory_space<semaphore_mem>>
        tpu.wait_indirect_dma semaphore(%dma_wait3A_219 : memref<!tpu.dma_semaphore, #tpu.memory_space<semaphore_mem>>) src(%dma_wait3A_217 : memref<10000x128xf32, #tpu.memory_space<hbm>>) dst(%dma_wait3A_212 : memref<200x128xf32, #tpu.memory_space<vmem>>)
        %dma_wait3A_220 = arith.constant 0 : i32
        %dma_wait3A_221 = arith.constant 0 : i32
        %dma_wait3A_222 = arith.constant 0 : i32
        %dma_wait3A_223 = arith.constant 0 : i32
        %dma_wait3A_224 = tpu.memref_slice %arg11[%dma_wait3A_220, %dma_wait3A_222, %dma_wait3A_223] : memref<2x200x128xf32, #tpu.memory_space<vmem>> -> memref<1x200x128xf32, #tpu.memory_space<vmem>>
        %dma_wait3A_225 = tpu.memref_squeeze %dma_wait3A_224 : memref<1x200x128xf32, #tpu.memory_space<vmem>> -> memref<200x128xf32, #tpu.memory_space<vmem>>
        %dma_wait3A_226 = arith.constant 0 : i32
        %dma_wait3A_227 = tpu.memref_slice %arg9[%dma_wait3A_226] : memref<10000xi32, #tpu.memory_space<vmem>> -> memref<200xi32, #tpu.memory_space<vmem>>
        %dma_wait3A_228 = arith.constant 0 : i32
        %dma_wait3A_229 = arith.constant 0 : i32
        %dma_wait3A_230 = tpu.memref_slice %arg3[%dma_wait3A_228, %dma_wait3A_229] : memref<10000x128xf32, #tpu.memory_space<hbm>> -> memref<10000x128xf32, #tpu.memory_space<hbm>>
        %dma_wait3A_231 = tpu.memref_slice %arg12[%dma_wait3A_221] : memref<2x!tpu.dma_semaphore, #tpu.memory_space<semaphore_mem>> -> memref<1x!tpu.dma_semaphore, #tpu.memory_space<semaphore_mem>>
        %dma_wait3A_232 = tpu.memref_squeeze %dma_wait3A_231 : memref<1x!tpu.dma_semaphore, #tpu.memory_space<semaphore_mem>> -> memref<!tpu.dma_semaphore, #tpu.memory_space<semaphore_mem>>
        tpu.wait_indirect_dma semaphore(%dma_wait3A_232 : memref<!tpu.dma_semaphore, #tpu.memory_space<semaphore_mem>>) src(%dma_wait3A_230 : memref<10000x128xf32, #tpu.memory_space<hbm>>) dst(%dma_wait3A_225 : memref<200x128xf32, #tpu.memory_space<vmem>>)
        %sub3A = arith.constant 1 : i32
        %sub3A_233 = arith.subi %add3A_170, %sub3A : i32
        %mul3A_234 = arith.constant 200 : i32
        %mul3A_235 = arith.muli %sub3A_233, %mul3A_234 : i32
        %add3A_236 = arith.addi %mul3A_2, %mul3A_235 : i32
        %dma_start3A_237 = arith.constant 0 : i32
        %dma_start3A_238 = arith.constant 0 : i32
        %dma_start3A_239 = arith.constant 0 : i32
        %dma_start3A_240 = arith.constant 0 : i32
        %dma_start3A_241 = tpu.memref_slice %arg10[%dma_start3A_237, %dma_start3A_239, %dma_start3A_240] : memref<2x200x128xf32, #tpu.memory_space<vmem>> -> memref<1x200x128xf32, #tpu.memory_space<vmem>>
        %dma_start3A_242 = tpu.memref_squeeze %dma_start3A_241 : memref<1x200x128xf32, #tpu.memory_space<vmem>> -> memref<200x128xf32, #tpu.memory_space<vmem>>
        %dma_start3A_243 = arith.constant 0 : i32
        %dma_start3A_244 = tpu.memref_slice %arg6[%add3A_236, %dma_start3A_243] : memref<320000x128xf32, #tpu.memory_space<hbm>> -> memref<200x128xf32, #tpu.memory_space<hbm>>
        %dma_start3A_245 = tpu.memref_slice %arg13[%dma_start3A_238] : memref<2x!tpu.dma_semaphore, #tpu.memory_space<semaphore_mem>> -> memref<1x!tpu.dma_semaphore, #tpu.memory_space<semaphore_mem>>
        %dma_start3A_246 = tpu.memref_squeeze %dma_start3A_245 : memref<1x!tpu.dma_semaphore, #tpu.memory_space<semaphore_mem>> -> memref<!tpu.dma_semaphore, #tpu.memory_space<semaphore_mem>>
        %dma_start3A_247 = arith.constant 0 : i32
        %dma_start3A_248 = tpu.memref_slice %arg6[%add3A_236, %dma_start3A_247] : memref<320000x128xf32, #tpu.memory_space<hbm>> -> memref<200x128xf32, #tpu.memory_space<hbm>>
        %dma_start3A_249 = arith.constant 0 : i32
        %dma_start3A_250 = arith.constant 0 : i32
        %dma_start3A_251 = tpu.memref_slice %arg10[%dma_start3A_237, %dma_start3A_249, %dma_start3A_250] : memref<2x200x128xf32, #tpu.memory_space<vmem>> -> memref<1x200x128xf32, #tpu.memory_space<vmem>>
        %dma_start3A_252 = tpu.memref_squeeze %dma_start3A_251 : memref<1x200x128xf32, #tpu.memory_space<vmem>> -> memref<200x128xf32, #tpu.memory_space<vmem>>
        tpu.enqueue_dma source(%dma_start3A_252 : memref<200x128xf32, #tpu.memory_space<vmem>>) target(%dma_start3A_248 : memref<200x128xf32, #tpu.memory_space<hbm>>) target_semaphore(%dma_start3A_246 : memref<!tpu.dma_semaphore, #tpu.memory_space<semaphore_mem>>)
        %dma_start3A_253 = arith.constant 0 : i32
        %dma_start3A_254 = arith.constant 0 : i32
        %dma_start3A_255 = arith.constant 0 : i32
        %dma_start3A_256 = arith.constant 0 : i32
        %dma_start3A_257 = tpu.memref_slice %arg11[%dma_start3A_253, %dma_start3A_255, %dma_start3A_256] : memref<2x200x128xf32, #tpu.memory_space<vmem>> -> memref<1x200x128xf32, #tpu.memory_space<vmem>>
        %dma_start3A_258 = tpu.memref_squeeze %dma_start3A_257 : memref<1x200x128xf32, #tpu.memory_space<vmem>> -> memref<200x128xf32, #tpu.memory_space<vmem>>
        %dma_start3A_259 = arith.constant 0 : i32
        %dma_start3A_260 = tpu.memref_slice %arg7[%add3A_236, %dma_start3A_259] : memref<320000x128xf32, #tpu.memory_space<hbm>> -> memref<200x128xf32, #tpu.memory_space<hbm>>
        %dma_start3A_261 = tpu.memref_slice %arg13[%dma_start3A_254] : memref<2x!tpu.dma_semaphore, #tpu.memory_space<semaphore_mem>> -> memref<1x!tpu.dma_semaphore, #tpu.memory_space<semaphore_mem>>
        %dma_start3A_262 = tpu.memref_squeeze %dma_start3A_261 : memref<1x!tpu.dma_semaphore, #tpu.memory_space<semaphore_mem>> -> memref<!tpu.dma_semaphore, #tpu.memory_space<semaphore_mem>>
        %dma_start3A_263 = arith.constant 0 : i32
        %dma_start3A_264 = tpu.memref_slice %arg7[%add3A_236, %dma_start3A_263] : memref<320000x128xf32, #tpu.memory_space<hbm>> -> memref<200x128xf32, #tpu.memory_space<hbm>>
        %dma_start3A_265 = arith.constant 0 : i32
        %dma_start3A_266 = arith.constant 0 : i32
        %dma_start3A_267 = tpu.memref_slice %arg11[%dma_start3A_253, %dma_start3A_265, %dma_start3A_266] : memref<2x200x128xf32, #tpu.memory_space<vmem>> -> memref<1x200x128xf32, #tpu.memory_space<vmem>>
        %dma_start3A_268 = tpu.memref_squeeze %dma_start3A_267 : memref<1x200x128xf32, #tpu.memory_space<vmem>> -> memref<200x128xf32, #tpu.memory_space<vmem>>
        tpu.enqueue_dma source(%dma_start3A_268 : memref<200x128xf32, #tpu.memory_space<vmem>>) target(%dma_start3A_264 : memref<200x128xf32, #tpu.memory_space<hbm>>) target_semaphore(%dma_start3A_262 : memref<!tpu.dma_semaphore, #tpu.memory_space<semaphore_mem>>)
      } else {
      }
    }
    %scan3A_6 = arith.constant 25 : i32
    %dma_wait3A = arith.constant 1 : i32
    %dma_wait3A_7 = arith.constant 1 : i32
    %dma_wait3A_8 = arith.constant 0 : i32
    %dma_wait3A_9 = arith.constant 0 : i32
    %dma_wait3A_10 = tpu.memref_slice %arg10[%dma_wait3A, %dma_wait3A_8, %dma_wait3A_9] : memref<2x200x128xf32, #tpu.memory_space<vmem>> -> memref<1x200x128xf32, #tpu.memory_space<vmem>>
    %dma_wait3A_11 = tpu.memref_squeeze %dma_wait3A_10 : memref<1x200x128xf32, #tpu.memory_space<vmem>> -> memref<200x128xf32, #tpu.memory_space<vmem>>
    %dma_wait3A_12 = arith.constant 0 : i32
    %dma_wait3A_13 = tpu.memref_slice %arg8[%dma_wait3A_12] : memref<10000xi32, #tpu.memory_space<vmem>> -> memref<200xi32, #tpu.memory_space<vmem>>
    %dma_wait3A_14 = arith.constant 0 : i32
    %dma_wait3A_15 = arith.constant 0 : i32
    %dma_wait3A_16 = tpu.memref_slice %arg2[%dma_wait3A_14, %dma_wait3A_15] : memref<10000x128xf32, #tpu.memory_space<hbm>> -> memref<10000x128xf32, #tpu.memory_space<hbm>>
    %dma_wait3A_17 = tpu.memref_slice %arg12[%dma_wait3A_7] : memref<2x!tpu.dma_semaphore, #tpu.memory_space<semaphore_mem>> -> memref<1x!tpu.dma_semaphore, #tpu.memory_space<semaphore_mem>>
    %dma_wait3A_18 = tpu.memref_squeeze %dma_wait3A_17 : memref<1x!tpu.dma_semaphore, #tpu.memory_space<semaphore_mem>> -> memref<!tpu.dma_semaphore, #tpu.memory_space<semaphore_mem>>
    tpu.wait_indirect_dma semaphore(%dma_wait3A_18 : memref<!tpu.dma_semaphore, #tpu.memory_space<semaphore_mem>>) src(%dma_wait3A_16 : memref<10000x128xf32, #tpu.memory_space<hbm>>) dst(%dma_wait3A_11 : memref<200x128xf32, #tpu.memory_space<vmem>>)
    %dma_wait3A_19 = arith.constant 1 : i32
    %dma_wait3A_20 = arith.constant 1 : i32
    %dma_wait3A_21 = arith.constant 0 : i32
    %dma_wait3A_22 = arith.constant 0 : i32
    %dma_wait3A_23 = tpu.memref_slice %arg11[%dma_wait3A_19, %dma_wait3A_21, %dma_wait3A_22] : memref<2x200x128xf32, #tpu.memory_space<vmem>> -> memref<1x200x128xf32, #tpu.memory_space<vmem>>
    %dma_wait3A_24 = tpu.memref_squeeze %dma_wait3A_23 : memref<1x200x128xf32, #tpu.memory_space<vmem>> -> memref<200x128xf32, #tpu.memory_space<vmem>>
    %dma_wait3A_25 = arith.constant 0 : i32
    %dma_wait3A_26 = tpu.memref_slice %arg9[%dma_wait3A_25] : memref<10000xi32, #tpu.memory_space<vmem>> -> memref<200xi32, #tpu.memory_space<vmem>>
    %dma_wait3A_27 = arith.constant 0 : i32
    %dma_wait3A_28 = arith.constant 0 : i32
    %dma_wait3A_29 = tpu.memref_slice %arg3[%dma_wait3A_27, %dma_wait3A_28] : memref<10000x128xf32, #tpu.memory_space<hbm>> -> memref<10000x128xf32, #tpu.memory_space<hbm>>
    %dma_wait3A_30 = tpu.memref_slice %arg12[%dma_wait3A_20] : memref<2x!tpu.dma_semaphore, #tpu.memory_space<semaphore_mem>> -> memref<1x!tpu.dma_semaphore, #tpu.memory_space<semaphore_mem>>
    %dma_wait3A_31 = tpu.memref_squeeze %dma_wait3A_30 : memref<1x!tpu.dma_semaphore, #tpu.memory_space<semaphore_mem>> -> memref<!tpu.dma_semaphore, #tpu.memory_space<semaphore_mem>>
    tpu.wait_indirect_dma semaphore(%dma_wait3A_31 : memref<!tpu.dma_semaphore, #tpu.memory_space<semaphore_mem>>) src(%dma_wait3A_29 : memref<10000x128xf32, #tpu.memory_space<hbm>>) dst(%dma_wait3A_24 : memref<200x128xf32, #tpu.memory_space<vmem>>)
    %add3A_32 = arith.constant 9800 : i32
    %add3A_33 = arith.addi %mul3A_2, %add3A_32 : i32
    %dma_start3A = arith.constant 1 : i32
    %dma_start3A_34 = arith.constant 1 : i32
    %dma_start3A_35 = arith.constant 0 : i32
    %dma_start3A_36 = arith.constant 0 : i32
    %dma_start3A_37 = tpu.memref_slice %arg10[%dma_start3A, %dma_start3A_35, %dma_start3A_36] : memref<2x200x128xf32, #tpu.memory_space<vmem>> -> memref<1x200x128xf32, #tpu.memory_space<vmem>>
    %dma_start3A_38 = tpu.memref_squeeze %dma_start3A_37 : memref<1x200x128xf32, #tpu.memory_space<vmem>> -> memref<200x128xf32, #tpu.memory_space<vmem>>
    %dma_start3A_39 = arith.constant 0 : i32
    %dma_start3A_40 = tpu.memref_slice %arg6[%add3A_33, %dma_start3A_39] : memref<320000x128xf32, #tpu.memory_space<hbm>> -> memref<200x128xf32, #tpu.memory_space<hbm>>
    %dma_start3A_41 = tpu.memref_slice %arg13[%dma_start3A_34] : memref<2x!tpu.dma_semaphore, #tpu.memory_space<semaphore_mem>> -> memref<1x!tpu.dma_semaphore, #tpu.memory_space<semaphore_mem>>
    %dma_start3A_42 = tpu.memref_squeeze %dma_start3A_41 : memref<1x!tpu.dma_semaphore, #tpu.memory_space<semaphore_mem>> -> memref<!tpu.dma_semaphore, #tpu.memory_space<semaphore_mem>>
    %dma_start3A_43 = arith.constant 0 : i32
    %dma_start3A_44 = tpu.memref_slice %arg6[%add3A_33, %dma_start3A_43] : memref<320000x128xf32, #tpu.memory_space<hbm>> -> memref<200x128xf32, #tpu.memory_space<hbm>>
    %dma_start3A_45 = arith.constant 0 : i32
    %dma_start3A_46 = arith.constant 0 : i32
    %dma_start3A_47 = tpu.memref_slice %arg10[%dma_start3A, %dma_start3A_45, %dma_start3A_46] : memref<2x200x128xf32, #tpu.memory_space<vmem>> -> memref<1x200x128xf32, #tpu.memory_space<vmem>>
    %dma_start3A_48 = tpu.memref_squeeze %dma_start3A_47 : memref<1x200x128xf32, #tpu.memory_space<vmem>> -> memref<200x128xf32, #tpu.memory_space<vmem>>
    tpu.enqueue_dma source(%dma_start3A_48 : memref<200x128xf32, #tpu.memory_space<vmem>>) target(%dma_start3A_44 : memref<200x128xf32, #tpu.memory_space<hbm>>) target_semaphore(%dma_start3A_42 : memref<!tpu.dma_semaphore, #tpu.memory_space<semaphore_mem>>)
    %dma_start3A_49 = arith.constant 1 : i32
    %dma_start3A_50 = arith.constant 1 : i32
    %dma_start3A_51 = arith.constant 0 : i32
    %dma_start3A_52 = arith.constant 0 : i32
    %dma_start3A_53 = tpu.memref_slice %arg11[%dma_start3A_49, %dma_start3A_51, %dma_start3A_52] : memref<2x200x128xf32, #tpu.memory_space<vmem>> -> memref<1x200x128xf32, #tpu.memory_space<vmem>>
    %dma_start3A_54 = tpu.memref_squeeze %dma_start3A_53 : memref<1x200x128xf32, #tpu.memory_space<vmem>> -> memref<200x128xf32, #tpu.memory_space<vmem>>
    %dma_start3A_55 = arith.constant 0 : i32
    %dma_start3A_56 = tpu.memref_slice %arg7[%add3A_33, %dma_start3A_55] : memref<320000x128xf32, #tpu.memory_space<hbm>> -> memref<200x128xf32, #tpu.memory_space<hbm>>
    %dma_start3A_57 = tpu.memref_slice %arg13[%dma_start3A_50] : memref<2x!tpu.dma_semaphore, #tpu.memory_space<semaphore_mem>> -> memref<1x!tpu.dma_semaphore, #tpu.memory_space<semaphore_mem>>
    %dma_start3A_58 = tpu.memref_squeeze %dma_start3A_57 : memref<1x!tpu.dma_semaphore, #tpu.memory_space<semaphore_mem>> -> memref<!tpu.dma_semaphore, #tpu.memory_space<semaphore_mem>>
    %dma_start3A_59 = arith.constant 0 : i32
    %dma_start3A_60 = tpu.memref_slice %arg7[%add3A_33, %dma_start3A_59] : memref<320000x128xf32, #tpu.memory_space<hbm>> -> memref<200x128xf32, #tpu.memory_space<hbm>>
    %dma_start3A_61 = arith.constant 0 : i32
    %dma_start3A_62 = arith.constant 0 : i32
    %dma_start3A_63 = tpu.memref_slice %arg11[%dma_start3A_49, %dma_start3A_61, %dma_start3A_62] : memref<2x200x128xf32, #tpu.memory_space<vmem>> -> memref<1x200x128xf32, #tpu.memory_space<vmem>>
    %dma_start3A_64 = tpu.memref_squeeze %dma_start3A_63 : memref<1x200x128xf32, #tpu.memory_space<vmem>> -> memref<200x128xf32, #tpu.memory_space<vmem>>
    tpu.enqueue_dma source(%dma_start3A_64 : memref<200x128xf32, #tpu.memory_space<vmem>>) target(%dma_start3A_60 : memref<200x128xf32, #tpu.memory_space<hbm>>) target_semaphore(%dma_start3A_58 : memref<!tpu.dma_semaphore, #tpu.memory_space<semaphore_mem>>)
    %dma_wait3A_65 = arith.constant 0 : i32
    %dma_wait3A_66 = arith.constant 0 : i32
    %dma_wait3A_67 = arith.constant 0 : i32
    %dma_wait3A_68 = arith.constant 0 : i32
    %dma_wait3A_69 = tpu.memref_slice %arg10[%dma_wait3A_65, %dma_wait3A_67, %dma_wait3A_68] : memref<2x200x128xf32, #tpu.memory_space<vmem>> -> memref<1x200x128xf32, #tpu.memory_space<vmem>>
    %dma_wait3A_70 = tpu.memref_squeeze %dma_wait3A_69 : memref<1x200x128xf32, #tpu.memory_space<vmem>> -> memref<200x128xf32, #tpu.memory_space<vmem>>
    %dma_wait3A_71 = arith.constant 0 : i32
    %dma_wait3A_72 = tpu.memref_slice %arg6[%mul3A_2, %dma_wait3A_71] : memref<320000x128xf32, #tpu.memory_space<hbm>> -> memref<200x128xf32, #tpu.memory_space<hbm>>
    %dma_wait3A_73 = tpu.memref_slice %arg13[%dma_wait3A_66] : memref<2x!tpu.dma_semaphore, #tpu.memory_space<semaphore_mem>> -> memref<1x!tpu.dma_semaphore, #tpu.memory_space<semaphore_mem>>
    %dma_wait3A_74 = tpu.memref_squeeze %dma_wait3A_73 : memref<1x!tpu.dma_semaphore, #tpu.memory_space<semaphore_mem>> -> memref<!tpu.dma_semaphore, #tpu.memory_space<semaphore_mem>>
    %dma_wait3A_75 = arith.constant 0 : i32
    %dma_wait3A_76 = tpu.memref_slice %arg6[%mul3A_2, %dma_wait3A_75] : memref<320000x128xf32, #tpu.memory_space<hbm>> -> memref<200x128xf32, #tpu.memory_space<hbm>>
    %dma_wait3A_77 = arith.constant 0 : i32
    %dma_wait3A_78 = arith.constant 0 : i32
    %dma_wait3A_79 = tpu.memref_slice %arg10[%dma_wait3A_65, %dma_wait3A_77, %dma_wait3A_78] : memref<2x200x128xf32, #tpu.memory_space<vmem>> -> memref<1x200x128xf32, #tpu.memory_space<vmem>>
    %dma_wait3A_80 = tpu.memref_squeeze %dma_wait3A_79 : memref<1x200x128xf32, #tpu.memory_space<vmem>> -> memref<200x128xf32, #tpu.memory_space<vmem>>
    tpu.wait_dma2 semaphore(%dma_wait3A_74 : memref<!tpu.dma_semaphore, #tpu.memory_space<semaphore_mem>>) src(%dma_wait3A_80 : memref<200x128xf32, #tpu.memory_space<vmem>>) dst(%dma_wait3A_76 : memref<200x128xf32, #tpu.memory_space<hbm>>)
    %dma_wait3A_81 = arith.constant 0 : i32
    %dma_wait3A_82 = arith.constant 0 : i32
    %dma_wait3A_83 = arith.constant 0 : i32
    %dma_wait3A_84 = arith.constant 0 : i32
    %dma_wait3A_85 = tpu.memref_slice %arg11[%dma_wait3A_81, %dma_wait3A_83, %dma_wait3A_84] : memref<2x200x128xf32, #tpu.memory_space<vmem>> -> memref<1x200x128xf32, #tpu.memory_space<vmem>>
    %dma_wait3A_86 = tpu.memref_squeeze %dma_wait3A_85 : memref<1x200x128xf32, #tpu.memory_space<vmem>> -> memref<200x128xf32, #tpu.memory_space<vmem>>
    %dma_wait3A_87 = arith.constant 0 : i32
    %dma_wait3A_88 = tpu.memref_slice %arg7[%mul3A_2, %dma_wait3A_87] : memref<320000x128xf32, #tpu.memory_space<hbm>> -> memref<200x128xf32, #tpu.memory_space<hbm>>
    %dma_wait3A_89 = tpu.memref_slice %arg13[%dma_wait3A_82] : memref<2x!tpu.dma_semaphore, #tpu.memory_space<semaphore_mem>> -> memref<1x!tpu.dma_semaphore, #tpu.memory_space<semaphore_mem>>
    %dma_wait3A_90 = tpu.memref_squeeze %dma_wait3A_89 : memref<1x!tpu.dma_semaphore, #tpu.memory_space<semaphore_mem>> -> memref<!tpu.dma_semaphore, #tpu.memory_space<semaphore_mem>>
    %dma_wait3A_91 = arith.constant 0 : i32
    %dma_wait3A_92 = tpu.memref_slice %arg7[%mul3A_2, %dma_wait3A_91] : memref<320000x128xf32, #tpu.memory_space<hbm>> -> memref<200x128xf32, #tpu.memory_space<hbm>>
    %dma_wait3A_93 = arith.constant 0 : i32
    %dma_wait3A_94 = arith.constant 0 : i32
    %dma_wait3A_95 = tpu.memref_slice %arg11[%dma_wait3A_81, %dma_wait3A_93, %dma_wait3A_94] : memref<2x200x128xf32, #tpu.memory_space<vmem>> -> memref<1x200x128xf32, #tpu.memory_space<vmem>>
    %dma_wait3A_96 = tpu.memref_squeeze %dma_wait3A_95 : memref<1x200x128xf32, #tpu.memory_space<vmem>> -> memref<200x128xf32, #tpu.memory_space<vmem>>
    tpu.wait_dma2 semaphore(%dma_wait3A_90 : memref<!tpu.dma_semaphore, #tpu.memory_space<semaphore_mem>>) src(%dma_wait3A_96 : memref<200x128xf32, #tpu.memory_space<vmem>>) dst(%dma_wait3A_92 : memref<200x128xf32, #tpu.memory_space<hbm>>)
    %dma_wait3A_97 = arith.constant 1 : i32
    %dma_wait3A_98 = arith.constant 1 : i32
    %dma_wait3A_99 = arith.constant 0 : i32
    %dma_wait3A_100 = arith.constant 0 : i32
    %dma_wait3A_101 = tpu.memref_slice %arg10[%dma_wait3A_97, %dma_wait3A_99, %dma_wait3A_100] : memref<2x200x128xf32, #tpu.memory_space<vmem>> -> memref<1x200x128xf32, #tpu.memory_space<vmem>>
    %dma_wait3A_102 = tpu.memref_squeeze %dma_wait3A_101 : memref<1x200x128xf32, #tpu.memory_space<vmem>> -> memref<200x128xf32, #tpu.memory_space<vmem>>
    %dma_wait3A_103 = arith.constant 0 : i32
    %dma_wait3A_104 = tpu.memref_slice %arg6[%mul3A_2, %dma_wait3A_103] : memref<320000x128xf32, #tpu.memory_space<hbm>> -> memref<200x128xf32, #tpu.memory_space<hbm>>
    %dma_wait3A_105 = tpu.memref_slice %arg13[%dma_wait3A_98] : memref<2x!tpu.dma_semaphore, #tpu.memory_space<semaphore_mem>> -> memref<1x!tpu.dma_semaphore, #tpu.memory_space<semaphore_mem>>
    %dma_wait3A_106 = tpu.memref_squeeze %dma_wait3A_105 : memref<1x!tpu.dma_semaphore, #tpu.memory_space<semaphore_mem>> -> memref<!tpu.dma_semaphore, #tpu.memory_space<semaphore_mem>>
    %dma_wait3A_107 = arith.constant 0 : i32
    %dma_wait3A_108 = tpu.memref_slice %arg6[%mul3A_2, %dma_wait3A_107] : memref<320000x128xf32, #tpu.memory_space<hbm>> -> memref<200x128xf32, #tpu.memory_space<hbm>>
    %dma_wait3A_109 = arith.constant 0 : i32
    %dma_wait3A_110 = arith.constant 0 : i32
    %dma_wait3A_111 = tpu.memref_slice %arg10[%dma_wait3A_97, %dma_wait3A_109, %dma_wait3A_110] : memref<2x200x128xf32, #tpu.memory_space<vmem>> -> memref<1x200x128xf32, #tpu.memory_space<vmem>>
    %dma_wait3A_112 = tpu.memref_squeeze %dma_wait3A_111 : memref<1x200x128xf32, #tpu.memory_space<vmem>> -> memref<200x128xf32, #tpu.memory_space<vmem>>
    tpu.wait_dma2 semaphore(%dma_wait3A_106 : memref<!tpu.dma_semaphore, #tpu.memory_space<semaphore_mem>>) src(%dma_wait3A_112 : memref<200x128xf32, #tpu.memory_space<vmem>>) dst(%dma_wait3A_108 : memref<200x128xf32, #tpu.memory_space<hbm>>)
    %dma_wait3A_113 = arith.constant 1 : i32
    %dma_wait3A_114 = arith.constant 1 : i32
    %dma_wait3A_115 = arith.constant 0 : i32
    %dma_wait3A_116 = arith.constant 0 : i32
    %dma_wait3A_117 = tpu.memref_slice %arg11[%dma_wait3A_113, %dma_wait3A_115, %dma_wait3A_116] : memref<2x200x128xf32, #tpu.memory_space<vmem>> -> memref<1x200x128xf32, #tpu.memory_space<vmem>>
    %dma_wait3A_118 = tpu.memref_squeeze %dma_wait3A_117 : memref<1x200x128xf32, #tpu.memory_space<vmem>> -> memref<200x128xf32, #tpu.memory_space<vmem>>
    %dma_wait3A_119 = arith.constant 0 : i32
    %dma_wait3A_120 = tpu.memref_slice %arg7[%mul3A_2, %dma_wait3A_119] : memref<320000x128xf32, #tpu.memory_space<hbm>> -> memref<200x128xf32, #tpu.memory_space<hbm>>
    %dma_wait3A_121 = tpu.memref_slice %arg13[%dma_wait3A_114] : memref<2x!tpu.dma_semaphore, #tpu.memory_space<semaphore_mem>> -> memref<1x!tpu.dma_semaphore, #tpu.memory_space<semaphore_mem>>
    %dma_wait3A_122 = tpu.memref_squeeze %dma_wait3A_121 : memref<1x!tpu.dma_semaphore, #tpu.memory_space<semaphore_mem>> -> memref<!tpu.dma_semaphore, #tpu.memory_space<semaphore_mem>>
    %dma_wait3A_123 = arith.constant 0 : i32
    %dma_wait3A_124 = tpu.memref_slice %arg7[%mul3A_2, %dma_wait3A_123] : memref<320000x128xf32, #tpu.memory_space<hbm>> -> memref<200x128xf32, #tpu.memory_space<hbm>>
    %dma_wait3A_125 = arith.constant 0 : i32
    %dma_wait3A_126 = arith.constant 0 : i32
    %dma_wait3A_127 = tpu.memref_slice %arg11[%dma_wait3A_113, %dma_wait3A_125, %dma_wait3A_126] : memref<2x200x128xf32, #tpu.memory_space<vmem>> -> memref<1x200x128xf32, #tpu.memory_space<vmem>>
    %dma_wait3A_128 = tpu.memref_squeeze %dma_wait3A_127 : memref<1x200x128xf32, #tpu.memory_space<vmem>> -> memref<200x128xf32, #tpu.memory_space<vmem>>
    tpu.wait_dma2 semaphore(%dma_wait3A_122 : memref<!tpu.dma_semaphore, #tpu.memory_space<semaphore_mem>>) src(%dma_wait3A_128 : memref<200x128xf32, #tpu.memory_space<vmem>>) dst(%dma_wait3A_124 : memref<200x128xf32, #tpu.memory_space<hbm>>)
    return
  }
}

module attributes {stable_mosaic.version = 14 : i64} {
  func.func @_qproj_body(%arg0: memref<10000x128xf32, #tpu.memory_space<vmem>>, %arg1: memref<128x128xf32, #tpu.memory_space<vmem>>, %arg2: memref<10000x128xf32, #tpu.memory_space<vmem>>) attributes {dimension_semantics = [], scalar_prefetch = 0 : i64, scratch_operands = 0 : i64, tpu.core_type = #tpu.core_type<tc>} {
    %get3A = arith.constant 0 : index
    %get3A_0 = arith.constant 0 : index
    %get3A_1 = vector.load %arg0[%get3A, %get3A_0] : memref<10000x128xf32, #tpu.memory_space<vmem>>, vector<10000x128xf32>
    %get3A_2 = arith.constant 0 : index
    %get3A_3 = arith.constant 0 : index
    %get3A_4 = vector.load %arg1[%get3A_2, %get3A_3] : memref<128x128xf32, #tpu.memory_space<vmem>>, vector<128x128xf32>
    %dot_general3A = arith.constant dense<0.000000e+00> : vector<10000x128xf32>
    %dot_general3A_5 = tpu.matmul %get3A_1, %get3A_4, %dot_general3A {dimension_numbers = #tpu.dot_dimension_numbers<[1], [0], [0], [1], [0, 0, 1, 1], [], []>, transpose_lhs_hint = false} : vector<10000x128xf32>, vector<128x128xf32>, vector<10000x128xf32> -> vector<10000x128xf32>
    %swap3A = arith.constant 0 : index
    %swap3A_6 = arith.constant 0 : index
    %swap3A_7 = vector.load %arg2[%swap3A, %swap3A_6] : memref<10000x128xf32, #tpu.memory_space<vmem>>, vector<10000x128xf32>
    tpu.vector_store %arg2[%swap3A, %swap3A_6], %dot_general3A_5 {strides = array<i32>} : memref<10000x128xf32, #tpu.memory_space<vmem>>, vector<10000x128xf32>,
    return
  }
}

module attributes {stable_mosaic.version = 14 : i64} {
  func.func @_edge_attn_body(%arg0: i32, %arg1: memref<6400x128xf32, #tpu.memory_space<vmem>>, %arg2: memref<6400x128xf32, #tpu.memory_space<vmem>>, %arg3: memref<6400x16xf32, #tpu.memory_space<vmem>>, %arg4: memref<6400x1xf32, #tpu.memory_space<vmem>>, %arg5: memref<16x16xf32, #tpu.memory_space<vmem>>, %arg6: memref<1x16xf32, #tpu.memory_space<vmem>>, %arg7: memref<16x128xf32, #tpu.memory_space<vmem>>, %arg8: memref<1x128xf32, #tpu.memory_space<vmem>>, %arg9: memref<6400x1xf32, #tpu.memory_space<vmem>>) attributes {dimension_semantics = [#tpu.dimension_semantics<arbitrary>], iteration_bounds = array<i64: 50>, scalar_prefetch = 0 : i64, scratch_operands = 0 : i64, tpu.core_type = #tpu.core_type<tc>, window_params = [{transform_indices = @transform_0, window_bounds = array<i64: 6400, 128>}, {transform_indices = @transform_1, window_bounds = array<i64: 6400, 128>}, {transform_indices = @transform_2, window_bounds = array<i64: 6400, 16>}, {transform_indices = @transform_3, window_bounds = array<i64: 6400, 1>}, {pipeline_mode = #tpu.pipeline_mode<synchronous>, transform_indices = @transform_4, window_bounds = array<i64: 16, 16>}, {pipeline_mode = #tpu.pipeline_mode<synchronous>, transform_indices = @transform_5, window_bounds = array<i64: 1, 16>}, {pipeline_mode = #tpu.pipeline_mode<synchronous>, transform_indices = @transform_6, window_bounds = array<i64: 16, 128>}, {pipeline_mode = #tpu.pipeline_mode<synchronous>, transform_indices = @transform_7, window_bounds = array<i64: 1, 128>}, {transform_indices = @transform_8, window_bounds = array<i64: 6400, 1>}]} {
    %get3A = arith.constant 0 : index
    %get3A_0 = arith.constant 0 : index
    %get3A_1 = vector.load %arg3[%get3A, %get3A_0] : memref<6400x16xf32, #tpu.memory_space<vmem>>, vector<6400x16xf32>
    %get3A_2 = arith.constant 0 : index
    %get3A_3 = arith.constant 0 : index
    %get3A_4 = vector.load %arg5[%get3A_2, %get3A_3] : memref<16x16xf32, #tpu.memory_space<vmem>>, vector<16x16xf32>
    %dot_general3A = arith.constant dense<0.000000e+00> : vector<6400x16xf32>
    %dot_general3A_5 = tpu.matmul %get3A_1, %get3A_4, %dot_general3A {dimension_numbers = #tpu.dot_dimension_numbers<[1], [0], [0], [1], [0, 0, 1, 1], [], []>, transpose_lhs_hint = false} : vector<6400x16xf32>, vector<16x16xf32>, vector<6400x16xf32> -> vector<6400x16xf32>
    %get3A_6 = arith.constant 0 : index
    %get3A_7 = arith.constant 0 : index
    %get3A_8 = vector.load %arg6[%get3A_6, %get3A_7] : memref<1x16xf32, #tpu.memory_space<vmem>>, vector<1x16xf32>
    %add3A = vector.broadcast %get3A_8 : vector<1x16xf32> to vector<6400x16xf32>
    %add3A_9 = arith.addf %dot_general3A_5, %add3A : vector<6400x16xf32>
    %max3A = arith.constant 0.000000e+00 : f32
    %max3A_10 = vector.broadcast %max3A : f32 to vector<6400x16xf32>
    %max3A_11 = arith.maximumf %add3A_9, %max3A_10 : vector<6400x16xf32>
    %get3A_12 = arith.constant 0 : index
    %get3A_13 = arith.constant 0 : index
    %get3A_14 = vector.load %arg7[%get3A_12, %get3A_13] : memref<16x128xf32, #tpu.memory_space<vmem>>, vector<16x128xf32>
    %dot_general3A_15 = arith.constant dense<0.000000e+00> : vector<6400x128xf32>
    %dot_general3A_16 = tpu.matmul %max3A_11, %get3A_14, %dot_general3A_15 {dimension_numbers = #tpu.dot_dimension_numbers<[1], [0], [0], [1], [0, 0, 1, 1], [], []>, transpose_lhs_hint = false} : vector<6400x16xf32>, vector<16x128xf32>, vector<6400x128xf32> -> vector<6400x128xf32>
    %get3A_17 = arith.constant 0 : index
    %get3A_18 = arith.constant 0 : index
    %get3A_19 = vector.load %arg8[%get3A_17, %get3A_18] : memref<1x128xf32, #tpu.memory_space<vmem>>, vector<1x128xf32>
    %add3A_20 = vector.broadcast %get3A_19 : vector<1x128xf32> to vector<6400x128xf32>
    %add3A_21 = arith.addf %dot_general3A_16, %add3A_20 : vector<6400x128xf32>
    %get3A_22 = arith.constant 0 : index
    %get3A_23 = arith.constant 0 : index
    %get3A_24 = vector.load %arg1[%get3A_22, %get3A_23] : memref<6400x128xf32, #tpu.memory_space<vmem>>, vector<6400x128xf32>
    %get3A_25 = arith.constant 0 : index
    %get3A_26 = arith.constant 0 : index
    %get3A_27 = vector.load %arg2[%get3A_25, %get3A_26] : memref<6400x128xf32, #tpu.memory_space<vmem>>, vector<6400x128xf32>
    %mul3A = arith.mulf %get3A_24, %get3A_27 : vector<6400x128xf32>
    %mul3A_28 = arith.mulf %mul3A, %add3A_21 : vector<6400x128xf32>
    %reduce_sum3A = arith.constant dense<0.000000e+00> : vector<6400xf32>
    %reduce_sum3A_29 = vector.multi_reduction <add>, %mul3A_28, %reduce_sum3A [1] : vector<6400x128xf32> to vector<6400xf32>
    %broadcast_in_dim3A = vector.shape_cast %reduce_sum3A_29 : vector<6400xf32> to vector<6400x1xf32>
    %get3A_30 = arith.constant 0 : index
    %get3A_31 = arith.constant 0 : index
    %get3A_32 = vector.load %arg4[%get3A_30, %get3A_31] : memref<6400x1xf32, #tpu.memory_space<vmem>>, vector<6400x1xf32>
    %mul3A_33 = arith.mulf %broadcast_in_dim3A, %get3A_32 : vector<6400x1xf32>
    %swap3A = arith.constant 0 : index
    %swap3A_34 = arith.constant 0 : index
    %swap3A_35 = vector.load %arg9[%swap3A, %swap3A_34] : memref<6400x1xf32, #tpu.memory_space<vmem>>, vector<6400x1xf32>
    tpu.vector_store %arg9[%swap3A, %swap3A_34], %mul3A_33 {strides = array<i32>} : memref<6400x1xf32, #tpu.memory_space<vmem>>, vector<6400x1xf32>,
    return
  }
  func.func @transform_0(%arg0: i32) -> (i32, i32) {
    %c0_i32 = arith.constant 0 : i32
    %c0_i32_0 = arith.constant 0 : i32
    return %arg0, %c0_i32 : i32, i32
  }
  func.func @transform_1(%arg0: i32) -> (i32, i32) {
    %c0_i32 = arith.constant 0 : i32
    %c0_i32_0 = arith.constant 0 : i32
    return %arg0, %c0_i32 : i32, i32
  }
  func.func @transform_2(%arg0: i32) -> (i32, i32) {
    %c0_i32 = arith.constant 0 : i32
    %c0_i32_0 = arith.constant 0 : i32
    return %arg0, %c0_i32 : i32, i32
  }
  func.func @transform_3(%arg0: i32) -> (i32, i32) {
    %c0_i32 = arith.constant 0 : i32
    %c0_i32_0 = arith.constant 0 : i32
    return %arg0, %c0_i32 : i32, i32
  }
  func.func @transform_4(%arg0: i32) -> (i32, i32) {
    %c0_i32 = arith.constant 0 : i32
    %c0_i32_0 = arith.constant 0 : i32
    %c0_i32_1 = arith.constant 0 : i32
    return %c0_i32, %c0_i32_0 : i32, i32
  }
  func.func @transform_5(%arg0: i32) -> (i32, i32) {
    %c0_i32 = arith.constant 0 : i32
    %c0_i32_0 = arith.constant 0 : i32
    %c0_i32_1 = arith.constant 0 : i32
    return %c0_i32, %c0_i32_0 : i32, i32
  }
  func.func @transform_6(%arg0: i32) -> (i32, i32) {
    %c0_i32 = arith.constant 0 : i32
    %c0_i32_0 = arith.constant 0 : i32
    %c0_i32_1 = arith.constant 0 : i32
    return %c0_i32, %c0_i32_0 : i32, i32
  }
  func.func @transform_7(%arg0: i32) -> (i32, i32) {
    %c0_i32 = arith.constant 0 : i32
    %c0_i32_0 = arith.constant 0 : i32
    %c0_i32_1 = arith.constant 0 : i32
    return %c0_i32, %c0_i32_0 : i32, i32
  }
  func.func @transform_8(%arg0: i32) -> (i32, i32) {
    %c0_i32 = arith.constant 0 : i32
    %c0_i32_0 = arith.constant 0 : i32
    return %arg0, %c0_i32 : i32, i32
  }
}

module attributes {stable_mosaic.version = 14 : i64} {
  func.func @_edge_va_body(%arg0: i32, %arg1: memref<6400x128xf32, #tpu.memory_space<vmem>>, %arg2: memref<6400x16xf32, #tpu.memory_space<vmem>>, %arg3: memref<6400x1xf32, #tpu.memory_space<vmem>>, %arg4: memref<6400x1xf32, #tpu.memory_space<vmem>>, %arg5: memref<16x16xf32, #tpu.memory_space<vmem>>, %arg6: memref<1x16xf32, #tpu.memory_space<vmem>>, %arg7: memref<16x128xf32, #tpu.memory_space<vmem>>, %arg8: memref<1x128xf32, #tpu.memory_space<vmem>>, %arg9: memref<6400x128xf32, #tpu.memory_space<vmem>>) attributes {dimension_semantics = [#tpu.dimension_semantics<arbitrary>], iteration_bounds = array<i64: 50>, scalar_prefetch = 0 : i64, scratch_operands = 0 : i64, tpu.core_type = #tpu.core_type<tc>, window_params = [{transform_indices = @transform_0, window_bounds = array<i64: 6400, 128>}, {transform_indices = @transform_1, window_bounds = array<i64: 6400, 16>}, {transform_indices = @transform_2, window_bounds = array<i64: 6400, 1>}, {transform_indices = @transform_3, window_bounds = array<i64: 6400, 1>}, {pipeline_mode = #tpu.pipeline_mode<synchronous>, transform_indices = @transform_4, window_bounds = array<i64: 16, 16>}, {pipeline_mode = #tpu.pipeline_mode<synchronous>, transform_indices = @transform_5, window_bounds = array<i64: 1, 16>}, {pipeline_mode = #tpu.pipeline_mode<synchronous>, transform_indices = @transform_6, window_bounds = array<i64: 16, 128>}, {pipeline_mode = #tpu.pipeline_mode<synchronous>, transform_indices = @transform_7, window_bounds = array<i64: 1, 128>}, {transform_indices = @transform_8, window_bounds = array<i64: 6400, 128>}]} {
    %get3A = arith.constant 0 : index
    %get3A_0 = arith.constant 0 : index
    %get3A_1 = vector.load %arg2[%get3A, %get3A_0] : memref<6400x16xf32, #tpu.memory_space<vmem>>, vector<6400x16xf32>
    %get3A_2 = arith.constant 0 : index
    %get3A_3 = arith.constant 0 : index
    %get3A_4 = vector.load %arg5[%get3A_2, %get3A_3] : memref<16x16xf32, #tpu.memory_space<vmem>>, vector<16x16xf32>
    %dot_general3A = arith.constant dense<0.000000e+00> : vector<6400x16xf32>
    %dot_general3A_5 = tpu.matmul %get3A_1, %get3A_4, %dot_general3A {dimension_numbers = #tpu.dot_dimension_numbers<[1], [0], [0], [1], [0, 0, 1, 1], [], []>, transpose_lhs_hint = false} : vector<6400x16xf32>, vector<16x16xf32>, vector<6400x16xf32> -> vector<6400x16xf32>
    %get3A_6 = arith.constant 0 : index
    %get3A_7 = arith.constant 0 : index
    %get3A_8 = vector.load %arg6[%get3A_6, %get3A_7] : memref<1x16xf32, #tpu.memory_space<vmem>>, vector<1x16xf32>
    %add3A = vector.broadcast %get3A_8 : vector<1x16xf32> to vector<6400x16xf32>
    %add3A_9 = arith.addf %dot_general3A_5, %add3A : vector<6400x16xf32>
    %max3A = arith.constant 0.000000e+00 : f32
    %max3A_10 = vector.broadcast %max3A : f32 to vector<6400x16xf32>
    %max3A_11 = arith.maximumf %add3A_9, %max3A_10 : vector<6400x16xf32>
    %get3A_12 = arith.constant 0 : index
    %get3A_13 = arith.constant 0 : index
    %get3A_14 = vector.load %arg7[%get3A_12, %get3A_13] : memref<16x128xf32, #tpu.memory_space<vmem>>, vector<16x128xf32>
    %dot_general3A_15 = arith.constant dense<0.000000e+00> : vector<6400x128xf32>
    %dot_general3A_16 = tpu.matmul %max3A_11, %get3A_14, %dot_general3A_15 {dimension_numbers = #tpu.dot_dimension_numbers<[1], [0], [0], [1], [0, 0, 1, 1], [], []>, transpose_lhs_hint = false} : vector<6400x16xf32>, vector<16x128xf32>, vector<6400x128xf32> -> vector<6400x128xf32>
    %get3A_17 = arith.constant 0 : index
    %get3A_18 = arith.constant 0 : index
    %get3A_19 = vector.load %arg8[%get3A_17, %get3A_18] : memref<1x128xf32, #tpu.memory_space<vmem>>, vector<1x128xf32>
    %add3A_20 = vector.broadcast %get3A_19 : vector<1x128xf32> to vector<6400x128xf32>
    %add3A_21 = arith.addf %dot_general3A_16, %add3A_20 : vector<6400x128xf32>
    %get3A_22 = arith.constant 0 : index
    %get3A_23 = arith.constant 0 : index
    %get3A_24 = vector.load %arg1[%get3A_22, %get3A_23] : memref<6400x128xf32, #tpu.memory_space<vmem>>, vector<6400x128xf32>
    %get3A_25 = arith.constant 0 : index
    %get3A_26 = arith.constant 0 : index
    %get3A_27 = vector.load %arg3[%get3A_25, %get3A_26] : memref<6400x1xf32, #tpu.memory_space<vmem>>, vector<6400x1xf32>
    %get3A_28 = arith.constant 0 : index
    %get3A_29 = arith.constant 0 : index
    %get3A_30 = vector.load %arg4[%get3A_28, %get3A_29] : memref<6400x1xf32, #tpu.memory_space<vmem>>, vector<6400x1xf32>
    %mul3A = arith.mulf %get3A_27, %get3A_30 : vector<6400x1xf32>
    %mul3A_31 = vector.broadcast %mul3A : vector<6400x1xf32> to vector<6400x128xf32>
    %mul3A_32 = arith.mulf %get3A_24, %mul3A_31 : vector<6400x128xf32>
    %mul3A_33 = arith.mulf %mul3A_32, %add3A_21 : vector<6400x128xf32>
    %swap3A = arith.constant 0 : index
    %swap3A_34 = arith.constant 0 : index
    %swap3A_35 = vector.load %arg9[%swap3A, %swap3A_34] : memref<6400x128xf32, #tpu.memory_space<vmem>>, vector<6400x128xf32>
    tpu.vector_store %arg9[%swap3A, %swap3A_34], %mul3A_33 {strides = array<i32>} : memref<6400x128xf32, #tpu.memory_space<vmem>>, vector<6400x128xf32>,
    return
  }
  func.func @transform_0(%arg0: i32) -> (i32, i32) {
    %c0_i32 = arith.constant 0 : i32
    %c0_i32_0 = arith.constant 0 : i32
    return %arg0, %c0_i32 : i32, i32
  }
  func.func @transform_1(%arg0: i32) -> (i32, i32) {
    %c0_i32 = arith.constant 0 : i32
    %c0_i32_0 = arith.constant 0 : i32
    return %arg0, %c0_i32 : i32, i32
  }
  func.func @transform_2(%arg0: i32) -> (i32, i32) {
    %c0_i32 = arith.constant 0 : i32
    %c0_i32_0 = arith.constant 0 : i32
    return %arg0, %c0_i32 : i32, i32
  }
  func.func @transform_3(%arg0: i32) -> (i32, i32) {
    %c0_i32 = arith.constant 0 : i32
    %c0_i32_0 = arith.constant 0 : i32
    return %arg0, %c0_i32 : i32, i32
  }
  func.func @transform_4(%arg0: i32) -> (i32, i32) {
    %c0_i32 = arith.constant 0 : i32
    %c0_i32_0 = arith.constant 0 : i32
    %c0_i32_1 = arith.constant 0 : i32
    return %c0_i32, %c0_i32_0 : i32, i32
  }
  func.func @transform_5(%arg0: i32) -> (i32, i32) {
    %c0_i32 = arith.constant 0 : i32
    %c0_i32_0 = arith.constant 0 : i32
    %c0_i32_1 = arith.constant 0 : i32
    return %c0_i32, %c0_i32_0 : i32, i32
  }
  func.func @transform_6(%arg0: i32) -> (i32, i32) {
    %c0_i32 = arith.constant 0 : i32
    %c0_i32_0 = arith.constant 0 : i32
    %c0_i32_1 = arith.constant 0 : i32
    return %c0_i32, %c0_i32_0 : i32, i32
  }
  func.func @transform_7(%arg0: i32) -> (i32, i32) {
    %c0_i32 = arith.constant 0 : i32
    %c0_i32_0 = arith.constant 0 : i32
    %c0_i32_1 = arith.constant 0 : i32
    return %c0_i32, %c0_i32_0 : i32, i32
  }
  func.func @transform_8(%arg0: i32) -> (i32, i32) {
    %c0_i32 = arith.constant 0 : i32
    %c0_i32_0 = arith.constant 0 : i32
    return %arg0, %c0_i32 : i32, i32
  }
}

module attributes {stable_mosaic.version = 14 : i64} {
  func.func @_node_update_body(%arg0: memref<10000x128xf32, #tpu.memory_space<vmem>>, %arg1: memref<5000x128xf32, #tpu.memory_space<vmem>>, %arg2: memref<5000x128xf32, #tpu.memory_space<vmem>>, %arg3: memref<1x128xf32, #tpu.memory_space<vmem>>, %arg4: memref<1x128xf32, #tpu.memory_space<vmem>>, %arg5: memref<128x16xf32, #tpu.memory_space<vmem>>, %arg6: memref<10000x128xf32, #tpu.memory_space<vmem>>, %arg7: memref<10000x128xf32, #tpu.memory_space<vmem>>) attributes {dimension_semantics = [], scalar_prefetch = 0 : i64, scratch_operands = 0 : i64, tpu.core_type = #tpu.core_type<tc>} {
    %get3A = arith.constant 0 : index
    %get3A_0 = arith.constant 0 : index
    %get3A_1 = vector.load %arg0[%get3A, %get3A_0] : memref<10000x128xf32, #tpu.memory_space<vmem>>, vector<10000x128xf32>
    %get3A_2 = arith.constant 0 : index
    %get3A_3 = arith.constant 0 : index
    %get3A_4 = vector.load %arg1[%get3A_2, %get3A_3] : memref<5000x128xf32, #tpu.memory_space<vmem>>, vector<5000x128xf32>
    %get3A_5 = arith.constant 0 : index
    %get3A_6 = arith.constant 0 : index
    %get3A_7 = vector.load %arg2[%get3A_5, %get3A_6] : memref<5000x128xf32, #tpu.memory_space<vmem>>, vector<5000x128xf32>
    %concatenate3A = tpu.concatenate %get3A_4, %get3A_7 in 0 : vector<5000x128xf32>, vector<5000x128xf32> -> vector<10000x128xf32>
    %add3A = arith.addf %get3A_1, %concatenate3A : vector<10000x128xf32>
    %reduce_sum3A = arith.constant dense<0.000000e+00> : vector<128xf32>
    %reduce_sum3A_8 = vector.multi_reduction <add>, %add3A, %reduce_sum3A [0] : vector<10000x128xf32> to vector<128xf32>
    %broadcast_in_dim3A = vector.shape_cast %reduce_sum3A_8 : vector<128xf32> to vector<1x128xf32>
    %div3A = arith.constant 1.000000e+04 : f32
    %div3A_9 = vector.broadcast %div3A : f32 to vector<1x128xf32>
    %div3A_10 = arith.divf %broadcast_in_dim3A, %div3A_9 : vector<1x128xf32>
    %sub3A = vector.broadcast %div3A_10 : vector<1x128xf32> to vector<10000x128xf32>
    %sub3A_11 = arith.subf %add3A, %sub3A : vector<10000x128xf32>
    %mul3A = arith.mulf %sub3A_11, %sub3A_11 : vector<10000x128xf32>
    %reduce_sum3A_12 = arith.constant dense<0.000000e+00> : vector<128xf32>
    %reduce_sum3A_13 = vector.multi_reduction <add>, %mul3A, %reduce_sum3A_12 [0] : vector<10000x128xf32> to vector<128xf32>
    %broadcast_in_dim3A_14 = vector.shape_cast %reduce_sum3A_13 : vector<128xf32> to vector<1x128xf32>
    %div3A_15 = arith.constant 1.000000e+04 : f32
    %div3A_16 = vector.broadcast %div3A_15 : f32 to vector<1x128xf32>
    %div3A_17 = arith.divf %broadcast_in_dim3A_14, %div3A_16 : vector<1x128xf32>
    %add3A_18 = arith.constant 9.99999974E-6 : f32
    %add3A_19 = vector.broadcast %add3A_18 : f32 to vector<1x128xf32>
    %add3A_20 = arith.addf %div3A_17, %add3A_19 : vector<1x128xf32>
    %rsqrt3A = math.rsqrt %add3A_20 : vector<1x128xf32>
    %mul3A_21 = vector.broadcast %rsqrt3A : vector<1x128xf32> to vector<10000x128xf32>
    %mul3A_22 = arith.mulf %sub3A_11, %mul3A_21 : vector<10000x128xf32>
    %get3A_23 = arith.constant 0 : index
    %get3A_24 = arith.constant 0 : index
    %get3A_25 = vector.load %arg3[%get3A_23, %get3A_24] : memref<1x128xf32, #tpu.memory_space<vmem>>, vector<1x128xf32>
    %mul3A_26 = vector.broadcast %get3A_25 : vector<1x128xf32> to vector<10000x128xf32>
    %mul3A_27 = arith.mulf %mul3A_22, %mul3A_26 : vector<10000x128xf32>
    %get3A_28 = arith.constant 0 : index
    %get3A_29 = arith.constant 0 : index
    %get3A_30 = vector.load %arg4[%get3A_28, %get3A_29] : memref<1x128xf32, #tpu.memory_space<vmem>>, vector<1x128xf32>
    %add3A_31 = vector.broadcast %get3A_30 : vector<1x128xf32> to vector<10000x128xf32>
    %add3A_32 = arith.addf %mul3A_27, %add3A_31 : vector<10000x128xf32>
    %swap3A = arith.constant 0 : index
    %swap3A_33 = arith.constant 0 : index
    %swap3A_34 = vector.load %arg6[%swap3A, %swap3A_33] : memref<10000x128xf32, #tpu.memory_space<vmem>>, vector<10000x128xf32>
    tpu.vector_store %arg6[%swap3A, %swap3A_33], %add3A_32 {strides = array<i32>} : memref<10000x128xf32, #tpu.memory_space<vmem>>, vector<10000x128xf32>,
    %get3A_35 = arith.constant 0 : index
    %get3A_36 = arith.constant 0 : index
    %get3A_37 = vector.load %arg5[%get3A_35, %get3A_36] : memref<128x16xf32, #tpu.memory_space<vmem>>, vector<128x16xf32>
    %dot_general3A = arith.constant dense<0.000000e+00> : vector<10000x16xf32>
    %dot_general3A_38 = tpu.matmul %add3A_32, %get3A_37, %dot_general3A {dimension_numbers = #tpu.dot_dimension_numbers<[1], [0], [0], [1], [0, 0, 1, 1], [], []>, transpose_lhs_hint = false} : vector<10000x128xf32>, vector<128x16xf32>, vector<10000x16xf32> -> vector<10000x16xf32>
    %broadcast_in_dim3A_39 = arith.constant 0.000000e+00 : f32
    %broadcast_in_dim3A_40 = vector.broadcast %broadcast_in_dim3A_39 : f32 to vector<10000x112xf32>
    %concatenate3A_41 = tpu.concatenate %dot_general3A_38, %broadcast_in_dim3A_40 in 1 : vector<10000x16xf32>, vector<10000x112xf32> -> vector<10000x128xf32>
    %swap3A_42 = arith.constant 0 : index
    %swap3A_43 = arith.constant 0 : index
    %swap3A_44 = vector.load %arg7[%swap3A_42, %swap3A_43] : memref<10000x128xf32, #tpu.memory_space<vmem>>, vector<10000x128xf32>
    tpu.vector_store %arg7[%swap3A_42, %swap3A_43], %concatenate3A_41 {strides = array<i32>} : memref<10000x128xf32, #tpu.memory_space<vmem>>, vector<10000x128xf32>,
    return
  }
}

module attributes {stable_mosaic.version = 14 : i64} {
  func.func @_edge_update_body(%arg0: i32, %arg1: memref<6400x128xf32, #tpu.memory_space<vmem>>, %arg2: memref<6400x128xf32, #tpu.memory_space<vmem>>, %arg3: memref<6400x16xf32, #tpu.memory_space<vmem>>, %arg4: memref<16x16xf32, #tpu.memory_space<vmem>>, %arg5: memref<16x16xf32, #tpu.memory_space<vmem>>, %arg6: memref<16x16xf32, #tpu.memory_space<vmem>>, %arg7: memref<1x16xf32, #tpu.memory_space<vmem>>, %arg8: memref<16x16xf32, #tpu.memory_space<vmem>>, %arg9: memref<1x16xf32, #tpu.memory_space<vmem>>, %arg10: memref<16x16xf32, #tpu.memory_space<vmem>>, %arg11: memref<1x16xf32, #tpu.memory_space<vmem>>, %arg12: memref<1x16xf32, #tpu.memory_space<vmem>>, %arg13: memref<1x16xf32, #tpu.memory_space<vmem>>, %arg14: memref<6400x16xf32, #tpu.memory_space<vmem>>) attributes {dimension_semantics = [#tpu.dimension_semantics<arbitrary>], iteration_bounds = array<i64: 50>, scalar_prefetch = 0 : i64, scratch_operands = 0 : i64, tpu.core_type = #tpu.core_type<tc>, window_params = [{transform_indices = @transform_0, window_bounds = array<i64: 6400, 128>}, {transform_indices = @transform_1, window_bounds = array<i64: 6400, 128>}, {transform_indices = @transform_2, window_bounds = array<i64: 6400, 16>}, {pipeline_mode = #tpu.pipeline_mode<synchronous>, transform_indices = @transform_3, window_bounds = array<i64: 16, 16>}, {pipeline_mode = #tpu.pipeline_mode<synchronous>, transform_indices = @transform_4, window_bounds = array<i64: 16, 16>}, {pipeline_mode = #tpu.pipeline_mode<synchronous>, transform_indices = @transform_5, window_bounds = array<i64: 16, 16>}, {pipeline_mode = #tpu.pipeline_mode<synchronous>, transform_indices = @transform_6, window_bounds = array<i64: 1, 16>}, {pipeline_mode = #tpu.pipeline_mode<synchronous>, transform_indices = @transform_7, window_bounds = array<i64: 16, 16>}, {pipeline_mode = #tpu.pipeline_mode<synchronous>, transform_indices = @transform_8, window_bounds = array<i64: 1, 16>}, {pipeline_mode = #tpu.pipeline_mode<synchronous>, transform_indices = @transform_9, window_bounds = array<i64: 16, 16>}, {pipeline_mode = #tpu.pipeline_mode<synchronous>, transform_indices = @transform_10, window_bounds = array<i64: 1, 16>}, {pipeline_mode = #tpu.pipeline_mode<synchronous>, transform_indices = @transform_11, window_bounds = array<i64: 1, 16>}, {pipeline_mode = #tpu.pipeline_mode<synchronous>, transform_indices = @transform_12, window_bounds = array<i64: 1, 16>}, {transform_indices = @transform_13, window_bounds = array<i64: 6400, 16>}]} {
    %get3A = arith.constant 0 : index
    %get3A_0 = arith.constant 0 : index
    %get3A_1 = vector.load %arg3[%get3A, %get3A_0] : memref<6400x16xf32, #tpu.memory_space<vmem>>, vector<6400x16xf32>
    %get3A_2 = arith.constant 0 : index
    %get3A_3 = arith.constant 0 : index
    %get3A_4 = vector.load %arg1[%get3A_2, %get3A_3] : memref<6400x128xf32, #tpu.memory_space<vmem>>, vector<6400x16xf32>
    %get3A_5 = arith.constant 0 : index
    %get3A_6 = arith.constant 0 : index
    %get3A_7 = vector.load %arg4[%get3A_5, %get3A_6] : memref<16x16xf32, #tpu.memory_space<vmem>>, vector<16x16xf32>
    %dot_general3A = arith.constant dense<0.000000e+00> : vector<6400x16xf32>
    %dot_general3A_8 = tpu.matmul %get3A_4, %get3A_7, %dot_general3A {dimension_numbers = #tpu.dot_dimension_numbers<[1], [0], [0], [1], [0, 0, 1, 1], [], []>, transpose_lhs_hint = false} : vector<6400x16xf32>, vector<16x16xf32>, vector<6400x16xf32> -> vector<6400x16xf32>
    %get3A_9 = arith.constant 0 : index
    %get3A_10 = arith.constant 0 : index
    %get3A_11 = vector.load %arg2[%get3A_9, %get3A_10] : memref<6400x128xf32, #tpu.memory_space<vmem>>, vector<6400x16xf32>
    %get3A_12 = arith.constant 0 : index
    %get3A_13 = arith.constant 0 : index
    %get3A_14 = vector.load %arg5[%get3A_12, %get3A_13] : memref<16x16xf32, #tpu.memory_space<vmem>>, vector<16x16xf32>
    %dot_general3A_15 = arith.constant dense<0.000000e+00> : vector<6400x16xf32>
    %dot_general3A_16 = tpu.matmul %get3A_11, %get3A_14, %dot_general3A_15 {dimension_numbers = #tpu.dot_dimension_numbers<[1], [0], [0], [1], [0, 0, 1, 1], [], []>, transpose_lhs_hint = false} : vector<6400x16xf32>, vector<16x16xf32>, vector<6400x16xf32> -> vector<6400x16xf32>
    %add3A = arith.addf %dot_general3A_8, %dot_general3A_16 : vector<6400x16xf32>
    %get3A_17 = arith.constant 0 : index
    %get3A_18 = arith.constant 0 : index
    %get3A_19 = vector.load %arg6[%get3A_17, %get3A_18] : memref<16x16xf32, #tpu.memory_space<vmem>>, vector<16x16xf32>
    %dot_general3A_20 = arith.constant dense<0.000000e+00> : vector<6400x16xf32>
    %dot_general3A_21 = tpu.matmul %get3A_1, %get3A_19, %dot_general3A_20 {dimension_numbers = #tpu.dot_dimension_numbers<[1], [0], [0], [1], [0, 0, 1, 1], [], []>, transpose_lhs_hint = false} : vector<6400x16xf32>, vector<16x16xf32>, vector<6400x16xf32> -> vector<6400x16xf32>
    %add3A_22 = arith.addf %add3A, %dot_general3A_21 : vector<6400x16xf32>
    %get3A_23 = arith.constant 0 : index
    %get3A_24 = arith.constant 0 : index
    %get3A_25 = vector.load %arg7[%get3A_23, %get3A_24] : memref<1x16xf32, #tpu.memory_space<vmem>>, vector<1x16xf32>
    %add3A_26 = vector.broadcast %get3A_25 : vector<1x16xf32> to vector<6400x16xf32>
    %add3A_27 = arith.addf %add3A_22, %add3A_26 : vector<6400x16xf32>
    %max3A = arith.constant 0.000000e+00 : f32
    %max3A_28 = vector.broadcast %max3A : f32 to vector<6400x16xf32>
    %max3A_29 = arith.maximumf %add3A_27, %max3A_28 : vector<6400x16xf32>
    %get3A_30 = arith.constant 0 : index
    %get3A_31 = arith.constant 0 : index
    %get3A_32 = vector.load %arg8[%get3A_30, %get3A_31] : memref<16x16xf32, #tpu.memory_space<vmem>>, vector<16x16xf32>
    %dot_general3A_33 = arith.constant dense<0.000000e+00> : vector<6400x16xf32>
    %dot_general3A_34 = tpu.matmul %max3A_29, %get3A_32, %dot_general3A_33 {dimension_numbers = #tpu.dot_dimension_numbers<[1], [0], [0], [1], [0, 0, 1, 1], [], []>, transpose_lhs_hint = false} : vector<6400x16xf32>, vector<16x16xf32>, vector<6400x16xf32> -> vector<6400x16xf32>
    %get3A_35 = arith.constant 0 : index
    %get3A_36 = arith.constant 0 : index
    %get3A_37 = vector.load %arg9[%get3A_35, %get3A_36] : memref<1x16xf32, #tpu.memory_space<vmem>>, vector<1x16xf32>
    %add3A_38 = vector.broadcast %get3A_37 : vector<1x16xf32> to vector<6400x16xf32>
    %add3A_39 = arith.addf %dot_general3A_34, %add3A_38 : vector<6400x16xf32>
    %max3A_40 = arith.constant 0.000000e+00 : f32
    %max3A_41 = vector.broadcast %max3A_40 : f32 to vector<6400x16xf32>
    %max3A_42 = arith.maximumf %add3A_39, %max3A_41 : vector<6400x16xf32>
    %get3A_43 = arith.constant 0 : index
    %get3A_44 = arith.constant 0 : index
    %get3A_45 = vector.load %arg10[%get3A_43, %get3A_44] : memref<16x16xf32, #tpu.memory_space<vmem>>, vector<16x16xf32>
    %dot_general3A_46 = arith.constant dense<0.000000e+00> : vector<6400x16xf32>
    %dot_general3A_47 = tpu.matmul %max3A_42, %get3A_45, %dot_general3A_46 {dimension_numbers = #tpu.dot_dimension_numbers<[1], [0], [0], [1], [0, 0, 1, 1], [], []>, transpose_lhs_hint = false} : vector<6400x16xf32>, vector<16x16xf32>, vector<6400x16xf32> -> vector<6400x16xf32>
    %get3A_48 = arith.constant 0 : index
    %get3A_49 = arith.constant 0 : index
    %get3A_50 = vector.load %arg11[%get3A_48, %get3A_49] : memref<1x16xf32, #tpu.memory_space<vmem>>, vector<1x16xf32>
    %add3A_51 = vector.broadcast %get3A_50 : vector<1x16xf32> to vector<6400x16xf32>
    %add3A_52 = arith.addf %dot_general3A_47, %add3A_51 : vector<6400x16xf32>
    %add3A_53 = arith.addf %get3A_1, %add3A_52 : vector<6400x16xf32>
    %reduce_sum3A = arith.constant dense<0.000000e+00> : vector<6400xf32>
    %reduce_sum3A_54 = vector.multi_reduction <add>, %add3A_53, %reduce_sum3A [1] : vector<6400x16xf32> to vector<6400xf32>
    %broadcast_in_dim3A = vector.shape_cast %reduce_sum3A_54 : vector<6400xf32> to vector<6400x1xf32>
    %div3A = arith.constant 1.600000e+01 : f32
    %div3A_55 = vector.broadcast %div3A : f32 to vector<6400x1xf32>
    %div3A_56 = arith.divf %broadcast_in_dim3A, %div3A_55 : vector<6400x1xf32>
    %sub3A = vector.broadcast %div3A_56 : vector<6400x1xf32> to vector<6400x16xf32>
    %sub3A_57 = arith.subf %add3A_53, %sub3A : vector<6400x16xf32>
    %mul3A = arith.mulf %sub3A_57, %sub3A_57 : vector<6400x16xf32>
    %reduce_sum3A_58 = arith.constant dense<0.000000e+00> : vector<6400xf32>
    %reduce_sum3A_59 = vector.multi_reduction <add>, %mul3A, %reduce_sum3A_58 [1] : vector<6400x16xf32> to vector<6400xf32>
    %broadcast_in_dim3A_60 = vector.shape_cast %reduce_sum3A_59 : vector<6400xf32> to vector<6400x1xf32>
    %div3A_61 = arith.constant 1.600000e+01 : f32
    %div3A_62 = vector.broadcast %div3A_61 : f32 to vector<6400x1xf32>
    %div3A_63 = arith.divf %broadcast_in_dim3A_60, %div3A_62 : vector<6400x1xf32>
    %add3A_64 = arith.constant 9.99999974E-6 : f32
    %add3A_65 = vector.broadcast %add3A_64 : f32 to vector<6400x1xf32>
    %add3A_66 = arith.addf %div3A_63, %add3A_65 : vector<6400x1xf32>
    %rsqrt3A = math.rsqrt %add3A_66 : vector<6400x1xf32>
    %mul3A_67 = vector.broadcast %rsqrt3A : vector<6400x1xf32> to vector<6400x16xf32>
    %mul3A_68 = arith.mulf %sub3A_57, %mul3A_67 : vector<6400x16xf32>
    %get3A_69 = arith.constant 0 : index
    %get3A_70 = arith.constant 0 : index
    %get3A_71 = vector.load %arg12[%get3A_69, %get3A_70] : memref<1x16xf32, #tpu.memory_space<vmem>>, vector<1x16xf32>
    %mul3A_72 = vector.broadcast %get3A_71 : vector<1x16xf32> to vector<6400x16xf32>
    %mul3A_73 = arith.mulf %mul3A_68, %mul3A_72 : vector<6400x16xf32>
    %get3A_74 = arith.constant 0 : index
    %get3A_75 = arith.constant 0 : index
    %get3A_76 = vector.load %arg13[%get3A_74, %get3A_75] : memref<1x16xf32, #tpu.memory_space<vmem>>, vector<1x16xf32>
    %add3A_77 = vector.broadcast %get3A_76 : vector<1x16xf32> to vector<6400x16xf32>
    %add3A_78 = arith.addf %mul3A_73, %add3A_77 : vector<6400x16xf32>
    %swap3A = arith.constant 0 : index
    %swap3A_79 = arith.constant 0 : index
    %swap3A_80 = vector.load %arg14[%swap3A, %swap3A_79] : memref<6400x16xf32, #tpu.memory_space<vmem>>, vector<6400x16xf32>
    tpu.vector_store %arg14[%swap3A, %swap3A_79], %add3A_78 {strides = array<i32>} : memref<6400x16xf32, #tpu.memory_space<vmem>>, vector<6400x16xf32>,
    return
  }
  func.func @transform_0(%arg0: i32) -> (i32, i32) {
    %c0_i32 = arith.constant 0 : i32
    %c0_i32_0 = arith.constant 0 : i32
    return %arg0, %c0_i32 : i32, i32
  }
  func.func @transform_1(%arg0: i32) -> (i32, i32) {
    %c0_i32 = arith.constant 0 : i32
    %c0_i32_0 = arith.constant 0 : i32
    return %arg0, %c0_i32 : i32, i32
  }
  func.func @transform_2(%arg0: i32) -> (i32, i32) {
    %c0_i32 = arith.constant 0 : i32
    %c0_i32_0 = arith.constant 0 : i32
    return %arg0, %c0_i32 : i32, i32
  }
  func.func @transform_3(%arg0: i32) -> (i32, i32) {
    %c0_i32 = arith.constant 0 : i32
    %c0_i32_0 = arith.constant 0 : i32
    %c0_i32_1 = arith.constant 0 : i32
    return %c0_i32, %c0_i32_0 : i32, i32
  }
  func.func @transform_4(%arg0: i32) -> (i32, i32) {
    %c0_i32 = arith.constant 0 : i32
    %c0_i32_0 = arith.constant 0 : i32
    %c0_i32_1 = arith.constant 0 : i32
    return %c0_i32, %c0_i32_0 : i32, i32
  }
  func.func @transform_5(%arg0: i32) -> (i32, i32) {
    %c0_i32 = arith.constant 0 : i32
    %c0_i32_0 = arith.constant 0 : i32
    %c0_i32_1 = arith.constant 0 : i32
    return %c0_i32, %c0_i32_0 : i32, i32
  }
  func.func @transform_6(%arg0: i32) -> (i32, i32) {
    %c0_i32 = arith.constant 0 : i32
    %c0_i32_0 = arith.constant 0 : i32
    %c0_i32_1 = arith.constant 0 : i32
    return %c0_i32, %c0_i32_0 : i32, i32
  }
  func.func @transform_7(%arg0: i32) -> (i32, i32) {
    %c0_i32 = arith.constant 0 : i32
    %c0_i32_0 = arith.constant 0 : i32
    %c0_i32_1 = arith.constant 0 : i32
    return %c0_i32, %c0_i32_0 : i32, i32
  }
  func.func @transform_8(%arg0: i32) -> (i32, i32) {
    %c0_i32 = arith.constant 0 : i32
    %c0_i32_0 = arith.constant 0 : i32
    %c0_i32_1 = arith.constant 0 : i32
    return %c0_i32, %c0_i32_0 : i32, i32
  }
  func.func @transform_9(%arg0: i32) -> (i32, i32) {
    %c0_i32 = arith.constant 0 : i32
    %c0_i32_0 = arith.constant 0 : i32
    %c0_i32_1 = arith.constant 0 : i32
    return %c0_i32, %c0_i32_0 : i32, i32
  }
  func.func @transform_10(%arg0: i32) -> (i32, i32) {
    %c0_i32 = arith.constant 0 : i32
    %c0_i32_0 = arith.constant 0 : i32
    %c0_i32_1 = arith.constant 0 : i32
    return %c0_i32, %c0_i32_0 : i32, i32
  }
  func.func @transform_11(%arg0: i32) -> (i32, i32) {
    %c0_i32 = arith.constant 0 : i32
    %c0_i32_0 = arith.constant 0 : i32
    %c0_i32_1 = arith.constant 0 : i32
    return %c0_i32, %c0_i32_0 : i32, i32
  }
  func.func @transform_12(%arg0: i32) -> (i32, i32) {
    %c0_i32 = arith.constant 0 : i32
    %c0_i32_0 = arith.constant 0 : i32
    %c0_i32_1 = arith.constant 0 : i32
    return %c0_i32, %c0_i32_0 : i32, i32
  }
  func.func @transform_13(%arg0: i32) -> (i32, i32) {
    %c0_i32 = arith.constant 0 : i32
    %c0_i32_0 = arith.constant 0 : i32
    return %arg0, %c0_i32 : i32, i32
  }
}

</mosaic_0001>

<sc_bundles>
// kernel: kernel.11.cloned.1.call-start
scs
__scs_entry_jumppad:
0x0: {  	(pc) =	sbr.rel $0x88, $3  }
0x1: {  	(tag) =	ssettag $0x0;
	lr =	simm.s32 $0x1  }
0x2: {  	[smem:$0x3F89] =	sst lr;
	_ =	strace $0xD0000000  }
0x3: {  	_ = 	snop  }
0x4: {  	_ = 	snop  }
0x5: {  	_ = 	snop  }
0x6: {  	_ = 	snop  }
0x7: {  	_ = 	snop  }
__scs_overlays_trampoline_lowered:
0x8: {  	[smem:$0x3F98] =	sst s0  }
0x9: {  	[smem:$0x3F99] =	sst s1  }
0xa: {  	[smem:$0x3F9A] =	sst s2  }
0xb: {  	[smem:$0x3F9B] =	sst s3  }
0xc: {  	[smem:$0x3F9C] =	sst s4  }
0xd: {  	[smem:$0x3F9D] =	sst s5  }
0xe: {  	[smem:$0x3F9E] =	sst s6  }
0xf: {  	[smem:$0x3F9F] =	sst s7  }
0x10: {  	[smem:$0x3FA0] =	sst s8  }
0x11: {  	[smem:$0x3FA1] =	sst s9;
	s0 =	simm.s32 @!p0 $0x0  }
0x12: {  	s1 =	sld [smem:$0x3F87];
	s0 =	simm.s32 @p0 $0x1  }
0x13: {  	[smem:$0x3FA2] =	sst s0;
	s0 =	simm.s32 @!p1 $0x0  }
0x14: {  	s2 =	sld [smem:$0x3F86];
	s0 =	simm.s32 @p1 $0x1  }
0x15: {  	[smem:$0x3FA3] =	sst s0;
	s0 =	simm.s32 @!p2 $0x0  }
0x16: {  	s3 =	sld [smem:$0x3FDB];
	s0 =	simm.s32 @p2 $0x1  }
0x17: {  	s4 =	simm.s32 $0x1BF5;
	[smem:$0x3FA5] =	sst s0  }
0x18: {  	s0 =	sld [smem:$0x3F88];
	_ =	swait.ge [sflag:s4], $0x0  }
0x19: {  	s7 =	sld [smem:$0x3F89]  }
0x1a: {  	s8 =	sadd.s32 $0xFFFFE003, lr  }
0x1b: {  	s9 =	sadd.s32 $0xFFFFFEF7, lr;
	s5 =	simm.s32 $0xFFFFFFFF;
	p2 =	slt.u32 s8, $0xFFFFF086  }
0x1c: {  	p1 =	slt.u32 s9, $0xF7A;
	s5 =	simm.s32 @!p2 $0x0  }
0x1d: {  	s5 =	simm.s32 @p1 $0x1;
	p0 =	seq.s32 s7, s2  }
0x1e: {  	s7 =	smul.u32 @!p0 $0xF7A, s2;
	p2 =	seq.s32 @!p0 s5, $0x0  }
0x1f: {  	s9 =	smul.u32 $0xF7A, s1;
	s8 =	simm.s32 @!p0 $0x1BF5;
	p2 =	por !p2, p0  }
0x20: {  	[sflag:s8] =	ssyncset.s32 @!p0 $0xFFFFF086;
	s6 =	sadd.s32 @!p0 s3, s7;
	s7 =	simm.s32 @!p0 $0x108  }
0x21: {  	s3 =	sadd.s32 s3, s9;
	s6 =	sadd.s32 @!p0 $0x88, s6;
	s7 =	simm.s32 @p2 $0x1082  }
0x22: {  	[simem:s7], [sflag:s8] =	dma.local @!p0 [hbm:s6], $0xF7A  }
0x23: {  	s9 =	sor.u32 $0xD0000000, s2;
	s6 =	simm.s32 $0x108;
	_ =	swait.ge @!p0 [sflag:s8], $0x0  }
0x24: {  	s3 =	sadd.s32 $0x88, s3;
	s6 =	simm.s32 @!p1 $0x1082;
	[sflag:s4] =	ssyncset.s32 $0xFFFFF086  }
0x25: {  	[simem:s6], [sflag:s4] =	dma.local [hbm:s3], $0xF7A  }
0x26: {  	[smem:$0x3F89] =	sst s1;
	(tag) =	ssettag s2;
	_ =	strace s9  }
0x27: {  	s1 =	sld [smem:$0x3F99]  }
0x28: {  	s2 =	sld [smem:$0x3F9A]  }
0x29: {  	s4 =	sld [smem:$0x3F9C]  }
0x2a: {  	p0 =	seq.s32 s5, $0x0;
	s5 =	sld [smem:$0x3F9D]  }
0x2b: {  	s6 =	sld [smem:$0x3F9E]  }
0x2c: {  	s7 =	sld [smem:$0x3F9F]  }
0x2d: {  	s3 =	simm.s32 $0x108;
	s8 =	sld [smem:$0x3FA0]  }
0x2e: {  	s3 =	simm.s32 @!p0 $0x1082;
	s9 =	sld [smem:$0x3FA1]  }
0x2f: {  	lr =	sadd.s32 s0, s3;
	s0 =	sld [smem:$0x3F98]  }
0x30: {  	s3 =	sld [smem:$0x3F9B]  }
0x31: {  	[smem:$0x3FA4] =	sst s10  }
0x32: {  	s10 =	sld [smem:$0x3FA2];
	_ =	sdelay $0x3  }
0x33: {  	p0 =	seq.s32 s10, $0x1;
	s10 =	sld [smem:$0x3FA4];
	_ =	sdelay $0x3  }
0x34: {  	[smem:$0x3FA4] =	sst s10  }
0x35: {  	s10 =	sld [smem:$0x3FA3];
	_ =	sdelay $0x3  }
0x36: {  	p1 =	seq.s32 s10, $0x1;
	s10 =	sld [smem:$0x3FA4];
	_ =	sdelay $0x3  }
0x37: {  	[smem:$0x3FA4] =	sst s10  }
0x38: {  	s10 =	sld [smem:$0x3FA5]  }
0x39: {  	_ = 	snop;
	(pc) =	sbr.ind lr, $3  }
0x3a: {  	_ = 	snop  }
0x3b: {  	_ = 	snop  }
0x3c: {  	p2 =	seq.s32 s10, $0x1;
	s10 =	sld [smem:$0x3FA4]  }
0x3d: {  	_ =	shalt  }
0x3e: {  	_ =	shalt  }
0x3f: {  	_ =	shalt  }
0x40: {  	_ =	shalt  }
0x41: {  	_ =	shalt  }
0x42: {  	_ =	shalt  }
0x43: {  	_ =	shalt  }
0x44: {  	_ =	shalt  }
0x45: {  	_ =	shalt  }
0x46: {  	_ =	shalt  }
0x47: {  	_ =	shalt  }
0x48: {  	_ =	shalt  }
0x49: {  	_ =	shalt  }
0x4a: {  	_ =	shalt  }
0x4b: {  	_ =	shalt  }
0x4c: {  	_ =	shalt  }
0x4d: {  	_ =	shalt  }
0x4e: {  	_ =	shalt  }
0x4f: {  	_ =	shalt  }
0x50: {  	_ =	shalt  }
0x51: {  	_ =	shalt  }
0x52: {  	_ =	shalt  }
0x53: {  	_ =	shalt  }
0x54: {  	_ =	shalt  }
0x55: {  	_ =	shalt  }
0x56: {  	_ =	shalt  }
0x57: {  	_ =	shalt  }
0x58: {  	_ =	shalt  }
0x59: {  	_ =	shalt  }
0x5a: {  	_ =	shalt  }
0x5b: {  	_ =	shalt  }
0x5c: {  	_ =	shalt  }
0x5d: {  	_ =	shalt  }
0x5e: {  	_ =	shalt  }
0x5f: {  	_ =	shalt  }
0x60: {  	_ =	shalt  }
0x61: {  	_ =	shalt  }
0x62: {  	_ =	shalt  }
0x63: {  	_ =	shalt  }
0x64: {  	_ =	shalt  }
0x65: {  	_ =	shalt  }
0x66: {  	_ =	shalt  }
0x67: {  	_ =	shalt  }
0x68: {  	_ =	shalt  }
0x69: {  	_ =	shalt  }
0x6a: {  	_ =	shalt  }
0x6b: {  	_ =	shalt  }
0x6c: {  	_ =	shalt  }
0x6d: {  	_ =	shalt  }
0x6e: {  	_ =	shalt  }
0x6f: {  	_ =	shalt  }
0x70: {  	_ =	shalt  }
0x71: {  	_ =	shalt  }
0x72: {  	_ =	shalt  }
0x73: {  	_ =	shalt  }
0x74: {  	_ =	shalt  }
0x75: {  	_ =	shalt  }
0x76: {  	_ =	shalt  }
0x77: {  	_ =	shalt  }
0x78: {  	_ =	shalt  }
0x79: {  	_ =	shalt  }
0x7a: {  	_ =	shalt  }
0x7b: {  	_ =	shalt  }
0x7c: {  	_ =	shalt  }
0x7d: {  	_ =	shalt  }
0x7e: {  	_ =	shalt  }
0x7f: {  	_ =	shalt  }
0x80: {  	_ =	shalt  }
0x81: {  	_ =	shalt  }
0x82: {  	_ =	shalt  }
0x83: {  	_ =	shalt  }
0x84: {  	_ =	shalt  }
0x85: {  	_ =	shalt  }
0x86: {  	_ =	shalt  }
0x87: {  	_ =	shalt  }
.Lfunc_end0:
.L_simem_size_0:
called_computation_lowered:
.L_overlay_start_0:
0x88: {  	s2 =	sld [smem:$0x3FD9]  }
0x89: {  	s3 =	sld [smem:$0x3FFE];
	_ =	sdelay $0x1  }
0x8a: {  	s1 =	srdreg.scid  }
0x8b: {  	s0 =	sand.u32 $0x1, s1  }
0x8c: {  	s14 =	sshll.u32 s0, $0xA;
	s2 =	sadd.s32 s3, s2  }
0x8d: {  	s2 =	sadd.s32 s2, s14  }
0x8e: {  	[smem:$0x3FB0] =	sst s2  }
0x8f: {  	_ = 	snop  }
0x90: {  	s2 =	sld [smem:$0x3FD0];
	_ =	sdelay $0x2  }
0x91: {  	s4 =	simm.s32 $0xA;
	s5 =	simm.s32 $0x10;
	s15 =	sld [smem:$0x3FC9]  }
0x92: {  	[smem:s5], [sflag:s4] =	dma.local [hbm:s2], $0x1  }
0x93: {  	_ =	swait.eq [sflag:s4], $0x1  }
0x94: {  	[sflag:s4] =	ssyncset.done $0x0  }
0x95: {  	[sflag:s4] =	ssyncadd.s32 $0xFFFFFFFF  }
0x96: {  	s16 =	sld [smem:$0x10];
	(tm) =	ssettm $0x1  }
0x97: {  	s17 =	sld [smem:$0x3FFB];
	_ =	sdelay $0x3  }
0x98: {  	_ =	strace s17  }
0x99: {  	s4 =	sld [smem:$0x3FFC];
	_ =	sdelay $0x3  }
0x9a: {  	_ =	strace s4  }
0x9b: {  	s4 =	sld [smem:$0x3FFD];
	_ =	sdelay $0x3  }
0x9c: {  	_ =	strace s4  }
0x9d: {  	_ =	strace $0x8FFFFFFF  }
0x9e: {  	s18 =	sld [smem:$0x3FDB];
	_ =	sdelay $0x1  }
0x9f: {  	s19 =	simm.s32 $_scs_section_size  }
0xa0: {  	s6 =	simm.s32 $_size__tile_overlayer_lowered;
	s7 =	simm.s32 $_tile_overlayer_lowered  }
0xa1: {  	s22 =	simm.s32 $0x1BFF;
	s21 =	sshll.u32 s7, $0x1;
	s4 =	sadd.s32 s19, s18  }
0xa2: {  	s8 =	simm.s32 $0x0;
	s20 =	sshll.u32 s6, $0x1;
	s6 =	sadd.s32 s21, s4  }
0xa3: {  	[timem:s8], [sflag:s22] =	dma.local [hbm:s6], s20  }
0xa4: {  	_ =	swait.ge [sflag:s22], s20  }
0xa5: {  	s5 =	ssub.s32 $0x0, s20;
	[sflag:s22] =	ssyncset.done $0x0  }
0xa6: {  	[sflag:s22] =	ssyncadd.s32 s5;
	_ =	sdelay $0x1  }
0xa7: {  	s23 =	simm.s32 $0x1B8B  }
0xa8: {  	_ =	swait.ge [sflag:s23], $0x1  }
0xa9: {  	[sflag:s23] =	ssyncset.done $0x0  }
0xaa: {  	s25 =	simm.s32 $0x1B8E;
	s24 =	sld [smem:$0x3FFE];
	[sflag:s23] =	ssyncadd.s32 $0xFFFFFFFF  }
0xab: {  	s26 =	simm.s32 $execute0_lowered;
	[smem:$0x3FD2] =	sst s25  }
0xac: {  	s6 =	sshll.u32 s26, $0x1;
	_ =	strace $0x80000046;
	[dreg:$0x1] =	wrdreg $0xFFFFFFFF  }
0xad: {  	s28 =	simm.s32 $_size_execute0_lowered;
	s4 =	sadd.s32 s4, s6;
	[dreg:$0x0] =	wrdreg $0x0  }
0xae: {  	s6 =	sshll.u32 s28, $0x1;
	[dreg:$0x2] =	wrdreg s4  }
0xaf: {  	[dreg:$0x3] =	wrdreg s6  }
0xb0: {  	[dreg:$0x4] =	wrdreg $0xC0  }
0xb1: {  	_ =	task [dreg:s8], $0x5FFFF  }
0xb2: {  	[dreg:$0x1] =	wrdreg $0xFFFFFFFF  }
0xb3: {  	[dreg:$0x0] =	wrdreg $0x60  }
0xb4: {  	[dreg:$0x2] =	wrdreg s16  }
0xb5: {  	[dreg:$0x3] =	wrdreg s15  }
0xb6: {  	[dreg:$0x4] =	wrdreg s24  }
0xb7: {  	[dreg:$0x5] =	wrdreg $0x9  }
0xb8: {  	_ =	task.clear_ibuf [dreg:s8], $0x6FFFF;
	_ =	strace $0x90000046  }
0xb9: {  	s29 =	simm.s32 $0x9;
	_ =	strace $0x80000048  }
0xba: {  	_ =	swait.ge [sflag:s29], $0x1  }
0xbb: {  	[sflag:s29] =	ssyncadd.s32 $0xFFFFFFFF  }
0xbc: {  	_ =	strace $0x90000048  }
0xbd: {  	_ =	sfence  }
0xbe: {  	s30 =	sld [smem:$0x0];
	_ =	sdelay $0x2  }
0xbf: {  	s31 =	sshll.u32 s1, $0xD;
	s1 =	sshrl.u32 s1, $0x2  }
0xc0: {  	s3 =	sand.u32 $0x4000, s31;
	s1 =	sadd.s32 s1, s30  }
0xc1: {  	s0 =	sor.u32 s3, s0;
	s1 =	sshll.u32 s1, $0x11  }
0xc2: {  	s0 =	sor.u32 s1, s0  }
0xc3: {  	s0 =	sadd.s32 $0x8F2B, s0  }
0xc4: {  	[sflag:s0] =	ssyncadd.remote.s32 $0x1  }
0xc5: {  	_ =	sfence.sel $0xFFFF  }
0xc6: {  	[dreg:$0x0] =	wrdreg $0xFFFFFFFF;
	(pc) =	sbr.abs _section_cstart, $3  }
0xc7: {  	[dreg:$0x1] =	wrdreg $0xFFFFFFFF  }
0xc8: {  	_ =	task.clear_ibuf [dreg:s8], $0x2FFFF;
	_ =	strace $0x9FFFFFFF  }
0xc9: {  	(tm) =	ssettm $0x7FFFFFFF  }
tec
execute0_lowered:
.L_overlay_start_1:
0x0: {  	(tag) =	ssettag $0x1  }
0x1: {  	s1 =	rddreg [dreg:$0x0];
	s2 =	srdreg.scid  }
0x2: {  	s0 =	stileid.u32;
	s3 =	rddreg [dreg:$0x1]  }
0x3: {  	s5 =	rddreg [dreg:$0x2];
	s4 =	simm.s32 $0x0;
	s17 =	simm.s32 $0x4F00  }
0x4: {  	s18 =	simm.s32 $0x11700;
	s19 =	simm.s32 $0xB300;
	s20 =	simm.s32 $0x2848  }
0x5: {  	s21 =	simm.s32 $0x17B00;
	s22 =	simm.s32 $0x1;
	s23 =	simm.s32 $0x3  }
0x6: {  	s24 =	simm.s32 $0x2;
	s25 =	simm.s32 $0x4;
	s26 =	simm.s32 $0x0  }
0x7: {  	s11 =	sand.u32 $0x1, s2;
	s29 =	sshll.u32 s0, $0x1;
	s15 =	smul.u32 $0x4E200, s0  }
0x8: {  	[smem:$0x7FF] =	sst s4;
	s7 =	sor.u32 s11, s29;
	s16 =	smul.u32 $0x27100, s11  }
0x9: {  	s12 =	sadd.s32 $0x19800, s5;
	s8 =	ssub.s32 $0x2, s11;
	s6 =	smul.u32 $0x2710, s7  }
0xa: {  	s13 =	sadd.s32 $0x4FB800, s5;
	s9 =	smul.u32 $0x138800, s7;
	s30 =	sshrl.u32 s8, $0x1  }
0xb: {  	_ =	strace $0x80000047;
	s14 =	smul.u32 $0x27100, s7;
	s10 =	ssub.s32 s8, s30  }
0xc: {  	s6 =	sshrl.u32 s6, $0x3;
	s31 =	sshrl.u32 s9, $0x3;
	s9 =	smax.u32 s10, $0x1  }
0xd: {  	s10 =	sadd.s32 s12, s14;
	s11 =	sadd.s32 s13, s14;
	s6 =	sadd.s32 s6, s5  }
0xe: {  	s14 =	simm.s32 $0x5;
	s8 =	sadd.s32 $0x26480, s31;
	s5 =	sadd.s32 $0xFA00, s6  }
0xf: {  	s6 =	sadd.s32 $0x5C00, s6;
	s7 =	sadd.s32 s12, s8;
	s8 =	sadd.s32 s13, s8  }
0x10: {  	s12 =	sadd.s32 s15, s12;
	s13 =	sadd.s32 s15, s13;
	s15 =	simm.s32 $0x2780  }
0x11: {  	s12 =	sadd.s32 s16, s12;
	s13 =	sadd.s32 s16, s13;
	s16 =	simm.s32 $0xC8  }
.LBB2_1:
0x12: {  	[tilespmem:s4], [sflag:$0x5] =	stream.linear.gather [hbm4b:s5+s4], $0x2710, $0x38;
	[tilespmem:$0x1DF00] =	vst v63  }
0x13: {  	_ =	swait.ge [sflag:s14], $0x2710  }
0x14: {  	[sflag:s14] =	ssyncset.done $0x0  }
0x15: {  	[sflag:s14] =	ssyncadd.s32 $0xFFFFD8F0  }
0x16: {  	[tilespmem:s15], [sflag:$0x5] =	stream.linear.gather [hbm4b:s6+s4], $0x2710, $0x38;
	[tilespmem:$0x1DF00] =	vst v63  }
0x17: {  	_ =	swait.ge [sflag:s14], $0x2710  }
0x18: {  	[sflag:s14] =	ssyncset.done $0x0  }
0x19: {  	[sflag:s14] =	ssyncadd.s32 $0xFFFFD8F0  }
0x1a: {  	[tilespmem:s17], [sflag:$0x1] =	stream.indirect.gather [hbm4b:s1+s16], $0x80, s4, s16, $0xb8;
	[tilespmem:$0x1DF00] =	vst v63  }
0x1b: {  	_ = 	snop  }
0x1c: {  	[tilespmem:s18], [sflag:$0x1] =	stream.indirect.gather [hbm4b:s3+s16], $0x80, s15, s16, $0xb8;
	[tilespmem:$0x1DF00] =	vst v63  }
0x1d: {  	_ = 	snop  }
0x1e: {  	[tilespmem:s19], [sflag:$0x2] =	stream.indirect.gather [hbm4b:s1+s16], $0x80, s16, s16, $0xb8;
	[tilespmem:$0x1DF00] =	vst v63  }
0x1f: {  	_ = 	snop  }
0x20: {  	[tilespmem:s21], [sflag:$0x2] =	stream.indirect.gather [hbm4b:s3+s16], $0x80, s20, s16, $0xb8;
	[tilespmem:$0x1DF00] =	vst v63  }
0x21: {  	_ =	swait.ge [sflag:s22], $0x6400  }
0x22: {  	[sflag:s22] =	ssyncset.done $0x0  }
0x23: {  	[sflag:s22] =	ssyncadd.s32 $0xFFFF9C00  }
0x24: {  	_ =	swait.ge [sflag:s22], $0x6400  }
0x25: {  	[sflag:s22] =	ssyncset.done $0x0  }
0x26: {  	[sflag:s22] =	ssyncadd.s32 $0xFFFF9C00  }
0x27: {  	[hbm4b:s10+s4] =	stream.linear.scatter [tilespmem:s17], [sflag:$0x3], $0x6400, $0x38;
	[tilespmem:$0x1DF00] =	vst v63  }
0x28: {  	_ = 	snop  }
0x29: {  	[hbm4b:s11+s4] =	stream.linear.scatter [tilespmem:s18], [sflag:$0x3], $0x6400, $0x38;
	[tilespmem:$0x1DF00] =	vst v63  }
0x2a: {  	_ =	swait.ge [sflag:s23], $0x6400  }
0x2b: {  	[sflag:s23] =	ssyncset.done $0x0  }
0x2c: {  	[sflag:s23] =	ssyncadd.s32 $0xFFFF9C00  }
0x2d: {  	_ =	swait.ge [sflag:s23], $0x6400  }
0x2e: {  	[sflag:s23] =	ssyncset.done $0x0  }
0x2f: {  	s28 =	simm.s32 $0x190;
	[sflag:s23] =	ssyncadd.s32 $0xFFFF9C00  }
0x30: {  	[tilespmem:s17], [sflag:$0x1] =	stream.indirect.gather [hbm4b:s1+s16], $0x80, s28, s16, $0xb8;
	[tilespmem:$0x1DF00] =	vst v63  }
0x31: {  	s28 =	simm.s32 $0x2910  }
0x32: {  	[tilespmem:s18], [sflag:$0x1] =	stream.indirect.gather [hbm4b:s3+s16], $0x80, s28, s16, $0xb8;
	[tilespmem:$0x1DF00] =	vst v63  }
0x33: {  	_ =	swait.ge [sflag:s24], $0x6400  }
0x34: {  	[sflag:s24] =	ssyncset.done $0x0  }
0x35: {  	[sflag:s24] =	ssyncadd.s32 $0xFFFF9C00  }
0x36: {  	_ =	swait.ge [sflag:s24], $0x6400  }
0x37: {  	s28 =	sadd.s32 $0x0, s12;
	[sflag:s24] =	ssyncset.done $0x0  }
0x38: {  	s30 =	sadd.s32 $0x0, s13;
	s29 =	sadd.s32 $0xC80, s28;
	[sflag:s24] =	ssyncadd.s32 $0xFFFF9C00  }
0x39: {  	[hbm4b:s29+s4] =	stream.linear.scatter [tilespmem:s19], [sflag:$0x4], $0x6400, $0x38;
	[tilespmem:$0x1DF00] =	vst v63  }
0x3a: {  	s29 =	sadd.s32 $0xC80, s30  }
0x3b: {  	[hbm4b:s29+s4] =	stream.linear.scatter [tilespmem:s21], [sflag:$0x4], $0x6400, $0x38;
	[tilespmem:$0x1DF00] =	vst v63  }
0x3c: {  	_ =	swait.ge [sflag:s25], $0x6400  }
0x3d: {  	[sflag:s25] =	ssyncset.done $0x0  }
0x3e: {  	[sflag:s25] =	ssyncadd.s32 $0xFFFF9C00  }
0x3f: {  	_ =	swait.ge [sflag:s25], $0x6400  }
0x40: {  	[sflag:s25] =	ssyncset.done $0x0  }
0x41: {  	s29 =	simm.s32 $0x258;
	[sflag:s25] =	ssyncadd.s32 $0xFFFF9C00  }
0x42: {  	[tilespmem:s19], [sflag:$0x2] =	stream.indirect.gather [hbm4b:s1+s16], $0x80, s29, s16, $0xb8;
	[tilespmem:$0x1DF00] =	vst v63  }
0x43: {  	s29 =	simm.s32 $0x29D8  }
0x44: {  	[tilespmem:s21], [sflag:$0x2] =	stream.indirect.gather [hbm4b:s3+s16], $0x80, s29, s16, $0xb8;
	[tilespmem:$0x1DF00] =	vst v63  }
0x45: {  	_ =	swait.ge [sflag:s22], $0x6400  }
0x46: {  	[sflag:s22] =	ssyncset.done $0x0  }
0x47: {  	[sflag:s22] =	ssyncadd.s32 $0xFFFF9C00  }
0x48: {  	_ =	swait.ge [sflag:s22], $0x6400  }
0x49: {  	[sflag:s22] =	ssyncset.done $0x0  }
0x4a: {  	s31 =	sadd.s32 $0x1900, s30;
	s28 =	sadd.s32 $0x1900, s28;
	[sflag:s22] =	ssyncadd.s32 $0xFFFF9C00  }
0x4b: {  	[hbm4b:s28+s4] =	stream.linear.scatter [tilespmem:s17], [sflag:$0x3], $0x6400, $0x38;
	[tilespmem:$0x1DF00] =	vst v63  }
0x4c: {  	s30 =	simm.s32 $0x2B68;
	s29 =	simm.s32 $0x3E8;
	s28 =	simm.s32 $0x1900  }
.LBB2_2:
0x4d: {  	[hbm4b:s31+s4] =	stream.linear.scatter [tilespmem:s18], [sflag:$0x3], $0x6400, $0x38;
	[tilespmem:$0x1DF00] =	vst v63  }
0x4e: {  	s31 =	smov.u32 s28  }
0x4f: {  	p0 =	sne.s32 s28, $0x23F00;
	s28 =	sadd.s32 $0x1900, s28;
	_ =	swait.ge [sflag:s23], $0x6400  }
0x50: {  	[sflag:s23] =	ssyncset.done $0x0  }
0x51: {  	[sflag:s23] =	ssyncadd.s32 $0xFFFF9C00  }
0x52: {  	_ =	swait.ge [sflag:s23], $0x6400  }
0x53: {  	[sflag:s23] =	ssyncset.done $0x0  }
0x54: {  	s2 =	sadd.s32 $0xFFFFFF38, s29;
	[sflag:s23] =	ssyncadd.s32 $0xFFFF9C00  }
0x55: {  	[tilespmem:s17], [sflag:$0x1] =	stream.indirect.gather [hbm4b:s1+s16], $0x80, s2, s16, $0xb8;
	[tilespmem:$0x1DF00] =	vst v63  }
0x56: {  	s2 =	sadd.s32 $0xFFFFFF38, s30  }
0x57: {  	[tilespmem:s18], [sflag:$0x1] =	stream.indirect.gather [hbm4b:s3+s16], $0x80, s2, s16, $0xb8;
	[tilespmem:$0x1DF00] =	vst v63  }
0x58: {  	_ =	swait.ge [sflag:s24], $0x6400  }
0x59: {  	[sflag:s24] =	ssyncset.done $0x0  }
0x5a: {  	[sflag:s24] =	ssyncadd.s32 $0xFFFF9C00  }
0x5b: {  	_ =	swait.ge [sflag:s24], $0x6400  }
0x5c: {  	s2 =	sadd.s32 s31, s12;
	[sflag:s24] =	ssyncset.done $0x0  }
0x5d: {  	s31 =	sadd.s32 s31, s13;
	s0 =	sadd.s32 $0xC80, s2;
	[sflag:s24] =	ssyncadd.s32 $0xFFFF9C00  }
0x5e: {  	[hbm4b:s0+s4] =	stream.linear.scatter [tilespmem:s19], [sflag:$0x4], $0x6400, $0x38;
	[tilespmem:$0x1DF00] =	vst v63  }
0x5f: {  	s0 =	sadd.s32 $0xC80, s31  }
0x60: {  	[hbm4b:s0+s4] =	stream.linear.scatter [tilespmem:s21], [sflag:$0x4], $0x6400, $0x38;
	[tilespmem:$0x1DF00] =	vst v63  }
0x61: {  	_ =	swait.ge [sflag:s25], $0x6400  }
0x62: {  	[sflag:s25] =	ssyncset.done $0x0  }
0x63: {  	[sflag:s25] =	ssyncadd.s32 $0xFFFF9C00  }
0x64: {  	_ =	swait.ge [sflag:s25], $0x6400  }
0x65: {  	[sflag:s25] =	ssyncset.done $0x0  }
0x66: {  	[sflag:s25] =	ssyncadd.s32 $0xFFFF9C00  }
0x67: {  	[tilespmem:s19], [sflag:$0x2] =	stream.indirect.gather [hbm4b:s1+s16], $0x80, s29, s16, $0xb8;
	[tilespmem:$0x1DF00] =	vst v63  }
0x68: {  	_ = 	snop  }
0x69: {  	[tilespmem:s21], [sflag:$0x2] =	stream.indirect.gather [hbm4b:s3+s16], $0x80, s30, s16, $0xb8;
	[tilespmem:$0x1DF00] =	vst v63  }
0x6a: {  	_ =	swait.ge [sflag:s22], $0x6400  }
0x6b: {  	[sflag:s22] =	ssyncset.done $0x0  }
0x6c: {  	[sflag:s22] =	ssyncadd.s32 $0xFFFF9C00  }
.Ltmp0:
0x6d: {  	_ =	swait.ge [sflag:s22], $0x6400;
	(pc) =	sbr.rel @p0 .LBB2_2-.Ltmp0, $4  }
0x6e: {  	[sflag:s22] =	ssyncset.done $0x0  }
0x6f: {  	s0 =	sadd.s32 $0x1900, s2;
	[sflag:s22] =	ssyncadd.s32 $0xFFFF9C00  }
0x70: {  	[hbm4b:s0+s4] =	stream.linear.scatter [tilespmem:s17], [sflag:$0x3], $0x6400, $0x38;
	[tilespmem:$0x1DF00] =	vst v63  }
0x71: {  	s31 =	sadd.s32 $0x1900, s31;
	s29 =	sadd.s32 $0x190, s29;
	s30 =	sadd.s32 $0x190, s30  }
0x72: {  	[hbm4b:s31+s4] =	stream.linear.scatter [tilespmem:s18], [sflag:$0x3], $0x6400, $0x38;
	[tilespmem:$0x1DF00] =	vst v63  }
0x73: {  	_ =	swait.ge [sflag:s24], $0x6400  }
0x74: {  	[sflag:s24] =	ssyncset.done $0x0  }
0x75: {  	[sflag:s24] =	ssyncadd.s32 $0xFFFF9C00  }
0x76: {  	_ =	swait.ge [sflag:s24], $0x6400  }
0x77: {  	[sflag:s24] =	ssyncset.done $0x0  }
0x78: {  	[sflag:s24] =	ssyncadd.s32 $0xFFFF9C00  }
0x79: {  	[hbm4b:s7+s4] =	stream.linear.scatter [tilespmem:s19], [sflag:$0x4], $0x6400, $0x38;
	[tilespmem:$0x1DF00] =	vst v63  }
0x7a: {  	_ = 	snop  }
0x7b: {  	[hbm4b:s8+s4] =	stream.linear.scatter [tilespmem:s21], [sflag:$0x4], $0x6400, $0x38;
	[tilespmem:$0x1DF00] =	vst v63  }
0x7c: {  	_ =	swait.ge [sflag:s23], $0x6400  }
0x7d: {  	[sflag:s23] =	ssyncset.done $0x0  }
0x7e: {  	[sflag:s23] =	ssyncadd.s32 $0xFFFF9C00  }
0x7f: {  	_ =	swait.ge [sflag:s23], $0x6400  }
0x80: {  	[sflag:s23] =	ssyncset.done $0x0  }
0x81: {  	s26 =	sadd.s32 $0x1, s26;
	[sflag:s23] =	ssyncadd.s32 $0xFFFF9C00  }
0x82: {  	p0 =	sne.s32 s26, s9;
	_ =	swait.ge [sflag:s25], $0x6400  }
.Ltmp1:
0x83: {  	[sflag:s25] =	ssyncset.done $0x0;
	(pc) =	sbr.rel @p0 .LBB2_1-.Ltmp1, $4  }
0x84: {  	[sflag:s25] =	ssyncadd.s32 $0xFFFF9C00  }
0x85: {  	_ =	swait.ge [sflag:s25], $0x6400  }
0x86: {  	[sflag:s25] =	ssyncset.done $0x0  }
0x87: {  	[sflag:s25] =	ssyncadd.s32 $0xFFFF9C00  }
0x88: {  	_ =	sfence.sel $0x180000  }
0x89: {  	[bflag:$0x0] =	sbarrier.arrive $0xFFFF  }
0x8a: {  	_ =	strace $0x90000047  }
0x8b: {  	s0 =	stileid.u32;
	[bflag:$0x2] =	sbarrier.arrive $0xFFFF  }
0x8c: {  	p0 =	sne.s32 s0, $0x0;
	s0 =	rddreg [dreg:$0x3]  }
0x8d: {  	s0 =	sadd.s32 @!p0 $0x100000, s0  }
0x8e: {  	[sflag:s0] =	ssyncadd.tile.s32 @!p0 $0x1;
	_ =	shalt  }
.Lfunc_end2:
_tile_overlayer_lowered:
.L_overlay_start_2:
0x8f: {  	(tag) =	ssettag $0x2  }
0x90: {  	s0 =	rddreg [dreg:$0x0];
	s2 =	stileid.u32  }
0x91: {  	s1 =	rddreg [dreg:$0x1];
	p0 =	sne.s32 s2, $0x0  }
0x92: {  	s3 =	rddreg [dreg:$0x2];
	[bflag:$0x3] =	sbarrier.arrive $0xFFFF;
	s2 =	simm.s32 @!p0 $0x1C05  }
0x93: {  	[timem:s3], [sflag:s2] =	dma.local @!p0 [hbm:s0], s1  }
0x94: {  	s0 =	simm.s32 @!p0 $0x5  }
0x95: {  	_ =	swait.ge @!p0 [sflag:s0], s1  }
0x96: {  	s1 =	ssub.s32 @!p0 $0x0, s1;
	[sflag:s0] =	ssyncset.done @!p0 $0x0  }
0x97: {  	[sflag:s0] =	ssyncadd.s32 @!p0 s1  }
0x98: {  	[bflag:$0x3] =	sbarrier.arrive $0xFFFF  }
0x99: {  	_ =	shalt  }

// kernel: kernel.14.cloned.1.call-start
scs
__scs_entry_jumppad:
0x0: {  	(pc) =	sbr.rel $0x88, $3  }
0x1: {  	(tag) =	ssettag $0x0;
	lr =	simm.s32 $0x1  }
0x2: {  	[smem:$0x3F89] =	sst lr;
	_ =	strace $0xD0000000  }
0x3: {  	_ = 	snop  }
0x4: {  	_ = 	snop  }
0x5: {  	_ = 	snop  }
0x6: {  	_ = 	snop  }
0x7: {  	_ = 	snop  }
__scs_overlays_trampoline_lowered:
0x8: {  	[smem:$0x3F98] =	sst s0  }
0x9: {  	[smem:$0x3F99] =	sst s1  }
0xa: {  	[smem:$0x3F9A] =	sst s2  }
0xb: {  	[smem:$0x3F9B] =	sst s3  }
0xc: {  	[smem:$0x3F9C] =	sst s4  }
0xd: {  	[smem:$0x3F9D] =	sst s5  }
0xe: {  	[smem:$0x3F9E] =	sst s6  }
0xf: {  	[smem:$0x3F9F] =	sst s7  }
0x10: {  	[smem:$0x3FA0] =	sst s8  }
0x11: {  	[smem:$0x3FA1] =	sst s9;
	s0 =	simm.s32 @!p0 $0x0  }
0x12: {  	s1 =	sld [smem:$0x3F87];
	s0 =	simm.s32 @p0 $0x1  }
0x13: {  	[smem:$0x3FA2] =	sst s0;
	s0 =	simm.s32 @!p1 $0x0  }
0x14: {  	s2 =	sld [smem:$0x3F86];
	s0 =	simm.s32 @p1 $0x1  }
0x15: {  	[smem:$0x3FA3] =	sst s0;
	s0 =	simm.s32 @!p2 $0x0  }
0x16: {  	s3 =	sld [smem:$0x3FDB];
	s0 =	simm.s32 @p2 $0x1  }
0x17: {  	s4 =	simm.s32 $0x1BF5;
	[smem:$0x3FA5] =	sst s0  }
0x18: {  	s0 =	sld [smem:$0x3F88];
	_ =	swait.ge [sflag:s4], $0x0  }
0x19: {  	s7 =	sld [smem:$0x3F89]  }
0x1a: {  	s8 =	sadd.s32 $0xFFFFE003, lr  }
0x1b: {  	s9 =	sadd.s32 $0xFFFFFEF7, lr;
	s5 =	simm.s32 $0xFFFFFFFF;
	p2 =	slt.u32 s8, $0xFFFFF086  }
0x1c: {  	p1 =	slt.u32 s9, $0xF7A;
	s5 =	simm.s32 @!p2 $0x0  }
0x1d: {  	s5 =	simm.s32 @p1 $0x1;
	p0 =	seq.s32 s7, s2  }
0x1e: {  	s7 =	smul.u32 @!p0 $0xF7A, s2;
	p2 =	seq.s32 @!p0 s5, $0x0  }
0x1f: {  	s9 =	smul.u32 $0xF7A, s1;
	s8 =	simm.s32 @!p0 $0x1BF5;
	p2 =	por !p2, p0  }
0x20: {  	[sflag:s8] =	ssyncset.s32 @!p0 $0xFFFFF086;
	s6 =	sadd.s32 @!p0 s3, s7;
	s7 =	simm.s32 @!p0 $0x108  }
0x21: {  	s3 =	sadd.s32 s3, s9;
	s6 =	sadd.s32 @!p0 $0x88, s6;
	s7 =	simm.s32 @p2 $0x1082  }
0x22: {  	[simem:s7], [sflag:s8] =	dma.local @!p0 [hbm:s6], $0xF7A  }
0x23: {  	s9 =	sor.u32 $0xD0000000, s2;
	s6 =	simm.s32 $0x108;
	_ =	swait.ge @!p0 [sflag:s8], $0x0  }
0x24: {  	s3 =	sadd.s32 $0x88, s3;
	s6 =	simm.s32 @!p1 $0x1082;
	[sflag:s4] =	ssyncset.s32 $0xFFFFF086  }
0x25: {  	[simem:s6], [sflag:s4] =	dma.local [hbm:s3], $0xF7A  }
0x26: {  	[smem:$0x3F89] =	sst s1;
	(tag) =	ssettag s2;
	_ =	strace s9  }
0x27: {  	s1 =	sld [smem:$0x3F99]  }
0x28: {  	s2 =	sld [smem:$0x3F9A]  }
0x29: {  	s4 =	sld [smem:$0x3F9C]  }
0x2a: {  	p0 =	seq.s32 s5, $0x0;
	s5 =	sld [smem:$0x3F9D]  }
0x2b: {  	s6 =	sld [smem:$0x3F9E]  }
0x2c: {  	s7 =	sld [smem:$0x3F9F]  }
0x2d: {  	s3 =	simm.s32 $0x108;
	s8 =	sld [smem:$0x3FA0]  }
0x2e: {  	s3 =	simm.s32 @!p0 $0x1082;
	s9 =	sld [smem:$0x3FA1]  }
0x2f: {  	lr =	sadd.s32 s0, s3;
	s0 =	sld [smem:$0x3F98]  }
0x30: {  	s3 =	sld [smem:$0x3F9B]  }
0x31: {  	[smem:$0x3FA4] =	sst s10  }
0x32: {  	s10 =	sld [smem:$0x3FA2];
	_ =	sdelay $0x3  }
0x33: {  	p0 =	seq.s32 s10, $0x1;
	s10 =	sld [smem:$0x3FA4];
	_ =	sdelay $0x3  }
0x34: {  	[smem:$0x3FA4] =	sst s10  }
0x35: {  	s10 =	sld [smem:$0x3FA3];
	_ =	sdelay $0x3  }
0x36: {  	p1 =	seq.s32 s10, $0x1;
	s10 =	sld [smem:$0x3FA4];
	_ =	sdelay $0x3  }
0x37: {  	[smem:$0x3FA4] =	sst s10  }
0x38: {  	s10 =	sld [smem:$0x3FA5]  }
0x39: {  	_ = 	snop;
	(pc) =	sbr.ind lr, $3  }
0x3a: {  	_ = 	snop  }
0x3b: {  	_ = 	snop  }
0x3c: {  	p2 =	seq.s32 s10, $0x1;
	s10 =	sld [smem:$0x3FA4]  }
0x3d: {  	_ =	shalt  }
0x3e: {  	_ =	shalt  }
0x3f: {  	_ =	shalt  }
0x40: {  	_ =	shalt  }
0x41: {  	_ =	shalt  }
0x42: {  	_ =	shalt  }
0x43: {  	_ =	shalt  }
0x44: {  	_ =	shalt  }
0x45: {  	_ =	shalt  }
0x46: {  	_ =	shalt  }
0x47: {  	_ =	shalt  }
0x48: {  	_ =	shalt  }
0x49: {  	_ =	shalt  }
0x4a: {  	_ =	shalt  }
0x4b: {  	_ =	shalt  }
0x4c: {  	_ =	shalt  }
0x4d: {  	_ =	shalt  }
0x4e: {  	_ =	shalt  }
0x4f: {  	_ =	shalt  }
0x50: {  	_ =	shalt  }
0x51: {  	_ =	shalt  }
0x52: {  	_ =	shalt  }
0x53: {  	_ =	shalt  }
0x54: {  	_ =	shalt  }
0x55: {  	_ =	shalt  }
0x56: {  	_ =	shalt  }
0x57: {  	_ =	shalt  }
0x58: {  	_ =	shalt  }
0x59: {  	_ =	shalt  }
0x5a: {  	_ =	shalt  }
0x5b: {  	_ =	shalt  }
0x5c: {  	_ =	shalt  }
0x5d: {  	_ =	shalt  }
0x5e: {  	_ =	shalt  }
0x5f: {  	_ =	shalt  }
0x60: {  	_ =	shalt  }
0x61: {  	_ =	shalt  }
0x62: {  	_ =	shalt  }
0x63: {  	_ =	shalt  }
0x64: {  	_ =	shalt  }
0x65: {  	_ =	shalt  }
0x66: {  	_ =	shalt  }
0x67: {  	_ =	shalt  }
0x68: {  	_ =	shalt  }
0x69: {  	_ =	shalt  }
0x6a: {  	_ =	shalt  }
0x6b: {  	_ =	shalt  }
0x6c: {  	_ =	shalt  }
0x6d: {  	_ =	shalt  }
0x6e: {  	_ =	shalt  }
0x6f: {  	_ =	shalt  }
0x70: {  	_ =	shalt  }
0x71: {  	_ =	shalt  }
0x72: {  	_ =	shalt  }
0x73: {  	_ =	shalt  }
0x74: {  	_ =	shalt  }
0x75: {  	_ =	shalt  }
0x76: {  	_ =	shalt  }
0x77: {  	_ =	shalt  }
0x78: {  	_ =	shalt  }
0x79: {  	_ =	shalt  }
0x7a: {  	_ =	shalt  }
0x7b: {  	_ =	shalt  }
0x7c: {  	_ =	shalt  }
0x7d: {  	_ =	shalt  }
0x7e: {  	_ =	shalt  }
0x7f: {  	_ =	shalt  }
0x80: {  	_ =	shalt  }
0x81: {  	_ =	shalt  }
0x82: {  	_ =	shalt  }
0x83: {  	_ =	shalt  }
0x84: {  	_ =	shalt  }
0x85: {  	_ =	shalt  }
0x86: {  	_ =	shalt  }
0x87: {  	_ =	shalt  }
.Lfunc_end0:
.L_simem_size_0:
called_computation.1_lowered:
.L_overlay_start_0:
0x88: {  	s2 =	sld [smem:$0x3FD9]  }
0x89: {  	s3 =	sld [smem:$0x3FFE];
	_ =	sdelay $0x1  }
0x8a: {  	s1 =	srdreg.scid  }
0x8b: {  	s0 =	sand.u32 $0x1, s1  }
0x8c: {  	s14 =	sshll.u32 s0, $0xA;
	s2 =	sadd.s32 s3, s2  }
0x8d: {  	s2 =	sadd.s32 s2, s14  }
0x8e: {  	[smem:$0x3FB0] =	sst s2  }
0x8f: {  	_ = 	snop  }
0x90: {  	s2 =	sld [smem:$0x3FD0];
	_ =	sdelay $0x2  }
0x91: {  	s15 =	simm.s32 $0xA;
	s4 =	simm.s32 $0x10  }
0x92: {  	[smem:s4], [sflag:s15] =	dma.local [hbm:s2], $0x1  }
0x93: {  	_ =	swait.eq [sflag:s15], $0x1  }
0x94: {  	[sflag:s15] =	ssyncset.done $0x0  }
0x95: {  	s16 =	sld [smem:$0x10];
	[sflag:s15] =	ssyncadd.s32 $0xFFFFFFFF  }
0x96: {  	s17 =	sld [smem:$0x11];
	(tm) =	ssettm $0x1  }
0x97: {  	s18 =	sld [smem:$0x3FFB];
	_ =	sdelay $0x3  }
0x98: {  	_ =	strace s18  }
0x99: {  	s4 =	sld [smem:$0x3FFC];
	_ =	sdelay $0x3  }
0x9a: {  	_ =	strace s4  }
0x9b: {  	s4 =	sld [smem:$0x3FFD];
	_ =	sdelay $0x3  }
0x9c: {  	_ =	strace s4  }
0x9d: {  	_ =	strace $0x8FFFFFFF  }
0x9e: {  	s19 =	sld [smem:$0x3FDB];
	_ =	sdelay $0x1  }
0x9f: {  	s5 =	simm.s32 $_scs_section_size  }
0xa0: {  	s6 =	simm.s32 $_size__tile_overlayer_lowered;
	s7 =	simm.s32 $_tile_overlayer_lowered  }
0xa1: {  	s22 =	simm.s32 $0x1BFF;
	s21 =	sshll.u32 s7, $0x1;
	s4 =	sadd.s32 s5, s19  }
0xa2: {  	s8 =	simm.s32 $0x0;
	s20 =	sshll.u32 s6, $0x1;
	s6 =	sadd.s32 s21, s4  }
0xa3: {  	[timem:s8], [sflag:s22] =	dma.local [hbm:s6], s20  }
0xa4: {  	_ =	swait.ge [sflag:s22], s20  }
0xa5: {  	s5 =	ssub.s32 $0x0, s20;
	[sflag:s22] =	ssyncset.done $0x0  }
0xa6: {  	[sflag:s22] =	ssyncadd.s32 s5;
	_ =	sdelay $0x1  }
0xa7: {  	s23 =	simm.s32 $0x1B8B  }
0xa8: {  	_ =	swait.ge [sflag:s23], $0x1  }
0xa9: {  	[sflag:s23] =	ssyncset.done $0x0  }
0xaa: {  	s25 =	simm.s32 $0x1B8E;
	s24 =	sld [smem:$0x3FFE];
	[sflag:s23] =	ssyncadd.s32 $0xFFFFFFFF  }
0xab: {  	s26 =	simm.s32 $execute0_lowered;
	[smem:$0x3FD2] =	sst s25  }
0xac: {  	s6 =	sshll.u32 s26, $0x1;
	_ =	strace $0x80000049;
	[dreg:$0x1] =	wrdreg $0xFFFFFFFF  }
0xad: {  	s28 =	simm.s32 $_size_execute0_lowered;
	s4 =	sadd.s32 s4, s6;
	[dreg:$0x0] =	wrdreg $0x0  }
0xae: {  	s6 =	sshll.u32 s28, $0x1;
	[dreg:$0x2] =	wrdreg s4  }
0xaf: {  	[dreg:$0x3] =	wrdreg s6  }
0xb0: {  	[dreg:$0x4] =	wrdreg $0xC0  }
0xb1: {  	_ =	task [dreg:s8], $0x5FFFF  }
0xb2: {  	[dreg:$0x1] =	wrdreg $0xFFFFFFFF  }
0xb3: {  	[dreg:$0x0] =	wrdreg $0x60  }
0xb4: {  	[dreg:$0x2] =	wrdreg s16  }
0xb5: {  	[dreg:$0x3] =	wrdreg s24  }
0xb6: {  	[dreg:$0x4] =	wrdreg s17  }
0xb7: {  	[dreg:$0x5] =	wrdreg $0x140800  }
0xb8: {  	[dreg:$0x6] =	wrdreg $0x168800  }
0xb9: {  	[dreg:$0x7] =	wrdreg $0x9  }
0xba: {  	_ =	task.clear_ibuf [dreg:s8], $0x8FFFF;
	_ =	strace $0x90000049  }
0xbb: {  	s29 =	simm.s32 $0x9;
	_ =	strace $0x8000004B  }
0xbc: {  	_ =	swait.ge [sflag:s29], $0x1  }
0xbd: {  	[sflag:s29] =	ssyncadd.s32 $0xFFFFFFFF  }
0xbe: {  	_ =	strace $0x9000004B  }
0xbf: {  	_ =	sfence  }
0xc0: {  	s30 =	sld [smem:$0x0];
	_ =	sdelay $0x2  }
0xc1: {  	s31 =	sshll.u32 s1, $0xD;
	s1 =	sshrl.u32 s1, $0x2  }
0xc2: {  	s3 =	sand.u32 $0x4000, s31;
	s1 =	sadd.s32 s1, s30  }
0xc3: {  	s0 =	sor.u32 s3, s0;
	s1 =	sshll.u32 s1, $0x11  }
0xc4: {  	s0 =	sor.u32 s1, s0  }
0xc5: {  	s0 =	sadd.s32 $0x8F2B, s0  }
0xc6: {  	[sflag:s0] =	ssyncadd.remote.s32 $0x1  }
0xc7: {  	_ =	sfence.sel $0xFFFF  }
0xc8: {  	[dreg:$0x0] =	wrdreg $0xFFFFFFFF;
	(pc) =	sbr.abs _section_cstart, $3  }
0xc9: {  	[dreg:$0x1] =	wrdreg $0xFFFFFFFF  }
0xca: {  	_ =	task.clear_ibuf [dreg:s8], $0x2FFFF;
	_ =	strace $0x9FFFFFFF  }
0xcb: {  	(tm) =	ssettm $0x7FFFFFFF  }
tec
execute0_lowered:
.L_overlay_start_1:
0x0: {  	(tag) =	ssettag $0x1  }
0x1: {  	s4 =	rddreg [dreg:$0x0]  }
0x2: {  	s5 =	rddreg [dreg:$0x1]  }
0x3: {  	s9 =	rddreg [dreg:$0x2]  }
0x4: {  	s7 =	rddreg [dreg:$0x3]  }
0x5: {  	s2 =	rddreg [dreg:$0x4]  }
0x6: {  	s0 =	rddreg [dreg:$0x5];
	s3 =	simm.s32 $0x0  }
0x7: {  	s1 =	stileid.u32;
	s6 =	srdreg.scid;
	s15 =	simm.s32 $0x400  }
0x8: {  	s16 =	simm.s32 $0x13E00;
	s17 =	simm.s32 $0x13B80;
	s18 =	simm.s32 $0x2800  }
0x9: {  	s19 =	simm.s32 $0xED00;
	s20 =	simm.s32 $0x0;
	s10 =	smul.u32 $0x9C4, s1  }
0xa: {  	[smem:$0x7FF] =	sst s3;
	s11 =	sand.u32 $0x1, s6;
	s13 =	smul.u32 $0x5000, s1  }
0xb: {  	s8 =	sshrl.u32 s1, $0x3;
	s29 =	sshll.u32 s1, $0x7;
	s14 =	smul.u32 $0xA00, s1  }
0xc: {  	_ =	strace $0x8000004A;
	s6 =	ssub.s32 $0x2, s11;
	s8 =	smul.u32 $0x50000, s8  }
0xd: {  	p0 =	sne.s32 s11, $0x0;
	s11 =	simm.s32 $0x5000;
	s5 =	sadd.s32 s10, s5  }
0xe: {  	s12 =	sshrl.u32 s6, $0x1;
	s4 =	sadd.s32 s4, s10;
	s30 =	sshrl.u32 s13, $0x2  }
.Ltmp0:
0xf: {  	s31 =	sshrl.u32 s14, $0x2;
	s9 =	sadd.s32 s9, s10;
	(pc) =	sbr.rel .LBB2_1-.Ltmp0, $4  }
0x10: {  	s13 =	simm.s32 $0x9E80;
	s14 =	simm.s32 $0x80;
	s12 =	ssub.s32 s6, s12  }
0x11: {  	s8 =	sshrl.u32 s8, $0x2;
	s5 =	sadd.s32 $0xFA00, s5;
	s6 =	sand.u32 $0x380, s29  }
0x12: {  	s8 =	sadd.s32 s8, s7;
	s7 =	sadd.s32 s30, s7;
	s10 =	smax.u32 s12, $0x1  }
0x13: {  	v0 =	vimm.f32 $-3.000000010e+38;
	v1 =	vimm.f32 $0.0e+00;
	s12 =	simm.s32 $0x1;
	s6 =	sadd.s32 s6, s8;
	s8 =	sadd.s32 s31, s2  }
.LBB2_11:
0x14: {  	[bflag:$0x0] =	sbarrier.arrive $0xFFFF  }
0x15: {  	[bflag:$0x0] =	sbarrier.arrive $0xFFFF  }
0x16: {  	[bflag:$0x0] =	sbarrier.arrive $0xFFFF  }
0x17: {  	[bflag:$0x0] =	sbarrier.arrive $0xFFFF  }
.LBB2_26:
0x18: {  	s20 =	sadd.s32 $0x1, s20  }
0x19: {  	p1 =	sne.s32 s20, s10  }
.Ltmp1:
0x1a: {  	_ = 	snop;
	(pc) =	sbr.rel @!p1 .LBB2_27-.Ltmp1, $1  }
0x1b: {  	_ =	sdelay $0x3  }
.LBB2_1:
.Ltmp2:
0x1c: {  	(pc) =	sbr.rel @p0 .LBB2_11-.Ltmp2, $1  }
0x1d: {  	_ =	sdelay $0x3  }
0x1e: {  	s21 =	simm.s32 $0x40;
	s22 =	simm.s32 $0x0  }
.LBB2_3:
0x1f: {  	p1 =	sne.s32 s21, $0x9FC0;
	[tilespmem:s22+$0x0] =	vst v0;
	s22 =	smov.u32 s21;
	s21 =	sadd.s32 $0x40, s21  }
.Ltmp3:
0x20: {  	(pc) =	sbr.rel @p1 .LBB2_3-.Ltmp3, $2  }
0x21: {  	_ =	sdelay $0x2  }
0x22: {  	s22 =	sshra.s32 s22, $0x2  }
0x23: {  	[tilespmem:s22+$0x0] =	vst v0;
	s21 =	simm.s32 $0x0  }
0x24: {  	[tilespmem:s11], [sflag:$0x1] =	stream.linear.gather [hbm4b:s4+s21], $0x4E20, $0x38;
	[tilespmem:$0x16B00] =	vst v63  }
0x25: {  	_ =	swait.ge [sflag:s12], $0x4E20  }
0x26: {  	[sflag:s12] =	ssyncset.done $0x0  }
0x27: {  	[sflag:s12] =	ssyncadd.s32 $0xFFFFB1E0  }
0x28: {  	[tilespmem:s13], [sflag:$0x1] =	stream.linear.gather [hbm4b:s5+s21], $0x4E20, $0x38;
	[tilespmem:$0x16B00] =	vst v63  }
0x29: {  	_ =	swait.ge [sflag:s12], $0x4E20  }
0x2a: {  	[sflag:s12] =	ssyncset.done $0x0  }
0x2b: {  	s22 =	simm.s32 $0x0;
	s21 =	simm.s32 $0x40;
	[sflag:s12] =	ssyncadd.s32 $0xFFFFB1E0  }
.LBB2_5:
0x2c: {  	p1 =	sne.s32 s21, $0x13840;
	v2 =	vld [tilespmem:s22+$0x9E80];
	_ =	sdelay $0x7  }
0x2d: {  	v3 =	vld.idx.msk [tilespmem:v2+s3+$0x0], $0xffff  }
0x2e: {  	v4 =	vld [tilespmem:s22+$0x5000];
	_ =	sdelay $0x1  }
.Ltmp4:
0x2f: {  	(pc) =	sbr.rel @p1 .LBB2_5-.Ltmp4, $3  }
0x30: {  	_ =	sdelay $0x1  }
0x31: {  	v3 =	vmax.f32 v3, v4  }
0x32: {  	s22 =	sshra.s32 s21, $0x2;
	s21 =	sadd.s32 $0x40, s21;
	[tilespmem:v2+s3+$0x0] =	vst.idx.msk $0xffff, v3  }
0x33: {  	v2 =	vld [tilespmem:s22+$0x9E80];
	_ =	sdelay $0x6  }
0x34: {  	v4 =	vld [tilespmem:s22+$0x5000]  }
0x35: {  	v3 =	vld.idx.msk [tilespmem:v2+s3+$0x0], $0xffff;
	_ =	sdelay $0x4  }
0x36: {  	v3 =	vmax.f32 v3, v4  }
0x37: {  	s21 =	simm.s32 $0x0;
	[tilespmem:v2+s3+$0x0] =	vst.idx.msk $0xffff, v3  }
0x38: {  	[spmem:s6] =	stream.strided.scatter [tilespmem:s21], [sflag:$0x1], $0x2800, s15, s14, $0x38;
	[tilespmem:$0x16B00] =	vst v63  }
0x39: {  	_ =	swait.ge [sflag:s12], $0x2800  }
0x3a: {  	[sflag:s12] =	ssyncset.done $0x0  }
0x3b: {  	[sflag:s12] =	ssyncadd.s32 $0xFFFFD800  }
0x3c: {  	[bflag:$0x0] =	sbarrier.arrive $0xFFFF  }
0x3d: {  	[tilespmem:s16], [sflag:$0x1] =	stream.strided.gather [spmem:s7], $0x280, s15, s14, $0x38;
	[tilespmem:$0x16B00] =	vst v63  }
0x3e: {  	_ =	swait.ge [sflag:s12], $0x280  }
0x3f: {  	[sflag:s12] =	ssyncset.done $0x0  }
0x40: {  	[sflag:s12] =	ssyncadd.s32 $0xFFFFFD80  }
.LBB2_8:
0x41: {  	s21 =	sadd.s32 $0x1, s21  }
0x42: {  	s22 =	sshrl.u32 s21, $0x3  }
0x43: {  	s22 =	smul.u32 $0x50000, s22;
	_ =	sdelay $0x1  }
0x44: {  	s23 =	sshll.u32 s21, $0x7;
	s22 =	sshra.s32 s22, $0x2  }
0x45: {  	s23 =	sand.u32 $0x380, s23;
	s22 =	sadd.s32 s22, s7  }
0x46: {  	s22 =	sadd.s32 s23, s22  }
0x47: {  	[tilespmem:s17], [sflag:$0x1] =	stream.strided.gather [spmem:s22], $0x280, s15, s14, $0x38;
	[tilespmem:$0x16B00] =	vst v63  }
0x48: {  	_ =	swait.ge [sflag:s12], $0x280  }
0x49: {  	[sflag:s12] =	ssyncset.done $0x0  }
0x4a: {  	s22 =	simm.s32 $0x0;
	[sflag:s12] =	ssyncadd.s32 $0xFFFFFD80  }
0x4b: {  	s23 =	simm.s32 $0x40;
	v2 =	vld [tilespmem:s22+$0x13B80]  }
.LBB2_9:
0x4c: {  	p1 =	seq.s32 s23, $0x9C0;
	v3 =	vld [tilespmem:s22+$0x13E00];
	_ =	sdelay $0x1  }
.Ltmp5:
0x4d: {  	(pc) =	sbr.rel @!p1 .LBB2_9-.Ltmp5, $3  }
0x4e: {  	_ =	sdelay $0x1  }
0x4f: {  	s24 =	sshra.s32 s23, $0x2;
	v3 =	vmax.f32 v3, v2  }
0x50: {  	s23 =	sadd.s32 $0x40, s23;
	v2 =	vld [tilespmem:s24+$0x13B80];
	[tilespmem:s22+$0x13E00] =	vst v3;
	s22 =	smov.u32 s24  }
0x51: {  	v3 =	vld [tilespmem:s22+$0x13E00];
	_ =	sdelay $0x4  }
0x52: {  	v2 =	vmax.f32 v3, v2  }
0x53: {  	[tilespmem:s22+$0x13E00] =	vst v2  }
0x54: {  	p1 =	seq.s32 s21, $0xF  }
.Ltmp6:
0x55: {  	_ = 	snop;
	(pc) =	sbr.rel @!p1 .LBB2_8-.Ltmp6, $1  }
0x56: {  	_ =	sdelay $0x3  }
0x57: {  	[spmem:s8] =	stream.linear.scatter [tilespmem:s16], [sflag:$0x1], $0x280, $0x38;
	[tilespmem:$0x16B00] =	vst v63  }
0x58: {  	_ =	swait.ge [sflag:s12], $0x280  }
0x59: {  	[sflag:s12] =	ssyncset.done $0x0  }
0x5a: {  	[sflag:s12] =	ssyncadd.s32 $0xFFFFFD80  }
0x5b: {  	s21 =	simm.s32 $0x0;
	[bflag:$0x0] =	sbarrier.arrive $0xFFFF  }
0x5c: {  	[tilespmem:s21], [sflag:$0x1] =	stream.linear.gather [spmem:s2], $0x2800, $0x38;
	[tilespmem:$0x16B00] =	vst v63  }
0x5d: {  	_ =	swait.ge [sflag:s12], $0x2800  }
0x5e: {  	[sflag:s12] =	ssyncset.done $0x0  }
0x5f: {  	s22 =	simm.s32 $0x0;
	s21 =	simm.s32 $0x40;
	[sflag:s12] =	ssyncadd.s32 $0xFFFFD800  }
.LBB2_13:
0x60: {  	p1 =	sne.s32 s21, $0x9FC0;
	[tilespmem:s22+$0x2800] =	vst v1;
	s22 =	smov.u32 s21;
	s21 =	sadd.s32 $0x40, s21  }
.Ltmp7:
0x61: {  	(pc) =	sbr.rel @p1 .LBB2_13-.Ltmp7, $2  }
0x62: {  	_ =	sdelay $0x2  }
0x63: {  	s22 =	sshra.s32 s22, $0x2  }
0x64: {  	[tilespmem:s22+$0x2800] =	vst v1;
	s21 =	simm.s32 $0x0  }
0x65: {  	s22 =	simm.s32 $0x40;
	v2 =	vld [tilespmem:s21+$0x9E80]  }
.LBB2_15:
0x66: {  	p1 =	sne.s32 s22, $0x13840;
	_ =	sdelay $0x6  }
0x67: {  	v3 =	vld.idx.msk [tilespmem:v2+s3+$0x0], $0xffff  }
0x68: {  	v4 =	vld [tilespmem:s21+$0x5000];
	_ =	sdelay $0x4  }
0x69: {  	v3 =	vsub.f32 v4, v3;
	_ =	sdelay $0x1  }
0x6a: {  	v3 =	vmul.f32 $1.442695020e+00, v3;
	_ =	sdelay $0x1  }
0x6b: {  	(erf) = vpow2.f32 v3;
	_ =	sdelay $0x7  }
.Ltmp8:
0x6c: {  	(pc) =	sbr.rel @p1 .LBB2_15-.Ltmp8, $4  }
0x6d: {  	v3 =	vpop (erf)  }
0x6e: {  	[tilespmem:s21+$0xED00] =	vst v3  }
0x6f: {  	s21 =	sshra.s32 s22, $0x2;
	[tilespmem:v2+s18+$0x0] =	vst.idx.add.f32.msk $0xffff, v3  }
0x70: {  	s22 =	sadd.s32 $0x40, s22;
	v2 =	vld [tilespmem:s21+$0x9E80]  }
0x71: {  	_ =	sdelay $0x6  }
0x72: {  	v4 =	vld [tilespmem:s21+$0x5000]  }
0x73: {  	v3 =	vld.idx.msk [tilespmem:v2+s3+$0x0], $0xffff;
	_ =	sdelay $0x4  }
0x74: {  	v3 =	vsub.f32 v4, v3;
	_ =	sdelay $0x1  }
0x75: {  	v3 =	vmul.f32 $1.442695020e+00, v3;
	_ =	sdelay $0x1  }
0x76: {  	(erf) = vpow2.f32 v3;
	_ =	sdelay $0x8  }
0x77: {  	v3 =	vpop (erf)  }
0x78: {  	[tilespmem:s21+$0xED00] =	vst v3  }
0x79: {  	[tilespmem:v2+s18+$0x0] =	vst.idx.add.f32.msk $0xffff, v3  }
0x7a: {  	[spmem:s6] =	stream.strided.scatter [tilespmem:s18], [sflag:$0x1], $0x2800, s15, s14, $0x38;
	[tilespmem:$0x16B00] =	vst v63  }
0x7b: {  	_ =	swait.ge [sflag:s12], $0x2800  }
0x7c: {  	[sflag:s12] =	ssyncset.done $0x0  }
0x7d: {  	[sflag:s12] =	ssyncadd.s32 $0xFFFFD800  }
0x7e: {  	[bflag:$0x0] =	sbarrier.arrive $0xFFFF  }
0x7f: {  	[tilespmem:s16], [sflag:$0x1] =	stream.strided.gather [spmem:s7], $0x280, s15, s14, $0x38;
	[tilespmem:$0x16B00] =	vst v63  }
0x80: {  	_ =	swait.ge [sflag:s12], $0x280  }
0x81: {  	[sflag:s12] =	ssyncset.done $0x0  }
0x82: {  	s21 =	simm.s32 $0x0;
	[sflag:s12] =	ssyncadd.s32 $0xFFFFFD80  }
.LBB2_18:
0x83: {  	s21 =	sadd.s32 $0x1, s21  }
0x84: {  	s22 =	sshrl.u32 s21, $0x3  }
0x85: {  	s22 =	smul.u32 $0x50000, s22;
	_ =	sdelay $0x1  }
0x86: {  	s23 =	sshll.u32 s21, $0x7;
	s22 =	sshra.s32 s22, $0x2  }
0x87: {  	s23 =	sand.u32 $0x380, s23;
	s22 =	sadd.s32 s22, s7  }
0x88: {  	s22 =	sadd.s32 s23, s22  }
0x89: {  	[tilespmem:s17], [sflag:$0x1] =	stream.strided.gather [spmem:s22], $0x280, s15, s14, $0x38;
	[tilespmem:$0x16B00] =	vst v63  }
0x8a: {  	_ =	swait.ge [sflag:s12], $0x280  }
0x8b: {  	[sflag:s12] =	ssyncset.done $0x0  }
0x8c: {  	s22 =	simm.s32 $0x0;
	[sflag:s12] =	ssyncadd.s32 $0xFFFFFD80  }
0x8d: {  	s23 =	simm.s32 $0x40;
	v2 =	vld [tilespmem:s22+$0x13B80]  }
.LBB2_19:
0x8e: {  	p1 =	seq.s32 s23, $0x9C0;
	v3 =	vld [tilespmem:s22+$0x13E00];
	_ =	sdelay $0x2  }
.Ltmp9:
0x8f: {  	(pc) =	sbr.rel @!p1 .LBB2_19-.Ltmp9, $4  }
0x90: {  	_ = 	snop  }
0x91: {  	v3 =	vadd.f32 v2, v3  }
0x92: {  	s24 =	sshra.s32 s23, $0x2  }
0x93: {  	s23 =	sadd.s32 $0x40, s23;
	v2 =	vld [tilespmem:s24+$0x13B80];
	[tilespmem:s22+$0x13E00] =	vst v3;
	s22 =	smov.u32 s24  }
0x94: {  	v3 =	vld [tilespmem:s22+$0x13E00];
	_ =	sdelay $0x4  }
0x95: {  	v2 =	vadd.f32 v2, v3;
	_ =	sdelay $0x1  }
0x96: {  	[tilespmem:s22+$0x13E00] =	vst v2  }
0x97: {  	p1 =	seq.s32 s21, $0xF  }
.Ltmp10:
0x98: {  	_ = 	snop;
	(pc) =	sbr.rel @!p1 .LBB2_18-.Ltmp10, $1  }
0x99: {  	_ =	sdelay $0x3  }
0x9a: {  	s21 =	simm.s32 $0x0;
	s22 =	simm.s32 $0x40  }
.LBB2_22:
0x9b: {  	p1 =	sne.s32 s22, $0x9C0;
	v2 =	vld [tilespmem:s21+$0x13E00];
	_ =	sdelay $0x4  }
0x9c: {  	v2 =	vadd.f32 $1.000000020e-16, v2;
	_ =	sdelay $0x1  }
0x9d: {  	(erf) = vrcp.f32 v2;
	_ =	sdelay $0x5  }
.Ltmp11:
0x9e: {  	(pc) =	sbr.rel @p1 .LBB2_22-.Ltmp11, $3  }
0x9f: {  	_ =	sdelay $0x1  }
0xa0: {  	v2 =	vpop (erf)  }
0xa1: {  	[tilespmem:s21+$0x13E00] =	vst v2;
	s21 =	sshra.s32 s22, $0x2;
	s22 =	sadd.s32 $0x40, s22  }
0xa2: {  	v2 =	vld [tilespmem:s21+$0x13E00];
	_ =	sdelay $0x4  }
0xa3: {  	v2 =	vadd.f32 $1.000000020e-16, v2;
	_ =	sdelay $0x1  }
0xa4: {  	(erf) = vrcp.f32 v2;
	_ =	sdelay $0x8  }
0xa5: {  	v2 =	vpop (erf)  }
0xa6: {  	[tilespmem:s21+$0x13E00] =	vst v2  }
0xa7: {  	[spmem:s8] =	stream.linear.scatter [tilespmem:s16], [sflag:$0x1], $0x280, $0x38;
	[tilespmem:$0x16B00] =	vst v63  }
0xa8: {  	_ =	swait.ge [sflag:s12], $0x280  }
0xa9: {  	[sflag:s12] =	ssyncset.done $0x0  }
0xaa: {  	[sflag:s12] =	ssyncadd.s32 $0xFFFFFD80  }
0xab: {  	s31 =	simm.s32 $0x0;
	[bflag:$0x0] =	sbarrier.arrive $0xFFFF  }
0xac: {  	[tilespmem:s31], [sflag:$0x1] =	stream.linear.gather [spmem:s2], $0x2800, $0x38;
	[tilespmem:$0x16B00] =	vst v63  }
0xad: {  	_ =	swait.ge [sflag:s12], $0x2800  }
0xae: {  	[sflag:s12] =	ssyncset.done $0x0  }
0xaf: {  	s22 =	simm.s32 $0x0;
	[sflag:s12] =	ssyncadd.s32 $0xFFFFD800  }
0xb0: {  	v3 =	vld [tilespmem:s22+$0x9E80];
	_ =	sdelay $0x5  }
0xb1: {  	s21 =	simm.s32 $0x10  }
0xb2: {  	v2 =	vld [tilespmem:s21+$0x9E80]  }
0xb3: {  	s23 =	simm.s32 $0x80;
	v3 =	vld.idx.msk [tilespmem:v3+s3+$0x0], $0xffff  }
.LBB2_24:
0xb4: {  	p1 =	sne.s32 s23, $0x13840;
	v4 =	vld [tilespmem:s22+$0xED00];
	_ =	sdelay $0x2  }
0xb5: {  	v5 =	vmov v2  }
.Ltmp12:
0xb6: {  	(pc) =	sbr.rel @p1 .LBB2_24-.Ltmp12, $4  }
0xb7: {  	v3 =	vmul.f32 v4, v3  }
0xb8: {  	s24 =	sshra.s32 s23, $0x2  }
0xb9: {  	v2 =	vld [tilespmem:s24+$0x9E80];
	[tilespmem:s22+$0xED00] =	vst v3;
	s22 =	smov.u32 s21;
	s21 =	smov.u32 s24  }
0xba: {  	s23 =	sadd.s32 $0x40, s23;
	v3 =	vld.idx.msk [tilespmem:v5+s3+$0x0], $0xffff  }
0xbb: {  	v4 =	vld [tilespmem:s22+$0xED00];
	_ =	sdelay $0x4  }
0xbc: {  	v3 =	vmul.f32 v4, v3;
	_ =	sdelay $0x1  }
0xbd: {  	[tilespmem:s22+$0xED00] =	vst v3  }
0xbe: {  	v2 =	vld.idx.msk [tilespmem:v2+s3+$0x0], $0xffff  }
0xbf: {  	v3 =	vld [tilespmem:s21+$0xED00];
	_ =	sdelay $0x4  }
0xc0: {  	v2 =	vmul.f32 v3, v2;
	_ =	sdelay $0x1  }
.Ltmp13:
0xc1: {  	[tilespmem:s21+$0xED00] =	vst v2;
	(pc) =	sbr.rel .LBB2_26-.Ltmp13, $4  }
0xc2: {  	[hbm4b:s9+s3] =	stream.linear.scatter [tilespmem:s19], [sflag:$0x1], $0x4E20, $0x38;
	[tilespmem:$0x16B00] =	vst v63  }
0xc3: {  	_ =	swait.ge [sflag:s12], $0x4E20  }
0xc4: {  	[sflag:s12] =	ssyncset.done $0x0  }
0xc5: {  	[sflag:s12] =	ssyncadd.s32 $0xFFFFB1E0  }
.LBB2_27:
0xc6: {  	_ =	sfence.sel $0x180000  }
0xc7: {  	[bflag:$0x0] =	sbarrier.arrive $0xFFFF  }
0xc8: {  	p0 =	sne.s32 s1, $0x0;
	_ =	strace $0x9000004A  }
0xc9: {  	s0 =	sadd.s32 @!p0 $0x100000, s0;
	[bflag:$0x2] =	sbarrier.arrive $0xFFFF  }
0xca: {  	[sflag:s0] =	ssyncadd.tile.s32 @!p0 $0x1;
	_ =	shalt  }
.Lfunc_end2:
_tile_overlayer_lowered:
.L_overlay_start_2:
0xcb: {  	(tag) =	ssettag $0x2  }
0xcc: {  	s0 =	rddreg [dreg:$0x0];
	s2 =	stileid.u32  }
0xcd: {  	s1 =	rddreg [dreg:$0x1];
	p0 =	sne.s32 s2, $0x0  }
0xce: {  	s3 =	rddreg [dreg:$0x2];
	[bflag:$0x3] =	sbarrier.arrive $0xFFFF;
	s2 =	simm.s32 @!p0 $0x1C01  }
0xcf: {  	[timem:s3], [sflag:s2] =	dma.local @!p0 [hbm:s0], s1  }
0xd0: {  	s0 =	simm.s32 @!p0 $0x1  }
0xd1: {  	_ =	swait.ge @!p0 [sflag:s0], s1  }
0xd2: {  	s1 =	ssub.s32 @!p0 $0x0, s1;
	[sflag:s0] =	ssyncset.done @!p0 $0x0  }
0xd3: {  	[sflag:s0] =	ssyncadd.s32 @!p0 s1  }
0xd4: {  	[bflag:$0x3] =	sbarrier.arrive $0xFFFF  }
0xd5: {  	_ =	shalt  }

// kernel: kernel.17.cloned.1.call-start
scs
__scs_entry_jumppad:
0x0: {  	(pc) =	sbr.rel $0x88, $3  }
0x1: {  	(tag) =	ssettag $0x0;
	lr =	simm.s32 $0x1  }
0x2: {  	[smem:$0x3F89] =	sst lr;
	_ =	strace $0xD0000000  }
0x3: {  	_ = 	snop  }
0x4: {  	_ = 	snop  }
0x5: {  	_ = 	snop  }
0x6: {  	_ = 	snop  }
0x7: {  	_ = 	snop  }
__scs_overlays_trampoline_lowered:
0x8: {  	[smem:$0x3F98] =	sst s0  }
0x9: {  	[smem:$0x3F99] =	sst s1  }
0xa: {  	[smem:$0x3F9A] =	sst s2  }
0xb: {  	[smem:$0x3F9B] =	sst s3  }
0xc: {  	[smem:$0x3F9C] =	sst s4  }
0xd: {  	[smem:$0x3F9D] =	sst s5  }
0xe: {  	[smem:$0x3F9E] =	sst s6  }
0xf: {  	[smem:$0x3F9F] =	sst s7  }
0x10: {  	[smem:$0x3FA0] =	sst s8  }
0x11: {  	[smem:$0x3FA1] =	sst s9;
	s0 =	simm.s32 @!p0 $0x0  }
0x12: {  	s1 =	sld [smem:$0x3F87];
	s0 =	simm.s32 @p0 $0x1  }
0x13: {  	[smem:$0x3FA2] =	sst s0;
	s0 =	simm.s32 @!p1 $0x0  }
0x14: {  	s2 =	sld [smem:$0x3F86];
	s0 =	simm.s32 @p1 $0x1  }
0x15: {  	[smem:$0x3FA3] =	sst s0;
	s0 =	simm.s32 @!p2 $0x0  }
0x16: {  	s3 =	sld [smem:$0x3FDB];
	s0 =	simm.s32 @p2 $0x1  }
0x17: {  	s4 =	simm.s32 $0x1BF5;
	[smem:$0x3FA5] =	sst s0  }
0x18: {  	s0 =	sld [smem:$0x3F88];
	_ =	swait.ge [sflag:s4], $0x0  }
0x19: {  	s7 =	sld [smem:$0x3F89]  }
0x1a: {  	s8 =	sadd.s32 $0xFFFFE003, lr  }
0x1b: {  	s9 =	sadd.s32 $0xFFFFFEF7, lr;
	s5 =	simm.s32 $0xFFFFFFFF;
	p2 =	slt.u32 s8, $0xFFFFF086  }
0x1c: {  	p1 =	slt.u32 s9, $0xF7A;
	s5 =	simm.s32 @!p2 $0x0  }
0x1d: {  	s5 =	simm.s32 @p1 $0x1;
	p0 =	seq.s32 s7, s2  }
0x1e: {  	s7 =	smul.u32 @!p0 $0xF7A, s2;
	p2 =	seq.s32 @!p0 s5, $0x0  }
0x1f: {  	s9 =	smul.u32 $0xF7A, s1;
	s8 =	simm.s32 @!p0 $0x1BF5;
	p2 =	por !p2, p0  }
0x20: {  	[sflag:s8] =	ssyncset.s32 @!p0 $0xFFFFF086;
	s6 =	sadd.s32 @!p0 s3, s7;
	s7 =	simm.s32 @!p0 $0x108  }
0x21: {  	s3 =	sadd.s32 s3, s9;
	s6 =	sadd.s32 @!p0 $0x88, s6;
	s7 =	simm.s32 @p2 $0x1082  }
0x22: {  	[simem:s7], [sflag:s8] =	dma.local @!p0 [hbm:s6], $0xF7A  }
0x23: {  	s9 =	sor.u32 $0xD0000000, s2;
	s6 =	simm.s32 $0x108;
	_ =	swait.ge @!p0 [sflag:s8], $0x0  }
0x24: {  	s3 =	sadd.s32 $0x88, s3;
	s6 =	simm.s32 @!p1 $0x1082;
	[sflag:s4] =	ssyncset.s32 $0xFFFFF086  }
0x25: {  	[simem:s6], [sflag:s4] =	dma.local [hbm:s3], $0xF7A  }
0x26: {  	[smem:$0x3F89] =	sst s1;
	(tag) =	ssettag s2;
	_ =	strace s9  }
0x27: {  	s1 =	sld [smem:$0x3F99]  }
0x28: {  	s2 =	sld [smem:$0x3F9A]  }
0x29: {  	s4 =	sld [smem:$0x3F9C]  }
0x2a: {  	p0 =	seq.s32 s5, $0x0;
	s5 =	sld [smem:$0x3F9D]  }
0x2b: {  	s6 =	sld [smem:$0x3F9E]  }
0x2c: {  	s7 =	sld [smem:$0x3F9F]  }
0x2d: {  	s3 =	simm.s32 $0x108;
	s8 =	sld [smem:$0x3FA0]  }
0x2e: {  	s3 =	simm.s32 @!p0 $0x1082;
	s9 =	sld [smem:$0x3FA1]  }
0x2f: {  	lr =	sadd.s32 s0, s3;
	s0 =	sld [smem:$0x3F98]  }
0x30: {  	s3 =	sld [smem:$0x3F9B]  }
0x31: {  	[smem:$0x3FA4] =	sst s10  }
0x32: {  	s10 =	sld [smem:$0x3FA2];
	_ =	sdelay $0x3  }
0x33: {  	p0 =	seq.s32 s10, $0x1;
	s10 =	sld [smem:$0x3FA4];
	_ =	sdelay $0x3  }
0x34: {  	[smem:$0x3FA4] =	sst s10  }
0x35: {  	s10 =	sld [smem:$0x3FA3];
	_ =	sdelay $0x3  }
0x36: {  	p1 =	seq.s32 s10, $0x1;
	s10 =	sld [smem:$0x3FA4];
	_ =	sdelay $0x3  }
0x37: {  	[smem:$0x3FA4] =	sst s10  }
0x38: {  	s10 =	sld [smem:$0x3FA5]  }
0x39: {  	_ = 	snop;
	(pc) =	sbr.ind lr, $3  }
0x3a: {  	_ = 	snop  }
0x3b: {  	_ = 	snop  }
0x3c: {  	p2 =	seq.s32 s10, $0x1;
	s10 =	sld [smem:$0x3FA4]  }
0x3d: {  	_ =	shalt  }
0x3e: {  	_ =	shalt  }
0x3f: {  	_ =	shalt  }
0x40: {  	_ =	shalt  }
0x41: {  	_ =	shalt  }
0x42: {  	_ =	shalt  }
0x43: {  	_ =	shalt  }
0x44: {  	_ =	shalt  }
0x45: {  	_ =	shalt  }
0x46: {  	_ =	shalt  }
0x47: {  	_ =	shalt  }
0x48: {  	_ =	shalt  }
0x49: {  	_ =	shalt  }
0x4a: {  	_ =	shalt  }
0x4b: {  	_ =	shalt  }
0x4c: {  	_ =	shalt  }
0x4d: {  	_ =	shalt  }
0x4e: {  	_ =	shalt  }
0x4f: {  	_ =	shalt  }
0x50: {  	_ =	shalt  }
0x51: {  	_ =	shalt  }
0x52: {  	_ =	shalt  }
0x53: {  	_ =	shalt  }
0x54: {  	_ =	shalt  }
0x55: {  	_ =	shalt  }
0x56: {  	_ =	shalt  }
0x57: {  	_ =	shalt  }
0x58: {  	_ =	shalt  }
0x59: {  	_ =	shalt  }
0x5a: {  	_ =	shalt  }
0x5b: {  	_ =	shalt  }
0x5c: {  	_ =	shalt  }
0x5d: {  	_ =	shalt  }
0x5e: {  	_ =	shalt  }
0x5f: {  	_ =	shalt  }
0x60: {  	_ =	shalt  }
0x61: {  	_ =	shalt  }
0x62: {  	_ =	shalt  }
0x63: {  	_ =	shalt  }
0x64: {  	_ =	shalt  }
0x65: {  	_ =	shalt  }
0x66: {  	_ =	shalt  }
0x67: {  	_ =	shalt  }
0x68: {  	_ =	shalt  }
0x69: {  	_ =	shalt  }
0x6a: {  	_ =	shalt  }
0x6b: {  	_ =	shalt  }
0x6c: {  	_ =	shalt  }
0x6d: {  	_ =	shalt  }
0x6e: {  	_ =	shalt  }
0x6f: {  	_ =	shalt  }
0x70: {  	_ =	shalt  }
0x71: {  	_ =	shalt  }
0x72: {  	_ =	shalt  }
0x73: {  	_ =	shalt  }
0x74: {  	_ =	shalt  }
0x75: {  	_ =	shalt  }
0x76: {  	_ =	shalt  }
0x77: {  	_ =	shalt  }
0x78: {  	_ =	shalt  }
0x79: {  	_ =	shalt  }
0x7a: {  	_ =	shalt  }
0x7b: {  	_ =	shalt  }
0x7c: {  	_ =	shalt  }
0x7d: {  	_ =	shalt  }
0x7e: {  	_ =	shalt  }
0x7f: {  	_ =	shalt  }
0x80: {  	_ =	shalt  }
0x81: {  	_ =	shalt  }
0x82: {  	_ =	shalt  }
0x83: {  	_ =	shalt  }
0x84: {  	_ =	shalt  }
0x85: {  	_ =	shalt  }
0x86: {  	_ =	shalt  }
0x87: {  	_ =	shalt  }
.Lfunc_end0:
.L_simem_size_0:
called_computation.2_lowered:
.L_overlay_start_0:
0x88: {  	s2 =	sld [smem:$0x3FD9]  }
0x89: {  	s3 =	sld [smem:$0x3FFE];
	_ =	sdelay $0x1  }
0x8a: {  	s1 =	srdreg.scid  }
0x8b: {  	s0 =	sand.u32 $0x1, s1  }
0x8c: {  	s14 =	sshll.u32 s0, $0xA;
	s2 =	sadd.s32 s3, s2  }
0x8d: {  	s2 =	sadd.s32 s2, s14  }
0x8e: {  	[smem:$0x3FB0] =	sst s2  }
0x8f: {  	_ = 	snop  }
0x90: {  	s2 =	sld [smem:$0x3FD0];
	_ =	sdelay $0x2  }
0x91: {  	s15 =	simm.s32 $0xA;
	s4 =	simm.s32 $0x10  }
0x92: {  	[smem:s4], [sflag:s15] =	dma.local [hbm:s2], $0x1  }
0x93: {  	_ =	swait.eq [sflag:s15], $0x1  }
0x94: {  	[sflag:s15] =	ssyncset.done $0x0  }
0x95: {  	s16 =	sld [smem:$0x10];
	[sflag:s15] =	ssyncadd.s32 $0xFFFFFFFF  }
0x96: {  	s17 =	sld [smem:$0x11];
	(tm) =	ssettm $0x1  }
0x97: {  	s18 =	sld [smem:$0x3FFB];
	_ =	sdelay $0x3  }
0x98: {  	_ =	strace s18  }
0x99: {  	s4 =	sld [smem:$0x3FFC];
	_ =	sdelay $0x3  }
0x9a: {  	_ =	strace s4  }
0x9b: {  	s4 =	sld [smem:$0x3FFD];
	_ =	sdelay $0x3  }
0x9c: {  	_ =	strace s4  }
0x9d: {  	_ =	strace $0x8FFFFFFF  }
0x9e: {  	s19 =	sld [smem:$0x3FDB];
	_ =	sdelay $0x1  }
0x9f: {  	s5 =	simm.s32 $_scs_section_size  }
0xa0: {  	s6 =	simm.s32 $_size__tile_overlayer_lowered;
	s7 =	simm.s32 $_tile_overlayer_lowered  }
0xa1: {  	s22 =	simm.s32 $0x1BFF;
	s21 =	sshll.u32 s7, $0x1;
	s4 =	sadd.s32 s5, s19  }
0xa2: {  	s8 =	simm.s32 $0x0;
	s20 =	sshll.u32 s6, $0x1;
	s6 =	sadd.s32 s21, s4  }
0xa3: {  	[timem:s8], [sflag:s22] =	dma.local [hbm:s6], s20  }
0xa4: {  	_ =	swait.ge [sflag:s22], s20  }
0xa5: {  	s5 =	ssub.s32 $0x0, s20;
	[sflag:s22] =	ssyncset.done $0x0  }
0xa6: {  	[sflag:s22] =	ssyncadd.s32 s5;
	_ =	sdelay $0x1  }
0xa7: {  	s23 =	simm.s32 $0x1B8B  }
0xa8: {  	_ =	swait.ge [sflag:s23], $0x1  }
0xa9: {  	[sflag:s23] =	ssyncset.done $0x0  }
0xaa: {  	s25 =	simm.s32 $0x1B8E;
	s24 =	sld [smem:$0x3FFE];
	[sflag:s23] =	ssyncadd.s32 $0xFFFFFFFF  }
0xab: {  	s26 =	simm.s32 $execute0_lowered;
	[smem:$0x3FD2] =	sst s25  }
0xac: {  	s6 =	sshll.u32 s26, $0x1;
	_ =	strace $0x8000004C;
	[dreg:$0x1] =	wrdreg $0xFFFFFFFF  }
0xad: {  	s28 =	simm.s32 $_size_execute0_lowered;
	s4 =	sadd.s32 s4, s6;
	[dreg:$0x0] =	wrdreg $0x0  }
0xae: {  	s6 =	sshll.u32 s28, $0x1;
	[dreg:$0x2] =	wrdreg s4  }
0xaf: {  	[dreg:$0x3] =	wrdreg s6  }
0xb0: {  	[dreg:$0x4] =	wrdreg $0xC0  }
0xb1: {  	_ =	task [dreg:s8], $0x5FFFF  }
0xb2: {  	[dreg:$0x1] =	wrdreg $0xFFFFFFFF  }
0xb3: {  	[dreg:$0x0] =	wrdreg $0x60  }
0xb4: {  	[dreg:$0x2] =	wrdreg s24  }
0xb5: {  	[dreg:$0x3] =	wrdreg s17  }
0xb6: {  	[dreg:$0x4] =	wrdreg s16  }
0xb7: {  	[dreg:$0x5] =	wrdreg $0xCE000  }
0xb8: {  	[dreg:$0x6] =	wrdreg $0x9  }
0xb9: {  	_ =	task.clear_ibuf [dreg:s8], $0x7FFFF;
	_ =	strace $0x9000004C  }
0xba: {  	s29 =	simm.s32 $0x9;
	_ =	strace $0x8000004E  }
0xbb: {  	_ =	swait.ge [sflag:s29], $0x1  }
0xbc: {  	[sflag:s29] =	ssyncadd.s32 $0xFFFFFFFF  }
0xbd: {  	_ =	strace $0x9000004E  }
0xbe: {  	_ =	sfence  }
0xbf: {  	s30 =	sld [smem:$0x0];
	_ =	sdelay $0x2  }
0xc0: {  	s31 =	sshll.u32 s1, $0xD;
	s1 =	sshrl.u32 s1, $0x2  }
0xc1: {  	s3 =	sand.u32 $0x4000, s31;
	s1 =	sadd.s32 s1, s30  }
0xc2: {  	s0 =	sor.u32 s3, s0;
	s1 =	sshll.u32 s1, $0x11  }
0xc3: {  	s0 =	sor.u32 s1, s0  }
0xc4: {  	s0 =	sadd.s32 $0x8F2B, s0  }
0xc5: {  	[sflag:s0] =	ssyncadd.remote.s32 $0x1  }
0xc6: {  	_ =	sfence.sel $0xFFFF  }
0xc7: {  	[dreg:$0x0] =	wrdreg $0xFFFFFFFF;
	(pc) =	sbr.abs _section_cstart, $3  }
0xc8: {  	[dreg:$0x1] =	wrdreg $0xFFFFFFFF  }
0xc9: {  	_ =	task.clear_ibuf [dreg:s8], $0x2FFFF;
	_ =	strace $0x9FFFFFFF  }
0xca: {  	(tm) =	ssettm $0x7FFFFFFF  }
0xcb: {  	_ =	shalt  }
tec
execute0_lowered:
.L_overlay_start_1:
0x0: {  	(tag) =	ssettag $0x1  }
0x1: {  	s4 =	rddreg [dreg:$0x0]  }
0x2: {  	s1 =	rddreg [dreg:$0x1]  }
0x3: {  	s5 =	rddreg [dreg:$0x2]  }
0x4: {  	s2 =	rddreg [dreg:$0x3]  }
0x5: {  	s0 =	rddreg [dreg:$0x4]  }
0x6: {  	s21 =	stileid.u32;
	s7 =	srdreg.scid  }
0x7: {  	s3 =	simm.s32 $0x0;
	s14 =	simm.s32 $0x2E00;
	s15 =	simm.s32 $0x300  }
0x8: {  	s16 =	simm.s32 $0x5600;
	s17 =	simm.s32 $0x380;
	s6 =	smul.u32 $0x4E200, s21  }
0x9: {  	s18 =	simm.s32 $0x7E00;
	s19 =	simm.s32 $0x400;
	s8 =	smul.u32 $0x9C4, s21  }
0xa: {  	s20 =	simm.s32 $0xA600;
	s7 =	sand.u32 $0x1, s7;
	s11 =	smul.u32 $0x1F400, s21  }
0xb: {  	[smem:$0x7FF] =	sst s3;
	s13 =	smul.u32 $0x7D000, s21;
	p0 =	sne.s32 s21, $0x0  }
0xc: {  	p1 =	sgt.u32 s21, $0x4;
	s9 =	smul.u32 $0x9C400, s7;
	_ =	strace $0x8000004D  }
0xd: {  	s10 =	ssub.s32 $0x2, s7;
	s22 =	smul.u32 $0x1388, s7;
	s21 =	sshll.u32 @!p1 s21, $0x6  }
0xe: {  	s6 =	sadd.s32 s6, s4;
	s12 =	sshrl.u32 s10, $0x1;
	s8 =	sadd.s32 s8, s4  }
0xf: {  	s31 =	sshrl.u32 s13, $0x2;
	s13 =	simm.s32 $0x280;
	s21 =	sor.u32 @!p1 $0x1C01, s21  }
0x10: {  	s10 =	ssub.s32 s10, s12;
	s30 =	sadd.s32 s11, s9;
	s23 =	sadd.s32 s31, s2  }
0x11: {  	s6 =	sadd.s32 $0x13A1800, s6;
	s7 =	sadd.s32 $0xFA00, s8;
	s8 =	sshrl.u32 @!p0 s2, $0x3  }
0x12: {  	s9 =	simm.s32 $0x1;
	s11 =	simm.s32 $0x50;
	s12 =	simm.s32 $0x200  }
0x13: {  	v0 =	vmov s22;
	s4 =	sshrl.u32 s30, $0x3;
	s22 =	sshrl.u32 @!p1 s23, $0x3;
	s23 =	simm.s32 $0x0  }
0x14: {  	s4 =	sadd.s32 s5, s4;
	s5 =	smax.u32 s10, $0x1;
	s10 =	simm.s32 $0x600  }
.LBB2_1:
0x15: {  	s24 =	simm.s32 @!p0 $0x1C01  }
0x16: {  	[spmem:s8], [sflag:s24] =	dma.local @!p0 [hbm:s1], $0x13900  }
0x17: {  	s24 =	simm.s32 @!p0 $0x1  }
0x18: {  	_ =	swait.ge @!p0 [sflag:s24], $0x13900  }
0x19: {  	[sflag:s24] =	ssyncset.done @!p0 $0x0  }
0x1a: {  	[sflag:s24] =	ssyncadd.s32 @!p0 $0xFFFEC700  }
0x1b: {  	s31 =	sadd.s32 $0x0, s7;
	[bflag:$0x0] =	sbarrier.arrive $0xFFFF  }
0x1c: {  	[tilespmem:s3], [sflag:$0x1] =	stream.linear.gather [hbm4b:s31+s3], $0x190, $0x38;
	[tilespmem:$0x16A80] =	vst v63  }
0x1d: {  	_ =	swait.ge [sflag:s9], $0x190  }
0x1e: {  	[sflag:s9] =	ssyncset.done $0x0  }
0x1f: {  	[sflag:s9] =	ssyncadd.s32 $0xFFFFFE70  }
0x20: {  	[tilespmem:s10], [sflag:$0x1] =	stream.linear.gather [hbm4b:s6+s3], $0xC800, $0x38;
	[tilespmem:$0x16A80] =	vst v63  }
0x21: {  	_ =	swait.ge [sflag:s9], $0xC800  }
0x22: {  	[sflag:s9] =	ssyncset.done $0x0  }
0x23: {  	[sflag:s9] =	ssyncadd.s32 $0xFFFF3800  }
0x24: {  	v1 =	vld [tilespmem:$0x180]  }
0x25: {  	v3 =	vld [tilespmem:$0x160]  }
0x26: {  	v4 =	vld [tilespmem:$0x0]  }
0x27: {  	s25 =	smov.u32 s6;
	s24 =	simm.s32 $0x32;
	v2 =	vld [tilespmem:$0xB0]  }
.LBB2_2:
0x28: {  	p2 =	sne.s32 s24, $0x992  }
0x29: {  	v5 =	vld [tilespmem:$0x150];
	s25 =	sadd.s32 $0x1900, s25;
	s26 =	smov.u32 s24;
	s24 =	sadd.s32 $0x32, s24  }
0x2a: {  	v6 =	vld [tilespmem:$0x140]  }
0x2b: {  	v7 =	vld [tilespmem:$0x120];
	v3 =	vsub.s32 v3, v0  }
0x2c: {  	v4 =	vsub.s32 v4, v0;
	v8 =	vld [tilespmem:$0x110];
	v3 =	vmin.u32 v3, $0x1388  }
0x2d: {  	v1 =	vsub.s32 v1, v0;
	v4 =	vmin.u32 v4, $0x1388;
	v2 =	vsub.s32 v2, v0;
	v9 =	vld [tilespmem:$0x100];
	[tilespmem:$0x420] =	vst v3  }
0x2e: {  	v1 =	vmin.u32 v1, $0x1388;
	[tilespmem:$0x200] =	vst v4;
	v2 =	vmin.u32 v2, $0x1388;
	v3 =	vld [tilespmem:$0xE0];
	v4 =	vsub.s32 v5, v0  }
0x2f: {  	[tilespmem:$0x310] =	vst v2;
	v2 =	vld [tilespmem:$0xF0];
	v5 =	vsub.s32 v6, v0;
	v4 =	vmin.u32 v4, $0x1388  }
0x30: {  	v6 =	vld [tilespmem:$0xD0];
	v7 =	vsub.s32 v7, v0;
	v5 =	vmin.u32 v5, $0x1388;
	[tilespmem:$0x410] =	vst v4  }
0x31: {  	v4 =	vld [tilespmem:$0xC0];
	v8 =	vsub.s32 v8, v0;
	v7 =	vmin.u32 v7, $0x1388;
	[tilespmem:$0x400] =	vst v5  }
0x32: {  	v5 =	vsub.s32 v9, v0;
	v8 =	vmin.u32 v8, $0x1388;
	[tilespmem:$0x3B0] =	vst v7;
	v7 =	vld [tilespmem:$0x170]  }
0x33: {  	v9 =	vld [tilespmem:$0xA0];
	v3 =	vsub.s32 v3, v0;
	v5 =	vmin.u32 v5, $0x1388;
	[tilespmem:$0x3A0] =	vst v8  }
0x34: {  	v8 =	vld [tilespmem:$0x90];
	v3 =	vmin.u32 v3, $0x1388;
	v2 =	vsub.s32 v2, v0;
	[tilespmem:$0x390] =	vst v5  }
0x35: {  	v5 =	vld [tilespmem:$0x80];
	v6 =	vsub.s32 v6, v0;
	[tilespmem:$0x340] =	vst v3;
	v2 =	vmin.u32 v2, $0x1388  }
0x36: {  	v3 =	vld [tilespmem:$0x70];
	v4 =	vsub.s32 v4, v0;
	v6 =	vmin.u32 v6, $0x1388;
	[tilespmem:$0x380] =	vst v2  }
0x37: {  	v2 =	vld [tilespmem:$0x60];
	v4 =	vmin.u32 v4, $0x1388;
	[tilespmem:$0x330] =	vst v6;
	v6 =	vsub.s32 v7, v0  }
0x38: {  	v7 =	vld [tilespmem:$0x50];
	v9 =	vsub.s32 v9, v0;
	[tilespmem:$0x320] =	vst v4;
	v4 =	vmin.u32 v6, $0x1388  }
0x39: {  	v6 =	vld [tilespmem:$0x40];
	v8 =	vsub.s32 v8, v0;
	v9 =	vmin.u32 v9, $0x1388;
	[tilespmem:$0x430] =	vst v4  }
0x3a: {  	v4 =	vld [tilespmem:$0x30];
	v5 =	vsub.s32 v5, v0;
	v8 =	vmin.u32 v8, $0x1388;
	[tilespmem:$0x300] =	vst v9  }
0x3b: {  	v9 =	vld [tilespmem:$0x20];
	v3 =	vsub.s32 v3, v0;
	v5 =	vmin.u32 v5, $0x1388;
	[tilespmem:$0x2C0] =	vst v8  }
0x3c: {  	v2 =	vsub.s32 v2, v0;
	v3 =	vmin.u32 v3, $0x1388;
	[tilespmem:$0x2B0] =	vst v5;
	v5 =	vld [tilespmem:$0x130]  }
0x3d: {  	v8 =	vld [tilespmem:$0x10];
	v7 =	vsub.s32 v7, v0;
	v2 =	vmin.u32 v2, $0x1388;
	[tilespmem:$0x2A0] =	vst v3  }
0x3e: {  	v3 =	vsub.s32 v6, v0;
	v6 =	vmin.u32 v7, $0x1388;
	[tilespmem:$0x290] =	vst v2  }
0x3f: {  	v2 =	vsub.s32 v4, v0;
	v3 =	vmin.u32 v3, $0x1388;
	[tilespmem:$0x280] =	vst v6  }
0x40: {  	v4 =	vsub.s32 v9, v0;
	v2 =	vmin.u32 v2, $0x1388;
	[tilespmem:$0x240] =	vst v3  }
0x41: {  	v3 =	vmin.u32 v4, $0x1388;
	[tilespmem:$0x230] =	vst v2;
	v2 =	vsub.s32 v5, v0  }
0x42: {  	v4 =	vsub.s32 v8, v0;
	[tilespmem:$0x220] =	vst v3;
	v2 =	vmin.u32 v2, $0x1388  }
0x43: {  	v3 =	vmin.u32 v4, $0x1388;
	[tilespmem:$0x440] =	vst v1  }
0x44: {  	[tilespmem:$0x210] =	vst v3  }
0x45: {  	[tilespmem:$0x3C0] =	vst v2  }
0x46: {  	[spmem:s2] =	stream.indirect.scatter.add.f32 [tilespmem:s10], [sflag:$0x1], $0x80, s12, s11, $0xb8;
	[tilespmem:$0x16A80] =	vst v63  }
0x47: {  	_ =	swait.ge [sflag:s9], $0x2800  }
0x48: {  	[sflag:s9] =	ssyncset.done $0x0  }
0x49: {  	[sflag:s9] =	ssyncadd.s32 $0xFFFFD800  }
0x4a: {  	[spmem:s2] =	stream.indirect.scatter.add.f32 [tilespmem:s14], [sflag:$0x1], $0x80, s13, s11, $0xb8;
	[tilespmem:$0x16A80] =	vst v63  }
0x4b: {  	_ =	swait.ge [sflag:s9], $0x2800  }
0x4c: {  	[sflag:s9] =	ssyncset.done $0x0  }
0x4d: {  	[sflag:s9] =	ssyncadd.s32 $0xFFFFD800  }
0x4e: {  	[spmem:s2] =	stream.indirect.scatter.add.f32 [tilespmem:s16], [sflag:$0x1], $0x80, s15, s11, $0xb8;
	[tilespmem:$0x16A80] =	vst v63  }
0x4f: {  	_ =	swait.ge [sflag:s9], $0x2800  }
0x50: {  	[sflag:s9] =	ssyncset.done $0x0  }
0x51: {  	[sflag:s9] =	ssyncadd.s32 $0xFFFFD800  }
0x52: {  	[spmem:s2] =	stream.indirect.scatter.add.f32 [tilespmem:s18], [sflag:$0x1], $0x80, s17, s11, $0xb8;
	[tilespmem:$0x16A80] =	vst v63  }
0x53: {  	_ =	swait.ge [sflag:s9], $0x2800  }
0x54: {  	[sflag:s9] =	ssyncset.done $0x0  }
0x55: {  	[sflag:s9] =	ssyncadd.s32 $0xFFFFD800  }
0x56: {  	[spmem:s2] =	stream.indirect.scatter.add.f32 [tilespmem:s20], [sflag:$0x1], $0x80, s19, s11, $0xb8;
	[tilespmem:$0x16A80] =	vst v63  }
0x57: {  	_ =	swait.ge [sflag:s9], $0x2800  }
0x58: {  	[sflag:s9] =	ssyncset.done $0x0  }
0x59: {  	s26 =	sadd.s32 s26, s7;
	[sflag:s9] =	ssyncadd.s32 $0xFFFFD800  }
0x5a: {  	[tilespmem:s3], [sflag:$0x1] =	stream.linear.gather [hbm4b:s26+s3], $0x190, $0x38;
	[tilespmem:$0x16A80] =	vst v63  }
0x5b: {  	_ =	swait.ge [sflag:s9], $0x190  }
0x5c: {  	[sflag:s9] =	ssyncset.done $0x0  }
0x5d: {  	[sflag:s9] =	ssyncadd.s32 $0xFFFFFE70  }
0x5e: {  	[tilespmem:s10], [sflag:$0x1] =	stream.linear.gather [hbm4b:s25+s3], $0xC800, $0x38;
	[tilespmem:$0x16A80] =	vst v63  }
0x5f: {  	_ =	swait.ge [sflag:s9], $0xC800  }
0x60: {  	[sflag:s9] =	ssyncset.done $0x0  }
.Ltmp0:
0x61: {  	[sflag:s9] =	ssyncadd.s32 $0xFFFF3800;
	(pc) =	sbr.rel @p2 .LBB2_2-.Ltmp0, $4  }
0x62: {  	v1 =	vld [tilespmem:$0x180]  }
0x63: {  	v3 =	vld [tilespmem:$0x160]  }
0x64: {  	v4 =	vld [tilespmem:$0x0]  }
0x65: {  	v2 =	vld [tilespmem:$0xB0]  }
0x66: {  	v5 =	vld [tilespmem:$0x150]  }
0x67: {  	v6 =	vld [tilespmem:$0x140]  }
0x68: {  	v7 =	vld [tilespmem:$0x120];
	v1 =	vsub.s32 v1, v0  }
0x69: {  	v8 =	vld [tilespmem:$0x110];
	v3 =	vsub.s32 v3, v0;
	v1 =	vmin.u32 v1, $0x1388  }
0x6a: {  	v9 =	vld [tilespmem:$0x100];
	v4 =	vsub.s32 v4, v0;
	v3 =	vmin.u32 v3, $0x1388;
	[tilespmem:$0x440] =	vst v1  }
0x6b: {  	v47 =	vld [tilespmem:$0xD0];
	v4 =	vmin.u32 v4, $0x1388;
	v2 =	vsub.s32 v2, v0;
	[tilespmem:$0x420] =	vst v3  }
0x6c: {  	v50 =	vld [tilespmem:$0x170];
	[tilespmem:$0x200] =	vst v4;
	v2 =	vmin.u32 v2, $0x1388;
	v45 =	vsub.s32 v5, v0  }
0x6d: {  	v3 =	vld [tilespmem:$0xE0];
	v46 =	vsub.s32 v6, v0;
	[tilespmem:$0x310] =	vst v2;
	v4 =	vmin.u32 v45, $0x1388  }
0x6e: {  	v51 =	vld [tilespmem:$0xA0];
	v7 =	vsub.s32 v7, v0;
	v5 =	vmin.u32 v46, $0x1388;
	[tilespmem:$0x410] =	vst v4  }
0x6f: {  	v8 =	vsub.s32 v8, v0;
	v2 =	vld [tilespmem:$0xF0];
	v7 =	vmin.u32 v7, $0x1388;
	[tilespmem:$0x400] =	vst v5  }
0x70: {  	v59 =	vld [tilespmem:$0x20];
	v6 =	vsub.s32 v47, v0;
	v8 =	vmin.u32 v8, $0x1388;
	[tilespmem:$0x3B0] =	vst v7  }
0x71: {  	v54 =	vsub.s32 v50, v0;
	v6 =	vmin.u32 v6, $0x1388;
	[tilespmem:$0x3A0] =	vst v8  }
0x72: {  	v48 =	vld [tilespmem:$0xC0];
	v56 =	vmin.u32 v54, $0x1388;
	[tilespmem:$0x330] =	vst v6;
	v3 =	vsub.s32 v3, v0  }
0x73: {  	v52 =	vld [tilespmem:$0x90];
	v49 =	vsub.s32 v9, v0;
	v9 =	vsub.s32 v51, v0;
	[tilespmem:$0x430] =	vst v56;
	v3 =	vmin.u32 v3, $0x1388  }
0x74: {  	v9 =	vmin.u32 v9, $0x1388;
	v2 =	vsub.s32 v2, v0;
	[tilespmem:$0x340] =	vst v3;
	v3 =	vld [tilespmem:$0x70]  }
0x75: {  	v55 =	vld [tilespmem:$0x50];
	v62 =	vsub.s32 v59, v0;
	[tilespmem:$0x300] =	vst v9;
	v2 =	vmin.u32 v2, $0x1388  }
0x76: {  	v63 =	vmin.u32 v62, $0x1388;
	[tilespmem:$0x380] =	vst v2;
	v2 =	vld [tilespmem:$0x60]  }
0x77: {  	v57 =	vld [tilespmem:$0x40];
	v5 =	vmin.u32 v49, $0x1388;
	v4 =	vsub.s32 v48, v0;
	[tilespmem:$0x220] =	vst v63  }
0x78: {  	v58 =	vld [tilespmem:$0x30];
	v8 =	vsub.s32 v52, v0;
	[tilespmem:$0x390] =	vst v5;
	v4 =	vmin.u32 v4, $0x1388  }
0x79: {  	v53 =	vld [tilespmem:$0x80];
	v8 =	vmin.u32 v8, $0x1388;
	[tilespmem:$0x320] =	vst v4;
	v3 =	vsub.s32 v3, v0  }
0x7a: {  	v60 =	vld [tilespmem:$0x10];
	v7 =	vsub.s32 v55, v0;
	[tilespmem:$0x2C0] =	vst v8;
	v3 =	vmin.u32 v3, $0x1388  }
0x7b: {  	v7 =	vmin.u32 v7, $0x1388;
	v2 =	vsub.s32 v2, v0;
	[tilespmem:$0x2A0] =	vst v3;
	v3 =	vld [tilespmem:$0x130]  }
0x7c: {  	v6 =	vsub.s32 v57, v0;
	[tilespmem:$0x280] =	vst v7;
	v2 =	vmin.u32 v2, $0x1388  }
0x7d: {  	v61 =	vmin.u32 v6, $0x1388;
	[tilespmem:$0x290] =	vst v2;
	v2 =	vsub.s32 v58, v0  }
0x7e: {  	v5 =	vsub.s32 v53, v0;
	[tilespmem:$0x240] =	vst v61;
	v2 =	vmin.u32 v2, $0x1388  }
0x7f: {  	v5 =	vmin.u32 v5, $0x1388;
	[tilespmem:$0x230] =	vst v2;
	v2 =	vsub.s32 v60, v0  }
0x80: {  	[tilespmem:$0x2B0] =	vst v5;
	v3 =	vsub.s32 v3, v0;
	v2 =	vmin.u32 v2, $0x1388  }
0x81: {  	v1 =	vmin.u32 v3, $0x1388;
	[tilespmem:$0x210] =	vst v2  }
0x82: {  	[tilespmem:$0x3C0] =	vst v1  }
0x83: {  	[spmem:s2] =	stream.indirect.scatter.add.f32 [tilespmem:s10], [sflag:$0x1], $0x80, s12, s11, $0xb8;
	[tilespmem:$0x16A80] =	vst v63  }
0x84: {  	_ =	swait.ge [sflag:s9], $0x2800  }
0x85: {  	[sflag:s9] =	ssyncset.done $0x0  }
0x86: {  	[sflag:s9] =	ssyncadd.s32 $0xFFFFD800  }
0x87: {  	[spmem:s2] =	stream.indirect.scatter.add.f32 [tilespmem:s14], [sflag:$0x1], $0x80, s13, s11, $0xb8;
	[tilespmem:$0x16A80] =	vst v63  }
0x88: {  	_ =	swait.ge [sflag:s9], $0x2800  }
0x89: {  	[sflag:s9] =	ssyncset.done $0x0  }
0x8a: {  	[sflag:s9] =	ssyncadd.s32 $0xFFFFD800  }
0x8b: {  	[spmem:s2] =	stream.indirect.scatter.add.f32 [tilespmem:s16], [sflag:$0x1], $0x80, s15, s11, $0xb8;
	[tilespmem:$0x16A80] =	vst v63  }
0x8c: {  	_ =	swait.ge [sflag:s9], $0x2800  }
0x8d: {  	[sflag:s9] =	ssyncset.done $0x0  }
0x8e: {  	[sflag:s9] =	ssyncadd.s32 $0xFFFFD800  }
0x8f: {  	[spmem:s2] =	stream.indirect.scatter.add.f32 [tilespmem:s18], [sflag:$0x1], $0x80, s17, s11, $0xb8;
	[tilespmem:$0x16A80] =	vst v63  }
0x90: {  	_ =	swait.ge [sflag:s9], $0x2800  }
0x91: {  	[sflag:s9] =	ssyncset.done $0x0  }
0x92: {  	[sflag:s9] =	ssyncadd.s32 $0xFFFFD800  }
0x93: {  	[spmem:s2] =	stream.indirect.scatter.add.f32 [tilespmem:s20], [sflag:$0x1], $0x80, s19, s11, $0xb8;
	[tilespmem:$0x16A80] =	vst v63  }
0x94: {  	_ =	swait.ge [sflag:s9], $0x2800  }
0x95: {  	s23 =	sadd.s32 $0x1, s23;
	[sflag:s9] =	ssyncset.done $0x0  }
0x96: {  	p2 =	sne.s32 s23, s5;
	[sflag:s9] =	ssyncadd.s32 $0xFFFFD800  }
.Ltmp1:
0x97: {  	s24 =	simm.s32 @!p1 $0x1;
	[bflag:$0x0] =	sbarrier.arrive $0xFFFF;
	(pc) =	sbr.rel @p2 .LBB2_1-.Ltmp1, $4  }
0x98: {  	[hbm:s4], [sflag:s21] =	dma.local @!p1 [spmem:s22], $0x3E80  }
0x99: {  	_ =	swait.ge @!p1 [sflag:s24], $0x3E80  }
0x9a: {  	[sflag:s24] =	ssyncset.done @!p1 $0x0  }
0x9b: {  	[sflag:s24] =	ssyncadd.s32 @!p1 $0xFFFFC180  }
0x9c: {  	_ =	sfence.sel $0x180000  }
0x9d: {  	[bflag:$0x0] =	sbarrier.arrive $0xFFFF  }
0x9e: {  	_ =	strace $0x9000004D  }
0x9f: {  	s0 =	sadd.s32 @!p0 $0x100000, s0;
	[bflag:$0x2] =	sbarrier.arrive $0xFFFF  }
0xa0: {  	[sflag:s0] =	ssyncadd.tile.s32 @!p0 $0x1;
	_ =	shalt  }
.Lfunc_end2:
_tile_overlayer_lowered:
.L_overlay_start_2:
0xa1: {  	(tag) =	ssettag $0x2  }
0xa2: {  	s0 =	rddreg [dreg:$0x0];
	s2 =	stileid.u32  }
0xa3: {  	s1 =	rddreg [dreg:$0x1];
	p0 =	sne.s32 s2, $0x0  }
0xa4: {  	s3 =	rddreg [dreg:$0x2];
	[bflag:$0x3] =	sbarrier.arrive $0xFFFF;
	s2 =	simm.s32 @!p0 $0x1C01  }
0xa5: {  	[timem:s3], [sflag:s2] =	dma.local @!p0 [hbm:s0], s1  }
0xa6: {  	s0 =	simm.s32 @!p0 $0x1  }
0xa7: {  	_ =	swait.ge @!p0 [sflag:s0], s1  }
0xa8: {  	s1 =	ssub.s32 @!p0 $0x0, s1;
	[sflag:s0] =	ssyncset.done @!p0 $0x0  }
0xa9: {  	[sflag:s0] =	ssyncadd.s32 @!p0 s1  }
0xaa: {  	[bflag:$0x3] =	sbarrier.arrive $0xFFFF  }
0xab: {  	_ =	shalt  }

// kernel: kernel.20.cloned.1.call-start
scs
__scs_entry_jumppad:
0x0: {  	(pc) =	sbr.rel $0x88, $3  }
0x1: {  	(tag) =	ssettag $0x0;
	lr =	simm.s32 $0x1  }
0x2: {  	[smem:$0x3F89] =	sst lr;
	_ =	strace $0xD0000000  }
0x3: {  	_ = 	snop  }
0x4: {  	_ = 	snop  }
0x5: {  	_ = 	snop  }
0x6: {  	_ = 	snop  }
0x7: {  	_ = 	snop  }
__scs_overlays_trampoline_lowered:
0x8: {  	[smem:$0x3F98] =	sst s0  }
0x9: {  	[smem:$0x3F99] =	sst s1  }
0xa: {  	[smem:$0x3F9A] =	sst s2  }
0xb: {  	[smem:$0x3F9B] =	sst s3  }
0xc: {  	[smem:$0x3F9C] =	sst s4  }
0xd: {  	[smem:$0x3F9D] =	sst s5  }
0xe: {  	[smem:$0x3F9E] =	sst s6  }
0xf: {  	[smem:$0x3F9F] =	sst s7  }
0x10: {  	[smem:$0x3FA0] =	sst s8  }
0x11: {  	[smem:$0x3FA1] =	sst s9;
	s0 =	simm.s32 @!p0 $0x0  }
0x12: {  	s1 =	sld [smem:$0x3F87];
	s0 =	simm.s32 @p0 $0x1  }
0x13: {  	[smem:$0x3FA2] =	sst s0;
	s0 =	simm.s32 @!p1 $0x0  }
0x14: {  	s2 =	sld [smem:$0x3F86];
	s0 =	simm.s32 @p1 $0x1  }
0x15: {  	[smem:$0x3FA3] =	sst s0;
	s0 =	simm.s32 @!p2 $0x0  }
0x16: {  	s3 =	sld [smem:$0x3FDB];
	s0 =	simm.s32 @p2 $0x1  }
0x17: {  	s4 =	simm.s32 $0x1BF5;
	[smem:$0x3FA5] =	sst s0  }
0x18: {  	s0 =	sld [smem:$0x3F88];
	_ =	swait.ge [sflag:s4], $0x0  }
0x19: {  	s7 =	sld [smem:$0x3F89]  }
0x1a: {  	s8 =	sadd.s32 $0xFFFFE003, lr  }
0x1b: {  	s9 =	sadd.s32 $0xFFFFFEF7, lr;
	s5 =	simm.s32 $0xFFFFFFFF;
	p2 =	slt.u32 s8, $0xFFFFF086  }
0x1c: {  	p1 =	slt.u32 s9, $0xF7A;
	s5 =	simm.s32 @!p2 $0x0  }
0x1d: {  	s5 =	simm.s32 @p1 $0x1;
	p0 =	seq.s32 s7, s2  }
0x1e: {  	s7 =	smul.u32 @!p0 $0xF7A, s2;
	p2 =	seq.s32 @!p0 s5, $0x0  }
0x1f: {  	s9 =	smul.u32 $0xF7A, s1;
	s8 =	simm.s32 @!p0 $0x1BF5;
	p2 =	por !p2, p0  }
0x20: {  	[sflag:s8] =	ssyncset.s32 @!p0 $0xFFFFF086;
	s6 =	sadd.s32 @!p0 s3, s7;
	s7 =	simm.s32 @!p0 $0x108  }
0x21: {  	s3 =	sadd.s32 s3, s9;
	s6 =	sadd.s32 @!p0 $0x88, s6;
	s7 =	simm.s32 @p2 $0x1082  }
0x22: {  	[simem:s7], [sflag:s8] =	dma.local @!p0 [hbm:s6], $0xF7A  }
0x23: {  	s9 =	sor.u32 $0xD0000000, s2;
	s6 =	simm.s32 $0x108;
	_ =	swait.ge @!p0 [sflag:s8], $0x0  }
0x24: {  	s3 =	sadd.s32 $0x88, s3;
	s6 =	simm.s32 @!p1 $0x1082;
	[sflag:s4] =	ssyncset.s32 $0xFFFFF086  }
0x25: {  	[simem:s6], [sflag:s4] =	dma.local [hbm:s3], $0xF7A  }
0x26: {  	[smem:$0x3F89] =	sst s1;
	(tag) =	ssettag s2;
	_ =	strace s9  }
0x27: {  	s1 =	sld [smem:$0x3F99]  }
0x28: {  	s2 =	sld [smem:$0x3F9A]  }
0x29: {  	s4 =	sld [smem:$0x3F9C]  }
0x2a: {  	p0 =	seq.s32 s5, $0x0;
	s5 =	sld [smem:$0x3F9D]  }
0x2b: {  	s6 =	sld [smem:$0x3F9E]  }
0x2c: {  	s7 =	sld [smem:$0x3F9F]  }
0x2d: {  	s3 =	simm.s32 $0x108;
	s8 =	sld [smem:$0x3FA0]  }
0x2e: {  	s3 =	simm.s32 @!p0 $0x1082;
	s9 =	sld [smem:$0x3FA1]  }
0x2f: {  	lr =	sadd.s32 s0, s3;
	s0 =	sld [smem:$0x3F98]  }
0x30: {  	s3 =	sld [smem:$0x3F9B]  }
0x31: {  	[smem:$0x3FA4] =	sst s10  }
0x32: {  	s10 =	sld [smem:$0x3FA2];
	_ =	sdelay $0x3  }
0x33: {  	p0 =	seq.s32 s10, $0x1;
	s10 =	sld [smem:$0x3FA4];
	_ =	sdelay $0x3  }
0x34: {  	[smem:$0x3FA4] =	sst s10  }
0x35: {  	s10 =	sld [smem:$0x3FA3];
	_ =	sdelay $0x3  }
0x36: {  	p1 =	seq.s32 s10, $0x1;
	s10 =	sld [smem:$0x3FA4];
	_ =	sdelay $0x3  }
0x37: {  	[smem:$0x3FA4] =	sst s10  }
0x38: {  	s10 =	sld [smem:$0x3FA5]  }
0x39: {  	_ = 	snop;
	(pc) =	sbr.ind lr, $3  }
0x3a: {  	_ = 	snop  }
0x3b: {  	_ = 	snop  }
0x3c: {  	p2 =	seq.s32 s10, $0x1;
	s10 =	sld [smem:$0x3FA4]  }
0x3d: {  	_ =	shalt  }
0x3e: {  	_ =	shalt  }
0x3f: {  	_ =	shalt  }
0x40: {  	_ =	shalt  }
0x41: {  	_ =	shalt  }
0x42: {  	_ =	shalt  }
0x43: {  	_ =	shalt  }
0x44: {  	_ =	shalt  }
0x45: {  	_ =	shalt  }
0x46: {  	_ =	shalt  }
0x47: {  	_ =	shalt  }
0x48: {  	_ =	shalt  }
0x49: {  	_ =	shalt  }
0x4a: {  	_ =	shalt  }
0x4b: {  	_ =	shalt  }
0x4c: {  	_ =	shalt  }
0x4d: {  	_ =	shalt  }
0x4e: {  	_ =	shalt  }
0x4f: {  	_ =	shalt  }
0x50: {  	_ =	shalt  }
0x51: {  	_ =	shalt  }
0x52: {  	_ =	shalt  }
0x53: {  	_ =	shalt  }
0x54: {  	_ =	shalt  }
0x55: {  	_ =	shalt  }
0x56: {  	_ =	shalt  }
0x57: {  	_ =	shalt  }
0x58: {  	_ =	shalt  }
0x59: {  	_ =	shalt  }
0x5a: {  	_ =	shalt  }
0x5b: {  	_ =	shalt  }
0x5c: {  	_ =	shalt  }
0x5d: {  	_ =	shalt  }
0x5e: {  	_ =	shalt  }
0x5f: {  	_ =	shalt  }
0x60: {  	_ =	shalt  }
0x61: {  	_ =	shalt  }
0x62: {  	_ =	shalt  }
0x63: {  	_ =	shalt  }
0x64: {  	_ =	shalt  }
0x65: {  	_ =	shalt  }
0x66: {  	_ =	shalt  }
0x67: {  	_ =	shalt  }
0x68: {  	_ =	shalt  }
0x69: {  	_ =	shalt  }
0x6a: {  	_ =	shalt  }
0x6b: {  	_ =	shalt  }
0x6c: {  	_ =	shalt  }
0x6d: {  	_ =	shalt  }
0x6e: {  	_ =	shalt  }
0x6f: {  	_ =	shalt  }
0x70: {  	_ =	shalt  }
0x71: {  	_ =	shalt  }
0x72: {  	_ =	shalt  }
0x73: {  	_ =	shalt  }
0x74: {  	_ =	shalt  }
0x75: {  	_ =	shalt  }
0x76: {  	_ =	shalt  }
0x77: {  	_ =	shalt  }
0x78: {  	_ =	shalt  }
0x79: {  	_ =	shalt  }
0x7a: {  	_ =	shalt  }
0x7b: {  	_ =	shalt  }
0x7c: {  	_ =	shalt  }
0x7d: {  	_ =	shalt  }
0x7e: {  	_ =	shalt  }
0x7f: {  	_ =	shalt  }
0x80: {  	_ =	shalt  }
0x81: {  	_ =	shalt  }
0x82: {  	_ =	shalt  }
0x83: {  	_ =	shalt  }
0x84: {  	_ =	shalt  }
0x85: {  	_ =	shalt  }
0x86: {  	_ =	shalt  }
0x87: {  	_ =	shalt  }
.Lfunc_end0:
.L_simem_size_0:
called_computation.3_lowered:
.L_overlay_start_0:
0x88: {  	s2 =	sld [smem:$0x3FD9]  }
0x89: {  	s3 =	sld [smem:$0x3FFE];
	_ =	sdelay $0x1  }
0x8a: {  	s1 =	srdreg.scid  }
0x8b: {  	s0 =	sand.u32 $0x1, s1  }
0x8c: {  	s14 =	sshll.u32 s0, $0xA;
	s2 =	sadd.s32 s3, s2  }
0x8d: {  	s2 =	sadd.s32 s2, s14  }
0x8e: {  	[smem:$0x3FB0] =	sst s2  }
0x8f: {  	_ = 	snop  }
0x90: {  	s2 =	sld [smem:$0x3FD0];
	_ =	sdelay $0x2  }
0x91: {  	s15 =	simm.s32 $0xA;
	s4 =	simm.s32 $0x10  }
0x92: {  	[smem:s4], [sflag:s15] =	dma.local [hbm:s2], $0x1  }
0x93: {  	_ =	swait.eq [sflag:s15], $0x1  }
0x94: {  	[sflag:s15] =	ssyncset.done $0x0  }
0x95: {  	[sflag:s15] =	ssyncadd.s32 $0xFFFFFFFF  }
0x96: {  	s16 =	sld [smem:$0x11];
	(tm) =	ssettm $0x1  }
0x97: {  	s17 =	sld [smem:$0x3FFB];
	_ =	sdelay $0x3  }
0x98: {  	_ =	strace s17  }
0x99: {  	s3 =	sld [smem:$0x3FFC];
	_ =	sdelay $0x3  }
0x9a: {  	_ =	strace s3  }
0x9b: {  	s3 =	sld [smem:$0x3FFD];
	_ =	sdelay $0x3  }
0x9c: {  	_ =	strace s3  }
0x9d: {  	_ =	strace $0x8FFFFFFF  }
0x9e: {  	s18 =	sld [smem:$0x3FDB];
	_ =	sdelay $0x1  }
0x9f: {  	s19 =	simm.s32 $_scs_section_size  }
0xa0: {  	s5 =	simm.s32 $_size__tile_overlayer_lowered;
	s6 =	simm.s32 $_tile_overlayer_lowered  }
0xa1: {  	s22 =	simm.s32 $0x1BFF;
	s21 =	sshll.u32 s6, $0x1;
	s3 =	sadd.s32 s19, s18  }
0xa2: {  	s7 =	simm.s32 $0x0;
	s20 =	sshll.u32 s5, $0x1;
	s5 =	sadd.s32 s21, s3  }
0xa3: {  	[timem:s7], [sflag:s22] =	dma.local [hbm:s5], s20  }
0xa4: {  	_ =	swait.ge [sflag:s22], s20  }
0xa5: {  	s4 =	ssub.s32 $0x0, s20;
	[sflag:s22] =	ssyncset.done $0x0  }
0xa6: {  	[sflag:s22] =	ssyncadd.s32 s4;
	_ =	sdelay $0x1  }
0xa7: {  	s23 =	simm.s32 $0x1B8B  }
0xa8: {  	_ =	swait.ge [sflag:s23], $0x1  }
0xa9: {  	[sflag:s23] =	ssyncset.done $0x0  }
0xaa: {  	s25 =	simm.s32 $0x1B8E;
	s24 =	sld [smem:$0x3FFE];
	[sflag:s23] =	ssyncadd.s32 $0xFFFFFFFF  }
0xab: {  	s26 =	simm.s32 $execute0_lowered;
	[smem:$0x3FD2] =	sst s25  }
0xac: {  	s5 =	sshll.u32 s26, $0x1;
	_ =	strace $0x8000004F;
	[dreg:$0x1] =	wrdreg $0xFFFFFFFF  }
0xad: {  	s28 =	simm.s32 $_size_execute0_lowered;
	s3 =	sadd.s32 s3, s5;
	[dreg:$0x0] =	wrdreg $0x0  }
0xae: {  	s5 =	sshll.u32 s28, $0x1;
	[dreg:$0x2] =	wrdreg s3  }
0xaf: {  	[dreg:$0x3] =	wrdreg s5  }
0xb0: {  	[dreg:$0x4] =	wrdreg $0xC0  }
0xb1: {  	_ =	task [dreg:s7], $0x5FFFF  }
0xb2: {  	[dreg:$0x1] =	wrdreg $0xFFFFFFFF  }
0xb3: {  	[dreg:$0x0] =	wrdreg $0x60  }
0xb4: {  	[dreg:$0x2] =	wrdreg s16  }
0xb5: {  	[dreg:$0x3] =	wrdreg s24  }
0xb6: {  	[dreg:$0x4] =	wrdreg $0x9  }
0xb7: {  	_ =	task.clear_ibuf [dreg:s7], $0x5FFFF;
	_ =	strace $0x9000004F  }
0xb8: {  	s29 =	simm.s32 $0x9;
	_ =	strace $0x80000051  }
0xb9: {  	_ =	swait.ge [sflag:s29], $0x1  }
0xba: {  	[sflag:s29] =	ssyncadd.s32 $0xFFFFFFFF  }
0xbb: {  	_ =	strace $0x90000051  }
0xbc: {  	_ =	sfence  }
0xbd: {  	s30 =	sld [smem:$0x0];
	_ =	sdelay $0x2  }
0xbe: {  	s31 =	sshll.u32 s1, $0xD;
	s1 =	sshrl.u32 s1, $0x2  }
0xbf: {  	s3 =	sand.u32 $0x4000, s31;
	s1 =	sadd.s32 s1, s30  }
0xc0: {  	s0 =	sor.u32 s3, s0;
	s1 =	sshll.u32 s1, $0x11  }
0xc1: {  	s0 =	sor.u32 s1, s0  }
0xc2: {  	s0 =	sadd.s32 $0x8F2B, s0  }
0xc3: {  	[sflag:s0] =	ssyncadd.remote.s32 $0x1  }
0xc4: {  	_ =	sfence.sel $0xFFFF  }
0xc5: {  	[dreg:$0x0] =	wrdreg $0xFFFFFFFF;
	(pc) =	sbr.abs _section_cstart, $3  }
0xc6: {  	[dreg:$0x1] =	wrdreg $0xFFFFFFFF  }
0xc7: {  	_ =	task.clear_ibuf [dreg:s7], $0x2FFFF;
	_ =	strace $0x9FFFFFFF  }
0xc8: {  	(tm) =	ssettm $0x7FFFFFFF  }
0xc9: {  	_ =	shalt  }
tec
execute0_lowered:
.L_overlay_start_1:
0x0: {  	(tag) =	ssettag $0x1  }
0x1: {  	s1 =	srdreg.scid  }
0x2: {  	s0 =	stileid.u32;
	s2 =	rddreg [dreg:$0x0]  }
0x3: {  	s4 =	rddreg [dreg:$0x1];
	s3 =	simm.s32 $0x0;
	s16 =	simm.s32 $0x4F00  }
0x4: {  	s17 =	simm.s32 $0x11700;
	s18 =	simm.s32 $0xB300;
	s19 =	simm.s32 $0x2848  }
0x5: {  	s20 =	simm.s32 $0x17B00;
	s21 =	simm.s32 $0x1;
	s22 =	simm.s32 $0x3  }
0x6: {  	s23 =	simm.s32 $0x2;
	s24 =	simm.s32 $0x4;
	s25 =	simm.s32 $0x0  }
0x7: {  	s10 =	sand.u32 $0x1, s1;
	s29 =	sshll.u32 s0, $0x1;
	s14 =	smul.u32 $0x4E200, s0  }
0x8: {  	[smem:$0x7FF] =	sst s3;
	s6 =	sor.u32 s10, s29;
	s15 =	smul.u32 $0x27100, s10  }
0x9: {  	s11 =	sadd.s32 $0x19800, s4;
	s7 =	ssub.s32 $0x2, s10;
	s5 =	smul.u32 $0x2710, s6  }
0xa: {  	s12 =	sadd.s32 $0x4FB800, s4;
	s8 =	smul.u32 $0x138800, s6;
	s30 =	sshrl.u32 s7, $0x1  }
0xb: {  	_ =	strace $0x80000050;
	s13 =	smul.u32 $0x27100, s6;
	s9 =	ssub.s32 s7, s30  }
0xc: {  	s5 =	sshrl.u32 s5, $0x3;
	s31 =	sshrl.u32 s8, $0x3;
	s8 =	smax.u32 s9, $0x1  }
0xd: {  	s9 =	sadd.s32 s11, s13;
	s10 =	sadd.s32 s12, s13;
	s5 =	sadd.s32 s5, s4  }
0xe: {  	s13 =	simm.s32 $0x5;
	s7 =	sadd.s32 $0x26480, s31;
	s4 =	sadd.s32 $0xFA00, s5  }
0xf: {  	s5 =	sadd.s32 $0x5C00, s5;
	s6 =	sadd.s32 s11, s7;
	s7 =	sadd.s32 s12, s7  }
0x10: {  	s11 =	sadd.s32 s14, s11;
	s12 =	sadd.s32 s14, s12;
	s14 =	simm.s32 $0x2780  }
0x11: {  	s11 =	sadd.s32 s15, s11;
	s12 =	sadd.s32 s15, s12;
	s15 =	simm.s32 $0xC8  }
.LBB2_1:
0x12: {  	[tilespmem:s3], [sflag:$0x5] =	stream.linear.gather [hbm4b:s4+s3], $0x2710, $0x38;
	[tilespmem:$0x1DF00] =	vst v63  }
0x13: {  	_ =	swait.ge [sflag:s13], $0x2710  }
0x14: {  	[sflag:s13] =	ssyncset.done $0x0  }
0x15: {  	[sflag:s13] =	ssyncadd.s32 $0xFFFFD8F0  }
0x16: {  	[tilespmem:s14], [sflag:$0x5] =	stream.linear.gather [hbm4b:s5+s3], $0x2710, $0x38;
	[tilespmem:$0x1DF00] =	vst v63  }
0x17: {  	_ =	swait.ge [sflag:s13], $0x2710  }
0x18: {  	[sflag:s13] =	ssyncset.done $0x0  }
0x19: {  	[sflag:s13] =	ssyncadd.s32 $0xFFFFD8F0  }
0x1a: {  	[tilespmem:s16], [sflag:$0x1] =	stream.indirect.gather [hbm4b:s2+s15], $0x80, s3, s15, $0xb8;
	[tilespmem:$0x1DF00] =	vst v63  }
0x1b: {  	_ = 	snop  }
0x1c: {  	[tilespmem:s17], [sflag:$0x1] =	stream.indirect.gather [hbm4b:s2+s15], $0x80, s14, s15, $0xb8;
	[tilespmem:$0x1DF00] =	vst v63  }
0x1d: {  	_ = 	snop  }
0x1e: {  	[tilespmem:s18], [sflag:$0x2] =	stream.indirect.gather [hbm4b:s2+s15], $0x80, s15, s15, $0xb8;
	[tilespmem:$0x1DF00] =	vst v63  }
0x1f: {  	_ = 	snop  }
0x20: {  	[tilespmem:s20], [sflag:$0x2] =	stream.indirect.gather [hbm4b:s2+s15], $0x80, s19, s15, $0xb8;
	[tilespmem:$0x1DF00] =	vst v63  }
0x21: {  	_ =	swait.ge [sflag:s21], $0x6400  }
0x22: {  	[sflag:s21] =	ssyncset.done $0x0  }
0x23: {  	[sflag:s21] =	ssyncadd.s32 $0xFFFF9C00  }
0x24: {  	_ =	swait.ge [sflag:s21], $0x6400  }
0x25: {  	[sflag:s21] =	ssyncset.done $0x0  }
0x26: {  	[sflag:s21] =	ssyncadd.s32 $0xFFFF9C00  }
0x27: {  	[hbm4b:s9+s3] =	stream.linear.scatter [tilespmem:s16], [sflag:$0x3], $0x6400, $0x38;
	[tilespmem:$0x1DF00] =	vst v63  }
0x28: {  	_ = 	snop  }
0x29: {  	[hbm4b:s10+s3] =	stream.linear.scatter [tilespmem:s17], [sflag:$0x3], $0x6400, $0x38;
	[tilespmem:$0x1DF00] =	vst v63  }
0x2a: {  	_ =	swait.ge [sflag:s22], $0x6400  }
0x2b: {  	[sflag:s22] =	ssyncset.done $0x0  }
0x2c: {  	[sflag:s22] =	ssyncadd.s32 $0xFFFF9C00  }
0x2d: {  	_ =	swait.ge [sflag:s22], $0x6400  }
0x2e: {  	[sflag:s22] =	ssyncset.done $0x0  }
0x2f: {  	s26 =	simm.s32 $0x190;
	[sflag:s22] =	ssyncadd.s32 $0xFFFF9C00  }
0x30: {  	[tilespmem:s16], [sflag:$0x1] =	stream.indirect.gather [hbm4b:s2+s15], $0x80, s26, s15, $0xb8;
	[tilespmem:$0x1DF00] =	vst v63  }
0x31: {  	s1 =	simm.s32 $0x2910  }
0x32: {  	[tilespmem:s17], [sflag:$0x1] =	stream.indirect.gather [hbm4b:s2+s15], $0x80, s1, s15, $0xb8;
	[tilespmem:$0x1DF00] =	vst v63  }
0x33: {  	_ =	swait.ge [sflag:s23], $0x6400  }
0x34: {  	[sflag:s23] =	ssyncset.done $0x0  }
0x35: {  	[sflag:s23] =	ssyncadd.s32 $0xFFFF9C00  }
0x36: {  	_ =	swait.ge [sflag:s23], $0x6400  }
0x37: {  	s31 =	sadd.s32 $0x0, s11;
	[sflag:s23] =	ssyncset.done $0x0  }
0x38: {  	s29 =	sadd.s32 $0x0, s12;
	s28 =	sadd.s32 $0xC80, s31;
	[sflag:s23] =	ssyncadd.s32 $0xFFFF9C00  }
0x39: {  	[hbm4b:s28+s3] =	stream.linear.scatter [tilespmem:s18], [sflag:$0x4], $0x6400, $0x38;
	[tilespmem:$0x1DF00] =	vst v63  }
0x3a: {  	s28 =	sadd.s32 $0xC80, s29  }
0x3b: {  	[hbm4b:s28+s3] =	stream.linear.scatter [tilespmem:s20], [sflag:$0x4], $0x6400, $0x38;
	[tilespmem:$0x1DF00] =	vst v63  }
0x3c: {  	_ =	swait.ge [sflag:s24], $0x6400  }
0x3d: {  	[sflag:s24] =	ssyncset.done $0x0  }
0x3e: {  	[sflag:s24] =	ssyncadd.s32 $0xFFFF9C00  }
0x3f: {  	_ =	swait.ge [sflag:s24], $0x6400  }
0x40: {  	[sflag:s24] =	ssyncset.done $0x0  }
0x41: {  	s28 =	simm.s32 $0x258;
	[sflag:s24] =	ssyncadd.s32 $0xFFFF9C00  }
0x42: {  	[tilespmem:s18], [sflag:$0x2] =	stream.indirect.gather [hbm4b:s2+s15], $0x80, s28, s15, $0xb8;
	[tilespmem:$0x1DF00] =	vst v63  }
0x43: {  	s28 =	simm.s32 $0x29D8  }
0x44: {  	[tilespmem:s20], [sflag:$0x2] =	stream.indirect.gather [hbm4b:s2+s15], $0x80, s28, s15, $0xb8;
	[tilespmem:$0x1DF00] =	vst v63  }
0x45: {  	_ =	swait.ge [sflag:s21], $0x6400  }
0x46: {  	[sflag:s21] =	ssyncset.done $0x0  }
0x47: {  	[sflag:s21] =	ssyncadd.s32 $0xFFFF9C00  }
0x48: {  	_ =	swait.ge [sflag:s21], $0x6400  }
0x49: {  	[sflag:s21] =	ssyncset.done $0x0  }
0x4a: {  	s30 =	sadd.s32 $0x1900, s29;
	s26 =	sadd.s32 $0x1900, s31;
	[sflag:s21] =	ssyncadd.s32 $0xFFFF9C00  }
0x4b: {  	[hbm4b:s26+s3] =	stream.linear.scatter [tilespmem:s16], [sflag:$0x3], $0x6400, $0x38;
	[tilespmem:$0x1DF00] =	vst v63  }
0x4c: {  	s29 =	simm.s32 $0x2B68;
	s28 =	simm.s32 $0x3E8;
	s26 =	simm.s32 $0x1900  }
.LBB2_2:
0x4d: {  	[hbm4b:s30+s3] =	stream.linear.scatter [tilespmem:s17], [sflag:$0x3], $0x6400, $0x38;
	[tilespmem:$0x1DF00] =	vst v63  }
0x4e: {  	s30 =	smov.u32 s26  }
0x4f: {  	p0 =	sne.s32 s26, $0x23F00;
	s26 =	sadd.s32 $0x1900, s26;
	_ =	swait.ge [sflag:s22], $0x6400  }
0x50: {  	[sflag:s22] =	ssyncset.done $0x0  }
0x51: {  	[sflag:s22] =	ssyncadd.s32 $0xFFFF9C00  }
0x52: {  	_ =	swait.ge [sflag:s22], $0x6400  }
0x53: {  	[sflag:s22] =	ssyncset.done $0x0  }
0x54: {  	s31 =	sadd.s32 $0xFFFFFF38, s28;
	[sflag:s22] =	ssyncadd.s32 $0xFFFF9C00  }
0x55: {  	[tilespmem:s16], [sflag:$0x1] =	stream.indirect.gather [hbm4b:s2+s15], $0x80, s31, s15, $0xb8;
	[tilespmem:$0x1DF00] =	vst v63  }
0x56: {  	s31 =	sadd.s32 $0xFFFFFF38, s29  }
0x57: {  	[tilespmem:s17], [sflag:$0x1] =	stream.indirect.gather [hbm4b:s2+s15], $0x80, s31, s15, $0xb8;
	[tilespmem:$0x1DF00] =	vst v63  }
0x58: {  	_ =	swait.ge [sflag:s23], $0x6400  }
0x59: {  	[sflag:s23] =	ssyncset.done $0x0  }
0x5a: {  	[sflag:s23] =	ssyncadd.s32 $0xFFFF9C00  }
0x5b: {  	_ =	swait.ge [sflag:s23], $0x6400  }
0x5c: {  	s31 =	sadd.s32 s30, s11;
	[sflag:s23] =	ssyncset.done $0x0  }
0x5d: {  	s30 =	sadd.s32 s30, s12;
	s1 =	sadd.s32 $0xC80, s31;
	[sflag:s23] =	ssyncadd.s32 $0xFFFF9C00  }
0x5e: {  	[hbm4b:s1+s3] =	stream.linear.scatter [tilespmem:s18], [sflag:$0x4], $0x6400, $0x38;
	[tilespmem:$0x1DF00] =	vst v63  }
0x5f: {  	s1 =	sadd.s32 $0xC80, s30  }
0x60: {  	[hbm4b:s1+s3] =	stream.linear.scatter [tilespmem:s20], [sflag:$0x4], $0x6400, $0x38;
	[tilespmem:$0x1DF00] =	vst v63  }
0x61: {  	_ =	swait.ge [sflag:s24], $0x6400  }
0x62: {  	[sflag:s24] =	ssyncset.done $0x0  }
0x63: {  	[sflag:s24] =	ssyncadd.s32 $0xFFFF9C00  }
0x64: {  	_ =	swait.ge [sflag:s24], $0x6400  }
0x65: {  	[sflag:s24] =	ssyncset.done $0x0  }
0x66: {  	[sflag:s24] =	ssyncadd.s32 $0xFFFF9C00  }
0x67: {  	[tilespmem:s18], [sflag:$0x2] =	stream.indirect.gather [hbm4b:s2+s15], $0x80, s28, s15, $0xb8;
	[tilespmem:$0x1DF00] =	vst v63  }
0x68: {  	_ = 	snop  }
0x69: {  	[tilespmem:s20], [sflag:$0x2] =	stream.indirect.gather [hbm4b:s2+s15], $0x80, s29, s15, $0xb8;
	[tilespmem:$0x1DF00] =	vst v63  }
0x6a: {  	_ =	swait.ge [sflag:s21], $0x6400  }
0x6b: {  	[sflag:s21] =	ssyncset.done $0x0  }
0x6c: {  	[sflag:s21] =	ssyncadd.s32 $0xFFFF9C00  }
.Ltmp0:
0x6d: {  	_ =	swait.ge [sflag:s21], $0x6400;
	(pc) =	sbr.rel @p0 .LBB2_2-.Ltmp0, $4  }
0x6e: {  	[sflag:s21] =	ssyncset.done $0x0  }
0x6f: {  	s1 =	sadd.s32 $0x1900, s31;
	[sflag:s21] =	ssyncadd.s32 $0xFFFF9C00  }
0x70: {  	[hbm4b:s1+s3] =	stream.linear.scatter [tilespmem:s16], [sflag:$0x3], $0x6400, $0x38;
	[tilespmem:$0x1DF00] =	vst v63  }
0x71: {  	s30 =	sadd.s32 $0x1900, s30;
	s28 =	sadd.s32 $0x190, s28;
	s29 =	sadd.s32 $0x190, s29  }
0x72: {  	[hbm4b:s30+s3] =	stream.linear.scatter [tilespmem:s17], [sflag:$0x3], $0x6400, $0x38;
	[tilespmem:$0x1DF00] =	vst v63  }
0x73: {  	_ =	swait.ge [sflag:s23], $0x6400  }
0x74: {  	[sflag:s23] =	ssyncset.done $0x0  }
0x75: {  	[sflag:s23] =	ssyncadd.s32 $0xFFFF9C00  }
0x76: {  	_ =	swait.ge [sflag:s23], $0x6400  }
0x77: {  	[sflag:s23] =	ssyncset.done $0x0  }
0x78: {  	[sflag:s23] =	ssyncadd.s32 $0xFFFF9C00  }
0x79: {  	[hbm4b:s6+s3] =	stream.linear.scatter [tilespmem:s18], [sflag:$0x4], $0x6400, $0x38;
	[tilespmem:$0x1DF00] =	vst v63  }
0x7a: {  	_ = 	snop  }
0x7b: {  	[hbm4b:s7+s3] =	stream.linear.scatter [tilespmem:s20], [sflag:$0x4], $0x6400, $0x38;
	[tilespmem:$0x1DF00] =	vst v63  }
0x7c: {  	_ =	swait.ge [sflag:s22], $0x6400  }
0x7d: {  	[sflag:s22] =	ssyncset.done $0x0  }
0x7e: {  	[sflag:s22] =	ssyncadd.s32 $0xFFFF9C00  }
0x7f: {  	_ =	swait.ge [sflag:s22], $0x6400  }
0x80: {  	[sflag:s22] =	ssyncset.done $0x0  }
0x81: {  	s25 =	sadd.s32 $0x1, s25;
	[sflag:s22] =	ssyncadd.s32 $0xFFFF9C00  }
0x82: {  	p0 =	sne.s32 s25, s8;
	_ =	swait.ge [sflag:s24], $0x6400  }
.Ltmp1:
0x83: {  	[sflag:s24] =	ssyncset.done $0x0;
	(pc) =	sbr.rel @p0 .LBB2_1-.Ltmp1, $4  }
0x84: {  	[sflag:s24] =	ssyncadd.s32 $0xFFFF9C00  }
0x85: {  	_ =	swait.ge [sflag:s24], $0x6400  }
0x86: {  	[sflag:s24] =	ssyncset.done $0x0  }
0x87: {  	[sflag:s24] =	ssyncadd.s32 $0xFFFF9C00  }
0x88: {  	_ =	sfence.sel $0x180000  }
0x89: {  	[bflag:$0x0] =	sbarrier.arrive $0xFFFF  }
0x8a: {  	_ =	strace $0x90000050  }
0x8b: {  	[bflag:$0x2] =	sbarrier.arrive $0xFFFF  }
0x8c: {  	p0 =	sne.s32 s0, $0x0;
	s0 =	rddreg [dreg:$0x2]  }
0x8d: {  	s0 =	sadd.s32 @!p0 $0x100000, s0  }
0x8e: {  	[sflag:s0] =	ssyncadd.tile.s32 @!p0 $0x1;
	_ =	shalt  }
.Lfunc_end2:
_tile_overlayer_lowered:
.L_overlay_start_2:
0x8f: {  	(tag) =	ssettag $0x2  }
0x90: {  	s0 =	rddreg [dreg:$0x0];
	s2 =	stileid.u32  }
0x91: {  	s1 =	rddreg [dreg:$0x1];
	p0 =	sne.s32 s2, $0x0  }
0x92: {  	s3 =	rddreg [dreg:$0x2];
	[bflag:$0x3] =	sbarrier.arrive $0xFFFF;
	s2 =	simm.s32 @!p0 $0x1C05  }
0x93: {  	[timem:s3], [sflag:s2] =	dma.local @!p0 [hbm:s0], s1  }
0x94: {  	s0 =	simm.s32 @!p0 $0x5  }
0x95: {  	_ =	swait.ge @!p0 [sflag:s0], s1  }
0x96: {  	s1 =	ssub.s32 @!p0 $0x0, s1;
	[sflag:s0] =	ssyncset.done @!p0 $0x0  }
0x97: {  	[sflag:s0] =	ssyncadd.s32 @!p0 s1  }
0x98: {  	[bflag:$0x3] =	sbarrier.arrive $0xFFFF  }
0x99: {  	_ =	shalt  }

</sc_bundles>
